<compile_context>
chip_gen: v7x
topology: tpu7x:2x2x1
jax: 0.10.2.dev20260603
libtpu: 0.0.44.dev20260713+nightly
codegen_flags: <defaults>
</compile_context>

<pallas_src>
import functools

import jax
import jax.numpy as jnp
from jax import lax
from jax.experimental import pallas as pl
from jax.experimental.pallas import tpu as pltpu
from jax.experimental.pallas import tpu_sc as plsc

_N = 10000
_E = 320000
_D = 128
_NCLS = 40
_NCLS_PAD = 64

_NCORES = 2
_NSUB = 16
_CHUNK = 128
_CPT = 160
_STG = 160
_EPAD = _NSUB * _CPT * _CHUNK
_EROWS = _EPAD // _CHUNK
_ACC_ROWS = 10240
_ZROWS = _ACC_ROWS // _NSUB
_NBUF = 8
_BN = 2000


def _make_agg(d2):
    mesh = plsc.VectorSubcoreMesh(core_axis_name="c", subcore_axis_name="s")

    @functools.partial(
        pl.kernel,
        mesh=mesh,
        compiler_params=pltpu.CompilerParams(use_tc_tiling_on_sc=False),
        out_type=jax.ShapeDtypeStruct((_NCORES, _NSUB, _ZROWS, d2), jnp.bfloat16),
        scratch_types=[
            pltpu.VMEM((_STG, _CHUNK), jnp.int32),
            pltpu.VMEM((_STG, _CHUNK), jnp.int32),
            pltpu.VMEM((_NBUF, _CHUNK, d2), jnp.bfloat16),
            pltpu.VMEM_SHARED((_ACC_ROWS, d2), jnp.bfloat16),
            [pltpu.SemaphoreType.DMA] * _NBUF,
            [pltpu.SemaphoreType.DMA] * _NBUF,
        ],
    )
    def agg(h_hbm, src_hbm, dst_hbm, zero_hbm, out_hbm,
            src_v, dst_v, rows_v, acc, gsems, ssems):
        c = lax.axis_index("c")
        s = lax.axis_index("s")

        pltpu.sync_copy(zero_hbm, acc.at[pl.ds(s * _ZROWS, _ZROWS)])
        plsc.subcore_barrier()

        for t in range(_CPT // _STG):
            base = s * _CPT + t * _STG
            pltpu.sync_copy(src_hbm.at[c, pl.ds(base, _STG)], src_v)
            pltpu.sync_copy(dst_hbm.at[pl.ds(base, _STG)], dst_v)

            for b in range(_NBUF):
                pltpu.async_copy(h_hbm.at[src_v.at[b]], rows_v.at[b], gsems[b])

            def body(i, carry):
                for b in range(_NBUF):
                    j = i * _NBUF + b
                    pltpu.make_async_copy(
                        h_hbm.at[src_v.at[j]], rows_v.at[b], gsems[b]).wait()
                    pltpu.async_copy(
                        rows_v.at[b], acc.at[dst_v.at[j]], ssems[b], add=True)
                    nj = j + _NBUF

                    @pl.when(nj < _STG)
                    def _():
                        pltpu.make_async_copy(
                            rows_v.at[b], acc.at[dst_v.at[j]], ssems[b]).wait()
                        pltpu.async_copy(
                            h_hbm.at[src_v.at[nj]], rows_v.at[b], gsems[b])
                return carry

            lax.fori_loop(0, _STG // _NBUF, body, 0)
            for b in range(_NBUF):
                pltpu.make_async_copy(
                    rows_v.at[b], acc.at[dst_v.at[0]], ssems[b]).wait()

        plsc.subcore_barrier()

        pltpu.sync_copy(acc.at[pl.ds(s * _ZROWS, _ZROWS)], out_hbm.at[c, s])

    return agg


_agg64 = _make_agg(_D // 2)
_agg32 = _make_agg(_NCLS_PAD // 2)


def _mm_first(h, w, b):
    m = w.shape[1]
    m2 = m // 2

    def body(h_ref, w_ref, b_ref, o_ref):
        r = (jnp.dot(h_ref[...], w_ref[...],
                     preferred_element_type=jnp.float32)
             + b_ref[...]).astype(jnp.bfloat16)
        o_ref[0] = r[:, :m2]
        o_ref[1] = r[:, m2:]

    return pl.pallas_call(
        body,
        grid=(1,),
        in_specs=[
            pl.BlockSpec((_N, _D), lambda i: (0, 0)),
            pl.BlockSpec((_D, m), lambda i: (0, 0)),
            pl.BlockSpec((1, m), lambda i: (0, 0)),
        ],
        out_specs=pl.BlockSpec((2, _N, m2), lambda i: (0, 0, 0)),
        out_shape=jax.ShapeDtypeStruct((2, _N, m2), jnp.bfloat16),
    )(h, w, b.reshape(1, m))


def _mm_pair(p, w, b):
    m = w.shape[1]
    m2 = m // 2
    k2 = _D // 2

    def body(p_ref, w_ref, b_ref, o_ref):
        r = ((jnp.dot(p_ref[0], w_ref[:k2, :],
                      preferred_element_type=jnp.float32)
              + jnp.dot(p_ref[1], w_ref[k2:, :],
                        preferred_element_type=jnp.float32)
              + b_ref[...])).astype(jnp.bfloat16)
        o_ref[0] = r[:, :m2]
        o_ref[1] = r[:, m2:]

    return pl.pallas_call(
        body,
        grid=(1,),
        in_specs=[
            pl.BlockSpec((2, _N, k2), lambda i: (0, 0, 0)),
            pl.BlockSpec((_D, m), lambda i: (0, 0)),
            pl.BlockSpec((1, m), lambda i: (0, 0)),
        ],
        out_specs=pl.BlockSpec((2, _N, m2), lambda i: (0, 0, 0)),
        out_shape=jax.ShapeDtypeStruct((2, _N, m2), jnp.bfloat16),
    )(p, w, b.reshape(1, m))


def _loss_kernel(p3, labels):
    lab3 = labels.reshape(1, 1, _N)
    c2 = _NCLS_PAD // 2

    def body(p_ref, lab_ref, o_ref):
        i = pl.program_id(0)
        logits = jnp.concatenate(
            [p_ref[0], p_ref[1]], axis=1).astype(jnp.float32)
        col = lax.broadcasted_iota(jnp.int32, (_N, _NCLS_PAD), 1)
        x = jnp.where(col < _NCLS, logits, jnp.float32(-1e30))
        mx = jnp.max(x, axis=1, keepdims=True)
        lse = mx[:, 0] + jnp.log(jnp.sum(jnp.exp(x - mx), axis=1))
        lab = lab_ref[0, 0, :]
        picked = jnp.sum(
            jnp.where(col == lab[:, None], logits, 0.0), axis=1)
        part = jnp.sum(lse - picked) * jnp.float32(1.0 / _N)

        @pl.when(i == 0)
        def _():
            o_ref[...] = jnp.zeros((1, 1), jnp.float32)

        o_ref[...] += jnp.full((1, 1), 1.0, jnp.float32) * part

    out = pl.pallas_call(
        body,
        grid=(1,),
        in_specs=[
            pl.BlockSpec((2, _N, c2), lambda i: (0, 0, 0)),
            pl.BlockSpec((1, 1, _N), lambda i: (0, 0, 0)),
        ],
        out_specs=pl.BlockSpec((1, 1), lambda i: (0, 0)),
        out_shape=jax.ShapeDtypeStruct((1, 1), jnp.float32),
    )(p3, lab3)
    return out[0, 0]


def kernel(features, labels, edge_index, W1, b1, W2, b2, W3, b3):
    dst = edge_index[0]
    src = edge_index[1]
    pad = _EPAD - _E
    padsrc = jnp.arange(pad, dtype=jnp.int32) % _N
    paddst = _N + (jnp.arange(pad, dtype=jnp.int32) % 120)
    srcf = jnp.concatenate([src, padsrc])
    src_p = jnp.stack([srcf, srcf + _N]).reshape(_NCORES, _EROWS, _CHUNK)
    dst_p = jnp.concatenate([dst, paddst]).reshape(_EROWS, _CHUNK)
    z64 = jnp.zeros((_ZROWS, _D // 2), jnp.bfloat16)
    z32 = jnp.zeros((_ZROWS, _NCLS_PAD // 2), jnp.bfloat16)
    w3p = jnp.pad(W3, ((0, 0), (0, _NCLS_PAD - _NCLS)))
    b3p = jnp.pad(b3, (0, _NCLS_PAD - _NCLS))

    h1 = _mm_first(features, W1, b1).reshape(2 * _N, _D // 2)
    p1 = _agg64(h1, src_p, dst_p, z64)
    p1 = p1.reshape(_NCORES, _ACC_ROWS, _D // 2)
    h2 = _mm_pair(p1, W2, b2).reshape(2 * _N, _D // 2)
    p2 = _agg64(h2, src_p, dst_p, z64)
    p2 = p2.reshape(_NCORES, _ACC_ROWS, _D // 2)
    h3 = _mm_pair(p2, w3p, b3p).reshape(2 * _N, _NCLS_PAD // 2)
    p3 = _agg32(h3, src_p, dst_p, z32)
    p3 = p3.reshape(_NCORES, _ACC_ROWS, _NCLS_PAD // 2)
    return _loss_kernel(p3, labels)

# --- scband reference (transcript-rebuilt; emitter-appended) ---
"""Pipeline reference for scband-gcn-54606214201441 (READ-ONLY COPY).

The authoritative reference and input builder live on the scoring server;
editing this copy changes nothing except your own understanding.
"""

import jax, jax.numpy as jnp
import numpy as np

N = 10000
E = 320000
D_IN = 128
D_H = 128
N_CLASSES = 40


def _aggregate(h, edge_index):
    # Equivalent to A @ h where A is the unweighted adjacency in CSR form:
    # out[dst] += h[src] for every edge (dst, src).
    dst = edge_index[0]
    src = edge_index[1]
    msgs = jnp.take(h, src, axis=0)
    return jax.ops.segment_sum(msgs, dst, num_segments=N)


def setup_inputs(seed: int = 0) -> dict:
    key = jax.random.key(seed)
    ks = jax.random.split(key, 10)
    features = jax.random.normal(ks[0], (N, D_IN), dtype=jnp.float32)
    labels = jax.random.randint(ks[1], (N,), 0, N_CLASSES, dtype=jnp.int32)
    edge_index = jax.random.randint(ks[2], (2, E), 0, N, dtype=jnp.int32)
    # Learned parameters for the 3 GraphConv layers (n_layers=2 -> 1 + 1 + 1 layers)
    W1 = jax.random.normal(ks[3], (D_IN, D_H), dtype=jnp.float32) / np.sqrt(D_IN)
    b1 = jnp.zeros((D_H,), dtype=jnp.float32)
    W2 = jax.random.normal(ks[4], (D_H, D_H), dtype=jnp.float32) / np.sqrt(D_H)
    b2 = jnp.zeros((D_H,), dtype=jnp.float32)
    W3 = jax.random.normal(ks[5], (D_H, N_CLASSES), dtype=jnp.float32) / np.sqrt(D_H)
    b3 = jnp.zeros((N_CLASSES,), dtype=jnp.float32)
    return {"features": features, "labels": labels, "edge_index": edge_index,
            "W1": W1, "b1": b1, "W2": W2, "b2": b2, "W3": W3, "b3": b3}


def reference(features, labels, edge_index, W1, b1, W2, b2, W3, b3):
    # GCN_ forward: 3 GraphConv layers (dropout p=0.0, activation=None).
    # Each layer has out_dim <= in_dim, so: linear first, then aggregate.
    h = features
    h = h @ W1 + b1
    h = _aggregate(h, edge_index)
    h = h @ W2 + b2
    h = _aggregate(h, edge_index)
    h = h @ W3 + b3
    h = _aggregate(h, edge_index)
    # f32_loss=True
    logits = h.astype(jnp.float32)
    # CrossEntropyLoss (mean reduction)
    logp = jax.nn.log_softmax(logits, axis=-1)
    nll = -jnp.take_along_axis(logp, labels[:, None].astype(jnp.int32), axis=1)[:, 0]
    loss = jnp.mean(nll)
    return loss

if __name__ == "__main__":
    import jax
    _d = setup_inputs()
    print(jax.jit(kernel)(*tuple(_d.values())))

</pallas_src>

<mosaic_0001>
#map = affine_map<(d0, d1) -> (0, 0)>
#map1 = affine_map<(d0, d1) -> (0, 0, 0)>
#map2 = affine_map<(d0, d1) -> (0, 0, 0, 0)>
module attributes {stable_mosaic.version = 14 : i64} {
  func.func @agg(%arg0: i32, %arg1: i32, %arg2: memref<20000x64xbf16, #tpu.memory_space<hbm>>, %arg3: memref<2x2560x128xi32, #tpu.memory_space<hbm>>, %arg4: memref<2560x128xi32, #tpu.memory_space<hbm>>, %arg5: memref<640x64xbf16, #tpu.memory_space<hbm>>, %arg6: memref<2x16x640x64xbf16, #tpu.memory_space<hbm>>, %arg7: memref<160x128xi32, #tpu.memory_space<vmem>>, %arg8: memref<160x128xi32, #tpu.memory_space<vmem>>, %arg9: memref<8x128x64xbf16, #tpu.memory_space<vmem>>, %arg10: memref<10240x64xbf16, #tpu.memory_space<vmem_shared>>, %arg11: memref<!tpu.dma_semaphore, #tpu.memory_space<semaphore_mem>>, %arg12: memref<!tpu.dma_semaphore, #tpu.memory_space<semaphore_mem>>, %arg13: memref<!tpu.dma_semaphore, #tpu.memory_space<semaphore_mem>>, %arg14: memref<!tpu.dma_semaphore, #tpu.memory_space<semaphore_mem>>, %arg15: memref<!tpu.dma_semaphore, #tpu.memory_space<semaphore_mem>>, %arg16: memref<!tpu.dma_semaphore, #tpu.memory_space<semaphore_mem>>, %arg17: memref<!tpu.dma_semaphore, #tpu.memory_space<semaphore_mem>>, %arg18: memref<!tpu.dma_semaphore, #tpu.memory_space<semaphore_mem>>, %arg19: memref<!tpu.dma_semaphore, #tpu.memory_space<semaphore_mem>>, %arg20: memref<!tpu.dma_semaphore, #tpu.memory_space<semaphore_mem>>, %arg21: memref<!tpu.dma_semaphore, #tpu.memory_space<semaphore_mem>>, %arg22: memref<!tpu.dma_semaphore, #tpu.memory_space<semaphore_mem>>, %arg23: memref<!tpu.dma_semaphore, #tpu.memory_space<semaphore_mem>>, %arg24: memref<!tpu.dma_semaphore, #tpu.memory_space<semaphore_mem>>, %arg25: memref<!tpu.dma_semaphore, #tpu.memory_space<semaphore_mem>>, %arg26: memref<!tpu.dma_semaphore, #tpu.memory_space<semaphore_mem>>) attributes {dimension_semantics = [#tpu.dimension_semantics<core_parallel>, #tpu.dimension_semantics<subcore_parallel>], iteration_bounds = array<i64: 2, 16>, scalar_prefetch = 0 : i64, scratch_operands = 20 : i64, tpu.core_type = #tpu.core_type<sc_vector_subcore>, window_params = [{transform_indices = #map}, {transform_indices = #map1}, {transform_indices = #map}, {transform_indices = #map}, {transform_indices = #map2}]} {
    %mul3A = arith.constant 640 : i32
    %mul3A_0 = arith.muli %arg1, %mul3A : i32
    "tpu.region"() ({
      %run_scoped3A = tpu.sem_alloc : memref<!tpu.dma_semaphore, #tpu.memory_space<semaphore_mem>>
      %dma_start3A_202 = arith.constant 0 : i32
      %dma_start3A_203 = tpu.memref_slice %arg10[%mul3A_0, %dma_start3A_202] : memref<10240x64xbf16, #tpu.memory_space<vmem_shared>> -> memref<640x64xbf16, #tpu.memory_space<vmem_shared>>
      tpu.enqueue_dma source(%arg5 : memref<640x64xbf16, #tpu.memory_space<hbm>>) target(%dma_start3A_203 : memref<640x64xbf16, #tpu.memory_space<vmem_shared>>) target_semaphore(%run_scoped3A : memref<!tpu.dma_semaphore, #tpu.memory_space<semaphore_mem>>)
      %dma_wait3A_204 = arith.constant 0 : i32
      %dma_wait3A_205 = tpu.memref_slice %arg10[%mul3A_0, %dma_wait3A_204] : memref<10240x64xbf16, #tpu.memory_space<vmem_shared>> -> memref<640x64xbf16, #tpu.memory_space<vmem_shared>>
      tpu.wait_dma2 semaphore(%run_scoped3A : memref<!tpu.dma_semaphore, #tpu.memory_space<semaphore_mem>>) src(%arg5 : memref<640x64xbf16, #tpu.memory_space<hbm>>) dst(%dma_wait3A_205 : memref<640x64xbf16, #tpu.memory_space<vmem_shared>>)
      tpu.yield
    }) : () -> ()
    %barrier3A = arith.constant 0 : index
    tpu.barrier barrier_id(%barrier3A)
    %mul3A_1 = arith.constant 160 : i32
    %mul3A_2 = arith.muli %arg1, %mul3A_1 : i32
    %add3A = arith.constant 0 : i32
    %add3A_3 = arith.addi %mul3A_2, %add3A : i32
    "tpu.region"() ({
      %run_scoped3A = tpu.sem_alloc : memref<!tpu.dma_semaphore, #tpu.memory_space<semaphore_mem>>
      %dma_start3A_202 = arith.constant 0 : i32
      %dma_start3A_203 = tpu.memref_slice %arg3[%arg0, %add3A_3, %dma_start3A_202] : memref<2x2560x128xi32, #tpu.memory_space<hbm>> -> memref<1x160x128xi32, #tpu.memory_space<hbm>>
      %dma_start3A_204 = tpu.memref_squeeze %dma_start3A_203 : memref<1x160x128xi32, #tpu.memory_space<hbm>> -> memref<160x128xi32, #tpu.memory_space<hbm>>
      %dma_start3A_205 = arith.constant 0 : i32
      %dma_start3A_206 = tpu.memref_slice %arg3[%arg0, %add3A_3, %dma_start3A_205] : memref<2x2560x128xi32, #tpu.memory_space<hbm>> -> memref<1x160x128xi32, #tpu.memory_space<hbm>>
      %dma_start3A_207 = tpu.memref_squeeze %dma_start3A_206 : memref<1x160x128xi32, #tpu.memory_space<hbm>> -> memref<160x128xi32, #tpu.memory_space<hbm>>
      tpu.enqueue_dma source(%dma_start3A_207 : memref<160x128xi32, #tpu.memory_space<hbm>>) target(%arg7 : memref<160x128xi32, #tpu.memory_space<vmem>>) target_semaphore(%run_scoped3A : memref<!tpu.dma_semaphore, #tpu.memory_space<semaphore_mem>>)
      %dma_wait3A_208 = arith.constant 0 : i32
      %dma_wait3A_209 = tpu.memref_slice %arg3[%arg0, %add3A_3, %dma_wait3A_208] : memref<2x2560x128xi32, #tpu.memory_space<hbm>> -> memref<1x160x128xi32, #tpu.memory_space<hbm>>
      %dma_wait3A_210 = tpu.memref_squeeze %dma_wait3A_209 : memref<1x160x128xi32, #tpu.memory_space<hbm>> -> memref<160x128xi32, #tpu.memory_space<hbm>>
      %dma_wait3A_211 = arith.constant 0 : i32
      %dma_wait3A_212 = tpu.memref_slice %arg3[%arg0, %add3A_3, %dma_wait3A_211] : memref<2x2560x128xi32, #tpu.memory_space<hbm>> -> memref<1x160x128xi32, #tpu.memory_space<hbm>>
      %dma_wait3A_213 = tpu.memref_squeeze %dma_wait3A_212 : memref<1x160x128xi32, #tpu.memory_space<hbm>> -> memref<160x128xi32, #tpu.memory_space<hbm>>
      tpu.wait_dma2 semaphore(%run_scoped3A : memref<!tpu.dma_semaphore, #tpu.memory_space<semaphore_mem>>) src(%dma_wait3A_213 : memref<160x128xi32, #tpu.memory_space<hbm>>) dst(%arg7 : memref<160x128xi32, #tpu.memory_space<vmem>>)
      tpu.yield
    }) : () -> ()
    "tpu.region"() ({
      %run_scoped3A = tpu.sem_alloc : memref<!tpu.dma_semaphore, #tpu.memory_space<semaphore_mem>>
      %dma_start3A_202 = arith.constant 0 : i32
      %dma_start3A_203 = tpu.memref_slice %arg4[%add3A_3, %dma_start3A_202] : memref<2560x128xi32, #tpu.memory_space<hbm>> -> memref<160x128xi32, #tpu.memory_space<hbm>>
      %dma_start3A_204 = arith.constant 0 : i32
      %dma_start3A_205 = tpu.memref_slice %arg4[%add3A_3, %dma_start3A_204] : memref<2560x128xi32, #tpu.memory_space<hbm>> -> memref<160x128xi32, #tpu.memory_space<hbm>>
      tpu.enqueue_dma source(%dma_start3A_205 : memref<160x128xi32, #tpu.memory_space<hbm>>) target(%arg8 : memref<160x128xi32, #tpu.memory_space<vmem>>) target_semaphore(%run_scoped3A : memref<!tpu.dma_semaphore, #tpu.memory_space<semaphore_mem>>)
      %dma_wait3A_206 = arith.constant 0 : i32
      %dma_wait3A_207 = tpu.memref_slice %arg4[%add3A_3, %dma_wait3A_206] : memref<2560x128xi32, #tpu.memory_space<hbm>> -> memref<160x128xi32, #tpu.memory_space<hbm>>
      %dma_wait3A_208 = arith.constant 0 : i32
      %dma_wait3A_209 = tpu.memref_slice %arg4[%add3A_3, %dma_wait3A_208] : memref<2560x128xi32, #tpu.memory_space<hbm>> -> memref<160x128xi32, #tpu.memory_space<hbm>>
      tpu.wait_dma2 semaphore(%run_scoped3A : memref<!tpu.dma_semaphore, #tpu.memory_space<semaphore_mem>>) src(%dma_wait3A_209 : memref<160x128xi32, #tpu.memory_space<hbm>>) dst(%arg8 : memref<160x128xi32, #tpu.memory_space<vmem>>)
      tpu.yield
    }) : () -> ()
    %dma_start3A = arith.constant 0 : i32
    %dma_start3A_4 = arith.constant 0 : i32
    %dma_start3A_5 = arith.constant 0 : i32
    %dma_start3A_6 = arith.constant 0 : i32
    %dma_start3A_7 = tpu.memref_slice %arg9[%dma_start3A_4, %dma_start3A_5, %dma_start3A_6] : memref<8x128x64xbf16, #tpu.memory_space<vmem>> -> memref<1x128x64xbf16, #tpu.memory_space<vmem>>
    %dma_start3A_8 = tpu.memref_squeeze %dma_start3A_7 : memref<1x128x64xbf16, #tpu.memory_space<vmem>> -> memref<128x64xbf16, #tpu.memory_space<vmem>>
    %dma_start3A_9 = arith.constant 0 : i32
    %dma_start3A_10 = tpu.memref_slice %arg7[%dma_start3A, %dma_start3A_9] : memref<160x128xi32, #tpu.memory_space<vmem>> -> memref<1x128xi32, #tpu.memory_space<vmem>>
    %dma_start3A_11 = tpu.memref_squeeze %dma_start3A_10 : memref<1x128xi32, #tpu.memory_space<vmem>> -> memref<128xi32, #tpu.memory_space<vmem>>
    %dma_start3A_12 = arith.constant 0 : i32
    %dma_start3A_13 = arith.constant 0 : i32
    %dma_start3A_14 = tpu.memref_slice %arg2[%dma_start3A_12, %dma_start3A_13] : memref<20000x64xbf16, #tpu.memory_space<hbm>> -> memref<20000x64xbf16, #tpu.memory_space<hbm>>
    tpu.enqueue_indirect_dma source(%dma_start3A_14 : memref<20000x64xbf16, #tpu.memory_space<hbm>>) target(%dma_start3A_8 : memref<128x64xbf16, #tpu.memory_space<vmem>>) offsets(%dma_start3A_11 : memref<128xi32, #tpu.memory_space<vmem>>) semaphore(%arg11 : memref<!tpu.dma_semaphore, #tpu.memory_space<semaphore_mem>>)
    %dma_start3A_15 = arith.constant 1 : i32
    %dma_start3A_16 = arith.constant 1 : i32
    %dma_start3A_17 = arith.constant 0 : i32
    %dma_start3A_18 = arith.constant 0 : i32
    %dma_start3A_19 = tpu.memref_slice %arg9[%dma_start3A_16, %dma_start3A_17, %dma_start3A_18] : memref<8x128x64xbf16, #tpu.memory_space<vmem>> -> memref<1x128x64xbf16, #tpu.memory_space<vmem>>
    %dma_start3A_20 = tpu.memref_squeeze %dma_start3A_19 : memref<1x128x64xbf16, #tpu.memory_space<vmem>> -> memref<128x64xbf16, #tpu.memory_space<vmem>>
    %dma_start3A_21 = arith.constant 0 : i32
    %dma_start3A_22 = tpu.memref_slice %arg7[%dma_start3A_15, %dma_start3A_21] : memref<160x128xi32, #tpu.memory_space<vmem>> -> memref<1x128xi32, #tpu.memory_space<vmem>>
    %dma_start3A_23 = tpu.memref_squeeze %dma_start3A_22 : memref<1x128xi32, #tpu.memory_space<vmem>> -> memref<128xi32, #tpu.memory_space<vmem>>
    %dma_start3A_24 = arith.constant 0 : i32
    %dma_start3A_25 = arith.constant 0 : i32
    %dma_start3A_26 = tpu.memref_slice %arg2[%dma_start3A_24, %dma_start3A_25] : memref<20000x64xbf16, #tpu.memory_space<hbm>> -> memref<20000x64xbf16, #tpu.memory_space<hbm>>
    tpu.enqueue_indirect_dma source(%dma_start3A_26 : memref<20000x64xbf16, #tpu.memory_space<hbm>>) target(%dma_start3A_20 : memref<128x64xbf16, #tpu.memory_space<vmem>>) offsets(%dma_start3A_23 : memref<128xi32, #tpu.memory_space<vmem>>) semaphore(%arg12 : memref<!tpu.dma_semaphore, #tpu.memory_space<semaphore_mem>>)
    %dma_start3A_27 = arith.constant 2 : i32
    %dma_start3A_28 = arith.constant 2 : i32
    %dma_start3A_29 = arith.constant 0 : i32
    %dma_start3A_30 = arith.constant 0 : i32
    %dma_start3A_31 = tpu.memref_slice %arg9[%dma_start3A_28, %dma_start3A_29, %dma_start3A_30] : memref<8x128x64xbf16, #tpu.memory_space<vmem>> -> memref<1x128x64xbf16, #tpu.memory_space<vmem>>
    %dma_start3A_32 = tpu.memref_squeeze %dma_start3A_31 : memref<1x128x64xbf16, #tpu.memory_space<vmem>> -> memref<128x64xbf16, #tpu.memory_space<vmem>>
    %dma_start3A_33 = arith.constant 0 : i32
    %dma_start3A_34 = tpu.memref_slice %arg7[%dma_start3A_27, %dma_start3A_33] : memref<160x128xi32, #tpu.memory_space<vmem>> -> memref<1x128xi32, #tpu.memory_space<vmem>>
    %dma_start3A_35 = tpu.memref_squeeze %dma_start3A_34 : memref<1x128xi32, #tpu.memory_space<vmem>> -> memref<128xi32, #tpu.memory_space<vmem>>
    %dma_start3A_36 = arith.constant 0 : i32
    %dma_start3A_37 = arith.constant 0 : i32
    %dma_start3A_38 = tpu.memref_slice %arg2[%dma_start3A_36, %dma_start3A_37] : memref<20000x64xbf16, #tpu.memory_space<hbm>> -> memref<20000x64xbf16, #tpu.memory_space<hbm>>
    tpu.enqueue_indirect_dma source(%dma_start3A_38 : memref<20000x64xbf16, #tpu.memory_space<hbm>>) target(%dma_start3A_32 : memref<128x64xbf16, #tpu.memory_space<vmem>>) offsets(%dma_start3A_35 : memref<128xi32, #tpu.memory_space<vmem>>) semaphore(%arg13 : memref<!tpu.dma_semaphore, #tpu.memory_space<semaphore_mem>>)
    %dma_start3A_39 = arith.constant 3 : i32
    %dma_start3A_40 = arith.constant 3 : i32
    %dma_start3A_41 = arith.constant 0 : i32
    %dma_start3A_42 = arith.constant 0 : i32
    %dma_start3A_43 = tpu.memref_slice %arg9[%dma_start3A_40, %dma_start3A_41, %dma_start3A_42] : memref<8x128x64xbf16, #tpu.memory_space<vmem>> -> memref<1x128x64xbf16, #tpu.memory_space<vmem>>
    %dma_start3A_44 = tpu.memref_squeeze %dma_start3A_43 : memref<1x128x64xbf16, #tpu.memory_space<vmem>> -> memref<128x64xbf16, #tpu.memory_space<vmem>>
    %dma_start3A_45 = arith.constant 0 : i32
    %dma_start3A_46 = tpu.memref_slice %arg7[%dma_start3A_39, %dma_start3A_45] : memref<160x128xi32, #tpu.memory_space<vmem>> -> memref<1x128xi32, #tpu.memory_space<vmem>>
    %dma_start3A_47 = tpu.memref_squeeze %dma_start3A_46 : memref<1x128xi32, #tpu.memory_space<vmem>> -> memref<128xi32, #tpu.memory_space<vmem>>
    %dma_start3A_48 = arith.constant 0 : i32
    %dma_start3A_49 = arith.constant 0 : i32
    %dma_start3A_50 = tpu.memref_slice %arg2[%dma_start3A_48, %dma_start3A_49] : memref<20000x64xbf16, #tpu.memory_space<hbm>> -> memref<20000x64xbf16, #tpu.memory_space<hbm>>
    tpu.enqueue_indirect_dma source(%dma_start3A_50 : memref<20000x64xbf16, #tpu.memory_space<hbm>>) target(%dma_start3A_44 : memref<128x64xbf16, #tpu.memory_space<vmem>>) offsets(%dma_start3A_47 : memref<128xi32, #tpu.memory_space<vmem>>) semaphore(%arg14 : memref<!tpu.dma_semaphore, #tpu.memory_space<semaphore_mem>>)
    %dma_start3A_51 = arith.constant 4 : i32
    %dma_start3A_52 = arith.constant 4 : i32
    %dma_start3A_53 = arith.constant 0 : i32
    %dma_start3A_54 = arith.constant 0 : i32
    %dma_start3A_55 = tpu.memref_slice %arg9[%dma_start3A_52, %dma_start3A_53, %dma_start3A_54] : memref<8x128x64xbf16, #tpu.memory_space<vmem>> -> memref<1x128x64xbf16, #tpu.memory_space<vmem>>
    %dma_start3A_56 = tpu.memref_squeeze %dma_start3A_55 : memref<1x128x64xbf16, #tpu.memory_space<vmem>> -> memref<128x64xbf16, #tpu.memory_space<vmem>>
    %dma_start3A_57 = arith.constant 0 : i32
    %dma_start3A_58 = tpu.memref_slice %arg7[%dma_start3A_51, %dma_start3A_57] : memref<160x128xi32, #tpu.memory_space<vmem>> -> memref<1x128xi32, #tpu.memory_space<vmem>>
    %dma_start3A_59 = tpu.memref_squeeze %dma_start3A_58 : memref<1x128xi32, #tpu.memory_space<vmem>> -> memref<128xi32, #tpu.memory_space<vmem>>
    %dma_start3A_60 = arith.constant 0 : i32
    %dma_start3A_61 = arith.constant 0 : i32
    %dma_start3A_62 = tpu.memref_slice %arg2[%dma_start3A_60, %dma_start3A_61] : memref<20000x64xbf16, #tpu.memory_space<hbm>> -> memref<20000x64xbf16, #tpu.memory_space<hbm>>
    tpu.enqueue_indirect_dma source(%dma_start3A_62 : memref<20000x64xbf16, #tpu.memory_space<hbm>>) target(%dma_start3A_56 : memref<128x64xbf16, #tpu.memory_space<vmem>>) offsets(%dma_start3A_59 : memref<128xi32, #tpu.memory_space<vmem>>) semaphore(%arg15 : memref<!tpu.dma_semaphore, #tpu.memory_space<semaphore_mem>>)
    %dma_start3A_63 = arith.constant 5 : i32
    %dma_start3A_64 = arith.constant 5 : i32
    %dma_start3A_65 = arith.constant 0 : i32
    %dma_start3A_66 = arith.constant 0 : i32
    %dma_start3A_67 = tpu.memref_slice %arg9[%dma_start3A_64, %dma_start3A_65, %dma_start3A_66] : memref<8x128x64xbf16, #tpu.memory_space<vmem>> -> memref<1x128x64xbf16, #tpu.memory_space<vmem>>
    %dma_start3A_68 = tpu.memref_squeeze %dma_start3A_67 : memref<1x128x64xbf16, #tpu.memory_space<vmem>> -> memref<128x64xbf16, #tpu.memory_space<vmem>>
    %dma_start3A_69 = arith.constant 0 : i32
    %dma_start3A_70 = tpu.memref_slice %arg7[%dma_start3A_63, %dma_start3A_69] : memref<160x128xi32, #tpu.memory_space<vmem>> -> memref<1x128xi32, #tpu.memory_space<vmem>>
    %dma_start3A_71 = tpu.memref_squeeze %dma_start3A_70 : memref<1x128xi32, #tpu.memory_space<vmem>> -> memref<128xi32, #tpu.memory_space<vmem>>
    %dma_start3A_72 = arith.constant 0 : i32
    %dma_start3A_73 = arith.constant 0 : i32
    %dma_start3A_74 = tpu.memref_slice %arg2[%dma_start3A_72, %dma_start3A_73] : memref<20000x64xbf16, #tpu.memory_space<hbm>> -> memref<20000x64xbf16, #tpu.memory_space<hbm>>
    tpu.enqueue_indirect_dma source(%dma_start3A_74 : memref<20000x64xbf16, #tpu.memory_space<hbm>>) target(%dma_start3A_68 : memref<128x64xbf16, #tpu.memory_space<vmem>>) offsets(%dma_start3A_71 : memref<128xi32, #tpu.memory_space<vmem>>) semaphore(%arg16 : memref<!tpu.dma_semaphore, #tpu.memory_space<semaphore_mem>>)
    %dma_start3A_75 = arith.constant 6 : i32
    %dma_start3A_76 = arith.constant 6 : i32
    %dma_start3A_77 = arith.constant 0 : i32
    %dma_start3A_78 = arith.constant 0 : i32
    %dma_start3A_79 = tpu.memref_slice %arg9[%dma_start3A_76, %dma_start3A_77, %dma_start3A_78] : memref<8x128x64xbf16, #tpu.memory_space<vmem>> -> memref<1x128x64xbf16, #tpu.memory_space<vmem>>
    %dma_start3A_80 = tpu.memref_squeeze %dma_start3A_79 : memref<1x128x64xbf16, #tpu.memory_space<vmem>> -> memref<128x64xbf16, #tpu.memory_space<vmem>>
    %dma_start3A_81 = arith.constant 0 : i32
    %dma_start3A_82 = tpu.memref_slice %arg7[%dma_start3A_75, %dma_start3A_81] : memref<160x128xi32, #tpu.memory_space<vmem>> -> memref<1x128xi32, #tpu.memory_space<vmem>>
    %dma_start3A_83 = tpu.memref_squeeze %dma_start3A_82 : memref<1x128xi32, #tpu.memory_space<vmem>> -> memref<128xi32, #tpu.memory_space<vmem>>
    %dma_start3A_84 = arith.constant 0 : i32
    %dma_start3A_85 = arith.constant 0 : i32
    %dma_start3A_86 = tpu.memref_slice %arg2[%dma_start3A_84, %dma_start3A_85] : memref<20000x64xbf16, #tpu.memory_space<hbm>> -> memref<20000x64xbf16, #tpu.memory_space<hbm>>
    tpu.enqueue_indirect_dma source(%dma_start3A_86 : memref<20000x64xbf16, #tpu.memory_space<hbm>>) target(%dma_start3A_80 : memref<128x64xbf16, #tpu.memory_space<vmem>>) offsets(%dma_start3A_83 : memref<128xi32, #tpu.memory_space<vmem>>) semaphore(%arg17 : memref<!tpu.dma_semaphore, #tpu.memory_space<semaphore_mem>>)
    %dma_start3A_87 = arith.constant 7 : i32
    %dma_start3A_88 = arith.constant 7 : i32
    %dma_start3A_89 = arith.constant 0 : i32
    %dma_start3A_90 = arith.constant 0 : i32
    %dma_start3A_91 = tpu.memref_slice %arg9[%dma_start3A_88, %dma_start3A_89, %dma_start3A_90] : memref<8x128x64xbf16, #tpu.memory_space<vmem>> -> memref<1x128x64xbf16, #tpu.memory_space<vmem>>
    %dma_start3A_92 = tpu.memref_squeeze %dma_start3A_91 : memref<1x128x64xbf16, #tpu.memory_space<vmem>> -> memref<128x64xbf16, #tpu.memory_space<vmem>>
    %dma_start3A_93 = arith.constant 0 : i32
    %dma_start3A_94 = tpu.memref_slice %arg7[%dma_start3A_87, %dma_start3A_93] : memref<160x128xi32, #tpu.memory_space<vmem>> -> memref<1x128xi32, #tpu.memory_space<vmem>>
    %dma_start3A_95 = tpu.memref_squeeze %dma_start3A_94 : memref<1x128xi32, #tpu.memory_space<vmem>> -> memref<128xi32, #tpu.memory_space<vmem>>
    %dma_start3A_96 = arith.constant 0 : i32
    %dma_start3A_97 = arith.constant 0 : i32
    %dma_start3A_98 = tpu.memref_slice %arg2[%dma_start3A_96, %dma_start3A_97] : memref<20000x64xbf16, #tpu.memory_space<hbm>> -> memref<20000x64xbf16, #tpu.memory_space<hbm>>
    tpu.enqueue_indirect_dma source(%dma_start3A_98 : memref<20000x64xbf16, #tpu.memory_space<hbm>>) target(%dma_start3A_92 : memref<128x64xbf16, #tpu.memory_space<vmem>>) offsets(%dma_start3A_95 : memref<128xi32, #tpu.memory_space<vmem>>) semaphore(%arg18 : memref<!tpu.dma_semaphore, #tpu.memory_space<semaphore_mem>>)
    %scan3A = arith.constant 0 : i32
    %scan3A_99 = arith.constant 0 : i32
    %scan3A_100 = arith.constant 20 : i32
    %scan3A_101 = arith.addi %scan3A_99, %scan3A_100 : i32
    %scan3A_102 = arith.constant 1 : i32
    scf.for %scan3A_202 = %scan3A_99 to %scan3A_101 step %scan3A_102  : i32 {
      %mul3A_203 = arith.constant 8 : i32
      %mul3A_204 = arith.muli %scan3A_202, %mul3A_203 : i32
      %add3A_205 = arith.constant 0 : i32
      %add3A_206 = arith.addi %mul3A_204, %add3A_205 : i32
      %dma_wait3A_207 = arith.constant 0 : i32
      %dma_wait3A_208 = arith.constant 0 : i32
      %dma_wait3A_209 = arith.constant 0 : i32
      %dma_wait3A_210 = tpu.memref_slice %arg9[%dma_wait3A_207, %dma_wait3A_208, %dma_wait3A_209] : memref<8x128x64xbf16, #tpu.memory_space<vmem>> -> memref<1x128x64xbf16, #tpu.memory_space<vmem>>
      %dma_wait3A_211 = tpu.memref_squeeze %dma_wait3A_210 : memref<1x128x64xbf16, #tpu.memory_space<vmem>> -> memref<128x64xbf16, #tpu.memory_space<vmem>>
      %dma_wait3A_212 = arith.constant 0 : i32
      %dma_wait3A_213 = tpu.memref_slice %arg7[%add3A_206, %dma_wait3A_212] : memref<160x128xi32, #tpu.memory_space<vmem>> -> memref<1x128xi32, #tpu.memory_space<vmem>>
      %dma_wait3A_214 = tpu.memref_squeeze %dma_wait3A_213 : memref<1x128xi32, #tpu.memory_space<vmem>> -> memref<128xi32, #tpu.memory_space<vmem>>
      %dma_wait3A_215 = arith.constant 0 : i32
      %dma_wait3A_216 = arith.constant 0 : i32
      %dma_wait3A_217 = tpu.memref_slice %arg2[%dma_wait3A_215, %dma_wait3A_216] : memref<20000x64xbf16, #tpu.memory_space<hbm>> -> memref<20000x64xbf16, #tpu.memory_space<hbm>>
      tpu.wait_indirect_dma semaphore(%arg11 : memref<!tpu.dma_semaphore, #tpu.memory_space<semaphore_mem>>) src(%dma_wait3A_217 : memref<20000x64xbf16, #tpu.memory_space<hbm>>) dst(%dma_wait3A_211 : memref<128x64xbf16, #tpu.memory_space<vmem>>)
      %dma_start3A_218 = arith.constant 0 : i32
      %dma_start3A_219 = arith.constant 0 : i32
      %dma_start3A_220 = arith.constant 0 : i32
      %dma_start3A_221 = tpu.memref_slice %arg9[%dma_start3A_218, %dma_start3A_219, %dma_start3A_220] : memref<8x128x64xbf16, #tpu.memory_space<vmem>> -> memref<1x128x64xbf16, #tpu.memory_space<vmem>>
      %dma_start3A_222 = tpu.memref_squeeze %dma_start3A_221 : memref<1x128x64xbf16, #tpu.memory_space<vmem>> -> memref<128x64xbf16, #tpu.memory_space<vmem>>
      %dma_start3A_223 = arith.constant 0 : i32
      %dma_start3A_224 = tpu.memref_slice %arg8[%add3A_206, %dma_start3A_223] : memref<160x128xi32, #tpu.memory_space<vmem>> -> memref<1x128xi32, #tpu.memory_space<vmem>>
      %dma_start3A_225 = tpu.memref_squeeze %dma_start3A_224 : memref<1x128xi32, #tpu.memory_space<vmem>> -> memref<128xi32, #tpu.memory_space<vmem>>
      %dma_start3A_226 = arith.constant 0 : i32
      %dma_start3A_227 = arith.constant 0 : i32
      %dma_start3A_228 = tpu.memref_slice %arg10[%dma_start3A_226, %dma_start3A_227] : memref<10240x64xbf16, #tpu.memory_space<vmem_shared>> -> memref<10240x64xbf16, #tpu.memory_space<vmem_shared>>
      tpu.enqueue_indirect_dma source(%dma_start3A_222 : memref<128x64xbf16, #tpu.memory_space<vmem>>) target(%dma_start3A_228 : memref<10240x64xbf16, #tpu.memory_space<vmem_shared>>) offsets(%dma_start3A_225 : memref<128xi32, #tpu.memory_space<vmem>>) semaphore(%arg19 : memref<!tpu.dma_semaphore, #tpu.memory_space<semaphore_mem>>) {add = true}
      %add3A_229 = arith.constant 8 : i32
      %add3A_230 = arith.addi %add3A_206, %add3A_229 : i32
      %lt3A = arith.constant 160 : i32
      %lt3A_231 = arith.cmpi slt, %add3A_230, %lt3A : i32
      %convert_element_type3A = arith.extui %lt3A_231 : i1 to i32
      %cond3A = arith.constant 0 : i32
      %cond3A_232 = arith.cmpi ne, %convert_element_type3A, %cond3A : i32
      scf.if %cond3A_232 {
        %dma_wait3A_464 = arith.constant 0 : i32
        %dma_wait3A_465 = arith.constant 0 : i32
        %dma_wait3A_466 = arith.constant 0 : i32
        %dma_wait3A_467 = tpu.memref_slice %arg9[%dma_wait3A_464, %dma_wait3A_465, %dma_wait3A_466] : memref<8x128x64xbf16, #tpu.memory_space<vmem>> -> memref<1x128x64xbf16, #tpu.memory_space<vmem>>
        %dma_wait3A_468 = tpu.memref_squeeze %dma_wait3A_467 : memref<1x128x64xbf16, #tpu.memory_space<vmem>> -> memref<128x64xbf16, #tpu.memory_space<vmem>>
        %dma_wait3A_469 = arith.constant 0 : i32
        %dma_wait3A_470 = tpu.memref_slice %arg8[%add3A_206, %dma_wait3A_469] : memref<160x128xi32, #tpu.memory_space<vmem>> -> memref<1x128xi32, #tpu.memory_space<vmem>>
        %dma_wait3A_471 = tpu.memref_squeeze %dma_wait3A_470 : memref<1x128xi32, #tpu.memory_space<vmem>> -> memref<128xi32, #tpu.memory_space<vmem>>
        %dma_wait3A_472 = arith.constant 0 : i32
        %dma_wait3A_473 = arith.constant 0 : i32
        %dma_wait3A_474 = tpu.memref_slice %arg10[%dma_wait3A_472, %dma_wait3A_473] : memref<10240x64xbf16, #tpu.memory_space<vmem_shared>> -> memref<10240x64xbf16, #tpu.memory_space<vmem_shared>>
        tpu.wait_indirect_dma semaphore(%arg19 : memref<!tpu.dma_semaphore, #tpu.memory_space<semaphore_mem>>) src(%dma_wait3A_468 : memref<128x64xbf16, #tpu.memory_space<vmem>>) dst(%dma_wait3A_474 : memref<10240x64xbf16, #tpu.memory_space<vmem_shared>>)
        %dma_start3A_475 = arith.constant 0 : i32
        %dma_start3A_476 = arith.constant 0 : i32
        %dma_start3A_477 = arith.constant 0 : i32
        %dma_start3A_478 = tpu.memref_slice %arg9[%dma_start3A_475, %dma_start3A_476, %dma_start3A_477] : memref<8x128x64xbf16, #tpu.memory_space<vmem>> -> memref<1x128x64xbf16, #tpu.memory_space<vmem>>
        %dma_start3A_479 = tpu.memref_squeeze %dma_start3A_478 : memref<1x128x64xbf16, #tpu.memory_space<vmem>> -> memref<128x64xbf16, #tpu.memory_space<vmem>>
        %dma_start3A_480 = arith.constant 0 : i32
        %dma_start3A_481 = tpu.memref_slice %arg7[%add3A_230, %dma_start3A_480] : memref<160x128xi32, #tpu.memory_space<vmem>> -> memref<1x128xi32, #tpu.memory_space<vmem>>
        %dma_start3A_482 = tpu.memref_squeeze %dma_start3A_481 : memref<1x128xi32, #tpu.memory_space<vmem>> -> memref<128xi32, #tpu.memory_space<vmem>>
        %dma_start3A_483 = arith.constant 0 : i32
        %dma_start3A_484 = arith.constant 0 : i32
        %dma_start3A_485 = tpu.memref_slice %arg2[%dma_start3A_483, %dma_start3A_484] : memref<20000x64xbf16, #tpu.memory_space<hbm>> -> memref<20000x64xbf16, #tpu.memory_space<hbm>>
        tpu.enqueue_indirect_dma source(%dma_start3A_485 : memref<20000x64xbf16, #tpu.memory_space<hbm>>) target(%dma_start3A_479 : memref<128x64xbf16, #tpu.memory_space<vmem>>) offsets(%dma_start3A_482 : memref<128xi32, #tpu.memory_space<vmem>>) semaphore(%arg11 : memref<!tpu.dma_semaphore, #tpu.memory_space<semaphore_mem>>)
      } else {
      }
      %mul3A_233 = arith.constant 8 : i32
      %mul3A_234 = arith.muli %scan3A_202, %mul3A_233 : i32
      %add3A_235 = arith.constant 1 : i32
      %add3A_236 = arith.addi %mul3A_234, %add3A_235 : i32
      %dma_wait3A_237 = arith.constant 1 : i32
      %dma_wait3A_238 = arith.constant 0 : i32
      %dma_wait3A_239 = arith.constant 0 : i32
      %dma_wait3A_240 = tpu.memref_slice %arg9[%dma_wait3A_237, %dma_wait3A_238, %dma_wait3A_239] : memref<8x128x64xbf16, #tpu.memory_space<vmem>> -> memref<1x128x64xbf16, #tpu.memory_space<vmem>>
      %dma_wait3A_241 = tpu.memref_squeeze %dma_wait3A_240 : memref<1x128x64xbf16, #tpu.memory_space<vmem>> -> memref<128x64xbf16, #tpu.memory_space<vmem>>
      %dma_wait3A_242 = arith.constant 0 : i32
      %dma_wait3A_243 = tpu.memref_slice %arg7[%add3A_236, %dma_wait3A_242] : memref<160x128xi32, #tpu.memory_space<vmem>> -> memref<1x128xi32, #tpu.memory_space<vmem>>
      %dma_wait3A_244 = tpu.memref_squeeze %dma_wait3A_243 : memref<1x128xi32, #tpu.memory_space<vmem>> -> memref<128xi32, #tpu.memory_space<vmem>>
      %dma_wait3A_245 = arith.constant 0 : i32
      %dma_wait3A_246 = arith.constant 0 : i32
      %dma_wait3A_247 = tpu.memref_slice %arg2[%dma_wait3A_245, %dma_wait3A_246] : memref<20000x64xbf16, #tpu.memory_space<hbm>> -> memref<20000x64xbf16, #tpu.memory_space<hbm>>
      tpu.wait_indirect_dma semaphore(%arg12 : memref<!tpu.dma_semaphore, #tpu.memory_space<semaphore_mem>>) src(%dma_wait3A_247 : memref<20000x64xbf16, #tpu.memory_space<hbm>>) dst(%dma_wait3A_241 : memref<128x64xbf16, #tpu.memory_space<vmem>>)
      %dma_start3A_248 = arith.constant 1 : i32
      %dma_start3A_249 = arith.constant 0 : i32
      %dma_start3A_250 = arith.constant 0 : i32
      %dma_start3A_251 = tpu.memref_slice %arg9[%dma_start3A_248, %dma_start3A_249, %dma_start3A_250] : memref<8x128x64xbf16, #tpu.memory_space<vmem>> -> memref<1x128x64xbf16, #tpu.memory_space<vmem>>
      %dma_start3A_252 = tpu.memref_squeeze %dma_start3A_251 : memref<1x128x64xbf16, #tpu.memory_space<vmem>> -> memref<128x64xbf16, #tpu.memory_space<vmem>>
      %dma_start3A_253 = arith.constant 0 : i32
      %dma_start3A_254 = tpu.memref_slice %arg8[%add3A_236, %dma_start3A_253] : memref<160x128xi32, #tpu.memory_space<vmem>> -> memref<1x128xi32, #tpu.memory_space<vmem>>
      %dma_start3A_255 = tpu.memref_squeeze %dma_start3A_254 : memref<1x128xi32, #tpu.memory_space<vmem>> -> memref<128xi32, #tpu.memory_space<vmem>>
      %dma_start3A_256 = arith.constant 0 : i32
      %dma_start3A_257 = arith.constant 0 : i32
      %dma_start3A_258 = tpu.memref_slice %arg10[%dma_start3A_256, %dma_start3A_257] : memref<10240x64xbf16, #tpu.memory_space<vmem_shared>> -> memref<10240x64xbf16, #tpu.memory_space<vmem_shared>>
      tpu.enqueue_indirect_dma source(%dma_start3A_252 : memref<128x64xbf16, #tpu.memory_space<vmem>>) target(%dma_start3A_258 : memref<10240x64xbf16, #tpu.memory_space<vmem_shared>>) offsets(%dma_start3A_255 : memref<128xi32, #tpu.memory_space<vmem>>) semaphore(%arg20 : memref<!tpu.dma_semaphore, #tpu.memory_space<semaphore_mem>>) {add = true}
      %add3A_259 = arith.constant 8 : i32
      %add3A_260 = arith.addi %add3A_236, %add3A_259 : i32
      %lt3A_261 = arith.constant 160 : i32
      %lt3A_262 = arith.cmpi slt, %add3A_260, %lt3A_261 : i32
      %convert_element_type3A_263 = arith.extui %lt3A_262 : i1 to i32
      %cond3A_264 = arith.constant 0 : i32
      %cond3A_265 = arith.cmpi ne, %convert_element_type3A_263, %cond3A_264 : i32
      scf.if %cond3A_265 {
        %dma_wait3A_464 = arith.constant 1 : i32
        %dma_wait3A_465 = arith.constant 0 : i32
        %dma_wait3A_466 = arith.constant 0 : i32
        %dma_wait3A_467 = tpu.memref_slice %arg9[%dma_wait3A_464, %dma_wait3A_465, %dma_wait3A_466] : memref<8x128x64xbf16, #tpu.memory_space<vmem>> -> memref<1x128x64xbf16, #tpu.memory_space<vmem>>
        %dma_wait3A_468 = tpu.memref_squeeze %dma_wait3A_467 : memref<1x128x64xbf16, #tpu.memory_space<vmem>> -> memref<128x64xbf16, #tpu.memory_space<vmem>>
        %dma_wait3A_469 = arith.constant 0 : i32
        %dma_wait3A_470 = tpu.memref_slice %arg8[%add3A_236, %dma_wait3A_469] : memref<160x128xi32, #tpu.memory_space<vmem>> -> memref<1x128xi32, #tpu.memory_space<vmem>>
        %dma_wait3A_471 = tpu.memref_squeeze %dma_wait3A_470 : memref<1x128xi32, #tpu.memory_space<vmem>> -> memref<128xi32, #tpu.memory_space<vmem>>
        %dma_wait3A_472 = arith.constant 0 : i32
        %dma_wait3A_473 = arith.constant 0 : i32
        %dma_wait3A_474 = tpu.memref_slice %arg10[%dma_wait3A_472, %dma_wait3A_473] : memref<10240x64xbf16, #tpu.memory_space<vmem_shared>> -> memref<10240x64xbf16, #tpu.memory_space<vmem_shared>>
        tpu.wait_indirect_dma semaphore(%arg20 : memref<!tpu.dma_semaphore, #tpu.memory_space<semaphore_mem>>) src(%dma_wait3A_468 : memref<128x64xbf16, #tpu.memory_space<vmem>>) dst(%dma_wait3A_474 : memref<10240x64xbf16, #tpu.memory_space<vmem_shared>>)
        %dma_start3A_475 = arith.constant 1 : i32
        %dma_start3A_476 = arith.constant 0 : i32
        %dma_start3A_477 = arith.constant 0 : i32
        %dma_start3A_478 = tpu.memref_slice %arg9[%dma_start3A_475, %dma_start3A_476, %dma_start3A_477] : memref<8x128x64xbf16, #tpu.memory_space<vmem>> -> memref<1x128x64xbf16, #tpu.memory_space<vmem>>
        %dma_start3A_479 = tpu.memref_squeeze %dma_start3A_478 : memref<1x128x64xbf16, #tpu.memory_space<vmem>> -> memref<128x64xbf16, #tpu.memory_space<vmem>>
        %dma_start3A_480 = arith.constant 0 : i32
        %dma_start3A_481 = tpu.memref_slice %arg7[%add3A_260, %dma_start3A_480] : memref<160x128xi32, #tpu.memory_space<vmem>> -> memref<1x128xi32, #tpu.memory_space<vmem>>
        %dma_start3A_482 = tpu.memref_squeeze %dma_start3A_481 : memref<1x128xi32, #tpu.memory_space<vmem>> -> memref<128xi32, #tpu.memory_space<vmem>>
        %dma_start3A_483 = arith.constant 0 : i32
        %dma_start3A_484 = arith.constant 0 : i32
        %dma_start3A_485 = tpu.memref_slice %arg2[%dma_start3A_483, %dma_start3A_484] : memref<20000x64xbf16, #tpu.memory_space<hbm>> -> memref<20000x64xbf16, #tpu.memory_space<hbm>>
        tpu.enqueue_indirect_dma source(%dma_start3A_485 : memref<20000x64xbf16, #tpu.memory_space<hbm>>) target(%dma_start3A_479 : memref<128x64xbf16, #tpu.memory_space<vmem>>) offsets(%dma_start3A_482 : memref<128xi32, #tpu.memory_space<vmem>>) semaphore(%arg12 : memref<!tpu.dma_semaphore, #tpu.memory_space<semaphore_mem>>)
      } else {
      }
      %mul3A_266 = arith.constant 8 : i32
      %mul3A_267 = arith.muli %scan3A_202, %mul3A_266 : i32
      %add3A_268 = arith.constant 2 : i32
      %add3A_269 = arith.addi %mul3A_267, %add3A_268 : i32
      %dma_wait3A_270 = arith.constant 2 : i32
      %dma_wait3A_271 = arith.constant 0 : i32
      %dma_wait3A_272 = arith.constant 0 : i32
      %dma_wait3A_273 = tpu.memref_slice %arg9[%dma_wait3A_270, %dma_wait3A_271, %dma_wait3A_272] : memref<8x128x64xbf16, #tpu.memory_space<vmem>> -> memref<1x128x64xbf16, #tpu.memory_space<vmem>>
      %dma_wait3A_274 = tpu.memref_squeeze %dma_wait3A_273 : memref<1x128x64xbf16, #tpu.memory_space<vmem>> -> memref<128x64xbf16, #tpu.memory_space<vmem>>
      %dma_wait3A_275 = arith.constant 0 : i32
      %dma_wait3A_276 = tpu.memref_slice %arg7[%add3A_269, %dma_wait3A_275] : memref<160x128xi32, #tpu.memory_space<vmem>> -> memref<1x128xi32, #tpu.memory_space<vmem>>
      %dma_wait3A_277 = tpu.memref_squeeze %dma_wait3A_276 : memref<1x128xi32, #tpu.memory_space<vmem>> -> memref<128xi32, #tpu.memory_space<vmem>>
      %dma_wait3A_278 = arith.constant 0 : i32
      %dma_wait3A_279 = arith.constant 0 : i32
      %dma_wait3A_280 = tpu.memref_slice %arg2[%dma_wait3A_278, %dma_wait3A_279] : memref<20000x64xbf16, #tpu.memory_space<hbm>> -> memref<20000x64xbf16, #tpu.memory_space<hbm>>
      tpu.wait_indirect_dma semaphore(%arg13 : memref<!tpu.dma_semaphore, #tpu.memory_space<semaphore_mem>>) src(%dma_wait3A_280 : memref<20000x64xbf16, #tpu.memory_space<hbm>>) dst(%dma_wait3A_274 : memref<128x64xbf16, #tpu.memory_space<vmem>>)
      %dma_start3A_281 = arith.constant 2 : i32
      %dma_start3A_282 = arith.constant 0 : i32
      %dma_start3A_283 = arith.constant 0 : i32
      %dma_start3A_284 = tpu.memref_slice %arg9[%dma_start3A_281, %dma_start3A_282, %dma_start3A_283] : memref<8x128x64xbf16, #tpu.memory_space<vmem>> -> memref<1x128x64xbf16, #tpu.memory_space<vmem>>
      %dma_start3A_285 = tpu.memref_squeeze %dma_start3A_284 : memref<1x128x64xbf16, #tpu.memory_space<vmem>> -> memref<128x64xbf16, #tpu.memory_space<vmem>>
      %dma_start3A_286 = arith.constant 0 : i32
      %dma_start3A_287 = tpu.memref_slice %arg8[%add3A_269, %dma_start3A_286] : memref<160x128xi32, #tpu.memory_space<vmem>> -> memref<1x128xi32, #tpu.memory_space<vmem>>
      %dma_start3A_288 = tpu.memref_squeeze %dma_start3A_287 : memref<1x128xi32, #tpu.memory_space<vmem>> -> memref<128xi32, #tpu.memory_space<vmem>>
      %dma_start3A_289 = arith.constant 0 : i32
      %dma_start3A_290 = arith.constant 0 : i32
      %dma_start3A_291 = tpu.memref_slice %arg10[%dma_start3A_289, %dma_start3A_290] : memref<10240x64xbf16, #tpu.memory_space<vmem_shared>> -> memref<10240x64xbf16, #tpu.memory_space<vmem_shared>>
      tpu.enqueue_indirect_dma source(%dma_start3A_285 : memref<128x64xbf16, #tpu.memory_space<vmem>>) target(%dma_start3A_291 : memref<10240x64xbf16, #tpu.memory_space<vmem_shared>>) offsets(%dma_start3A_288 : memref<128xi32, #tpu.memory_space<vmem>>) semaphore(%arg21 : memref<!tpu.dma_semaphore, #tpu.memory_space<semaphore_mem>>) {add = true}
      %add3A_292 = arith.constant 8 : i32
      %add3A_293 = arith.addi %add3A_269, %add3A_292 : i32
      %lt3A_294 = arith.constant 160 : i32
      %lt3A_295 = arith.cmpi slt, %add3A_293, %lt3A_294 : i32
      %convert_element_type3A_296 = arith.extui %lt3A_295 : i1 to i32
      %cond3A_297 = arith.constant 0 : i32
      %cond3A_298 = arith.cmpi ne, %convert_element_type3A_296, %cond3A_297 : i32
      scf.if %cond3A_298 {
        %dma_wait3A_464 = arith.constant 2 : i32
        %dma_wait3A_465 = arith.constant 0 : i32
        %dma_wait3A_466 = arith.constant 0 : i32
        %dma_wait3A_467 = tpu.memref_slice %arg9[%dma_wait3A_464, %dma_wait3A_465, %dma_wait3A_466] : memref<8x128x64xbf16, #tpu.memory_space<vmem>> -> memref<1x128x64xbf16, #tpu.memory_space<vmem>>
        %dma_wait3A_468 = tpu.memref_squeeze %dma_wait3A_467 : memref<1x128x64xbf16, #tpu.memory_space<vmem>> -> memref<128x64xbf16, #tpu.memory_space<vmem>>
        %dma_wait3A_469 = arith.constant 0 : i32
        %dma_wait3A_470 = tpu.memref_slice %arg8[%add3A_269, %dma_wait3A_469] : memref<160x128xi32, #tpu.memory_space<vmem>> -> memref<1x128xi32, #tpu.memory_space<vmem>>
        %dma_wait3A_471 = tpu.memref_squeeze %dma_wait3A_470 : memref<1x128xi32, #tpu.memory_space<vmem>> -> memref<128xi32, #tpu.memory_space<vmem>>
        %dma_wait3A_472 = arith.constant 0 : i32
        %dma_wait3A_473 = arith.constant 0 : i32
        %dma_wait3A_474 = tpu.memref_slice %arg10[%dma_wait3A_472, %dma_wait3A_473] : memref<10240x64xbf16, #tpu.memory_space<vmem_shared>> -> memref<10240x64xbf16, #tpu.memory_space<vmem_shared>>
        tpu.wait_indirect_dma semaphore(%arg21 : memref<!tpu.dma_semaphore, #tpu.memory_space<semaphore_mem>>) src(%dma_wait3A_468 : memref<128x64xbf16, #tpu.memory_space<vmem>>) dst(%dma_wait3A_474 : memref<10240x64xbf16, #tpu.memory_space<vmem_shared>>)
        %dma_start3A_475 = arith.constant 2 : i32
        %dma_start3A_476 = arith.constant 0 : i32
        %dma_start3A_477 = arith.constant 0 : i32
        %dma_start3A_478 = tpu.memref_slice %arg9[%dma_start3A_475, %dma_start3A_476, %dma_start3A_477] : memref<8x128x64xbf16, #tpu.memory_space<vmem>> -> memref<1x128x64xbf16, #tpu.memory_space<vmem>>
        %dma_start3A_479 = tpu.memref_squeeze %dma_start3A_478 : memref<1x128x64xbf16, #tpu.memory_space<vmem>> -> memref<128x64xbf16, #tpu.memory_space<vmem>>
        %dma_start3A_480 = arith.constant 0 : i32
        %dma_start3A_481 = tpu.memref_slice %arg7[%add3A_293, %dma_start3A_480] : memref<160x128xi32, #tpu.memory_space<vmem>> -> memref<1x128xi32, #tpu.memory_space<vmem>>
        %dma_start3A_482 = tpu.memref_squeeze %dma_start3A_481 : memref<1x128xi32, #tpu.memory_space<vmem>> -> memref<128xi32, #tpu.memory_space<vmem>>
        %dma_start3A_483 = arith.constant 0 : i32
        %dma_start3A_484 = arith.constant 0 : i32
        %dma_start3A_485 = tpu.memref_slice %arg2[%dma_start3A_483, %dma_start3A_484] : memref<20000x64xbf16, #tpu.memory_space<hbm>> -> memref<20000x64xbf16, #tpu.memory_space<hbm>>
        tpu.enqueue_indirect_dma source(%dma_start3A_485 : memref<20000x64xbf16, #tpu.memory_space<hbm>>) target(%dma_start3A_479 : memref<128x64xbf16, #tpu.memory_space<vmem>>) offsets(%dma_start3A_482 : memref<128xi32, #tpu.memory_space<vmem>>) semaphore(%arg13 : memref<!tpu.dma_semaphore, #tpu.memory_space<semaphore_mem>>)
      } else {
      }
      %mul3A_299 = arith.constant 8 : i32
      %mul3A_300 = arith.muli %scan3A_202, %mul3A_299 : i32
      %add3A_301 = arith.constant 3 : i32
      %add3A_302 = arith.addi %mul3A_300, %add3A_301 : i32
      %dma_wait3A_303 = arith.constant 3 : i32
      %dma_wait3A_304 = arith.constant 0 : i32
      %dma_wait3A_305 = arith.constant 0 : i32
      %dma_wait3A_306 = tpu.memref_slice %arg9[%dma_wait3A_303, %dma_wait3A_304, %dma_wait3A_305] : memref<8x128x64xbf16, #tpu.memory_space<vmem>> -> memref<1x128x64xbf16, #tpu.memory_space<vmem>>
      %dma_wait3A_307 = tpu.memref_squeeze %dma_wait3A_306 : memref<1x128x64xbf16, #tpu.memory_space<vmem>> -> memref<128x64xbf16, #tpu.memory_space<vmem>>
      %dma_wait3A_308 = arith.constant 0 : i32
      %dma_wait3A_309 = tpu.memref_slice %arg7[%add3A_302, %dma_wait3A_308] : memref<160x128xi32, #tpu.memory_space<vmem>> -> memref<1x128xi32, #tpu.memory_space<vmem>>
      %dma_wait3A_310 = tpu.memref_squeeze %dma_wait3A_309 : memref<1x128xi32, #tpu.memory_space<vmem>> -> memref<128xi32, #tpu.memory_space<vmem>>
      %dma_wait3A_311 = arith.constant 0 : i32
      %dma_wait3A_312 = arith.constant 0 : i32
      %dma_wait3A_313 = tpu.memref_slice %arg2[%dma_wait3A_311, %dma_wait3A_312] : memref<20000x64xbf16, #tpu.memory_space<hbm>> -> memref<20000x64xbf16, #tpu.memory_space<hbm>>
      tpu.wait_indirect_dma semaphore(%arg14 : memref<!tpu.dma_semaphore, #tpu.memory_space<semaphore_mem>>) src(%dma_wait3A_313 : memref<20000x64xbf16, #tpu.memory_space<hbm>>) dst(%dma_wait3A_307 : memref<128x64xbf16, #tpu.memory_space<vmem>>)
      %dma_start3A_314 = arith.constant 3 : i32
      %dma_start3A_315 = arith.constant 0 : i32
      %dma_start3A_316 = arith.constant 0 : i32
      %dma_start3A_317 = tpu.memref_slice %arg9[%dma_start3A_314, %dma_start3A_315, %dma_start3A_316] : memref<8x128x64xbf16, #tpu.memory_space<vmem>> -> memref<1x128x64xbf16, #tpu.memory_space<vmem>>
      %dma_start3A_318 = tpu.memref_squeeze %dma_start3A_317 : memref<1x128x64xbf16, #tpu.memory_space<vmem>> -> memref<128x64xbf16, #tpu.memory_space<vmem>>
      %dma_start3A_319 = arith.constant 0 : i32
      %dma_start3A_320 = tpu.memref_slice %arg8[%add3A_302, %dma_start3A_319] : memref<160x128xi32, #tpu.memory_space<vmem>> -> memref<1x128xi32, #tpu.memory_space<vmem>>
      %dma_start3A_321 = tpu.memref_squeeze %dma_start3A_320 : memref<1x128xi32, #tpu.memory_space<vmem>> -> memref<128xi32, #tpu.memory_space<vmem>>
      %dma_start3A_322 = arith.constant 0 : i32
      %dma_start3A_323 = arith.constant 0 : i32
      %dma_start3A_324 = tpu.memref_slice %arg10[%dma_start3A_322, %dma_start3A_323] : memref<10240x64xbf16, #tpu.memory_space<vmem_shared>> -> memref<10240x64xbf16, #tpu.memory_space<vmem_shared>>
      tpu.enqueue_indirect_dma source(%dma_start3A_318 : memref<128x64xbf16, #tpu.memory_space<vmem>>) target(%dma_start3A_324 : memref<10240x64xbf16, #tpu.memory_space<vmem_shared>>) offsets(%dma_start3A_321 : memref<128xi32, #tpu.memory_space<vmem>>) semaphore(%arg22 : memref<!tpu.dma_semaphore, #tpu.memory_space<semaphore_mem>>) {add = true}
      %add3A_325 = arith.constant 8 : i32
      %add3A_326 = arith.addi %add3A_302, %add3A_325 : i32
      %lt3A_327 = arith.constant 160 : i32
      %lt3A_328 = arith.cmpi slt, %add3A_326, %lt3A_327 : i32
      %convert_element_type3A_329 = arith.extui %lt3A_328 : i1 to i32
      %cond3A_330 = arith.constant 0 : i32
      %cond3A_331 = arith.cmpi ne, %convert_element_type3A_329, %cond3A_330 : i32
      scf.if %cond3A_331 {
        %dma_wait3A_464 = arith.constant 3 : i32
        %dma_wait3A_465 = arith.constant 0 : i32
        %dma_wait3A_466 = arith.constant 0 : i32
        %dma_wait3A_467 = tpu.memref_slice %arg9[%dma_wait3A_464, %dma_wait3A_465, %dma_wait3A_466] : memref<8x128x64xbf16, #tpu.memory_space<vmem>> -> memref<1x128x64xbf16, #tpu.memory_space<vmem>>
        %dma_wait3A_468 = tpu.memref_squeeze %dma_wait3A_467 : memref<1x128x64xbf16, #tpu.memory_space<vmem>> -> memref<128x64xbf16, #tpu.memory_space<vmem>>
        %dma_wait3A_469 = arith.constant 0 : i32
        %dma_wait3A_470 = tpu.memref_slice %arg8[%add3A_302, %dma_wait3A_469] : memref<160x128xi32, #tpu.memory_space<vmem>> -> memref<1x128xi32, #tpu.memory_space<vmem>>
        %dma_wait3A_471 = tpu.memref_squeeze %dma_wait3A_470 : memref<1x128xi32, #tpu.memory_space<vmem>> -> memref<128xi32, #tpu.memory_space<vmem>>
        %dma_wait3A_472 = arith.constant 0 : i32
        %dma_wait3A_473 = arith.constant 0 : i32
        %dma_wait3A_474 = tpu.memref_slice %arg10[%dma_wait3A_472, %dma_wait3A_473] : memref<10240x64xbf16, #tpu.memory_space<vmem_shared>> -> memref<10240x64xbf16, #tpu.memory_space<vmem_shared>>
        tpu.wait_indirect_dma semaphore(%arg22 : memref<!tpu.dma_semaphore, #tpu.memory_space<semaphore_mem>>) src(%dma_wait3A_468 : memref<128x64xbf16, #tpu.memory_space<vmem>>) dst(%dma_wait3A_474 : memref<10240x64xbf16, #tpu.memory_space<vmem_shared>>)
        %dma_start3A_475 = arith.constant 3 : i32
        %dma_start3A_476 = arith.constant 0 : i32
        %dma_start3A_477 = arith.constant 0 : i32
        %dma_start3A_478 = tpu.memref_slice %arg9[%dma_start3A_475, %dma_start3A_476, %dma_start3A_477] : memref<8x128x64xbf16, #tpu.memory_space<vmem>> -> memref<1x128x64xbf16, #tpu.memory_space<vmem>>
        %dma_start3A_479 = tpu.memref_squeeze %dma_start3A_478 : memref<1x128x64xbf16, #tpu.memory_space<vmem>> -> memref<128x64xbf16, #tpu.memory_space<vmem>>
        %dma_start3A_480 = arith.constant 0 : i32
        %dma_start3A_481 = tpu.memref_slice %arg7[%add3A_326, %dma_start3A_480] : memref<160x128xi32, #tpu.memory_space<vmem>> -> memref<1x128xi32, #tpu.memory_space<vmem>>
        %dma_start3A_482 = tpu.memref_squeeze %dma_start3A_481 : memref<1x128xi32, #tpu.memory_space<vmem>> -> memref<128xi32, #tpu.memory_space<vmem>>
        %dma_start3A_483 = arith.constant 0 : i32
        %dma_start3A_484 = arith.constant 0 : i32
        %dma_start3A_485 = tpu.memref_slice %arg2[%dma_start3A_483, %dma_start3A_484] : memref<20000x64xbf16, #tpu.memory_space<hbm>> -> memref<20000x64xbf16, #tpu.memory_space<hbm>>
        tpu.enqueue_indirect_dma source(%dma_start3A_485 : memref<20000x64xbf16, #tpu.memory_space<hbm>>) target(%dma_start3A_479 : memref<128x64xbf16, #tpu.memory_space<vmem>>) offsets(%dma_start3A_482 : memref<128xi32, #tpu.memory_space<vmem>>) semaphore(%arg14 : memref<!tpu.dma_semaphore, #tpu.memory_space<semaphore_mem>>)
      } else {
      }
      %mul3A_332 = arith.constant 8 : i32
      %mul3A_333 = arith.muli %scan3A_202, %mul3A_332 : i32
      %add3A_334 = arith.constant 4 : i32
      %add3A_335 = arith.addi %mul3A_333, %add3A_334 : i32
      %dma_wait3A_336 = arith.constant 4 : i32
      %dma_wait3A_337 = arith.constant 0 : i32
      %dma_wait3A_338 = arith.constant 0 : i32
      %dma_wait3A_339 = tpu.memref_slice %arg9[%dma_wait3A_336, %dma_wait3A_337, %dma_wait3A_338] : memref<8x128x64xbf16, #tpu.memory_space<vmem>> -> memref<1x128x64xbf16, #tpu.memory_space<vmem>>
      %dma_wait3A_340 = tpu.memref_squeeze %dma_wait3A_339 : memref<1x128x64xbf16, #tpu.memory_space<vmem>> -> memref<128x64xbf16, #tpu.memory_space<vmem>>
      %dma_wait3A_341 = arith.constant 0 : i32
      %dma_wait3A_342 = tpu.memref_slice %arg7[%add3A_335, %dma_wait3A_341] : memref<160x128xi32, #tpu.memory_space<vmem>> -> memref<1x128xi32, #tpu.memory_space<vmem>>
      %dma_wait3A_343 = tpu.memref_squeeze %dma_wait3A_342 : memref<1x128xi32, #tpu.memory_space<vmem>> -> memref<128xi32, #tpu.memory_space<vmem>>
      %dma_wait3A_344 = arith.constant 0 : i32
      %dma_wait3A_345 = arith.constant 0 : i32
      %dma_wait3A_346 = tpu.memref_slice %arg2[%dma_wait3A_344, %dma_wait3A_345] : memref<20000x64xbf16, #tpu.memory_space<hbm>> -> memref<20000x64xbf16, #tpu.memory_space<hbm>>
      tpu.wait_indirect_dma semaphore(%arg15 : memref<!tpu.dma_semaphore, #tpu.memory_space<semaphore_mem>>) src(%dma_wait3A_346 : memref<20000x64xbf16, #tpu.memory_space<hbm>>) dst(%dma_wait3A_340 : memref<128x64xbf16, #tpu.memory_space<vmem>>)
      %dma_start3A_347 = arith.constant 4 : i32
      %dma_start3A_348 = arith.constant 0 : i32
      %dma_start3A_349 = arith.constant 0 : i32
      %dma_start3A_350 = tpu.memref_slice %arg9[%dma_start3A_347, %dma_start3A_348, %dma_start3A_349] : memref<8x128x64xbf16, #tpu.memory_space<vmem>> -> memref<1x128x64xbf16, #tpu.memory_space<vmem>>
      %dma_start3A_351 = tpu.memref_squeeze %dma_start3A_350 : memref<1x128x64xbf16, #tpu.memory_space<vmem>> -> memref<128x64xbf16, #tpu.memory_space<vmem>>
      %dma_start3A_352 = arith.constant 0 : i32
      %dma_start3A_353 = tpu.memref_slice %arg8[%add3A_335, %dma_start3A_352] : memref<160x128xi32, #tpu.memory_space<vmem>> -> memref<1x128xi32, #tpu.memory_space<vmem>>
      %dma_start3A_354 = tpu.memref_squeeze %dma_start3A_353 : memref<1x128xi32, #tpu.memory_space<vmem>> -> memref<128xi32, #tpu.memory_space<vmem>>
      %dma_start3A_355 = arith.constant 0 : i32
      %dma_start3A_356 = arith.constant 0 : i32
      %dma_start3A_357 = tpu.memref_slice %arg10[%dma_start3A_355, %dma_start3A_356] : memref<10240x64xbf16, #tpu.memory_space<vmem_shared>> -> memref<10240x64xbf16, #tpu.memory_space<vmem_shared>>
      tpu.enqueue_indirect_dma source(%dma_start3A_351 : memref<128x64xbf16, #tpu.memory_space<vmem>>) target(%dma_start3A_357 : memref<10240x64xbf16, #tpu.memory_space<vmem_shared>>) offsets(%dma_start3A_354 : memref<128xi32, #tpu.memory_space<vmem>>) semaphore(%arg23 : memref<!tpu.dma_semaphore, #tpu.memory_space<semaphore_mem>>) {add = true}
      %add3A_358 = arith.constant 8 : i32
      %add3A_359 = arith.addi %add3A_335, %add3A_358 : i32
      %lt3A_360 = arith.constant 160 : i32
      %lt3A_361 = arith.cmpi slt, %add3A_359, %lt3A_360 : i32
      %convert_element_type3A_362 = arith.extui %lt3A_361 : i1 to i32
      %cond3A_363 = arith.constant 0 : i32
      %cond3A_364 = arith.cmpi ne, %convert_element_type3A_362, %cond3A_363 : i32
      scf.if %cond3A_364 {
        %dma_wait3A_464 = arith.constant 4 : i32
        %dma_wait3A_465 = arith.constant 0 : i32
        %dma_wait3A_466 = arith.constant 0 : i32
        %dma_wait3A_467 = tpu.memref_slice %arg9[%dma_wait3A_464, %dma_wait3A_465, %dma_wait3A_466] : memref<8x128x64xbf16, #tpu.memory_space<vmem>> -> memref<1x128x64xbf16, #tpu.memory_space<vmem>>
        %dma_wait3A_468 = tpu.memref_squeeze %dma_wait3A_467 : memref<1x128x64xbf16, #tpu.memory_space<vmem>> -> memref<128x64xbf16, #tpu.memory_space<vmem>>
        %dma_wait3A_469 = arith.constant 0 : i32
        %dma_wait3A_470 = tpu.memref_slice %arg8[%add3A_335, %dma_wait3A_469] : memref<160x128xi32, #tpu.memory_space<vmem>> -> memref<1x128xi32, #tpu.memory_space<vmem>>
        %dma_wait3A_471 = tpu.memref_squeeze %dma_wait3A_470 : memref<1x128xi32, #tpu.memory_space<vmem>> -> memref<128xi32, #tpu.memory_space<vmem>>
        %dma_wait3A_472 = arith.constant 0 : i32
        %dma_wait3A_473 = arith.constant 0 : i32
        %dma_wait3A_474 = tpu.memref_slice %arg10[%dma_wait3A_472, %dma_wait3A_473] : memref<10240x64xbf16, #tpu.memory_space<vmem_shared>> -> memref<10240x64xbf16, #tpu.memory_space<vmem_shared>>
        tpu.wait_indirect_dma semaphore(%arg23 : memref<!tpu.dma_semaphore, #tpu.memory_space<semaphore_mem>>) src(%dma_wait3A_468 : memref<128x64xbf16, #tpu.memory_space<vmem>>) dst(%dma_wait3A_474 : memref<10240x64xbf16, #tpu.memory_space<vmem_shared>>)
        %dma_start3A_475 = arith.constant 4 : i32
        %dma_start3A_476 = arith.constant 0 : i32
        %dma_start3A_477 = arith.constant 0 : i32
        %dma_start3A_478 = tpu.memref_slice %arg9[%dma_start3A_475, %dma_start3A_476, %dma_start3A_477] : memref<8x128x64xbf16, #tpu.memory_space<vmem>> -> memref<1x128x64xbf16, #tpu.memory_space<vmem>>
        %dma_start3A_479 = tpu.memref_squeeze %dma_start3A_478 : memref<1x128x64xbf16, #tpu.memory_space<vmem>> -> memref<128x64xbf16, #tpu.memory_space<vmem>>
        %dma_start3A_480 = arith.constant 0 : i32
        %dma_start3A_481 = tpu.memref_slice %arg7[%add3A_359, %dma_start3A_480] : memref<160x128xi32, #tpu.memory_space<vmem>> -> memref<1x128xi32, #tpu.memory_space<vmem>>
        %dma_start3A_482 = tpu.memref_squeeze %dma_start3A_481 : memref<1x128xi32, #tpu.memory_space<vmem>> -> memref<128xi32, #tpu.memory_space<vmem>>
        %dma_start3A_483 = arith.constant 0 : i32
        %dma_start3A_484 = arith.constant 0 : i32
        %dma_start3A_485 = tpu.memref_slice %arg2[%dma_start3A_483, %dma_start3A_484] : memref<20000x64xbf16, #tpu.memory_space<hbm>> -> memref<20000x64xbf16, #tpu.memory_space<hbm>>
        tpu.enqueue_indirect_dma source(%dma_start3A_485 : memref<20000x64xbf16, #tpu.memory_space<hbm>>) target(%dma_start3A_479 : memref<128x64xbf16, #tpu.memory_space<vmem>>) offsets(%dma_start3A_482 : memref<128xi32, #tpu.memory_space<vmem>>) semaphore(%arg15 : memref<!tpu.dma_semaphore, #tpu.memory_space<semaphore_mem>>)
      } else {
      }
      %mul3A_365 = arith.constant 8 : i32
      %mul3A_366 = arith.muli %scan3A_202, %mul3A_365 : i32
      %add3A_367 = arith.constant 5 : i32
      %add3A_368 = arith.addi %mul3A_366, %add3A_367 : i32
      %dma_wait3A_369 = arith.constant 5 : i32
      %dma_wait3A_370 = arith.constant 0 : i32
      %dma_wait3A_371 = arith.constant 0 : i32
      %dma_wait3A_372 = tpu.memref_slice %arg9[%dma_wait3A_369, %dma_wait3A_370, %dma_wait3A_371] : memref<8x128x64xbf16, #tpu.memory_space<vmem>> -> memref<1x128x64xbf16, #tpu.memory_space<vmem>>
      %dma_wait3A_373 = tpu.memref_squeeze %dma_wait3A_372 : memref<1x128x64xbf16, #tpu.memory_space<vmem>> -> memref<128x64xbf16, #tpu.memory_space<vmem>>
      %dma_wait3A_374 = arith.constant 0 : i32
      %dma_wait3A_375 = tpu.memref_slice %arg7[%add3A_368, %dma_wait3A_374] : memref<160x128xi32, #tpu.memory_space<vmem>> -> memref<1x128xi32, #tpu.memory_space<vmem>>
      %dma_wait3A_376 = tpu.memref_squeeze %dma_wait3A_375 : memref<1x128xi32, #tpu.memory_space<vmem>> -> memref<128xi32, #tpu.memory_space<vmem>>
      %dma_wait3A_377 = arith.constant 0 : i32
      %dma_wait3A_378 = arith.constant 0 : i32
      %dma_wait3A_379 = tpu.memref_slice %arg2[%dma_wait3A_377, %dma_wait3A_378] : memref<20000x64xbf16, #tpu.memory_space<hbm>> -> memref<20000x64xbf16, #tpu.memory_space<hbm>>
      tpu.wait_indirect_dma semaphore(%arg16 : memref<!tpu.dma_semaphore, #tpu.memory_space<semaphore_mem>>) src(%dma_wait3A_379 : memref<20000x64xbf16, #tpu.memory_space<hbm>>) dst(%dma_wait3A_373 : memref<128x64xbf16, #tpu.memory_space<vmem>>)
      %dma_start3A_380 = arith.constant 5 : i32
      %dma_start3A_381 = arith.constant 0 : i32
      %dma_start3A_382 = arith.constant 0 : i32
      %dma_start3A_383 = tpu.memref_slice %arg9[%dma_start3A_380, %dma_start3A_381, %dma_start3A_382] : memref<8x128x64xbf16, #tpu.memory_space<vmem>> -> memref<1x128x64xbf16, #tpu.memory_space<vmem>>
      %dma_start3A_384 = tpu.memref_squeeze %dma_start3A_383 : memref<1x128x64xbf16, #tpu.memory_space<vmem>> -> memref<128x64xbf16, #tpu.memory_space<vmem>>
      %dma_start3A_385 = arith.constant 0 : i32
      %dma_start3A_386 = tpu.memref_slice %arg8[%add3A_368, %dma_start3A_385] : memref<160x128xi32, #tpu.memory_space<vmem>> -> memref<1x128xi32, #tpu.memory_space<vmem>>
      %dma_start3A_387 = tpu.memref_squeeze %dma_start3A_386 : memref<1x128xi32, #tpu.memory_space<vmem>> -> memref<128xi32, #tpu.memory_space<vmem>>
      %dma_start3A_388 = arith.constant 0 : i32
      %dma_start3A_389 = arith.constant 0 : i32
      %dma_start3A_390 = tpu.memref_slice %arg10[%dma_start3A_388, %dma_start3A_389] : memref<10240x64xbf16, #tpu.memory_space<vmem_shared>> -> memref<10240x64xbf16, #tpu.memory_space<vmem_shared>>
      tpu.enqueue_indirect_dma source(%dma_start3A_384 : memref<128x64xbf16, #tpu.memory_space<vmem>>) target(%dma_start3A_390 : memref<10240x64xbf16, #tpu.memory_space<vmem_shared>>) offsets(%dma_start3A_387 : memref<128xi32, #tpu.memory_space<vmem>>) semaphore(%arg24 : memref<!tpu.dma_semaphore, #tpu.memory_space<semaphore_mem>>) {add = true}
      %add3A_391 = arith.constant 8 : i32
      %add3A_392 = arith.addi %add3A_368, %add3A_391 : i32
      %lt3A_393 = arith.constant 160 : i32
      %lt3A_394 = arith.cmpi slt, %add3A_392, %lt3A_393 : i32
      %convert_element_type3A_395 = arith.extui %lt3A_394 : i1 to i32
      %cond3A_396 = arith.constant 0 : i32
      %cond3A_397 = arith.cmpi ne, %convert_element_type3A_395, %cond3A_396 : i32
      scf.if %cond3A_397 {
        %dma_wait3A_464 = arith.constant 5 : i32
        %dma_wait3A_465 = arith.constant 0 : i32
        %dma_wait3A_466 = arith.constant 0 : i32
        %dma_wait3A_467 = tpu.memref_slice %arg9[%dma_wait3A_464, %dma_wait3A_465, %dma_wait3A_466] : memref<8x128x64xbf16, #tpu.memory_space<vmem>> -> memref<1x128x64xbf16, #tpu.memory_space<vmem>>
        %dma_wait3A_468 = tpu.memref_squeeze %dma_wait3A_467 : memref<1x128x64xbf16, #tpu.memory_space<vmem>> -> memref<128x64xbf16, #tpu.memory_space<vmem>>
        %dma_wait3A_469 = arith.constant 0 : i32
        %dma_wait3A_470 = tpu.memref_slice %arg8[%add3A_368, %dma_wait3A_469] : memref<160x128xi32, #tpu.memory_space<vmem>> -> memref<1x128xi32, #tpu.memory_space<vmem>>
        %dma_wait3A_471 = tpu.memref_squeeze %dma_wait3A_470 : memref<1x128xi32, #tpu.memory_space<vmem>> -> memref<128xi32, #tpu.memory_space<vmem>>
        %dma_wait3A_472 = arith.constant 0 : i32
        %dma_wait3A_473 = arith.constant 0 : i32
        %dma_wait3A_474 = tpu.memref_slice %arg10[%dma_wait3A_472, %dma_wait3A_473] : memref<10240x64xbf16, #tpu.memory_space<vmem_shared>> -> memref<10240x64xbf16, #tpu.memory_space<vmem_shared>>
        tpu.wait_indirect_dma semaphore(%arg24 : memref<!tpu.dma_semaphore, #tpu.memory_space<semaphore_mem>>) src(%dma_wait3A_468 : memref<128x64xbf16, #tpu.memory_space<vmem>>) dst(%dma_wait3A_474 : memref<10240x64xbf16, #tpu.memory_space<vmem_shared>>)
        %dma_start3A_475 = arith.constant 5 : i32
        %dma_start3A_476 = arith.constant 0 : i32
        %dma_start3A_477 = arith.constant 0 : i32
        %dma_start3A_478 = tpu.memref_slice %arg9[%dma_start3A_475, %dma_start3A_476, %dma_start3A_477] : memref<8x128x64xbf16, #tpu.memory_space<vmem>> -> memref<1x128x64xbf16, #tpu.memory_space<vmem>>
        %dma_start3A_479 = tpu.memref_squeeze %dma_start3A_478 : memref<1x128x64xbf16, #tpu.memory_space<vmem>> -> memref<128x64xbf16, #tpu.memory_space<vmem>>
        %dma_start3A_480 = arith.constant 0 : i32
        %dma_start3A_481 = tpu.memref_slice %arg7[%add3A_392, %dma_start3A_480] : memref<160x128xi32, #tpu.memory_space<vmem>> -> memref<1x128xi32, #tpu.memory_space<vmem>>
        %dma_start3A_482 = tpu.memref_squeeze %dma_start3A_481 : memref<1x128xi32, #tpu.memory_space<vmem>> -> memref<128xi32, #tpu.memory_space<vmem>>
        %dma_start3A_483 = arith.constant 0 : i32
        %dma_start3A_484 = arith.constant 0 : i32
        %dma_start3A_485 = tpu.memref_slice %arg2[%dma_start3A_483, %dma_start3A_484] : memref<20000x64xbf16, #tpu.memory_space<hbm>> -> memref<20000x64xbf16, #tpu.memory_space<hbm>>
        tpu.enqueue_indirect_dma source(%dma_start3A_485 : memref<20000x64xbf16, #tpu.memory_space<hbm>>) target(%dma_start3A_479 : memref<128x64xbf16, #tpu.memory_space<vmem>>) offsets(%dma_start3A_482 : memref<128xi32, #tpu.memory_space<vmem>>) semaphore(%arg16 : memref<!tpu.dma_semaphore, #tpu.memory_space<semaphore_mem>>)
      } else {
      }
      %mul3A_398 = arith.constant 8 : i32
      %mul3A_399 = arith.muli %scan3A_202, %mul3A_398 : i32
      %add3A_400 = arith.constant 6 : i32
      %add3A_401 = arith.addi %mul3A_399, %add3A_400 : i32
      %dma_wait3A_402 = arith.constant 6 : i32
      %dma_wait3A_403 = arith.constant 0 : i32
      %dma_wait3A_404 = arith.constant 0 : i32
      %dma_wait3A_405 = tpu.memref_slice %arg9[%dma_wait3A_402, %dma_wait3A_403, %dma_wait3A_404] : memref<8x128x64xbf16, #tpu.memory_space<vmem>> -> memref<1x128x64xbf16, #tpu.memory_space<vmem>>
      %dma_wait3A_406 = tpu.memref_squeeze %dma_wait3A_405 : memref<1x128x64xbf16, #tpu.memory_space<vmem>> -> memref<128x64xbf16, #tpu.memory_space<vmem>>
      %dma_wait3A_407 = arith.constant 0 : i32
      %dma_wait3A_408 = tpu.memref_slice %arg7[%add3A_401, %dma_wait3A_407] : memref<160x128xi32, #tpu.memory_space<vmem>> -> memref<1x128xi32, #tpu.memory_space<vmem>>
      %dma_wait3A_409 = tpu.memref_squeeze %dma_wait3A_408 : memref<1x128xi32, #tpu.memory_space<vmem>> -> memref<128xi32, #tpu.memory_space<vmem>>
      %dma_wait3A_410 = arith.constant 0 : i32
      %dma_wait3A_411 = arith.constant 0 : i32
      %dma_wait3A_412 = tpu.memref_slice %arg2[%dma_wait3A_410, %dma_wait3A_411] : memref<20000x64xbf16, #tpu.memory_space<hbm>> -> memref<20000x64xbf16, #tpu.memory_space<hbm>>
      tpu.wait_indirect_dma semaphore(%arg17 : memref<!tpu.dma_semaphore, #tpu.memory_space<semaphore_mem>>) src(%dma_wait3A_412 : memref<20000x64xbf16, #tpu.memory_space<hbm>>) dst(%dma_wait3A_406 : memref<128x64xbf16, #tpu.memory_space<vmem>>)
      %dma_start3A_413 = arith.constant 6 : i32
      %dma_start3A_414 = arith.constant 0 : i32
      %dma_start3A_415 = arith.constant 0 : i32
      %dma_start3A_416 = tpu.memref_slice %arg9[%dma_start3A_413, %dma_start3A_414, %dma_start3A_415] : memref<8x128x64xbf16, #tpu.memory_space<vmem>> -> memref<1x128x64xbf16, #tpu.memory_space<vmem>>
      %dma_start3A_417 = tpu.memref_squeeze %dma_start3A_416 : memref<1x128x64xbf16, #tpu.memory_space<vmem>> -> memref<128x64xbf16, #tpu.memory_space<vmem>>
      %dma_start3A_418 = arith.constant 0 : i32
      %dma_start3A_419 = tpu.memref_slice %arg8[%add3A_401, %dma_start3A_418] : memref<160x128xi32, #tpu.memory_space<vmem>> -> memref<1x128xi32, #tpu.memory_space<vmem>>
      %dma_start3A_420 = tpu.memref_squeeze %dma_start3A_419 : memref<1x128xi32, #tpu.memory_space<vmem>> -> memref<128xi32, #tpu.memory_space<vmem>>
      %dma_start3A_421 = arith.constant 0 : i32
      %dma_start3A_422 = arith.constant 0 : i32
      %dma_start3A_423 = tpu.memref_slice %arg10[%dma_start3A_421, %dma_start3A_422] : memref<10240x64xbf16, #tpu.memory_space<vmem_shared>> -> memref<10240x64xbf16, #tpu.memory_space<vmem_shared>>
      tpu.enqueue_indirect_dma source(%dma_start3A_417 : memref<128x64xbf16, #tpu.memory_space<vmem>>) target(%dma_start3A_423 : memref<10240x64xbf16, #tpu.memory_space<vmem_shared>>) offsets(%dma_start3A_420 : memref<128xi32, #tpu.memory_space<vmem>>) semaphore(%arg25 : memref<!tpu.dma_semaphore, #tpu.memory_space<semaphore_mem>>) {add = true}
      %add3A_424 = arith.constant 8 : i32
      %add3A_425 = arith.addi %add3A_401, %add3A_424 : i32
      %lt3A_426 = arith.constant 160 : i32
      %lt3A_427 = arith.cmpi slt, %add3A_425, %lt3A_426 : i32
      %convert_element_type3A_428 = arith.extui %lt3A_427 : i1 to i32
      %cond3A_429 = arith.constant 0 : i32
      %cond3A_430 = arith.cmpi ne, %convert_element_type3A_428, %cond3A_429 : i32
      scf.if %cond3A_430 {
        %dma_wait3A_464 = arith.constant 6 : i32
        %dma_wait3A_465 = arith.constant 0 : i32
        %dma_wait3A_466 = arith.constant 0 : i32
        %dma_wait3A_467 = tpu.memref_slice %arg9[%dma_wait3A_464, %dma_wait3A_465, %dma_wait3A_466] : memref<8x128x64xbf16, #tpu.memory_space<vmem>> -> memref<1x128x64xbf16, #tpu.memory_space<vmem>>
        %dma_wait3A_468 = tpu.memref_squeeze %dma_wait3A_467 : memref<1x128x64xbf16, #tpu.memory_space<vmem>> -> memref<128x64xbf16, #tpu.memory_space<vmem>>
        %dma_wait3A_469 = arith.constant 0 : i32
        %dma_wait3A_470 = tpu.memref_slice %arg8[%add3A_401, %dma_wait3A_469] : memref<160x128xi32, #tpu.memory_space<vmem>> -> memref<1x128xi32, #tpu.memory_space<vmem>>
        %dma_wait3A_471 = tpu.memref_squeeze %dma_wait3A_470 : memref<1x128xi32, #tpu.memory_space<vmem>> -> memref<128xi32, #tpu.memory_space<vmem>>
        %dma_wait3A_472 = arith.constant 0 : i32
        %dma_wait3A_473 = arith.constant 0 : i32
        %dma_wait3A_474 = tpu.memref_slice %arg10[%dma_wait3A_472, %dma_wait3A_473] : memref<10240x64xbf16, #tpu.memory_space<vmem_shared>> -> memref<10240x64xbf16, #tpu.memory_space<vmem_shared>>
        tpu.wait_indirect_dma semaphore(%arg25 : memref<!tpu.dma_semaphore, #tpu.memory_space<semaphore_mem>>) src(%dma_wait3A_468 : memref<128x64xbf16, #tpu.memory_space<vmem>>) dst(%dma_wait3A_474 : memref<10240x64xbf16, #tpu.memory_space<vmem_shared>>)
        %dma_start3A_475 = arith.constant 6 : i32
        %dma_start3A_476 = arith.constant 0 : i32
        %dma_start3A_477 = arith.constant 0 : i32
        %dma_start3A_478 = tpu.memref_slice %arg9[%dma_start3A_475, %dma_start3A_476, %dma_start3A_477] : memref<8x128x64xbf16, #tpu.memory_space<vmem>> -> memref<1x128x64xbf16, #tpu.memory_space<vmem>>
        %dma_start3A_479 = tpu.memref_squeeze %dma_start3A_478 : memref<1x128x64xbf16, #tpu.memory_space<vmem>> -> memref<128x64xbf16, #tpu.memory_space<vmem>>
        %dma_start3A_480 = arith.constant 0 : i32
        %dma_start3A_481 = tpu.memref_slice %arg7[%add3A_425, %dma_start3A_480] : memref<160x128xi32, #tpu.memory_space<vmem>> -> memref<1x128xi32, #tpu.memory_space<vmem>>
        %dma_start3A_482 = tpu.memref_squeeze %dma_start3A_481 : memref<1x128xi32, #tpu.memory_space<vmem>> -> memref<128xi32, #tpu.memory_space<vmem>>
        %dma_start3A_483 = arith.constant 0 : i32
        %dma_start3A_484 = arith.constant 0 : i32
        %dma_start3A_485 = tpu.memref_slice %arg2[%dma_start3A_483, %dma_start3A_484] : memref<20000x64xbf16, #tpu.memory_space<hbm>> -> memref<20000x64xbf16, #tpu.memory_space<hbm>>
        tpu.enqueue_indirect_dma source(%dma_start3A_485 : memref<20000x64xbf16, #tpu.memory_space<hbm>>) target(%dma_start3A_479 : memref<128x64xbf16, #tpu.memory_space<vmem>>) offsets(%dma_start3A_482 : memref<128xi32, #tpu.memory_space<vmem>>) semaphore(%arg17 : memref<!tpu.dma_semaphore, #tpu.memory_space<semaphore_mem>>)
      } else {
      }
      %mul3A_431 = arith.constant 8 : i32
      %mul3A_432 = arith.muli %scan3A_202, %mul3A_431 : i32
      %add3A_433 = arith.constant 7 : i32
      %add3A_434 = arith.addi %mul3A_432, %add3A_433 : i32
      %dma_wait3A_435 = arith.constant 7 : i32
      %dma_wait3A_436 = arith.constant 0 : i32
      %dma_wait3A_437 = arith.constant 0 : i32
      %dma_wait3A_438 = tpu.memref_slice %arg9[%dma_wait3A_435, %dma_wait3A_436, %dma_wait3A_437] : memref<8x128x64xbf16, #tpu.memory_space<vmem>> -> memref<1x128x64xbf16, #tpu.memory_space<vmem>>
      %dma_wait3A_439 = tpu.memref_squeeze %dma_wait3A_438 : memref<1x128x64xbf16, #tpu.memory_space<vmem>> -> memref<128x64xbf16, #tpu.memory_space<vmem>>
      %dma_wait3A_440 = arith.constant 0 : i32
      %dma_wait3A_441 = tpu.memref_slice %arg7[%add3A_434, %dma_wait3A_440] : memref<160x128xi32, #tpu.memory_space<vmem>> -> memref<1x128xi32, #tpu.memory_space<vmem>>
      %dma_wait3A_442 = tpu.memref_squeeze %dma_wait3A_441 : memref<1x128xi32, #tpu.memory_space<vmem>> -> memref<128xi32, #tpu.memory_space<vmem>>
      %dma_wait3A_443 = arith.constant 0 : i32
      %dma_wait3A_444 = arith.constant 0 : i32
      %dma_wait3A_445 = tpu.memref_slice %arg2[%dma_wait3A_443, %dma_wait3A_444] : memref<20000x64xbf16, #tpu.memory_space<hbm>> -> memref<20000x64xbf16, #tpu.memory_space<hbm>>
      tpu.wait_indirect_dma semaphore(%arg18 : memref<!tpu.dma_semaphore, #tpu.memory_space<semaphore_mem>>) src(%dma_wait3A_445 : memref<20000x64xbf16, #tpu.memory_space<hbm>>) dst(%dma_wait3A_439 : memref<128x64xbf16, #tpu.memory_space<vmem>>)
      %dma_start3A_446 = arith.constant 7 : i32
      %dma_start3A_447 = arith.constant 0 : i32
      %dma_start3A_448 = arith.constant 0 : i32
      %dma_start3A_449 = tpu.memref_slice %arg9[%dma_start3A_446, %dma_start3A_447, %dma_start3A_448] : memref<8x128x64xbf16, #tpu.memory_space<vmem>> -> memref<1x128x64xbf16, #tpu.memory_space<vmem>>
      %dma_start3A_450 = tpu.memref_squeeze %dma_start3A_449 : memref<1x128x64xbf16, #tpu.memory_space<vmem>> -> memref<128x64xbf16, #tpu.memory_space<vmem>>
      %dma_start3A_451 = arith.constant 0 : i32
      %dma_start3A_452 = tpu.memref_slice %arg8[%add3A_434, %dma_start3A_451] : memref<160x128xi32, #tpu.memory_space<vmem>> -> memref<1x128xi32, #tpu.memory_space<vmem>>
      %dma_start3A_453 = tpu.memref_squeeze %dma_start3A_452 : memref<1x128xi32, #tpu.memory_space<vmem>> -> memref<128xi32, #tpu.memory_space<vmem>>
      %dma_start3A_454 = arith.constant 0 : i32
      %dma_start3A_455 = arith.constant 0 : i32
      %dma_start3A_456 = tpu.memref_slice %arg10[%dma_start3A_454, %dma_start3A_455] : memref<10240x64xbf16, #tpu.memory_space<vmem_shared>> -> memref<10240x64xbf16, #tpu.memory_space<vmem_shared>>
      tpu.enqueue_indirect_dma source(%dma_start3A_450 : memref<128x64xbf16, #tpu.memory_space<vmem>>) target(%dma_start3A_456 : memref<10240x64xbf16, #tpu.memory_space<vmem_shared>>) offsets(%dma_start3A_453 : memref<128xi32, #tpu.memory_space<vmem>>) semaphore(%arg26 : memref<!tpu.dma_semaphore, #tpu.memory_space<semaphore_mem>>) {add = true}
      %add3A_457 = arith.constant 8 : i32
      %add3A_458 = arith.addi %add3A_434, %add3A_457 : i32
      %lt3A_459 = arith.constant 160 : i32
      %lt3A_460 = arith.cmpi slt, %add3A_458, %lt3A_459 : i32
      %convert_element_type3A_461 = arith.extui %lt3A_460 : i1 to i32
      %cond3A_462 = arith.constant 0 : i32
      %cond3A_463 = arith.cmpi ne, %convert_element_type3A_461, %cond3A_462 : i32
      scf.if %cond3A_463 {
        %dma_wait3A_464 = arith.constant 7 : i32
        %dma_wait3A_465 = arith.constant 0 : i32
        %dma_wait3A_466 = arith.constant 0 : i32
        %dma_wait3A_467 = tpu.memref_slice %arg9[%dma_wait3A_464, %dma_wait3A_465, %dma_wait3A_466] : memref<8x128x64xbf16, #tpu.memory_space<vmem>> -> memref<1x128x64xbf16, #tpu.memory_space<vmem>>
        %dma_wait3A_468 = tpu.memref_squeeze %dma_wait3A_467 : memref<1x128x64xbf16, #tpu.memory_space<vmem>> -> memref<128x64xbf16, #tpu.memory_space<vmem>>
        %dma_wait3A_469 = arith.constant 0 : i32
        %dma_wait3A_470 = tpu.memref_slice %arg8[%add3A_434, %dma_wait3A_469] : memref<160x128xi32, #tpu.memory_space<vmem>> -> memref<1x128xi32, #tpu.memory_space<vmem>>
        %dma_wait3A_471 = tpu.memref_squeeze %dma_wait3A_470 : memref<1x128xi32, #tpu.memory_space<vmem>> -> memref<128xi32, #tpu.memory_space<vmem>>
        %dma_wait3A_472 = arith.constant 0 : i32
        %dma_wait3A_473 = arith.constant 0 : i32
        %dma_wait3A_474 = tpu.memref_slice %arg10[%dma_wait3A_472, %dma_wait3A_473] : memref<10240x64xbf16, #tpu.memory_space<vmem_shared>> -> memref<10240x64xbf16, #tpu.memory_space<vmem_shared>>
        tpu.wait_indirect_dma semaphore(%arg26 : memref<!tpu.dma_semaphore, #tpu.memory_space<semaphore_mem>>) src(%dma_wait3A_468 : memref<128x64xbf16, #tpu.memory_space<vmem>>) dst(%dma_wait3A_474 : memref<10240x64xbf16, #tpu.memory_space<vmem_shared>>)
        %dma_start3A_475 = arith.constant 7 : i32
        %dma_start3A_476 = arith.constant 0 : i32
        %dma_start3A_477 = arith.constant 0 : i32
        %dma_start3A_478 = tpu.memref_slice %arg9[%dma_start3A_475, %dma_start3A_476, %dma_start3A_477] : memref<8x128x64xbf16, #tpu.memory_space<vmem>> -> memref<1x128x64xbf16, #tpu.memory_space<vmem>>
        %dma_start3A_479 = tpu.memref_squeeze %dma_start3A_478 : memref<1x128x64xbf16, #tpu.memory_space<vmem>> -> memref<128x64xbf16, #tpu.memory_space<vmem>>
        %dma_start3A_480 = arith.constant 0 : i32
        %dma_start3A_481 = tpu.memref_slice %arg7[%add3A_458, %dma_start3A_480] : memref<160x128xi32, #tpu.memory_space<vmem>> -> memref<1x128xi32, #tpu.memory_space<vmem>>
        %dma_start3A_482 = tpu.memref_squeeze %dma_start3A_481 : memref<1x128xi32, #tpu.memory_space<vmem>> -> memref<128xi32, #tpu.memory_space<vmem>>
        %dma_start3A_483 = arith.constant 0 : i32
        %dma_start3A_484 = arith.constant 0 : i32
        %dma_start3A_485 = tpu.memref_slice %arg2[%dma_start3A_483, %dma_start3A_484] : memref<20000x64xbf16, #tpu.memory_space<hbm>> -> memref<20000x64xbf16, #tpu.memory_space<hbm>>
        tpu.enqueue_indirect_dma source(%dma_start3A_485 : memref<20000x64xbf16, #tpu.memory_space<hbm>>) target(%dma_start3A_479 : memref<128x64xbf16, #tpu.memory_space<vmem>>) offsets(%dma_start3A_482 : memref<128xi32, #tpu.memory_space<vmem>>) semaphore(%arg18 : memref<!tpu.dma_semaphore, #tpu.memory_space<semaphore_mem>>)
      } else {
      }
    }
    %scan3A_103 = arith.constant 20 : i32
    %dma_wait3A = arith.constant 0 : i32
    %dma_wait3A_104 = arith.constant 0 : i32
    %dma_wait3A_105 = arith.constant 0 : i32
    %dma_wait3A_106 = arith.constant 0 : i32
    %dma_wait3A_107 = tpu.memref_slice %arg9[%dma_wait3A, %dma_wait3A_105, %dma_wait3A_106] : memref<8x128x64xbf16, #tpu.memory_space<vmem>> -> memref<1x128x64xbf16, #tpu.memory_space<vmem>>
    %dma_wait3A_108 = tpu.memref_squeeze %dma_wait3A_107 : memref<1x128x64xbf16, #tpu.memory_space<vmem>> -> memref<128x64xbf16, #tpu.memory_space<vmem>>
    %dma_wait3A_109 = arith.constant 0 : i32
    %dma_wait3A_110 = tpu.memref_slice %arg8[%dma_wait3A_104, %dma_wait3A_109] : memref<160x128xi32, #tpu.memory_space<vmem>> -> memref<1x128xi32, #tpu.memory_space<vmem>>
    %dma_wait3A_111 = tpu.memref_squeeze %dma_wait3A_110 : memref<1x128xi32, #tpu.memory_space<vmem>> -> memref<128xi32, #tpu.memory_space<vmem>>
    %dma_wait3A_112 = arith.constant 0 : i32
    %dma_wait3A_113 = arith.constant 0 : i32
    %dma_wait3A_114 = tpu.memref_slice %arg10[%dma_wait3A_112, %dma_wait3A_113] : memref<10240x64xbf16, #tpu.memory_space<vmem_shared>> -> memref<10240x64xbf16, #tpu.memory_space<vmem_shared>>
    tpu.wait_indirect_dma semaphore(%arg19 : memref<!tpu.dma_semaphore, #tpu.memory_space<semaphore_mem>>) src(%dma_wait3A_108 : memref<128x64xbf16, #tpu.memory_space<vmem>>) dst(%dma_wait3A_114 : memref<10240x64xbf16, #tpu.memory_space<vmem_shared>>)
    %dma_wait3A_115 = arith.constant 1 : i32
    %dma_wait3A_116 = arith.constant 0 : i32
    %dma_wait3A_117 = arith.constant 0 : i32
    %dma_wait3A_118 = arith.constant 0 : i32
    %dma_wait3A_119 = tpu.memref_slice %arg9[%dma_wait3A_115, %dma_wait3A_117, %dma_wait3A_118] : memref<8x128x64xbf16, #tpu.memory_space<vmem>> -> memref<1x128x64xbf16, #tpu.memory_space<vmem>>
    %dma_wait3A_120 = tpu.memref_squeeze %dma_wait3A_119 : memref<1x128x64xbf16, #tpu.memory_space<vmem>> -> memref<128x64xbf16, #tpu.memory_space<vmem>>
    %dma_wait3A_121 = arith.constant 0 : i32
    %dma_wait3A_122 = tpu.memref_slice %arg8[%dma_wait3A_116, %dma_wait3A_121] : memref<160x128xi32, #tpu.memory_space<vmem>> -> memref<1x128xi32, #tpu.memory_space<vmem>>
    %dma_wait3A_123 = tpu.memref_squeeze %dma_wait3A_122 : memref<1x128xi32, #tpu.memory_space<vmem>> -> memref<128xi32, #tpu.memory_space<vmem>>
    %dma_wait3A_124 = arith.constant 0 : i32
    %dma_wait3A_125 = arith.constant 0 : i32
    %dma_wait3A_126 = tpu.memref_slice %arg10[%dma_wait3A_124, %dma_wait3A_125] : memref<10240x64xbf16, #tpu.memory_space<vmem_shared>> -> memref<10240x64xbf16, #tpu.memory_space<vmem_shared>>
    tpu.wait_indirect_dma semaphore(%arg20 : memref<!tpu.dma_semaphore, #tpu.memory_space<semaphore_mem>>) src(%dma_wait3A_120 : memref<128x64xbf16, #tpu.memory_space<vmem>>) dst(%dma_wait3A_126 : memref<10240x64xbf16, #tpu.memory_space<vmem_shared>>)
    %dma_wait3A_127 = arith.constant 2 : i32
    %dma_wait3A_128 = arith.constant 0 : i32
    %dma_wait3A_129 = arith.constant 0 : i32
    %dma_wait3A_130 = arith.constant 0 : i32
    %dma_wait3A_131 = tpu.memref_slice %arg9[%dma_wait3A_127, %dma_wait3A_129, %dma_wait3A_130] : memref<8x128x64xbf16, #tpu.memory_space<vmem>> -> memref<1x128x64xbf16, #tpu.memory_space<vmem>>
    %dma_wait3A_132 = tpu.memref_squeeze %dma_wait3A_131 : memref<1x128x64xbf16, #tpu.memory_space<vmem>> -> memref<128x64xbf16, #tpu.memory_space<vmem>>
    %dma_wait3A_133 = arith.constant 0 : i32
    %dma_wait3A_134 = tpu.memref_slice %arg8[%dma_wait3A_128, %dma_wait3A_133] : memref<160x128xi32, #tpu.memory_space<vmem>> -> memref<1x128xi32, #tpu.memory_space<vmem>>
    %dma_wait3A_135 = tpu.memref_squeeze %dma_wait3A_134 : memref<1x128xi32, #tpu.memory_space<vmem>> -> memref<128xi32, #tpu.memory_space<vmem>>
    %dma_wait3A_136 = arith.constant 0 : i32
    %dma_wait3A_137 = arith.constant 0 : i32
    %dma_wait3A_138 = tpu.memref_slice %arg10[%dma_wait3A_136, %dma_wait3A_137] : memref<10240x64xbf16, #tpu.memory_space<vmem_shared>> -> memref<10240x64xbf16, #tpu.memory_space<vmem_shared>>
    tpu.wait_indirect_dma semaphore(%arg21 : memref<!tpu.dma_semaphore, #tpu.memory_space<semaphore_mem>>) src(%dma_wait3A_132 : memref<128x64xbf16, #tpu.memory_space<vmem>>) dst(%dma_wait3A_138 : memref<10240x64xbf16, #tpu.memory_space<vmem_shared>>)
    %dma_wait3A_139 = arith.constant 3 : i32
    %dma_wait3A_140 = arith.constant 0 : i32
    %dma_wait3A_141 = arith.constant 0 : i32
    %dma_wait3A_142 = arith.constant 0 : i32
    %dma_wait3A_143 = tpu.memref_slice %arg9[%dma_wait3A_139, %dma_wait3A_141, %dma_wait3A_142] : memref<8x128x64xbf16, #tpu.memory_space<vmem>> -> memref<1x128x64xbf16, #tpu.memory_space<vmem>>
    %dma_wait3A_144 = tpu.memref_squeeze %dma_wait3A_143 : memref<1x128x64xbf16, #tpu.memory_space<vmem>> -> memref<128x64xbf16, #tpu.memory_space<vmem>>
    %dma_wait3A_145 = arith.constant 0 : i32
    %dma_wait3A_146 = tpu.memref_slice %arg8[%dma_wait3A_140, %dma_wait3A_145] : memref<160x128xi32, #tpu.memory_space<vmem>> -> memref<1x128xi32, #tpu.memory_space<vmem>>
    %dma_wait3A_147 = tpu.memref_squeeze %dma_wait3A_146 : memref<1x128xi32, #tpu.memory_space<vmem>> -> memref<128xi32, #tpu.memory_space<vmem>>
    %dma_wait3A_148 = arith.constant 0 : i32
    %dma_wait3A_149 = arith.constant 0 : i32
    %dma_wait3A_150 = tpu.memref_slice %arg10[%dma_wait3A_148, %dma_wait3A_149] : memref<10240x64xbf16, #tpu.memory_space<vmem_shared>> -> memref<10240x64xbf16, #tpu.memory_space<vmem_shared>>
    tpu.wait_indirect_dma semaphore(%arg22 : memref<!tpu.dma_semaphore, #tpu.memory_space<semaphore_mem>>) src(%dma_wait3A_144 : memref<128x64xbf16, #tpu.memory_space<vmem>>) dst(%dma_wait3A_150 : memref<10240x64xbf16, #tpu.memory_space<vmem_shared>>)
    %dma_wait3A_151 = arith.constant 4 : i32
    %dma_wait3A_152 = arith.constant 0 : i32
    %dma_wait3A_153 = arith.constant 0 : i32
    %dma_wait3A_154 = arith.constant 0 : i32
    %dma_wait3A_155 = tpu.memref_slice %arg9[%dma_wait3A_151, %dma_wait3A_153, %dma_wait3A_154] : memref<8x128x64xbf16, #tpu.memory_space<vmem>> -> memref<1x128x64xbf16, #tpu.memory_space<vmem>>
    %dma_wait3A_156 = tpu.memref_squeeze %dma_wait3A_155 : memref<1x128x64xbf16, #tpu.memory_space<vmem>> -> memref<128x64xbf16, #tpu.memory_space<vmem>>
    %dma_wait3A_157 = arith.constant 0 : i32
    %dma_wait3A_158 = tpu.memref_slice %arg8[%dma_wait3A_152, %dma_wait3A_157] : memref<160x128xi32, #tpu.memory_space<vmem>> -> memref<1x128xi32, #tpu.memory_space<vmem>>
    %dma_wait3A_159 = tpu.memref_squeeze %dma_wait3A_158 : memref<1x128xi32, #tpu.memory_space<vmem>> -> memref<128xi32, #tpu.memory_space<vmem>>
    %dma_wait3A_160 = arith.constant 0 : i32
    %dma_wait3A_161 = arith.constant 0 : i32
    %dma_wait3A_162 = tpu.memref_slice %arg10[%dma_wait3A_160, %dma_wait3A_161] : memref<10240x64xbf16, #tpu.memory_space<vmem_shared>> -> memref<10240x64xbf16, #tpu.memory_space<vmem_shared>>
    tpu.wait_indirect_dma semaphore(%arg23 : memref<!tpu.dma_semaphore, #tpu.memory_space<semaphore_mem>>) src(%dma_wait3A_156 : memref<128x64xbf16, #tpu.memory_space<vmem>>) dst(%dma_wait3A_162 : memref<10240x64xbf16, #tpu.memory_space<vmem_shared>>)
    %dma_wait3A_163 = arith.constant 5 : i32
    %dma_wait3A_164 = arith.constant 0 : i32
    %dma_wait3A_165 = arith.constant 0 : i32
    %dma_wait3A_166 = arith.constant 0 : i32
    %dma_wait3A_167 = tpu.memref_slice %arg9[%dma_wait3A_163, %dma_wait3A_165, %dma_wait3A_166] : memref<8x128x64xbf16, #tpu.memory_space<vmem>> -> memref<1x128x64xbf16, #tpu.memory_space<vmem>>
    %dma_wait3A_168 = tpu.memref_squeeze %dma_wait3A_167 : memref<1x128x64xbf16, #tpu.memory_space<vmem>> -> memref<128x64xbf16, #tpu.memory_space<vmem>>
    %dma_wait3A_169 = arith.constant 0 : i32
    %dma_wait3A_170 = tpu.memref_slice %arg8[%dma_wait3A_164, %dma_wait3A_169] : memref<160x128xi32, #tpu.memory_space<vmem>> -> memref<1x128xi32, #tpu.memory_space<vmem>>
    %dma_wait3A_171 = tpu.memref_squeeze %dma_wait3A_170 : memref<1x128xi32, #tpu.memory_space<vmem>> -> memref<128xi32, #tpu.memory_space<vmem>>
    %dma_wait3A_172 = arith.constant 0 : i32
    %dma_wait3A_173 = arith.constant 0 : i32
    %dma_wait3A_174 = tpu.memref_slice %arg10[%dma_wait3A_172, %dma_wait3A_173] : memref<10240x64xbf16, #tpu.memory_space<vmem_shared>> -> memref<10240x64xbf16, #tpu.memory_space<vmem_shared>>
    tpu.wait_indirect_dma semaphore(%arg24 : memref<!tpu.dma_semaphore, #tpu.memory_space<semaphore_mem>>) src(%dma_wait3A_168 : memref<128x64xbf16, #tpu.memory_space<vmem>>) dst(%dma_wait3A_174 : memref<10240x64xbf16, #tpu.memory_space<vmem_shared>>)
    %dma_wait3A_175 = arith.constant 6 : i32
    %dma_wait3A_176 = arith.constant 0 : i32
    %dma_wait3A_177 = arith.constant 0 : i32
    %dma_wait3A_178 = arith.constant 0 : i32
    %dma_wait3A_179 = tpu.memref_slice %arg9[%dma_wait3A_175, %dma_wait3A_177, %dma_wait3A_178] : memref<8x128x64xbf16, #tpu.memory_space<vmem>> -> memref<1x128x64xbf16, #tpu.memory_space<vmem>>
    %dma_wait3A_180 = tpu.memref_squeeze %dma_wait3A_179 : memref<1x128x64xbf16, #tpu.memory_space<vmem>> -> memref<128x64xbf16, #tpu.memory_space<vmem>>
    %dma_wait3A_181 = arith.constant 0 : i32
    %dma_wait3A_182 = tpu.memref_slice %arg8[%dma_wait3A_176, %dma_wait3A_181] : memref<160x128xi32, #tpu.memory_space<vmem>> -> memref<1x128xi32, #tpu.memory_space<vmem>>
    %dma_wait3A_183 = tpu.memref_squeeze %dma_wait3A_182 : memref<1x128xi32, #tpu.memory_space<vmem>> -> memref<128xi32, #tpu.memory_space<vmem>>
    %dma_wait3A_184 = arith.constant 0 : i32
    %dma_wait3A_185 = arith.constant 0 : i32
    %dma_wait3A_186 = tpu.memref_slice %arg10[%dma_wait3A_184, %dma_wait3A_185] : memref<10240x64xbf16, #tpu.memory_space<vmem_shared>> -> memref<10240x64xbf16, #tpu.memory_space<vmem_shared>>
    tpu.wait_indirect_dma semaphore(%arg25 : memref<!tpu.dma_semaphore, #tpu.memory_space<semaphore_mem>>) src(%dma_wait3A_180 : memref<128x64xbf16, #tpu.memory_space<vmem>>) dst(%dma_wait3A_186 : memref<10240x64xbf16, #tpu.memory_space<vmem_shared>>)
    %dma_wait3A_187 = arith.constant 7 : i32
    %dma_wait3A_188 = arith.constant 0 : i32
    %dma_wait3A_189 = arith.constant 0 : i32
    %dma_wait3A_190 = arith.constant 0 : i32
    %dma_wait3A_191 = tpu.memref_slice %arg9[%dma_wait3A_187, %dma_wait3A_189, %dma_wait3A_190] : memref<8x128x64xbf16, #tpu.memory_space<vmem>> -> memref<1x128x64xbf16, #tpu.memory_space<vmem>>
    %dma_wait3A_192 = tpu.memref_squeeze %dma_wait3A_191 : memref<1x128x64xbf16, #tpu.memory_space<vmem>> -> memref<128x64xbf16, #tpu.memory_space<vmem>>
    %dma_wait3A_193 = arith.constant 0 : i32
    %dma_wait3A_194 = tpu.memref_slice %arg8[%dma_wait3A_188, %dma_wait3A_193] : memref<160x128xi32, #tpu.memory_space<vmem>> -> memref<1x128xi32, #tpu.memory_space<vmem>>
    %dma_wait3A_195 = tpu.memref_squeeze %dma_wait3A_194 : memref<1x128xi32, #tpu.memory_space<vmem>> -> memref<128xi32, #tpu.memory_space<vmem>>
    %dma_wait3A_196 = arith.constant 0 : i32
    %dma_wait3A_197 = arith.constant 0 : i32
    %dma_wait3A_198 = tpu.memref_slice %arg10[%dma_wait3A_196, %dma_wait3A_197] : memref<10240x64xbf16, #tpu.memory_space<vmem_shared>> -> memref<10240x64xbf16, #tpu.memory_space<vmem_shared>>
    tpu.wait_indirect_dma semaphore(%arg26 : memref<!tpu.dma_semaphore, #tpu.memory_space<semaphore_mem>>) src(%dma_wait3A_192 : memref<128x64xbf16, #tpu.memory_space<vmem>>) dst(%dma_wait3A_198 : memref<10240x64xbf16, #tpu.memory_space<vmem_shared>>)
    %barrier3A_199 = arith.constant 0 : index
    tpu.barrier barrier_id(%barrier3A_199)
    %mul3A_200 = arith.constant 640 : i32
    %mul3A_201 = arith.muli %arg1, %mul3A_200 : i32
    "tpu.region"() ({
      %run_scoped3A = tpu.sem_alloc : memref<!tpu.dma_semaphore, #tpu.memory_space<semaphore_mem>>
      %dma_start3A_202 = arith.constant 0 : i32
      %dma_start3A_203 = arith.constant 0 : i32
      %dma_start3A_204 = tpu.memref_slice %arg6[%arg0, %arg1, %dma_start3A_202, %dma_start3A_203] : memref<2x16x640x64xbf16, #tpu.memory_space<hbm>> -> memref<1x1x640x64xbf16, #tpu.memory_space<hbm>>
      %dma_start3A_205 = tpu.memref_squeeze %dma_start3A_204 : memref<1x1x640x64xbf16, #tpu.memory_space<hbm>> -> memref<640x64xbf16, #tpu.memory_space<hbm>>
      %dma_start3A_206 = arith.constant 0 : i32
      %dma_start3A_207 = tpu.memref_slice %arg10[%mul3A_201, %dma_start3A_206] : memref<10240x64xbf16, #tpu.memory_space<vmem_shared>> -> memref<640x64xbf16, #tpu.memory_space<vmem_shared>>
      tpu.enqueue_dma source(%dma_start3A_207 : memref<640x64xbf16, #tpu.memory_space<vmem_shared>>) target(%dma_start3A_205 : memref<640x64xbf16, #tpu.memory_space<hbm>>) target_semaphore(%run_scoped3A : memref<!tpu.dma_semaphore, #tpu.memory_space<semaphore_mem>>)
      %dma_wait3A_208 = arith.constant 0 : i32
      %dma_wait3A_209 = arith.constant 0 : i32
      %dma_wait3A_210 = tpu.memref_slice %arg6[%arg0, %arg1, %dma_wait3A_208, %dma_wait3A_209] : memref<2x16x640x64xbf16, #tpu.memory_space<hbm>> -> memref<1x1x640x64xbf16, #tpu.memory_space<hbm>>
      %dma_wait3A_211 = tpu.memref_squeeze %dma_wait3A_210 : memref<1x1x640x64xbf16, #tpu.memory_space<hbm>> -> memref<640x64xbf16, #tpu.memory_space<hbm>>
      %dma_wait3A_212 = arith.constant 0 : i32
      %dma_wait3A_213 = tpu.memref_slice %arg10[%mul3A_201, %dma_wait3A_212] : memref<10240x64xbf16, #tpu.memory_space<vmem_shared>> -> memref<640x64xbf16, #tpu.memory_space<vmem_shared>>
      tpu.wait_dma2 semaphore(%run_scoped3A : memref<!tpu.dma_semaphore, #tpu.memory_space<semaphore_mem>>) src(%dma_wait3A_213 : memref<640x64xbf16, #tpu.memory_space<vmem_shared>>) dst(%dma_wait3A_211 : memref<640x64xbf16, #tpu.memory_space<hbm>>)
      tpu.yield
    }) : () -> ()
    return
  }
}

#map = affine_map<(d0, d1) -> (0, 0)>
#map1 = affine_map<(d0, d1) -> (0, 0, 0)>
#map2 = affine_map<(d0, d1) -> (0, 0, 0, 0)>
module attributes {stable_mosaic.version = 14 : i64} {
  func.func @agg(%arg0: i32, %arg1: i32, %arg2: memref<20000x32xbf16, #tpu.memory_space<hbm>>, %arg3: memref<2x2560x128xi32, #tpu.memory_space<hbm>>, %arg4: memref<2560x128xi32, #tpu.memory_space<hbm>>, %arg5: memref<640x32xbf16, #tpu.memory_space<hbm>>, %arg6: memref<2x16x640x32xbf16, #tpu.memory_space<hbm>>, %arg7: memref<160x128xi32, #tpu.memory_space<vmem>>, %arg8: memref<160x128xi32, #tpu.memory_space<vmem>>, %arg9: memref<8x128x32xbf16, #tpu.memory_space<vmem>>, %arg10: memref<10240x32xbf16, #tpu.memory_space<vmem_shared>>, %arg11: memref<!tpu.dma_semaphore, #tpu.memory_space<semaphore_mem>>, %arg12: memref<!tpu.dma_semaphore, #tpu.memory_space<semaphore_mem>>, %arg13: memref<!tpu.dma_semaphore, #tpu.memory_space<semaphore_mem>>, %arg14: memref<!tpu.dma_semaphore, #tpu.memory_space<semaphore_mem>>, %arg15: memref<!tpu.dma_semaphore, #tpu.memory_space<semaphore_mem>>, %arg16: memref<!tpu.dma_semaphore, #tpu.memory_space<semaphore_mem>>, %arg17: memref<!tpu.dma_semaphore, #tpu.memory_space<semaphore_mem>>, %arg18: memref<!tpu.dma_semaphore, #tpu.memory_space<semaphore_mem>>, %arg19: memref<!tpu.dma_semaphore, #tpu.memory_space<semaphore_mem>>, %arg20: memref<!tpu.dma_semaphore, #tpu.memory_space<semaphore_mem>>, %arg21: memref<!tpu.dma_semaphore, #tpu.memory_space<semaphore_mem>>, %arg22: memref<!tpu.dma_semaphore, #tpu.memory_space<semaphore_mem>>, %arg23: memref<!tpu.dma_semaphore, #tpu.memory_space<semaphore_mem>>, %arg24: memref<!tpu.dma_semaphore, #tpu.memory_space<semaphore_mem>>, %arg25: memref<!tpu.dma_semaphore, #tpu.memory_space<semaphore_mem>>, %arg26: memref<!tpu.dma_semaphore, #tpu.memory_space<semaphore_mem>>) attributes {dimension_semantics = [#tpu.dimension_semantics<core_parallel>, #tpu.dimension_semantics<subcore_parallel>], iteration_bounds = array<i64: 2, 16>, scalar_prefetch = 0 : i64, scratch_operands = 20 : i64, tpu.core_type = #tpu.core_type<sc_vector_subcore>, window_params = [{transform_indices = #map}, {transform_indices = #map1}, {transform_indices = #map}, {transform_indices = #map}, {transform_indices = #map2}]} {
    %mul3A = arith.constant 640 : i32
    %mul3A_0 = arith.muli %arg1, %mul3A : i32
    "tpu.region"() ({
      %run_scoped3A = tpu.sem_alloc : memref<!tpu.dma_semaphore, #tpu.memory_space<semaphore_mem>>
      %dma_start3A_202 = arith.constant 0 : i32
      %dma_start3A_203 = tpu.memref_slice %arg10[%mul3A_0, %dma_start3A_202] : memref<10240x32xbf16, #tpu.memory_space<vmem_shared>> -> memref<640x32xbf16, #tpu.memory_space<vmem_shared>>
      tpu.enqueue_dma source(%arg5 : memref<640x32xbf16, #tpu.memory_space<hbm>>) target(%dma_start3A_203 : memref<640x32xbf16, #tpu.memory_space<vmem_shared>>) target_semaphore(%run_scoped3A : memref<!tpu.dma_semaphore, #tpu.memory_space<semaphore_mem>>)
      %dma_wait3A_204 = arith.constant 0 : i32
      %dma_wait3A_205 = tpu.memref_slice %arg10[%mul3A_0, %dma_wait3A_204] : memref<10240x32xbf16, #tpu.memory_space<vmem_shared>> -> memref<640x32xbf16, #tpu.memory_space<vmem_shared>>
      tpu.wait_dma2 semaphore(%run_scoped3A : memref<!tpu.dma_semaphore, #tpu.memory_space<semaphore_mem>>) src(%arg5 : memref<640x32xbf16, #tpu.memory_space<hbm>>) dst(%dma_wait3A_205 : memref<640x32xbf16, #tpu.memory_space<vmem_shared>>)
      tpu.yield
    }) : () -> ()
    %barrier3A = arith.constant 0 : index
    tpu.barrier barrier_id(%barrier3A)
    %mul3A_1 = arith.constant 160 : i32
    %mul3A_2 = arith.muli %arg1, %mul3A_1 : i32
    %add3A = arith.constant 0 : i32
    %add3A_3 = arith.addi %mul3A_2, %add3A : i32
    "tpu.region"() ({
      %run_scoped3A = tpu.sem_alloc : memref<!tpu.dma_semaphore, #tpu.memory_space<semaphore_mem>>
      %dma_start3A_202 = arith.constant 0 : i32
      %dma_start3A_203 = tpu.memref_slice %arg3[%arg0, %add3A_3, %dma_start3A_202] : memref<2x2560x128xi32, #tpu.memory_space<hbm>> -> memref<1x160x128xi32, #tpu.memory_space<hbm>>
      %dma_start3A_204 = tpu.memref_squeeze %dma_start3A_203 : memref<1x160x128xi32, #tpu.memory_space<hbm>> -> memref<160x128xi32, #tpu.memory_space<hbm>>
      %dma_start3A_205 = arith.constant 0 : i32
      %dma_start3A_206 = tpu.memref_slice %arg3[%arg0, %add3A_3, %dma_start3A_205] : memref<2x2560x128xi32, #tpu.memory_space<hbm>> -> memref<1x160x128xi32, #tpu.memory_space<hbm>>
      %dma_start3A_207 = tpu.memref_squeeze %dma_start3A_206 : memref<1x160x128xi32, #tpu.memory_space<hbm>> -> memref<160x128xi32, #tpu.memory_space<hbm>>
      tpu.enqueue_dma source(%dma_start3A_207 : memref<160x128xi32, #tpu.memory_space<hbm>>) target(%arg7 : memref<160x128xi32, #tpu.memory_space<vmem>>) target_semaphore(%run_scoped3A : memref<!tpu.dma_semaphore, #tpu.memory_space<semaphore_mem>>)
      %dma_wait3A_208 = arith.constant 0 : i32
      %dma_wait3A_209 = tpu.memref_slice %arg3[%arg0, %add3A_3, %dma_wait3A_208] : memref<2x2560x128xi32, #tpu.memory_space<hbm>> -> memref<1x160x128xi32, #tpu.memory_space<hbm>>
      %dma_wait3A_210 = tpu.memref_squeeze %dma_wait3A_209 : memref<1x160x128xi32, #tpu.memory_space<hbm>> -> memref<160x128xi32, #tpu.memory_space<hbm>>
      %dma_wait3A_211 = arith.constant 0 : i32
      %dma_wait3A_212 = tpu.memref_slice %arg3[%arg0, %add3A_3, %dma_wait3A_211] : memref<2x2560x128xi32, #tpu.memory_space<hbm>> -> memref<1x160x128xi32, #tpu.memory_space<hbm>>
      %dma_wait3A_213 = tpu.memref_squeeze %dma_wait3A_212 : memref<1x160x128xi32, #tpu.memory_space<hbm>> -> memref<160x128xi32, #tpu.memory_space<hbm>>
      tpu.wait_dma2 semaphore(%run_scoped3A : memref<!tpu.dma_semaphore, #tpu.memory_space<semaphore_mem>>) src(%dma_wait3A_213 : memref<160x128xi32, #tpu.memory_space<hbm>>) dst(%arg7 : memref<160x128xi32, #tpu.memory_space<vmem>>)
      tpu.yield
    }) : () -> ()
    "tpu.region"() ({
      %run_scoped3A = tpu.sem_alloc : memref<!tpu.dma_semaphore, #tpu.memory_space<semaphore_mem>>
      %dma_start3A_202 = arith.constant 0 : i32
      %dma_start3A_203 = tpu.memref_slice %arg4[%add3A_3, %dma_start3A_202] : memref<2560x128xi32, #tpu.memory_space<hbm>> -> memref<160x128xi32, #tpu.memory_space<hbm>>
      %dma_start3A_204 = arith.constant 0 : i32
      %dma_start3A_205 = tpu.memref_slice %arg4[%add3A_3, %dma_start3A_204] : memref<2560x128xi32, #tpu.memory_space<hbm>> -> memref<160x128xi32, #tpu.memory_space<hbm>>
      tpu.enqueue_dma source(%dma_start3A_205 : memref<160x128xi32, #tpu.memory_space<hbm>>) target(%arg8 : memref<160x128xi32, #tpu.memory_space<vmem>>) target_semaphore(%run_scoped3A : memref<!tpu.dma_semaphore, #tpu.memory_space<semaphore_mem>>)
      %dma_wait3A_206 = arith.constant 0 : i32
      %dma_wait3A_207 = tpu.memref_slice %arg4[%add3A_3, %dma_wait3A_206] : memref<2560x128xi32, #tpu.memory_space<hbm>> -> memref<160x128xi32, #tpu.memory_space<hbm>>
      %dma_wait3A_208 = arith.constant 0 : i32
      %dma_wait3A_209 = tpu.memref_slice %arg4[%add3A_3, %dma_wait3A_208] : memref<2560x128xi32, #tpu.memory_space<hbm>> -> memref<160x128xi32, #tpu.memory_space<hbm>>
      tpu.wait_dma2 semaphore(%run_scoped3A : memref<!tpu.dma_semaphore, #tpu.memory_space<semaphore_mem>>) src(%dma_wait3A_209 : memref<160x128xi32, #tpu.memory_space<hbm>>) dst(%arg8 : memref<160x128xi32, #tpu.memory_space<vmem>>)
      tpu.yield
    }) : () -> ()
    %dma_start3A = arith.constant 0 : i32
    %dma_start3A_4 = arith.constant 0 : i32
    %dma_start3A_5 = arith.constant 0 : i32
    %dma_start3A_6 = arith.constant 0 : i32
    %dma_start3A_7 = tpu.memref_slice %arg9[%dma_start3A_4, %dma_start3A_5, %dma_start3A_6] : memref<8x128x32xbf16, #tpu.memory_space<vmem>> -> memref<1x128x32xbf16, #tpu.memory_space<vmem>>
    %dma_start3A_8 = tpu.memref_squeeze %dma_start3A_7 : memref<1x128x32xbf16, #tpu.memory_space<vmem>> -> memref<128x32xbf16, #tpu.memory_space<vmem>>
    %dma_start3A_9 = arith.constant 0 : i32
    %dma_start3A_10 = tpu.memref_slice %arg7[%dma_start3A, %dma_start3A_9] : memref<160x128xi32, #tpu.memory_space<vmem>> -> memref<1x128xi32, #tpu.memory_space<vmem>>
    %dma_start3A_11 = tpu.memref_squeeze %dma_start3A_10 : memref<1x128xi32, #tpu.memory_space<vmem>> -> memref<128xi32, #tpu.memory_space<vmem>>
    %dma_start3A_12 = arith.constant 0 : i32
    %dma_start3A_13 = arith.constant 0 : i32
    %dma_start3A_14 = tpu.memref_slice %arg2[%dma_start3A_12, %dma_start3A_13] : memref<20000x32xbf16, #tpu.memory_space<hbm>> -> memref<20000x32xbf16, #tpu.memory_space<hbm>>
    tpu.enqueue_indirect_dma source(%dma_start3A_14 : memref<20000x32xbf16, #tpu.memory_space<hbm>>) target(%dma_start3A_8 : memref<128x32xbf16, #tpu.memory_space<vmem>>) offsets(%dma_start3A_11 : memref<128xi32, #tpu.memory_space<vmem>>) semaphore(%arg11 : memref<!tpu.dma_semaphore, #tpu.memory_space<semaphore_mem>>)
    %dma_start3A_15 = arith.constant 1 : i32
    %dma_start3A_16 = arith.constant 1 : i32
    %dma_start3A_17 = arith.constant 0 : i32
    %dma_start3A_18 = arith.constant 0 : i32
    %dma_start3A_19 = tpu.memref_slice %arg9[%dma_start3A_16, %dma_start3A_17, %dma_start3A_18] : memref<8x128x32xbf16, #tpu.memory_space<vmem>> -> memref<1x128x32xbf16, #tpu.memory_space<vmem>>
    %dma_start3A_20 = tpu.memref_squeeze %dma_start3A_19 : memref<1x128x32xbf16, #tpu.memory_space<vmem>> -> memref<128x32xbf16, #tpu.memory_space<vmem>>
    %dma_start3A_21 = arith.constant 0 : i32
    %dma_start3A_22 = tpu.memref_slice %arg7[%dma_start3A_15, %dma_start3A_21] : memref<160x128xi32, #tpu.memory_space<vmem>> -> memref<1x128xi32, #tpu.memory_space<vmem>>
    %dma_start3A_23 = tpu.memref_squeeze %dma_start3A_22 : memref<1x128xi32, #tpu.memory_space<vmem>> -> memref<128xi32, #tpu.memory_space<vmem>>
    %dma_start3A_24 = arith.constant 0 : i32
    %dma_start3A_25 = arith.constant 0 : i32
    %dma_start3A_26 = tpu.memref_slice %arg2[%dma_start3A_24, %dma_start3A_25] : memref<20000x32xbf16, #tpu.memory_space<hbm>> -> memref<20000x32xbf16, #tpu.memory_space<hbm>>
    tpu.enqueue_indirect_dma source(%dma_start3A_26 : memref<20000x32xbf16, #tpu.memory_space<hbm>>) target(%dma_start3A_20 : memref<128x32xbf16, #tpu.memory_space<vmem>>) offsets(%dma_start3A_23 : memref<128xi32, #tpu.memory_space<vmem>>) semaphore(%arg12 : memref<!tpu.dma_semaphore, #tpu.memory_space<semaphore_mem>>)
    %dma_start3A_27 = arith.constant 2 : i32
    %dma_start3A_28 = arith.constant 2 : i32
    %dma_start3A_29 = arith.constant 0 : i32
    %dma_start3A_30 = arith.constant 0 : i32
    %dma_start3A_31 = tpu.memref_slice %arg9[%dma_start3A_28, %dma_start3A_29, %dma_start3A_30] : memref<8x128x32xbf16, #tpu.memory_space<vmem>> -> memref<1x128x32xbf16, #tpu.memory_space<vmem>>
    %dma_start3A_32 = tpu.memref_squeeze %dma_start3A_31 : memref<1x128x32xbf16, #tpu.memory_space<vmem>> -> memref<128x32xbf16, #tpu.memory_space<vmem>>
    %dma_start3A_33 = arith.constant 0 : i32
    %dma_start3A_34 = tpu.memref_slice %arg7[%dma_start3A_27, %dma_start3A_33] : memref<160x128xi32, #tpu.memory_space<vmem>> -> memref<1x128xi32, #tpu.memory_space<vmem>>
    %dma_start3A_35 = tpu.memref_squeeze %dma_start3A_34 : memref<1x128xi32, #tpu.memory_space<vmem>> -> memref<128xi32, #tpu.memory_space<vmem>>
    %dma_start3A_36 = arith.constant 0 : i32
    %dma_start3A_37 = arith.constant 0 : i32
    %dma_start3A_38 = tpu.memref_slice %arg2[%dma_start3A_36, %dma_start3A_37] : memref<20000x32xbf16, #tpu.memory_space<hbm>> -> memref<20000x32xbf16, #tpu.memory_space<hbm>>
    tpu.enqueue_indirect_dma source(%dma_start3A_38 : memref<20000x32xbf16, #tpu.memory_space<hbm>>) target(%dma_start3A_32 : memref<128x32xbf16, #tpu.memory_space<vmem>>) offsets(%dma_start3A_35 : memref<128xi32, #tpu.memory_space<vmem>>) semaphore(%arg13 : memref<!tpu.dma_semaphore, #tpu.memory_space<semaphore_mem>>)
    %dma_start3A_39 = arith.constant 3 : i32
    %dma_start3A_40 = arith.constant 3 : i32
    %dma_start3A_41 = arith.constant 0 : i32
    %dma_start3A_42 = arith.constant 0 : i32
    %dma_start3A_43 = tpu.memref_slice %arg9[%dma_start3A_40, %dma_start3A_41, %dma_start3A_42] : memref<8x128x32xbf16, #tpu.memory_space<vmem>> -> memref<1x128x32xbf16, #tpu.memory_space<vmem>>
    %dma_start3A_44 = tpu.memref_squeeze %dma_start3A_43 : memref<1x128x32xbf16, #tpu.memory_space<vmem>> -> memref<128x32xbf16, #tpu.memory_space<vmem>>
    %dma_start3A_45 = arith.constant 0 : i32
    %dma_start3A_46 = tpu.memref_slice %arg7[%dma_start3A_39, %dma_start3A_45] : memref<160x128xi32, #tpu.memory_space<vmem>> -> memref<1x128xi32, #tpu.memory_space<vmem>>
    %dma_start3A_47 = tpu.memref_squeeze %dma_start3A_46 : memref<1x128xi32, #tpu.memory_space<vmem>> -> memref<128xi32, #tpu.memory_space<vmem>>
    %dma_start3A_48 = arith.constant 0 : i32
    %dma_start3A_49 = arith.constant 0 : i32
    %dma_start3A_50 = tpu.memref_slice %arg2[%dma_start3A_48, %dma_start3A_49] : memref<20000x32xbf16, #tpu.memory_space<hbm>> -> memref<20000x32xbf16, #tpu.memory_space<hbm>>
    tpu.enqueue_indirect_dma source(%dma_start3A_50 : memref<20000x32xbf16, #tpu.memory_space<hbm>>) target(%dma_start3A_44 : memref<128x32xbf16, #tpu.memory_space<vmem>>) offsets(%dma_start3A_47 : memref<128xi32, #tpu.memory_space<vmem>>) semaphore(%arg14 : memref<!tpu.dma_semaphore, #tpu.memory_space<semaphore_mem>>)
    %dma_start3A_51 = arith.constant 4 : i32
    %dma_start3A_52 = arith.constant 4 : i32
    %dma_start3A_53 = arith.constant 0 : i32
    %dma_start3A_54 = arith.constant 0 : i32
    %dma_start3A_55 = tpu.memref_slice %arg9[%dma_start3A_52, %dma_start3A_53, %dma_start3A_54] : memref<8x128x32xbf16, #tpu.memory_space<vmem>> -> memref<1x128x32xbf16, #tpu.memory_space<vmem>>
    %dma_start3A_56 = tpu.memref_squeeze %dma_start3A_55 : memref<1x128x32xbf16, #tpu.memory_space<vmem>> -> memref<128x32xbf16, #tpu.memory_space<vmem>>
    %dma_start3A_57 = arith.constant 0 : i32
    %dma_start3A_58 = tpu.memref_slice %arg7[%dma_start3A_51, %dma_start3A_57] : memref<160x128xi32, #tpu.memory_space<vmem>> -> memref<1x128xi32, #tpu.memory_space<vmem>>
    %dma_start3A_59 = tpu.memref_squeeze %dma_start3A_58 : memref<1x128xi32, #tpu.memory_space<vmem>> -> memref<128xi32, #tpu.memory_space<vmem>>
    %dma_start3A_60 = arith.constant 0 : i32
    %dma_start3A_61 = arith.constant 0 : i32
    %dma_start3A_62 = tpu.memref_slice %arg2[%dma_start3A_60, %dma_start3A_61] : memref<20000x32xbf16, #tpu.memory_space<hbm>> -> memref<20000x32xbf16, #tpu.memory_space<hbm>>
    tpu.enqueue_indirect_dma source(%dma_start3A_62 : memref<20000x32xbf16, #tpu.memory_space<hbm>>) target(%dma_start3A_56 : memref<128x32xbf16, #tpu.memory_space<vmem>>) offsets(%dma_start3A_59 : memref<128xi32, #tpu.memory_space<vmem>>) semaphore(%arg15 : memref<!tpu.dma_semaphore, #tpu.memory_space<semaphore_mem>>)
    %dma_start3A_63 = arith.constant 5 : i32
    %dma_start3A_64 = arith.constant 5 : i32
    %dma_start3A_65 = arith.constant 0 : i32
    %dma_start3A_66 = arith.constant 0 : i32
    %dma_start3A_67 = tpu.memref_slice %arg9[%dma_start3A_64, %dma_start3A_65, %dma_start3A_66] : memref<8x128x32xbf16, #tpu.memory_space<vmem>> -> memref<1x128x32xbf16, #tpu.memory_space<vmem>>
    %dma_start3A_68 = tpu.memref_squeeze %dma_start3A_67 : memref<1x128x32xbf16, #tpu.memory_space<vmem>> -> memref<128x32xbf16, #tpu.memory_space<vmem>>
    %dma_start3A_69 = arith.constant 0 : i32
    %dma_start3A_70 = tpu.memref_slice %arg7[%dma_start3A_63, %dma_start3A_69] : memref<160x128xi32, #tpu.memory_space<vmem>> -> memref<1x128xi32, #tpu.memory_space<vmem>>
    %dma_start3A_71 = tpu.memref_squeeze %dma_start3A_70 : memref<1x128xi32, #tpu.memory_space<vmem>> -> memref<128xi32, #tpu.memory_space<vmem>>
    %dma_start3A_72 = arith.constant 0 : i32
    %dma_start3A_73 = arith.constant 0 : i32
    %dma_start3A_74 = tpu.memref_slice %arg2[%dma_start3A_72, %dma_start3A_73] : memref<20000x32xbf16, #tpu.memory_space<hbm>> -> memref<20000x32xbf16, #tpu.memory_space<hbm>>
    tpu.enqueue_indirect_dma source(%dma_start3A_74 : memref<20000x32xbf16, #tpu.memory_space<hbm>>) target(%dma_start3A_68 : memref<128x32xbf16, #tpu.memory_space<vmem>>) offsets(%dma_start3A_71 : memref<128xi32, #tpu.memory_space<vmem>>) semaphore(%arg16 : memref<!tpu.dma_semaphore, #tpu.memory_space<semaphore_mem>>)
    %dma_start3A_75 = arith.constant 6 : i32
    %dma_start3A_76 = arith.constant 6 : i32
    %dma_start3A_77 = arith.constant 0 : i32
    %dma_start3A_78 = arith.constant 0 : i32
    %dma_start3A_79 = tpu.memref_slice %arg9[%dma_start3A_76, %dma_start3A_77, %dma_start3A_78] : memref<8x128x32xbf16, #tpu.memory_space<vmem>> -> memref<1x128x32xbf16, #tpu.memory_space<vmem>>
    %dma_start3A_80 = tpu.memref_squeeze %dma_start3A_79 : memref<1x128x32xbf16, #tpu.memory_space<vmem>> -> memref<128x32xbf16, #tpu.memory_space<vmem>>
    %dma_start3A_81 = arith.constant 0 : i32
    %dma_start3A_82 = tpu.memref_slice %arg7[%dma_start3A_75, %dma_start3A_81] : memref<160x128xi32, #tpu.memory_space<vmem>> -> memref<1x128xi32, #tpu.memory_space<vmem>>
    %dma_start3A_83 = tpu.memref_squeeze %dma_start3A_82 : memref<1x128xi32, #tpu.memory_space<vmem>> -> memref<128xi32, #tpu.memory_space<vmem>>
    %dma_start3A_84 = arith.constant 0 : i32
    %dma_start3A_85 = arith.constant 0 : i32
    %dma_start3A_86 = tpu.memref_slice %arg2[%dma_start3A_84, %dma_start3A_85] : memref<20000x32xbf16, #tpu.memory_space<hbm>> -> memref<20000x32xbf16, #tpu.memory_space<hbm>>
    tpu.enqueue_indirect_dma source(%dma_start3A_86 : memref<20000x32xbf16, #tpu.memory_space<hbm>>) target(%dma_start3A_80 : memref<128x32xbf16, #tpu.memory_space<vmem>>) offsets(%dma_start3A_83 : memref<128xi32, #tpu.memory_space<vmem>>) semaphore(%arg17 : memref<!tpu.dma_semaphore, #tpu.memory_space<semaphore_mem>>)
    %dma_start3A_87 = arith.constant 7 : i32
    %dma_start3A_88 = arith.constant 7 : i32
    %dma_start3A_89 = arith.constant 0 : i32
    %dma_start3A_90 = arith.constant 0 : i32
    %dma_start3A_91 = tpu.memref_slice %arg9[%dma_start3A_88, %dma_start3A_89, %dma_start3A_90] : memref<8x128x32xbf16, #tpu.memory_space<vmem>> -> memref<1x128x32xbf16, #tpu.memory_space<vmem>>
    %dma_start3A_92 = tpu.memref_squeeze %dma_start3A_91 : memref<1x128x32xbf16, #tpu.memory_space<vmem>> -> memref<128x32xbf16, #tpu.memory_space<vmem>>
    %dma_start3A_93 = arith.constant 0 : i32
    %dma_start3A_94 = tpu.memref_slice %arg7[%dma_start3A_87, %dma_start3A_93] : memref<160x128xi32, #tpu.memory_space<vmem>> -> memref<1x128xi32, #tpu.memory_space<vmem>>
    %dma_start3A_95 = tpu.memref_squeeze %dma_start3A_94 : memref<1x128xi32, #tpu.memory_space<vmem>> -> memref<128xi32, #tpu.memory_space<vmem>>
    %dma_start3A_96 = arith.constant 0 : i32
    %dma_start3A_97 = arith.constant 0 : i32
    %dma_start3A_98 = tpu.memref_slice %arg2[%dma_start3A_96, %dma_start3A_97] : memref<20000x32xbf16, #tpu.memory_space<hbm>> -> memref<20000x32xbf16, #tpu.memory_space<hbm>>
    tpu.enqueue_indirect_dma source(%dma_start3A_98 : memref<20000x32xbf16, #tpu.memory_space<hbm>>) target(%dma_start3A_92 : memref<128x32xbf16, #tpu.memory_space<vmem>>) offsets(%dma_start3A_95 : memref<128xi32, #tpu.memory_space<vmem>>) semaphore(%arg18 : memref<!tpu.dma_semaphore, #tpu.memory_space<semaphore_mem>>)
    %scan3A = arith.constant 0 : i32
    %scan3A_99 = arith.constant 0 : i32
    %scan3A_100 = arith.constant 20 : i32
    %scan3A_101 = arith.addi %scan3A_99, %scan3A_100 : i32
    %scan3A_102 = arith.constant 1 : i32
    scf.for %scan3A_202 = %scan3A_99 to %scan3A_101 step %scan3A_102  : i32 {
      %mul3A_203 = arith.constant 8 : i32
      %mul3A_204 = arith.muli %scan3A_202, %mul3A_203 : i32
      %add3A_205 = arith.constant 0 : i32
      %add3A_206 = arith.addi %mul3A_204, %add3A_205 : i32
      %dma_wait3A_207 = arith.constant 0 : i32
      %dma_wait3A_208 = arith.constant 0 : i32
      %dma_wait3A_209 = arith.constant 0 : i32
      %dma_wait3A_210 = tpu.memref_slice %arg9[%dma_wait3A_207, %dma_wait3A_208, %dma_wait3A_209] : memref<8x128x32xbf16, #tpu.memory_space<vmem>> -> memref<1x128x32xbf16, #tpu.memory_space<vmem>>
      %dma_wait3A_211 = tpu.memref_squeeze %dma_wait3A_210 : memref<1x128x32xbf16, #tpu.memory_space<vmem>> -> memref<128x32xbf16, #tpu.memory_space<vmem>>
      %dma_wait3A_212 = arith.constant 0 : i32
      %dma_wait3A_213 = tpu.memref_slice %arg7[%add3A_206, %dma_wait3A_212] : memref<160x128xi32, #tpu.memory_space<vmem>> -> memref<1x128xi32, #tpu.memory_space<vmem>>
      %dma_wait3A_214 = tpu.memref_squeeze %dma_wait3A_213 : memref<1x128xi32, #tpu.memory_space<vmem>> -> memref<128xi32, #tpu.memory_space<vmem>>
      %dma_wait3A_215 = arith.constant 0 : i32
      %dma_wait3A_216 = arith.constant 0 : i32
      %dma_wait3A_217 = tpu.memref_slice %arg2[%dma_wait3A_215, %dma_wait3A_216] : memref<20000x32xbf16, #tpu.memory_space<hbm>> -> memref<20000x32xbf16, #tpu.memory_space<hbm>>
      tpu.wait_indirect_dma semaphore(%arg11 : memref<!tpu.dma_semaphore, #tpu.memory_space<semaphore_mem>>) src(%dma_wait3A_217 : memref<20000x32xbf16, #tpu.memory_space<hbm>>) dst(%dma_wait3A_211 : memref<128x32xbf16, #tpu.memory_space<vmem>>)
      %dma_start3A_218 = arith.constant 0 : i32
      %dma_start3A_219 = arith.constant 0 : i32
      %dma_start3A_220 = arith.constant 0 : i32
      %dma_start3A_221 = tpu.memref_slice %arg9[%dma_start3A_218, %dma_start3A_219, %dma_start3A_220] : memref<8x128x32xbf16, #tpu.memory_space<vmem>> -> memref<1x128x32xbf16, #tpu.memory_space<vmem>>
      %dma_start3A_222 = tpu.memref_squeeze %dma_start3A_221 : memref<1x128x32xbf16, #tpu.memory_space<vmem>> -> memref<128x32xbf16, #tpu.memory_space<vmem>>
      %dma_start3A_223 = arith.constant 0 : i32
      %dma_start3A_224 = tpu.memref_slice %arg8[%add3A_206, %dma_start3A_223] : memref<160x128xi32, #tpu.memory_space<vmem>> -> memref<1x128xi32, #tpu.memory_space<vmem>>
      %dma_start3A_225 = tpu.memref_squeeze %dma_start3A_224 : memref<1x128xi32, #tpu.memory_space<vmem>> -> memref<128xi32, #tpu.memory_space<vmem>>
      %dma_start3A_226 = arith.constant 0 : i32
      %dma_start3A_227 = arith.constant 0 : i32
      %dma_start3A_228 = tpu.memref_slice %arg10[%dma_start3A_226, %dma_start3A_227] : memref<10240x32xbf16, #tpu.memory_space<vmem_shared>> -> memref<10240x32xbf16, #tpu.memory_space<vmem_shared>>
      tpu.enqueue_indirect_dma source(%dma_start3A_222 : memref<128x32xbf16, #tpu.memory_space<vmem>>) target(%dma_start3A_228 : memref<10240x32xbf16, #tpu.memory_space<vmem_shared>>) offsets(%dma_start3A_225 : memref<128xi32, #tpu.memory_space<vmem>>) semaphore(%arg19 : memref<!tpu.dma_semaphore, #tpu.memory_space<semaphore_mem>>) {add = true}
      %add3A_229 = arith.constant 8 : i32
      %add3A_230 = arith.addi %add3A_206, %add3A_229 : i32
      %lt3A = arith.constant 160 : i32
      %lt3A_231 = arith.cmpi slt, %add3A_230, %lt3A : i32
      %convert_element_type3A = arith.extui %lt3A_231 : i1 to i32
      %cond3A = arith.constant 0 : i32
      %cond3A_232 = arith.cmpi ne, %convert_element_type3A, %cond3A : i32
      scf.if %cond3A_232 {
        %dma_wait3A_464 = arith.constant 0 : i32
        %dma_wait3A_465 = arith.constant 0 : i32
        %dma_wait3A_466 = arith.constant 0 : i32
        %dma_wait3A_467 = tpu.memref_slice %arg9[%dma_wait3A_464, %dma_wait3A_465, %dma_wait3A_466] : memref<8x128x32xbf16, #tpu.memory_space<vmem>> -> memref<1x128x32xbf16, #tpu.memory_space<vmem>>
        %dma_wait3A_468 = tpu.memref_squeeze %dma_wait3A_467 : memref<1x128x32xbf16, #tpu.memory_space<vmem>> -> memref<128x32xbf16, #tpu.memory_space<vmem>>
        %dma_wait3A_469 = arith.constant 0 : i32
        %dma_wait3A_470 = tpu.memref_slice %arg8[%add3A_206, %dma_wait3A_469] : memref<160x128xi32, #tpu.memory_space<vmem>> -> memref<1x128xi32, #tpu.memory_space<vmem>>
        %dma_wait3A_471 = tpu.memref_squeeze %dma_wait3A_470 : memref<1x128xi32, #tpu.memory_space<vmem>> -> memref<128xi32, #tpu.memory_space<vmem>>
        %dma_wait3A_472 = arith.constant 0 : i32
        %dma_wait3A_473 = arith.constant 0 : i32
        %dma_wait3A_474 = tpu.memref_slice %arg10[%dma_wait3A_472, %dma_wait3A_473] : memref<10240x32xbf16, #tpu.memory_space<vmem_shared>> -> memref<10240x32xbf16, #tpu.memory_space<vmem_shared>>
        tpu.wait_indirect_dma semaphore(%arg19 : memref<!tpu.dma_semaphore, #tpu.memory_space<semaphore_mem>>) src(%dma_wait3A_468 : memref<128x32xbf16, #tpu.memory_space<vmem>>) dst(%dma_wait3A_474 : memref<10240x32xbf16, #tpu.memory_space<vmem_shared>>)
        %dma_start3A_475 = arith.constant 0 : i32
        %dma_start3A_476 = arith.constant 0 : i32
        %dma_start3A_477 = arith.constant 0 : i32
        %dma_start3A_478 = tpu.memref_slice %arg9[%dma_start3A_475, %dma_start3A_476, %dma_start3A_477] : memref<8x128x32xbf16, #tpu.memory_space<vmem>> -> memref<1x128x32xbf16, #tpu.memory_space<vmem>>
        %dma_start3A_479 = tpu.memref_squeeze %dma_start3A_478 : memref<1x128x32xbf16, #tpu.memory_space<vmem>> -> memref<128x32xbf16, #tpu.memory_space<vmem>>
        %dma_start3A_480 = arith.constant 0 : i32
        %dma_start3A_481 = tpu.memref_slice %arg7[%add3A_230, %dma_start3A_480] : memref<160x128xi32, #tpu.memory_space<vmem>> -> memref<1x128xi32, #tpu.memory_space<vmem>>
        %dma_start3A_482 = tpu.memref_squeeze %dma_start3A_481 : memref<1x128xi32, #tpu.memory_space<vmem>> -> memref<128xi32, #tpu.memory_space<vmem>>
        %dma_start3A_483 = arith.constant 0 : i32
        %dma_start3A_484 = arith.constant 0 : i32
        %dma_start3A_485 = tpu.memref_slice %arg2[%dma_start3A_483, %dma_start3A_484] : memref<20000x32xbf16, #tpu.memory_space<hbm>> -> memref<20000x32xbf16, #tpu.memory_space<hbm>>
        tpu.enqueue_indirect_dma source(%dma_start3A_485 : memref<20000x32xbf16, #tpu.memory_space<hbm>>) target(%dma_start3A_479 : memref<128x32xbf16, #tpu.memory_space<vmem>>) offsets(%dma_start3A_482 : memref<128xi32, #tpu.memory_space<vmem>>) semaphore(%arg11 : memref<!tpu.dma_semaphore, #tpu.memory_space<semaphore_mem>>)
      } else {
      }
      %mul3A_233 = arith.constant 8 : i32
      %mul3A_234 = arith.muli %scan3A_202, %mul3A_233 : i32
      %add3A_235 = arith.constant 1 : i32
      %add3A_236 = arith.addi %mul3A_234, %add3A_235 : i32
      %dma_wait3A_237 = arith.constant 1 : i32
      %dma_wait3A_238 = arith.constant 0 : i32
      %dma_wait3A_239 = arith.constant 0 : i32
      %dma_wait3A_240 = tpu.memref_slice %arg9[%dma_wait3A_237, %dma_wait3A_238, %dma_wait3A_239] : memref<8x128x32xbf16, #tpu.memory_space<vmem>> -> memref<1x128x32xbf16, #tpu.memory_space<vmem>>
      %dma_wait3A_241 = tpu.memref_squeeze %dma_wait3A_240 : memref<1x128x32xbf16, #tpu.memory_space<vmem>> -> memref<128x32xbf16, #tpu.memory_space<vmem>>
      %dma_wait3A_242 = arith.constant 0 : i32
      %dma_wait3A_243 = tpu.memref_slice %arg7[%add3A_236, %dma_wait3A_242] : memref<160x128xi32, #tpu.memory_space<vmem>> -> memref<1x128xi32, #tpu.memory_space<vmem>>
      %dma_wait3A_244 = tpu.memref_squeeze %dma_wait3A_243 : memref<1x128xi32, #tpu.memory_space<vmem>> -> memref<128xi32, #tpu.memory_space<vmem>>
      %dma_wait3A_245 = arith.constant 0 : i32
      %dma_wait3A_246 = arith.constant 0 : i32
      %dma_wait3A_247 = tpu.memref_slice %arg2[%dma_wait3A_245, %dma_wait3A_246] : memref<20000x32xbf16, #tpu.memory_space<hbm>> -> memref<20000x32xbf16, #tpu.memory_space<hbm>>
      tpu.wait_indirect_dma semaphore(%arg12 : memref<!tpu.dma_semaphore, #tpu.memory_space<semaphore_mem>>) src(%dma_wait3A_247 : memref<20000x32xbf16, #tpu.memory_space<hbm>>) dst(%dma_wait3A_241 : memref<128x32xbf16, #tpu.memory_space<vmem>>)
      %dma_start3A_248 = arith.constant 1 : i32
      %dma_start3A_249 = arith.constant 0 : i32
      %dma_start3A_250 = arith.constant 0 : i32
      %dma_start3A_251 = tpu.memref_slice %arg9[%dma_start3A_248, %dma_start3A_249, %dma_start3A_250] : memref<8x128x32xbf16, #tpu.memory_space<vmem>> -> memref<1x128x32xbf16, #tpu.memory_space<vmem>>
      %dma_start3A_252 = tpu.memref_squeeze %dma_start3A_251 : memref<1x128x32xbf16, #tpu.memory_space<vmem>> -> memref<128x32xbf16, #tpu.memory_space<vmem>>
      %dma_start3A_253 = arith.constant 0 : i32
      %dma_start3A_254 = tpu.memref_slice %arg8[%add3A_236, %dma_start3A_253] : memref<160x128xi32, #tpu.memory_space<vmem>> -> memref<1x128xi32, #tpu.memory_space<vmem>>
      %dma_start3A_255 = tpu.memref_squeeze %dma_start3A_254 : memref<1x128xi32, #tpu.memory_space<vmem>> -> memref<128xi32, #tpu.memory_space<vmem>>
      %dma_start3A_256 = arith.constant 0 : i32
      %dma_start3A_257 = arith.constant 0 : i32
      %dma_start3A_258 = tpu.memref_slice %arg10[%dma_start3A_256, %dma_start3A_257] : memref<10240x32xbf16, #tpu.memory_space<vmem_shared>> -> memref<10240x32xbf16, #tpu.memory_space<vmem_shared>>
      tpu.enqueue_indirect_dma source(%dma_start3A_252 : memref<128x32xbf16, #tpu.memory_space<vmem>>) target(%dma_start3A_258 : memref<10240x32xbf16, #tpu.memory_space<vmem_shared>>) offsets(%dma_start3A_255 : memref<128xi32, #tpu.memory_space<vmem>>) semaphore(%arg20 : memref<!tpu.dma_semaphore, #tpu.memory_space<semaphore_mem>>) {add = true}
      %add3A_259 = arith.constant 8 : i32
      %add3A_260 = arith.addi %add3A_236, %add3A_259 : i32
      %lt3A_261 = arith.constant 160 : i32
      %lt3A_262 = arith.cmpi slt, %add3A_260, %lt3A_261 : i32
      %convert_element_type3A_263 = arith.extui %lt3A_262 : i1 to i32
      %cond3A_264 = arith.constant 0 : i32
      %cond3A_265 = arith.cmpi ne, %convert_element_type3A_263, %cond3A_264 : i32
      scf.if %cond3A_265 {
        %dma_wait3A_464 = arith.constant 1 : i32
        %dma_wait3A_465 = arith.constant 0 : i32
        %dma_wait3A_466 = arith.constant 0 : i32
        %dma_wait3A_467 = tpu.memref_slice %arg9[%dma_wait3A_464, %dma_wait3A_465, %dma_wait3A_466] : memref<8x128x32xbf16, #tpu.memory_space<vmem>> -> memref<1x128x32xbf16, #tpu.memory_space<vmem>>
        %dma_wait3A_468 = tpu.memref_squeeze %dma_wait3A_467 : memref<1x128x32xbf16, #tpu.memory_space<vmem>> -> memref<128x32xbf16, #tpu.memory_space<vmem>>
        %dma_wait3A_469 = arith.constant 0 : i32
        %dma_wait3A_470 = tpu.memref_slice %arg8[%add3A_236, %dma_wait3A_469] : memref<160x128xi32, #tpu.memory_space<vmem>> -> memref<1x128xi32, #tpu.memory_space<vmem>>
        %dma_wait3A_471 = tpu.memref_squeeze %dma_wait3A_470 : memref<1x128xi32, #tpu.memory_space<vmem>> -> memref<128xi32, #tpu.memory_space<vmem>>
        %dma_wait3A_472 = arith.constant 0 : i32
        %dma_wait3A_473 = arith.constant 0 : i32
        %dma_wait3A_474 = tpu.memref_slice %arg10[%dma_wait3A_472, %dma_wait3A_473] : memref<10240x32xbf16, #tpu.memory_space<vmem_shared>> -> memref<10240x32xbf16, #tpu.memory_space<vmem_shared>>
        tpu.wait_indirect_dma semaphore(%arg20 : memref<!tpu.dma_semaphore, #tpu.memory_space<semaphore_mem>>) src(%dma_wait3A_468 : memref<128x32xbf16, #tpu.memory_space<vmem>>) dst(%dma_wait3A_474 : memref<10240x32xbf16, #tpu.memory_space<vmem_shared>>)
        %dma_start3A_475 = arith.constant 1 : i32
        %dma_start3A_476 = arith.constant 0 : i32
        %dma_start3A_477 = arith.constant 0 : i32
        %dma_start3A_478 = tpu.memref_slice %arg9[%dma_start3A_475, %dma_start3A_476, %dma_start3A_477] : memref<8x128x32xbf16, #tpu.memory_space<vmem>> -> memref<1x128x32xbf16, #tpu.memory_space<vmem>>
        %dma_start3A_479 = tpu.memref_squeeze %dma_start3A_478 : memref<1x128x32xbf16, #tpu.memory_space<vmem>> -> memref<128x32xbf16, #tpu.memory_space<vmem>>
        %dma_start3A_480 = arith.constant 0 : i32
        %dma_start3A_481 = tpu.memref_slice %arg7[%add3A_260, %dma_start3A_480] : memref<160x128xi32, #tpu.memory_space<vmem>> -> memref<1x128xi32, #tpu.memory_space<vmem>>
        %dma_start3A_482 = tpu.memref_squeeze %dma_start3A_481 : memref<1x128xi32, #tpu.memory_space<vmem>> -> memref<128xi32, #tpu.memory_space<vmem>>
        %dma_start3A_483 = arith.constant 0 : i32
        %dma_start3A_484 = arith.constant 0 : i32
        %dma_start3A_485 = tpu.memref_slice %arg2[%dma_start3A_483, %dma_start3A_484] : memref<20000x32xbf16, #tpu.memory_space<hbm>> -> memref<20000x32xbf16, #tpu.memory_space<hbm>>
        tpu.enqueue_indirect_dma source(%dma_start3A_485 : memref<20000x32xbf16, #tpu.memory_space<hbm>>) target(%dma_start3A_479 : memref<128x32xbf16, #tpu.memory_space<vmem>>) offsets(%dma_start3A_482 : memref<128xi32, #tpu.memory_space<vmem>>) semaphore(%arg12 : memref<!tpu.dma_semaphore, #tpu.memory_space<semaphore_mem>>)
      } else {
      }
      %mul3A_266 = arith.constant 8 : i32
      %mul3A_267 = arith.muli %scan3A_202, %mul3A_266 : i32
      %add3A_268 = arith.constant 2 : i32
      %add3A_269 = arith.addi %mul3A_267, %add3A_268 : i32
      %dma_wait3A_270 = arith.constant 2 : i32
      %dma_wait3A_271 = arith.constant 0 : i32
      %dma_wait3A_272 = arith.constant 0 : i32
      %dma_wait3A_273 = tpu.memref_slice %arg9[%dma_wait3A_270, %dma_wait3A_271, %dma_wait3A_272] : memref<8x128x32xbf16, #tpu.memory_space<vmem>> -> memref<1x128x32xbf16, #tpu.memory_space<vmem>>
      %dma_wait3A_274 = tpu.memref_squeeze %dma_wait3A_273 : memref<1x128x32xbf16, #tpu.memory_space<vmem>> -> memref<128x32xbf16, #tpu.memory_space<vmem>>
      %dma_wait3A_275 = arith.constant 0 : i32
      %dma_wait3A_276 = tpu.memref_slice %arg7[%add3A_269, %dma_wait3A_275] : memref<160x128xi32, #tpu.memory_space<vmem>> -> memref<1x128xi32, #tpu.memory_space<vmem>>
      %dma_wait3A_277 = tpu.memref_squeeze %dma_wait3A_276 : memref<1x128xi32, #tpu.memory_space<vmem>> -> memref<128xi32, #tpu.memory_space<vmem>>
      %dma_wait3A_278 = arith.constant 0 : i32
      %dma_wait3A_279 = arith.constant 0 : i32
      %dma_wait3A_280 = tpu.memref_slice %arg2[%dma_wait3A_278, %dma_wait3A_279] : memref<20000x32xbf16, #tpu.memory_space<hbm>> -> memref<20000x32xbf16, #tpu.memory_space<hbm>>
      tpu.wait_indirect_dma semaphore(%arg13 : memref<!tpu.dma_semaphore, #tpu.memory_space<semaphore_mem>>) src(%dma_wait3A_280 : memref<20000x32xbf16, #tpu.memory_space<hbm>>) dst(%dma_wait3A_274 : memref<128x32xbf16, #tpu.memory_space<vmem>>)
      %dma_start3A_281 = arith.constant 2 : i32
      %dma_start3A_282 = arith.constant 0 : i32
      %dma_start3A_283 = arith.constant 0 : i32
      %dma_start3A_284 = tpu.memref_slice %arg9[%dma_start3A_281, %dma_start3A_282, %dma_start3A_283] : memref<8x128x32xbf16, #tpu.memory_space<vmem>> -> memref<1x128x32xbf16, #tpu.memory_space<vmem>>
      %dma_start3A_285 = tpu.memref_squeeze %dma_start3A_284 : memref<1x128x32xbf16, #tpu.memory_space<vmem>> -> memref<128x32xbf16, #tpu.memory_space<vmem>>
      %dma_start3A_286 = arith.constant 0 : i32
      %dma_start3A_287 = tpu.memref_slice %arg8[%add3A_269, %dma_start3A_286] : memref<160x128xi32, #tpu.memory_space<vmem>> -> memref<1x128xi32, #tpu.memory_space<vmem>>
      %dma_start3A_288 = tpu.memref_squeeze %dma_start3A_287 : memref<1x128xi32, #tpu.memory_space<vmem>> -> memref<128xi32, #tpu.memory_space<vmem>>
      %dma_start3A_289 = arith.constant 0 : i32
      %dma_start3A_290 = arith.constant 0 : i32
      %dma_start3A_291 = tpu.memref_slice %arg10[%dma_start3A_289, %dma_start3A_290] : memref<10240x32xbf16, #tpu.memory_space<vmem_shared>> -> memref<10240x32xbf16, #tpu.memory_space<vmem_shared>>
      tpu.enqueue_indirect_dma source(%dma_start3A_285 : memref<128x32xbf16, #tpu.memory_space<vmem>>) target(%dma_start3A_291 : memref<10240x32xbf16, #tpu.memory_space<vmem_shared>>) offsets(%dma_start3A_288 : memref<128xi32, #tpu.memory_space<vmem>>) semaphore(%arg21 : memref<!tpu.dma_semaphore, #tpu.memory_space<semaphore_mem>>) {add = true}
      %add3A_292 = arith.constant 8 : i32
      %add3A_293 = arith.addi %add3A_269, %add3A_292 : i32
      %lt3A_294 = arith.constant 160 : i32
      %lt3A_295 = arith.cmpi slt, %add3A_293, %lt3A_294 : i32
      %convert_element_type3A_296 = arith.extui %lt3A_295 : i1 to i32
      %cond3A_297 = arith.constant 0 : i32
      %cond3A_298 = arith.cmpi ne, %convert_element_type3A_296, %cond3A_297 : i32
      scf.if %cond3A_298 {
        %dma_wait3A_464 = arith.constant 2 : i32
        %dma_wait3A_465 = arith.constant 0 : i32
        %dma_wait3A_466 = arith.constant 0 : i32
        %dma_wait3A_467 = tpu.memref_slice %arg9[%dma_wait3A_464, %dma_wait3A_465, %dma_wait3A_466] : memref<8x128x32xbf16, #tpu.memory_space<vmem>> -> memref<1x128x32xbf16, #tpu.memory_space<vmem>>
        %dma_wait3A_468 = tpu.memref_squeeze %dma_wait3A_467 : memref<1x128x32xbf16, #tpu.memory_space<vmem>> -> memref<128x32xbf16, #tpu.memory_space<vmem>>
        %dma_wait3A_469 = arith.constant 0 : i32
        %dma_wait3A_470 = tpu.memref_slice %arg8[%add3A_269, %dma_wait3A_469] : memref<160x128xi32, #tpu.memory_space<vmem>> -> memref<1x128xi32, #tpu.memory_space<vmem>>
        %dma_wait3A_471 = tpu.memref_squeeze %dma_wait3A_470 : memref<1x128xi32, #tpu.memory_space<vmem>> -> memref<128xi32, #tpu.memory_space<vmem>>
        %dma_wait3A_472 = arith.constant 0 : i32
        %dma_wait3A_473 = arith.constant 0 : i32
        %dma_wait3A_474 = tpu.memref_slice %arg10[%dma_wait3A_472, %dma_wait3A_473] : memref<10240x32xbf16, #tpu.memory_space<vmem_shared>> -> memref<10240x32xbf16, #tpu.memory_space<vmem_shared>>
        tpu.wait_indirect_dma semaphore(%arg21 : memref<!tpu.dma_semaphore, #tpu.memory_space<semaphore_mem>>) src(%dma_wait3A_468 : memref<128x32xbf16, #tpu.memory_space<vmem>>) dst(%dma_wait3A_474 : memref<10240x32xbf16, #tpu.memory_space<vmem_shared>>)
        %dma_start3A_475 = arith.constant 2 : i32
        %dma_start3A_476 = arith.constant 0 : i32
        %dma_start3A_477 = arith.constant 0 : i32
        %dma_start3A_478 = tpu.memref_slice %arg9[%dma_start3A_475, %dma_start3A_476, %dma_start3A_477] : memref<8x128x32xbf16, #tpu.memory_space<vmem>> -> memref<1x128x32xbf16, #tpu.memory_space<vmem>>
        %dma_start3A_479 = tpu.memref_squeeze %dma_start3A_478 : memref<1x128x32xbf16, #tpu.memory_space<vmem>> -> memref<128x32xbf16, #tpu.memory_space<vmem>>
        %dma_start3A_480 = arith.constant 0 : i32
        %dma_start3A_481 = tpu.memref_slice %arg7[%add3A_293, %dma_start3A_480] : memref<160x128xi32, #tpu.memory_space<vmem>> -> memref<1x128xi32, #tpu.memory_space<vmem>>
        %dma_start3A_482 = tpu.memref_squeeze %dma_start3A_481 : memref<1x128xi32, #tpu.memory_space<vmem>> -> memref<128xi32, #tpu.memory_space<vmem>>
        %dma_start3A_483 = arith.constant 0 : i32
        %dma_start3A_484 = arith.constant 0 : i32
        %dma_start3A_485 = tpu.memref_slice %arg2[%dma_start3A_483, %dma_start3A_484] : memref<20000x32xbf16, #tpu.memory_space<hbm>> -> memref<20000x32xbf16, #tpu.memory_space<hbm>>
        tpu.enqueue_indirect_dma source(%dma_start3A_485 : memref<20000x32xbf16, #tpu.memory_space<hbm>>) target(%dma_start3A_479 : memref<128x32xbf16, #tpu.memory_space<vmem>>) offsets(%dma_start3A_482 : memref<128xi32, #tpu.memory_space<vmem>>) semaphore(%arg13 : memref<!tpu.dma_semaphore, #tpu.memory_space<semaphore_mem>>)
      } else {
      }
      %mul3A_299 = arith.constant 8 : i32
      %mul3A_300 = arith.muli %scan3A_202, %mul3A_299 : i32
      %add3A_301 = arith.constant 3 : i32
      %add3A_302 = arith.addi %mul3A_300, %add3A_301 : i32
      %dma_wait3A_303 = arith.constant 3 : i32
      %dma_wait3A_304 = arith.constant 0 : i32
      %dma_wait3A_305 = arith.constant 0 : i32
      %dma_wait3A_306 = tpu.memref_slice %arg9[%dma_wait3A_303, %dma_wait3A_304, %dma_wait3A_305] : memref<8x128x32xbf16, #tpu.memory_space<vmem>> -> memref<1x128x32xbf16, #tpu.memory_space<vmem>>
      %dma_wait3A_307 = tpu.memref_squeeze %dma_wait3A_306 : memref<1x128x32xbf16, #tpu.memory_space<vmem>> -> memref<128x32xbf16, #tpu.memory_space<vmem>>
      %dma_wait3A_308 = arith.constant 0 : i32
      %dma_wait3A_309 = tpu.memref_slice %arg7[%add3A_302, %dma_wait3A_308] : memref<160x128xi32, #tpu.memory_space<vmem>> -> memref<1x128xi32, #tpu.memory_space<vmem>>
      %dma_wait3A_310 = tpu.memref_squeeze %dma_wait3A_309 : memref<1x128xi32, #tpu.memory_space<vmem>> -> memref<128xi32, #tpu.memory_space<vmem>>
      %dma_wait3A_311 = arith.constant 0 : i32
      %dma_wait3A_312 = arith.constant 0 : i32
      %dma_wait3A_313 = tpu.memref_slice %arg2[%dma_wait3A_311, %dma_wait3A_312] : memref<20000x32xbf16, #tpu.memory_space<hbm>> -> memref<20000x32xbf16, #tpu.memory_space<hbm>>
      tpu.wait_indirect_dma semaphore(%arg14 : memref<!tpu.dma_semaphore, #tpu.memory_space<semaphore_mem>>) src(%dma_wait3A_313 : memref<20000x32xbf16, #tpu.memory_space<hbm>>) dst(%dma_wait3A_307 : memref<128x32xbf16, #tpu.memory_space<vmem>>)
      %dma_start3A_314 = arith.constant 3 : i32
      %dma_start3A_315 = arith.constant 0 : i32
      %dma_start3A_316 = arith.constant 0 : i32
      %dma_start3A_317 = tpu.memref_slice %arg9[%dma_start3A_314, %dma_start3A_315, %dma_start3A_316] : memref<8x128x32xbf16, #tpu.memory_space<vmem>> -> memref<1x128x32xbf16, #tpu.memory_space<vmem>>
      %dma_start3A_318 = tpu.memref_squeeze %dma_start3A_317 : memref<1x128x32xbf16, #tpu.memory_space<vmem>> -> memref<128x32xbf16, #tpu.memory_space<vmem>>
      %dma_start3A_319 = arith.constant 0 : i32
      %dma_start3A_320 = tpu.memref_slice %arg8[%add3A_302, %dma_start3A_319] : memref<160x128xi32, #tpu.memory_space<vmem>> -> memref<1x128xi32, #tpu.memory_space<vmem>>
      %dma_start3A_321 = tpu.memref_squeeze %dma_start3A_320 : memref<1x128xi32, #tpu.memory_space<vmem>> -> memref<128xi32, #tpu.memory_space<vmem>>
      %dma_start3A_322 = arith.constant 0 : i32
      %dma_start3A_323 = arith.constant 0 : i32
      %dma_start3A_324 = tpu.memref_slice %arg10[%dma_start3A_322, %dma_start3A_323] : memref<10240x32xbf16, #tpu.memory_space<vmem_shared>> -> memref<10240x32xbf16, #tpu.memory_space<vmem_shared>>
      tpu.enqueue_indirect_dma source(%dma_start3A_318 : memref<128x32xbf16, #tpu.memory_space<vmem>>) target(%dma_start3A_324 : memref<10240x32xbf16, #tpu.memory_space<vmem_shared>>) offsets(%dma_start3A_321 : memref<128xi32, #tpu.memory_space<vmem>>) semaphore(%arg22 : memref<!tpu.dma_semaphore, #tpu.memory_space<semaphore_mem>>) {add = true}
      %add3A_325 = arith.constant 8 : i32
      %add3A_326 = arith.addi %add3A_302, %add3A_325 : i32
      %lt3A_327 = arith.constant 160 : i32
      %lt3A_328 = arith.cmpi slt, %add3A_326, %lt3A_327 : i32
      %convert_element_type3A_329 = arith.extui %lt3A_328 : i1 to i32
      %cond3A_330 = arith.constant 0 : i32
      %cond3A_331 = arith.cmpi ne, %convert_element_type3A_329, %cond3A_330 : i32
      scf.if %cond3A_331 {
        %dma_wait3A_464 = arith.constant 3 : i32
        %dma_wait3A_465 = arith.constant 0 : i32
        %dma_wait3A_466 = arith.constant 0 : i32
        %dma_wait3A_467 = tpu.memref_slice %arg9[%dma_wait3A_464, %dma_wait3A_465, %dma_wait3A_466] : memref<8x128x32xbf16, #tpu.memory_space<vmem>> -> memref<1x128x32xbf16, #tpu.memory_space<vmem>>
        %dma_wait3A_468 = tpu.memref_squeeze %dma_wait3A_467 : memref<1x128x32xbf16, #tpu.memory_space<vmem>> -> memref<128x32xbf16, #tpu.memory_space<vmem>>
        %dma_wait3A_469 = arith.constant 0 : i32
        %dma_wait3A_470 = tpu.memref_slice %arg8[%add3A_302, %dma_wait3A_469] : memref<160x128xi32, #tpu.memory_space<vmem>> -> memref<1x128xi32, #tpu.memory_space<vmem>>
        %dma_wait3A_471 = tpu.memref_squeeze %dma_wait3A_470 : memref<1x128xi32, #tpu.memory_space<vmem>> -> memref<128xi32, #tpu.memory_space<vmem>>
        %dma_wait3A_472 = arith.constant 0 : i32
        %dma_wait3A_473 = arith.constant 0 : i32
        %dma_wait3A_474 = tpu.memref_slice %arg10[%dma_wait3A_472, %dma_wait3A_473] : memref<10240x32xbf16, #tpu.memory_space<vmem_shared>> -> memref<10240x32xbf16, #tpu.memory_space<vmem_shared>>
        tpu.wait_indirect_dma semaphore(%arg22 : memref<!tpu.dma_semaphore, #tpu.memory_space<semaphore_mem>>) src(%dma_wait3A_468 : memref<128x32xbf16, #tpu.memory_space<vmem>>) dst(%dma_wait3A_474 : memref<10240x32xbf16, #tpu.memory_space<vmem_shared>>)
        %dma_start3A_475 = arith.constant 3 : i32
        %dma_start3A_476 = arith.constant 0 : i32
        %dma_start3A_477 = arith.constant 0 : i32
        %dma_start3A_478 = tpu.memref_slice %arg9[%dma_start3A_475, %dma_start3A_476, %dma_start3A_477] : memref<8x128x32xbf16, #tpu.memory_space<vmem>> -> memref<1x128x32xbf16, #tpu.memory_space<vmem>>
        %dma_start3A_479 = tpu.memref_squeeze %dma_start3A_478 : memref<1x128x32xbf16, #tpu.memory_space<vmem>> -> memref<128x32xbf16, #tpu.memory_space<vmem>>
        %dma_start3A_480 = arith.constant 0 : i32
        %dma_start3A_481 = tpu.memref_slice %arg7[%add3A_326, %dma_start3A_480] : memref<160x128xi32, #tpu.memory_space<vmem>> -> memref<1x128xi32, #tpu.memory_space<vmem>>
        %dma_start3A_482 = tpu.memref_squeeze %dma_start3A_481 : memref<1x128xi32, #tpu.memory_space<vmem>> -> memref<128xi32, #tpu.memory_space<vmem>>
        %dma_start3A_483 = arith.constant 0 : i32
        %dma_start3A_484 = arith.constant 0 : i32
        %dma_start3A_485 = tpu.memref_slice %arg2[%dma_start3A_483, %dma_start3A_484] : memref<20000x32xbf16, #tpu.memory_space<hbm>> -> memref<20000x32xbf16, #tpu.memory_space<hbm>>
        tpu.enqueue_indirect_dma source(%dma_start3A_485 : memref<20000x32xbf16, #tpu.memory_space<hbm>>) target(%dma_start3A_479 : memref<128x32xbf16, #tpu.memory_space<vmem>>) offsets(%dma_start3A_482 : memref<128xi32, #tpu.memory_space<vmem>>) semaphore(%arg14 : memref<!tpu.dma_semaphore, #tpu.memory_space<semaphore_mem>>)
      } else {
      }
      %mul3A_332 = arith.constant 8 : i32
      %mul3A_333 = arith.muli %scan3A_202, %mul3A_332 : i32
      %add3A_334 = arith.constant 4 : i32
      %add3A_335 = arith.addi %mul3A_333, %add3A_334 : i32
      %dma_wait3A_336 = arith.constant 4 : i32
      %dma_wait3A_337 = arith.constant 0 : i32
      %dma_wait3A_338 = arith.constant 0 : i32
      %dma_wait3A_339 = tpu.memref_slice %arg9[%dma_wait3A_336, %dma_wait3A_337, %dma_wait3A_338] : memref<8x128x32xbf16, #tpu.memory_space<vmem>> -> memref<1x128x32xbf16, #tpu.memory_space<vmem>>
      %dma_wait3A_340 = tpu.memref_squeeze %dma_wait3A_339 : memref<1x128x32xbf16, #tpu.memory_space<vmem>> -> memref<128x32xbf16, #tpu.memory_space<vmem>>
      %dma_wait3A_341 = arith.constant 0 : i32
      %dma_wait3A_342 = tpu.memref_slice %arg7[%add3A_335, %dma_wait3A_341] : memref<160x128xi32, #tpu.memory_space<vmem>> -> memref<1x128xi32, #tpu.memory_space<vmem>>
      %dma_wait3A_343 = tpu.memref_squeeze %dma_wait3A_342 : memref<1x128xi32, #tpu.memory_space<vmem>> -> memref<128xi32, #tpu.memory_space<vmem>>
      %dma_wait3A_344 = arith.constant 0 : i32
      %dma_wait3A_345 = arith.constant 0 : i32
      %dma_wait3A_346 = tpu.memref_slice %arg2[%dma_wait3A_344, %dma_wait3A_345] : memref<20000x32xbf16, #tpu.memory_space<hbm>> -> memref<20000x32xbf16, #tpu.memory_space<hbm>>
      tpu.wait_indirect_dma semaphore(%arg15 : memref<!tpu.dma_semaphore, #tpu.memory_space<semaphore_mem>>) src(%dma_wait3A_346 : memref<20000x32xbf16, #tpu.memory_space<hbm>>) dst(%dma_wait3A_340 : memref<128x32xbf16, #tpu.memory_space<vmem>>)
      %dma_start3A_347 = arith.constant 4 : i32
      %dma_start3A_348 = arith.constant 0 : i32
      %dma_start3A_349 = arith.constant 0 : i32
      %dma_start3A_350 = tpu.memref_slice %arg9[%dma_start3A_347, %dma_start3A_348, %dma_start3A_349] : memref<8x128x32xbf16, #tpu.memory_space<vmem>> -> memref<1x128x32xbf16, #tpu.memory_space<vmem>>
      %dma_start3A_351 = tpu.memref_squeeze %dma_start3A_350 : memref<1x128x32xbf16, #tpu.memory_space<vmem>> -> memref<128x32xbf16, #tpu.memory_space<vmem>>
      %dma_start3A_352 = arith.constant 0 : i32
      %dma_start3A_353 = tpu.memref_slice %arg8[%add3A_335, %dma_start3A_352] : memref<160x128xi32, #tpu.memory_space<vmem>> -> memref<1x128xi32, #tpu.memory_space<vmem>>
      %dma_start3A_354 = tpu.memref_squeeze %dma_start3A_353 : memref<1x128xi32, #tpu.memory_space<vmem>> -> memref<128xi32, #tpu.memory_space<vmem>>
      %dma_start3A_355 = arith.constant 0 : i32
      %dma_start3A_356 = arith.constant 0 : i32
      %dma_start3A_357 = tpu.memref_slice %arg10[%dma_start3A_355, %dma_start3A_356] : memref<10240x32xbf16, #tpu.memory_space<vmem_shared>> -> memref<10240x32xbf16, #tpu.memory_space<vmem_shared>>
      tpu.enqueue_indirect_dma source(%dma_start3A_351 : memref<128x32xbf16, #tpu.memory_space<vmem>>) target(%dma_start3A_357 : memref<10240x32xbf16, #tpu.memory_space<vmem_shared>>) offsets(%dma_start3A_354 : memref<128xi32, #tpu.memory_space<vmem>>) semaphore(%arg23 : memref<!tpu.dma_semaphore, #tpu.memory_space<semaphore_mem>>) {add = true}
      %add3A_358 = arith.constant 8 : i32
      %add3A_359 = arith.addi %add3A_335, %add3A_358 : i32
      %lt3A_360 = arith.constant 160 : i32
      %lt3A_361 = arith.cmpi slt, %add3A_359, %lt3A_360 : i32
      %convert_element_type3A_362 = arith.extui %lt3A_361 : i1 to i32
      %cond3A_363 = arith.constant 0 : i32
      %cond3A_364 = arith.cmpi ne, %convert_element_type3A_362, %cond3A_363 : i32
      scf.if %cond3A_364 {
        %dma_wait3A_464 = arith.constant 4 : i32
        %dma_wait3A_465 = arith.constant 0 : i32
        %dma_wait3A_466 = arith.constant 0 : i32
        %dma_wait3A_467 = tpu.memref_slice %arg9[%dma_wait3A_464, %dma_wait3A_465, %dma_wait3A_466] : memref<8x128x32xbf16, #tpu.memory_space<vmem>> -> memref<1x128x32xbf16, #tpu.memory_space<vmem>>
        %dma_wait3A_468 = tpu.memref_squeeze %dma_wait3A_467 : memref<1x128x32xbf16, #tpu.memory_space<vmem>> -> memref<128x32xbf16, #tpu.memory_space<vmem>>
        %dma_wait3A_469 = arith.constant 0 : i32
        %dma_wait3A_470 = tpu.memref_slice %arg8[%add3A_335, %dma_wait3A_469] : memref<160x128xi32, #tpu.memory_space<vmem>> -> memref<1x128xi32, #tpu.memory_space<vmem>>
        %dma_wait3A_471 = tpu.memref_squeeze %dma_wait3A_470 : memref<1x128xi32, #tpu.memory_space<vmem>> -> memref<128xi32, #tpu.memory_space<vmem>>
        %dma_wait3A_472 = arith.constant 0 : i32
        %dma_wait3A_473 = arith.constant 0 : i32
        %dma_wait3A_474 = tpu.memref_slice %arg10[%dma_wait3A_472, %dma_wait3A_473] : memref<10240x32xbf16, #tpu.memory_space<vmem_shared>> -> memref<10240x32xbf16, #tpu.memory_space<vmem_shared>>
        tpu.wait_indirect_dma semaphore(%arg23 : memref<!tpu.dma_semaphore, #tpu.memory_space<semaphore_mem>>) src(%dma_wait3A_468 : memref<128x32xbf16, #tpu.memory_space<vmem>>) dst(%dma_wait3A_474 : memref<10240x32xbf16, #tpu.memory_space<vmem_shared>>)
        %dma_start3A_475 = arith.constant 4 : i32
        %dma_start3A_476 = arith.constant 0 : i32
        %dma_start3A_477 = arith.constant 0 : i32
        %dma_start3A_478 = tpu.memref_slice %arg9[%dma_start3A_475, %dma_start3A_476, %dma_start3A_477] : memref<8x128x32xbf16, #tpu.memory_space<vmem>> -> memref<1x128x32xbf16, #tpu.memory_space<vmem>>
        %dma_start3A_479 = tpu.memref_squeeze %dma_start3A_478 : memref<1x128x32xbf16, #tpu.memory_space<vmem>> -> memref<128x32xbf16, #tpu.memory_space<vmem>>
        %dma_start3A_480 = arith.constant 0 : i32
        %dma_start3A_481 = tpu.memref_slice %arg7[%add3A_359, %dma_start3A_480] : memref<160x128xi32, #tpu.memory_space<vmem>> -> memref<1x128xi32, #tpu.memory_space<vmem>>
        %dma_start3A_482 = tpu.memref_squeeze %dma_start3A_481 : memref<1x128xi32, #tpu.memory_space<vmem>> -> memref<128xi32, #tpu.memory_space<vmem>>
        %dma_start3A_483 = arith.constant 0 : i32
        %dma_start3A_484 = arith.constant 0 : i32
        %dma_start3A_485 = tpu.memref_slice %arg2[%dma_start3A_483, %dma_start3A_484] : memref<20000x32xbf16, #tpu.memory_space<hbm>> -> memref<20000x32xbf16, #tpu.memory_space<hbm>>
        tpu.enqueue_indirect_dma source(%dma_start3A_485 : memref<20000x32xbf16, #tpu.memory_space<hbm>>) target(%dma_start3A_479 : memref<128x32xbf16, #tpu.memory_space<vmem>>) offsets(%dma_start3A_482 : memref<128xi32, #tpu.memory_space<vmem>>) semaphore(%arg15 : memref<!tpu.dma_semaphore, #tpu.memory_space<semaphore_mem>>)
      } else {
      }
      %mul3A_365 = arith.constant 8 : i32
      %mul3A_366 = arith.muli %scan3A_202, %mul3A_365 : i32
      %add3A_367 = arith.constant 5 : i32
      %add3A_368 = arith.addi %mul3A_366, %add3A_367 : i32
      %dma_wait3A_369 = arith.constant 5 : i32
      %dma_wait3A_370 = arith.constant 0 : i32
      %dma_wait3A_371 = arith.constant 0 : i32
      %dma_wait3A_372 = tpu.memref_slice %arg9[%dma_wait3A_369, %dma_wait3A_370, %dma_wait3A_371] : memref<8x128x32xbf16, #tpu.memory_space<vmem>> -> memref<1x128x32xbf16, #tpu.memory_space<vmem>>
      %dma_wait3A_373 = tpu.memref_squeeze %dma_wait3A_372 : memref<1x128x32xbf16, #tpu.memory_space<vmem>> -> memref<128x32xbf16, #tpu.memory_space<vmem>>
      %dma_wait3A_374 = arith.constant 0 : i32
      %dma_wait3A_375 = tpu.memref_slice %arg7[%add3A_368, %dma_wait3A_374] : memref<160x128xi32, #tpu.memory_space<vmem>> -> memref<1x128xi32, #tpu.memory_space<vmem>>
      %dma_wait3A_376 = tpu.memref_squeeze %dma_wait3A_375 : memref<1x128xi32, #tpu.memory_space<vmem>> -> memref<128xi32, #tpu.memory_space<vmem>>
      %dma_wait3A_377 = arith.constant 0 : i32
      %dma_wait3A_378 = arith.constant 0 : i32
      %dma_wait3A_379 = tpu.memref_slice %arg2[%dma_wait3A_377, %dma_wait3A_378] : memref<20000x32xbf16, #tpu.memory_space<hbm>> -> memref<20000x32xbf16, #tpu.memory_space<hbm>>
      tpu.wait_indirect_dma semaphore(%arg16 : memref<!tpu.dma_semaphore, #tpu.memory_space<semaphore_mem>>) src(%dma_wait3A_379 : memref<20000x32xbf16, #tpu.memory_space<hbm>>) dst(%dma_wait3A_373 : memref<128x32xbf16, #tpu.memory_space<vmem>>)
      %dma_start3A_380 = arith.constant 5 : i32
      %dma_start3A_381 = arith.constant 0 : i32
      %dma_start3A_382 = arith.constant 0 : i32
      %dma_start3A_383 = tpu.memref_slice %arg9[%dma_start3A_380, %dma_start3A_381, %dma_start3A_382] : memref<8x128x32xbf16, #tpu.memory_space<vmem>> -> memref<1x128x32xbf16, #tpu.memory_space<vmem>>
      %dma_start3A_384 = tpu.memref_squeeze %dma_start3A_383 : memref<1x128x32xbf16, #tpu.memory_space<vmem>> -> memref<128x32xbf16, #tpu.memory_space<vmem>>
      %dma_start3A_385 = arith.constant 0 : i32
      %dma_start3A_386 = tpu.memref_slice %arg8[%add3A_368, %dma_start3A_385] : memref<160x128xi32, #tpu.memory_space<vmem>> -> memref<1x128xi32, #tpu.memory_space<vmem>>
      %dma_start3A_387 = tpu.memref_squeeze %dma_start3A_386 : memref<1x128xi32, #tpu.memory_space<vmem>> -> memref<128xi32, #tpu.memory_space<vmem>>
      %dma_start3A_388 = arith.constant 0 : i32
      %dma_start3A_389 = arith.constant 0 : i32
      %dma_start3A_390 = tpu.memref_slice %arg10[%dma_start3A_388, %dma_start3A_389] : memref<10240x32xbf16, #tpu.memory_space<vmem_shared>> -> memref<10240x32xbf16, #tpu.memory_space<vmem_shared>>
      tpu.enqueue_indirect_dma source(%dma_start3A_384 : memref<128x32xbf16, #tpu.memory_space<vmem>>) target(%dma_start3A_390 : memref<10240x32xbf16, #tpu.memory_space<vmem_shared>>) offsets(%dma_start3A_387 : memref<128xi32, #tpu.memory_space<vmem>>) semaphore(%arg24 : memref<!tpu.dma_semaphore, #tpu.memory_space<semaphore_mem>>) {add = true}
      %add3A_391 = arith.constant 8 : i32
      %add3A_392 = arith.addi %add3A_368, %add3A_391 : i32
      %lt3A_393 = arith.constant 160 : i32
      %lt3A_394 = arith.cmpi slt, %add3A_392, %lt3A_393 : i32
      %convert_element_type3A_395 = arith.extui %lt3A_394 : i1 to i32
      %cond3A_396 = arith.constant 0 : i32
      %cond3A_397 = arith.cmpi ne, %convert_element_type3A_395, %cond3A_396 : i32
      scf.if %cond3A_397 {
        %dma_wait3A_464 = arith.constant 5 : i32
        %dma_wait3A_465 = arith.constant 0 : i32
        %dma_wait3A_466 = arith.constant 0 : i32
        %dma_wait3A_467 = tpu.memref_slice %arg9[%dma_wait3A_464, %dma_wait3A_465, %dma_wait3A_466] : memref<8x128x32xbf16, #tpu.memory_space<vmem>> -> memref<1x128x32xbf16, #tpu.memory_space<vmem>>
        %dma_wait3A_468 = tpu.memref_squeeze %dma_wait3A_467 : memref<1x128x32xbf16, #tpu.memory_space<vmem>> -> memref<128x32xbf16, #tpu.memory_space<vmem>>
        %dma_wait3A_469 = arith.constant 0 : i32
        %dma_wait3A_470 = tpu.memref_slice %arg8[%add3A_368, %dma_wait3A_469] : memref<160x128xi32, #tpu.memory_space<vmem>> -> memref<1x128xi32, #tpu.memory_space<vmem>>
        %dma_wait3A_471 = tpu.memref_squeeze %dma_wait3A_470 : memref<1x128xi32, #tpu.memory_space<vmem>> -> memref<128xi32, #tpu.memory_space<vmem>>
        %dma_wait3A_472 = arith.constant 0 : i32
        %dma_wait3A_473 = arith.constant 0 : i32
        %dma_wait3A_474 = tpu.memref_slice %arg10[%dma_wait3A_472, %dma_wait3A_473] : memref<10240x32xbf16, #tpu.memory_space<vmem_shared>> -> memref<10240x32xbf16, #tpu.memory_space<vmem_shared>>
        tpu.wait_indirect_dma semaphore(%arg24 : memref<!tpu.dma_semaphore, #tpu.memory_space<semaphore_mem>>) src(%dma_wait3A_468 : memref<128x32xbf16, #tpu.memory_space<vmem>>) dst(%dma_wait3A_474 : memref<10240x32xbf16, #tpu.memory_space<vmem_shared>>)
        %dma_start3A_475 = arith.constant 5 : i32
        %dma_start3A_476 = arith.constant 0 : i32
        %dma_start3A_477 = arith.constant 0 : i32
        %dma_start3A_478 = tpu.memref_slice %arg9[%dma_start3A_475, %dma_start3A_476, %dma_start3A_477] : memref<8x128x32xbf16, #tpu.memory_space<vmem>> -> memref<1x128x32xbf16, #tpu.memory_space<vmem>>
        %dma_start3A_479 = tpu.memref_squeeze %dma_start3A_478 : memref<1x128x32xbf16, #tpu.memory_space<vmem>> -> memref<128x32xbf16, #tpu.memory_space<vmem>>
        %dma_start3A_480 = arith.constant 0 : i32
        %dma_start3A_481 = tpu.memref_slice %arg7[%add3A_392, %dma_start3A_480] : memref<160x128xi32, #tpu.memory_space<vmem>> -> memref<1x128xi32, #tpu.memory_space<vmem>>
        %dma_start3A_482 = tpu.memref_squeeze %dma_start3A_481 : memref<1x128xi32, #tpu.memory_space<vmem>> -> memref<128xi32, #tpu.memory_space<vmem>>
        %dma_start3A_483 = arith.constant 0 : i32
        %dma_start3A_484 = arith.constant 0 : i32
        %dma_start3A_485 = tpu.memref_slice %arg2[%dma_start3A_483, %dma_start3A_484] : memref<20000x32xbf16, #tpu.memory_space<hbm>> -> memref<20000x32xbf16, #tpu.memory_space<hbm>>
        tpu.enqueue_indirect_dma source(%dma_start3A_485 : memref<20000x32xbf16, #tpu.memory_space<hbm>>) target(%dma_start3A_479 : memref<128x32xbf16, #tpu.memory_space<vmem>>) offsets(%dma_start3A_482 : memref<128xi32, #tpu.memory_space<vmem>>) semaphore(%arg16 : memref<!tpu.dma_semaphore, #tpu.memory_space<semaphore_mem>>)
      } else {
      }
      %mul3A_398 = arith.constant 8 : i32
      %mul3A_399 = arith.muli %scan3A_202, %mul3A_398 : i32
      %add3A_400 = arith.constant 6 : i32
      %add3A_401 = arith.addi %mul3A_399, %add3A_400 : i32
      %dma_wait3A_402 = arith.constant 6 : i32
      %dma_wait3A_403 = arith.constant 0 : i32
      %dma_wait3A_404 = arith.constant 0 : i32
      %dma_wait3A_405 = tpu.memref_slice %arg9[%dma_wait3A_402, %dma_wait3A_403, %dma_wait3A_404] : memref<8x128x32xbf16, #tpu.memory_space<vmem>> -> memref<1x128x32xbf16, #tpu.memory_space<vmem>>
      %dma_wait3A_406 = tpu.memref_squeeze %dma_wait3A_405 : memref<1x128x32xbf16, #tpu.memory_space<vmem>> -> memref<128x32xbf16, #tpu.memory_space<vmem>>
      %dma_wait3A_407 = arith.constant 0 : i32
      %dma_wait3A_408 = tpu.memref_slice %arg7[%add3A_401, %dma_wait3A_407] : memref<160x128xi32, #tpu.memory_space<vmem>> -> memref<1x128xi32, #tpu.memory_space<vmem>>
      %dma_wait3A_409 = tpu.memref_squeeze %dma_wait3A_408 : memref<1x128xi32, #tpu.memory_space<vmem>> -> memref<128xi32, #tpu.memory_space<vmem>>
      %dma_wait3A_410 = arith.constant 0 : i32
      %dma_wait3A_411 = arith.constant 0 : i32
      %dma_wait3A_412 = tpu.memref_slice %arg2[%dma_wait3A_410, %dma_wait3A_411] : memref<20000x32xbf16, #tpu.memory_space<hbm>> -> memref<20000x32xbf16, #tpu.memory_space<hbm>>
      tpu.wait_indirect_dma semaphore(%arg17 : memref<!tpu.dma_semaphore, #tpu.memory_space<semaphore_mem>>) src(%dma_wait3A_412 : memref<20000x32xbf16, #tpu.memory_space<hbm>>) dst(%dma_wait3A_406 : memref<128x32xbf16, #tpu.memory_space<vmem>>)
      %dma_start3A_413 = arith.constant 6 : i32
      %dma_start3A_414 = arith.constant 0 : i32
      %dma_start3A_415 = arith.constant 0 : i32
      %dma_start3A_416 = tpu.memref_slice %arg9[%dma_start3A_413, %dma_start3A_414, %dma_start3A_415] : memref<8x128x32xbf16, #tpu.memory_space<vmem>> -> memref<1x128x32xbf16, #tpu.memory_space<vmem>>
      %dma_start3A_417 = tpu.memref_squeeze %dma_start3A_416 : memref<1x128x32xbf16, #tpu.memory_space<vmem>> -> memref<128x32xbf16, #tpu.memory_space<vmem>>
      %dma_start3A_418 = arith.constant 0 : i32
      %dma_start3A_419 = tpu.memref_slice %arg8[%add3A_401, %dma_start3A_418] : memref<160x128xi32, #tpu.memory_space<vmem>> -> memref<1x128xi32, #tpu.memory_space<vmem>>
      %dma_start3A_420 = tpu.memref_squeeze %dma_start3A_419 : memref<1x128xi32, #tpu.memory_space<vmem>> -> memref<128xi32, #tpu.memory_space<vmem>>
      %dma_start3A_421 = arith.constant 0 : i32
      %dma_start3A_422 = arith.constant 0 : i32
      %dma_start3A_423 = tpu.memref_slice %arg10[%dma_start3A_421, %dma_start3A_422] : memref<10240x32xbf16, #tpu.memory_space<vmem_shared>> -> memref<10240x32xbf16, #tpu.memory_space<vmem_shared>>
      tpu.enqueue_indirect_dma source(%dma_start3A_417 : memref<128x32xbf16, #tpu.memory_space<vmem>>) target(%dma_start3A_423 : memref<10240x32xbf16, #tpu.memory_space<vmem_shared>>) offsets(%dma_start3A_420 : memref<128xi32, #tpu.memory_space<vmem>>) semaphore(%arg25 : memref<!tpu.dma_semaphore, #tpu.memory_space<semaphore_mem>>) {add = true}
      %add3A_424 = arith.constant 8 : i32
      %add3A_425 = arith.addi %add3A_401, %add3A_424 : i32
      %lt3A_426 = arith.constant 160 : i32
      %lt3A_427 = arith.cmpi slt, %add3A_425, %lt3A_426 : i32
      %convert_element_type3A_428 = arith.extui %lt3A_427 : i1 to i32
      %cond3A_429 = arith.constant 0 : i32
      %cond3A_430 = arith.cmpi ne, %convert_element_type3A_428, %cond3A_429 : i32
      scf.if %cond3A_430 {
        %dma_wait3A_464 = arith.constant 6 : i32
        %dma_wait3A_465 = arith.constant 0 : i32
        %dma_wait3A_466 = arith.constant 0 : i32
        %dma_wait3A_467 = tpu.memref_slice %arg9[%dma_wait3A_464, %dma_wait3A_465, %dma_wait3A_466] : memref<8x128x32xbf16, #tpu.memory_space<vmem>> -> memref<1x128x32xbf16, #tpu.memory_space<vmem>>
        %dma_wait3A_468 = tpu.memref_squeeze %dma_wait3A_467 : memref<1x128x32xbf16, #tpu.memory_space<vmem>> -> memref<128x32xbf16, #tpu.memory_space<vmem>>
        %dma_wait3A_469 = arith.constant 0 : i32
        %dma_wait3A_470 = tpu.memref_slice %arg8[%add3A_401, %dma_wait3A_469] : memref<160x128xi32, #tpu.memory_space<vmem>> -> memref<1x128xi32, #tpu.memory_space<vmem>>
        %dma_wait3A_471 = tpu.memref_squeeze %dma_wait3A_470 : memref<1x128xi32, #tpu.memory_space<vmem>> -> memref<128xi32, #tpu.memory_space<vmem>>
        %dma_wait3A_472 = arith.constant 0 : i32
        %dma_wait3A_473 = arith.constant 0 : i32
        %dma_wait3A_474 = tpu.memref_slice %arg10[%dma_wait3A_472, %dma_wait3A_473] : memref<10240x32xbf16, #tpu.memory_space<vmem_shared>> -> memref<10240x32xbf16, #tpu.memory_space<vmem_shared>>
        tpu.wait_indirect_dma semaphore(%arg25 : memref<!tpu.dma_semaphore, #tpu.memory_space<semaphore_mem>>) src(%dma_wait3A_468 : memref<128x32xbf16, #tpu.memory_space<vmem>>) dst(%dma_wait3A_474 : memref<10240x32xbf16, #tpu.memory_space<vmem_shared>>)
        %dma_start3A_475 = arith.constant 6 : i32
        %dma_start3A_476 = arith.constant 0 : i32
        %dma_start3A_477 = arith.constant 0 : i32
        %dma_start3A_478 = tpu.memref_slice %arg9[%dma_start3A_475, %dma_start3A_476, %dma_start3A_477] : memref<8x128x32xbf16, #tpu.memory_space<vmem>> -> memref<1x128x32xbf16, #tpu.memory_space<vmem>>
        %dma_start3A_479 = tpu.memref_squeeze %dma_start3A_478 : memref<1x128x32xbf16, #tpu.memory_space<vmem>> -> memref<128x32xbf16, #tpu.memory_space<vmem>>
        %dma_start3A_480 = arith.constant 0 : i32
        %dma_start3A_481 = tpu.memref_slice %arg7[%add3A_425, %dma_start3A_480] : memref<160x128xi32, #tpu.memory_space<vmem>> -> memref<1x128xi32, #tpu.memory_space<vmem>>
        %dma_start3A_482 = tpu.memref_squeeze %dma_start3A_481 : memref<1x128xi32, #tpu.memory_space<vmem>> -> memref<128xi32, #tpu.memory_space<vmem>>
        %dma_start3A_483 = arith.constant 0 : i32
        %dma_start3A_484 = arith.constant 0 : i32
        %dma_start3A_485 = tpu.memref_slice %arg2[%dma_start3A_483, %dma_start3A_484] : memref<20000x32xbf16, #tpu.memory_space<hbm>> -> memref<20000x32xbf16, #tpu.memory_space<hbm>>
        tpu.enqueue_indirect_dma source(%dma_start3A_485 : memref<20000x32xbf16, #tpu.memory_space<hbm>>) target(%dma_start3A_479 : memref<128x32xbf16, #tpu.memory_space<vmem>>) offsets(%dma_start3A_482 : memref<128xi32, #tpu.memory_space<vmem>>) semaphore(%arg17 : memref<!tpu.dma_semaphore, #tpu.memory_space<semaphore_mem>>)
      } else {
      }
      %mul3A_431 = arith.constant 8 : i32
      %mul3A_432 = arith.muli %scan3A_202, %mul3A_431 : i32
      %add3A_433 = arith.constant 7 : i32
      %add3A_434 = arith.addi %mul3A_432, %add3A_433 : i32
      %dma_wait3A_435 = arith.constant 7 : i32
      %dma_wait3A_436 = arith.constant 0 : i32
      %dma_wait3A_437 = arith.constant 0 : i32
      %dma_wait3A_438 = tpu.memref_slice %arg9[%dma_wait3A_435, %dma_wait3A_436, %dma_wait3A_437] : memref<8x128x32xbf16, #tpu.memory_space<vmem>> -> memref<1x128x32xbf16, #tpu.memory_space<vmem>>
      %dma_wait3A_439 = tpu.memref_squeeze %dma_wait3A_438 : memref<1x128x32xbf16, #tpu.memory_space<vmem>> -> memref<128x32xbf16, #tpu.memory_space<vmem>>
      %dma_wait3A_440 = arith.constant 0 : i32
      %dma_wait3A_441 = tpu.memref_slice %arg7[%add3A_434, %dma_wait3A_440] : memref<160x128xi32, #tpu.memory_space<vmem>> -> memref<1x128xi32, #tpu.memory_space<vmem>>
      %dma_wait3A_442 = tpu.memref_squeeze %dma_wait3A_441 : memref<1x128xi32, #tpu.memory_space<vmem>> -> memref<128xi32, #tpu.memory_space<vmem>>
      %dma_wait3A_443 = arith.constant 0 : i32
      %dma_wait3A_444 = arith.constant 0 : i32
      %dma_wait3A_445 = tpu.memref_slice %arg2[%dma_wait3A_443, %dma_wait3A_444] : memref<20000x32xbf16, #tpu.memory_space<hbm>> -> memref<20000x32xbf16, #tpu.memory_space<hbm>>
      tpu.wait_indirect_dma semaphore(%arg18 : memref<!tpu.dma_semaphore, #tpu.memory_space<semaphore_mem>>) src(%dma_wait3A_445 : memref<20000x32xbf16, #tpu.memory_space<hbm>>) dst(%dma_wait3A_439 : memref<128x32xbf16, #tpu.memory_space<vmem>>)
      %dma_start3A_446 = arith.constant 7 : i32
      %dma_start3A_447 = arith.constant 0 : i32
      %dma_start3A_448 = arith.constant 0 : i32
      %dma_start3A_449 = tpu.memref_slice %arg9[%dma_start3A_446, %dma_start3A_447, %dma_start3A_448] : memref<8x128x32xbf16, #tpu.memory_space<vmem>> -> memref<1x128x32xbf16, #tpu.memory_space<vmem>>
      %dma_start3A_450 = tpu.memref_squeeze %dma_start3A_449 : memref<1x128x32xbf16, #tpu.memory_space<vmem>> -> memref<128x32xbf16, #tpu.memory_space<vmem>>
      %dma_start3A_451 = arith.constant 0 : i32
      %dma_start3A_452 = tpu.memref_slice %arg8[%add3A_434, %dma_start3A_451] : memref<160x128xi32, #tpu.memory_space<vmem>> -> memref<1x128xi32, #tpu.memory_space<vmem>>
      %dma_start3A_453 = tpu.memref_squeeze %dma_start3A_452 : memref<1x128xi32, #tpu.memory_space<vmem>> -> memref<128xi32, #tpu.memory_space<vmem>>
      %dma_start3A_454 = arith.constant 0 : i32
      %dma_start3A_455 = arith.constant 0 : i32
      %dma_start3A_456 = tpu.memref_slice %arg10[%dma_start3A_454, %dma_start3A_455] : memref<10240x32xbf16, #tpu.memory_space<vmem_shared>> -> memref<10240x32xbf16, #tpu.memory_space<vmem_shared>>
      tpu.enqueue_indirect_dma source(%dma_start3A_450 : memref<128x32xbf16, #tpu.memory_space<vmem>>) target(%dma_start3A_456 : memref<10240x32xbf16, #tpu.memory_space<vmem_shared>>) offsets(%dma_start3A_453 : memref<128xi32, #tpu.memory_space<vmem>>) semaphore(%arg26 : memref<!tpu.dma_semaphore, #tpu.memory_space<semaphore_mem>>) {add = true}
      %add3A_457 = arith.constant 8 : i32
      %add3A_458 = arith.addi %add3A_434, %add3A_457 : i32
      %lt3A_459 = arith.constant 160 : i32
      %lt3A_460 = arith.cmpi slt, %add3A_458, %lt3A_459 : i32
      %convert_element_type3A_461 = arith.extui %lt3A_460 : i1 to i32
      %cond3A_462 = arith.constant 0 : i32
      %cond3A_463 = arith.cmpi ne, %convert_element_type3A_461, %cond3A_462 : i32
      scf.if %cond3A_463 {
        %dma_wait3A_464 = arith.constant 7 : i32
        %dma_wait3A_465 = arith.constant 0 : i32
        %dma_wait3A_466 = arith.constant 0 : i32
        %dma_wait3A_467 = tpu.memref_slice %arg9[%dma_wait3A_464, %dma_wait3A_465, %dma_wait3A_466] : memref<8x128x32xbf16, #tpu.memory_space<vmem>> -> memref<1x128x32xbf16, #tpu.memory_space<vmem>>
        %dma_wait3A_468 = tpu.memref_squeeze %dma_wait3A_467 : memref<1x128x32xbf16, #tpu.memory_space<vmem>> -> memref<128x32xbf16, #tpu.memory_space<vmem>>
        %dma_wait3A_469 = arith.constant 0 : i32
        %dma_wait3A_470 = tpu.memref_slice %arg8[%add3A_434, %dma_wait3A_469] : memref<160x128xi32, #tpu.memory_space<vmem>> -> memref<1x128xi32, #tpu.memory_space<vmem>>
        %dma_wait3A_471 = tpu.memref_squeeze %dma_wait3A_470 : memref<1x128xi32, #tpu.memory_space<vmem>> -> memref<128xi32, #tpu.memory_space<vmem>>
        %dma_wait3A_472 = arith.constant 0 : i32
        %dma_wait3A_473 = arith.constant 0 : i32
        %dma_wait3A_474 = tpu.memref_slice %arg10[%dma_wait3A_472, %dma_wait3A_473] : memref<10240x32xbf16, #tpu.memory_space<vmem_shared>> -> memref<10240x32xbf16, #tpu.memory_space<vmem_shared>>
        tpu.wait_indirect_dma semaphore(%arg26 : memref<!tpu.dma_semaphore, #tpu.memory_space<semaphore_mem>>) src(%dma_wait3A_468 : memref<128x32xbf16, #tpu.memory_space<vmem>>) dst(%dma_wait3A_474 : memref<10240x32xbf16, #tpu.memory_space<vmem_shared>>)
        %dma_start3A_475 = arith.constant 7 : i32
        %dma_start3A_476 = arith.constant 0 : i32
        %dma_start3A_477 = arith.constant 0 : i32
        %dma_start3A_478 = tpu.memref_slice %arg9[%dma_start3A_475, %dma_start3A_476, %dma_start3A_477] : memref<8x128x32xbf16, #tpu.memory_space<vmem>> -> memref<1x128x32xbf16, #tpu.memory_space<vmem>>
        %dma_start3A_479 = tpu.memref_squeeze %dma_start3A_478 : memref<1x128x32xbf16, #tpu.memory_space<vmem>> -> memref<128x32xbf16, #tpu.memory_space<vmem>>
        %dma_start3A_480 = arith.constant 0 : i32
        %dma_start3A_481 = tpu.memref_slice %arg7[%add3A_458, %dma_start3A_480] : memref<160x128xi32, #tpu.memory_space<vmem>> -> memref<1x128xi32, #tpu.memory_space<vmem>>
        %dma_start3A_482 = tpu.memref_squeeze %dma_start3A_481 : memref<1x128xi32, #tpu.memory_space<vmem>> -> memref<128xi32, #tpu.memory_space<vmem>>
        %dma_start3A_483 = arith.constant 0 : i32
        %dma_start3A_484 = arith.constant 0 : i32
        %dma_start3A_485 = tpu.memref_slice %arg2[%dma_start3A_483, %dma_start3A_484] : memref<20000x32xbf16, #tpu.memory_space<hbm>> -> memref<20000x32xbf16, #tpu.memory_space<hbm>>
        tpu.enqueue_indirect_dma source(%dma_start3A_485 : memref<20000x32xbf16, #tpu.memory_space<hbm>>) target(%dma_start3A_479 : memref<128x32xbf16, #tpu.memory_space<vmem>>) offsets(%dma_start3A_482 : memref<128xi32, #tpu.memory_space<vmem>>) semaphore(%arg18 : memref<!tpu.dma_semaphore, #tpu.memory_space<semaphore_mem>>)
      } else {
      }
    }
    %scan3A_103 = arith.constant 20 : i32
    %dma_wait3A = arith.constant 0 : i32
    %dma_wait3A_104 = arith.constant 0 : i32
    %dma_wait3A_105 = arith.constant 0 : i32
    %dma_wait3A_106 = arith.constant 0 : i32
    %dma_wait3A_107 = tpu.memref_slice %arg9[%dma_wait3A, %dma_wait3A_105, %dma_wait3A_106] : memref<8x128x32xbf16, #tpu.memory_space<vmem>> -> memref<1x128x32xbf16, #tpu.memory_space<vmem>>
    %dma_wait3A_108 = tpu.memref_squeeze %dma_wait3A_107 : memref<1x128x32xbf16, #tpu.memory_space<vmem>> -> memref<128x32xbf16, #tpu.memory_space<vmem>>
    %dma_wait3A_109 = arith.constant 0 : i32
    %dma_wait3A_110 = tpu.memref_slice %arg8[%dma_wait3A_104, %dma_wait3A_109] : memref<160x128xi32, #tpu.memory_space<vmem>> -> memref<1x128xi32, #tpu.memory_space<vmem>>
    %dma_wait3A_111 = tpu.memref_squeeze %dma_wait3A_110 : memref<1x128xi32, #tpu.memory_space<vmem>> -> memref<128xi32, #tpu.memory_space<vmem>>
    %dma_wait3A_112 = arith.constant 0 : i32
    %dma_wait3A_113 = arith.constant 0 : i32
    %dma_wait3A_114 = tpu.memref_slice %arg10[%dma_wait3A_112, %dma_wait3A_113] : memref<10240x32xbf16, #tpu.memory_space<vmem_shared>> -> memref<10240x32xbf16, #tpu.memory_space<vmem_shared>>
    tpu.wait_indirect_dma semaphore(%arg19 : memref<!tpu.dma_semaphore, #tpu.memory_space<semaphore_mem>>) src(%dma_wait3A_108 : memref<128x32xbf16, #tpu.memory_space<vmem>>) dst(%dma_wait3A_114 : memref<10240x32xbf16, #tpu.memory_space<vmem_shared>>)
    %dma_wait3A_115 = arith.constant 1 : i32
    %dma_wait3A_116 = arith.constant 0 : i32
    %dma_wait3A_117 = arith.constant 0 : i32
    %dma_wait3A_118 = arith.constant 0 : i32
    %dma_wait3A_119 = tpu.memref_slice %arg9[%dma_wait3A_115, %dma_wait3A_117, %dma_wait3A_118] : memref<8x128x32xbf16, #tpu.memory_space<vmem>> -> memref<1x128x32xbf16, #tpu.memory_space<vmem>>
    %dma_wait3A_120 = tpu.memref_squeeze %dma_wait3A_119 : memref<1x128x32xbf16, #tpu.memory_space<vmem>> -> memref<128x32xbf16, #tpu.memory_space<vmem>>
    %dma_wait3A_121 = arith.constant 0 : i32
    %dma_wait3A_122 = tpu.memref_slice %arg8[%dma_wait3A_116, %dma_wait3A_121] : memref<160x128xi32, #tpu.memory_space<vmem>> -> memref<1x128xi32, #tpu.memory_space<vmem>>
    %dma_wait3A_123 = tpu.memref_squeeze %dma_wait3A_122 : memref<1x128xi32, #tpu.memory_space<vmem>> -> memref<128xi32, #tpu.memory_space<vmem>>
    %dma_wait3A_124 = arith.constant 0 : i32
    %dma_wait3A_125 = arith.constant 0 : i32
    %dma_wait3A_126 = tpu.memref_slice %arg10[%dma_wait3A_124, %dma_wait3A_125] : memref<10240x32xbf16, #tpu.memory_space<vmem_shared>> -> memref<10240x32xbf16, #tpu.memory_space<vmem_shared>>
    tpu.wait_indirect_dma semaphore(%arg20 : memref<!tpu.dma_semaphore, #tpu.memory_space<semaphore_mem>>) src(%dma_wait3A_120 : memref<128x32xbf16, #tpu.memory_space<vmem>>) dst(%dma_wait3A_126 : memref<10240x32xbf16, #tpu.memory_space<vmem_shared>>)
    %dma_wait3A_127 = arith.constant 2 : i32
    %dma_wait3A_128 = arith.constant 0 : i32
    %dma_wait3A_129 = arith.constant 0 : i32
    %dma_wait3A_130 = arith.constant 0 : i32
    %dma_wait3A_131 = tpu.memref_slice %arg9[%dma_wait3A_127, %dma_wait3A_129, %dma_wait3A_130] : memref<8x128x32xbf16, #tpu.memory_space<vmem>> -> memref<1x128x32xbf16, #tpu.memory_space<vmem>>
    %dma_wait3A_132 = tpu.memref_squeeze %dma_wait3A_131 : memref<1x128x32xbf16, #tpu.memory_space<vmem>> -> memref<128x32xbf16, #tpu.memory_space<vmem>>
    %dma_wait3A_133 = arith.constant 0 : i32
    %dma_wait3A_134 = tpu.memref_slice %arg8[%dma_wait3A_128, %dma_wait3A_133] : memref<160x128xi32, #tpu.memory_space<vmem>> -> memref<1x128xi32, #tpu.memory_space<vmem>>
    %dma_wait3A_135 = tpu.memref_squeeze %dma_wait3A_134 : memref<1x128xi32, #tpu.memory_space<vmem>> -> memref<128xi32, #tpu.memory_space<vmem>>
    %dma_wait3A_136 = arith.constant 0 : i32
    %dma_wait3A_137 = arith.constant 0 : i32
    %dma_wait3A_138 = tpu.memref_slice %arg10[%dma_wait3A_136, %dma_wait3A_137] : memref<10240x32xbf16, #tpu.memory_space<vmem_shared>> -> memref<10240x32xbf16, #tpu.memory_space<vmem_shared>>
    tpu.wait_indirect_dma semaphore(%arg21 : memref<!tpu.dma_semaphore, #tpu.memory_space<semaphore_mem>>) src(%dma_wait3A_132 : memref<128x32xbf16, #tpu.memory_space<vmem>>) dst(%dma_wait3A_138 : memref<10240x32xbf16, #tpu.memory_space<vmem_shared>>)
    %dma_wait3A_139 = arith.constant 3 : i32
    %dma_wait3A_140 = arith.constant 0 : i32
    %dma_wait3A_141 = arith.constant 0 : i32
    %dma_wait3A_142 = arith.constant 0 : i32
    %dma_wait3A_143 = tpu.memref_slice %arg9[%dma_wait3A_139, %dma_wait3A_141, %dma_wait3A_142] : memref<8x128x32xbf16, #tpu.memory_space<vmem>> -> memref<1x128x32xbf16, #tpu.memory_space<vmem>>
    %dma_wait3A_144 = tpu.memref_squeeze %dma_wait3A_143 : memref<1x128x32xbf16, #tpu.memory_space<vmem>> -> memref<128x32xbf16, #tpu.memory_space<vmem>>
    %dma_wait3A_145 = arith.constant 0 : i32
    %dma_wait3A_146 = tpu.memref_slice %arg8[%dma_wait3A_140, %dma_wait3A_145] : memref<160x128xi32, #tpu.memory_space<vmem>> -> memref<1x128xi32, #tpu.memory_space<vmem>>
    %dma_wait3A_147 = tpu.memref_squeeze %dma_wait3A_146 : memref<1x128xi32, #tpu.memory_space<vmem>> -> memref<128xi32, #tpu.memory_space<vmem>>
    %dma_wait3A_148 = arith.constant 0 : i32
    %dma_wait3A_149 = arith.constant 0 : i32
    %dma_wait3A_150 = tpu.memref_slice %arg10[%dma_wait3A_148, %dma_wait3A_149] : memref<10240x32xbf16, #tpu.memory_space<vmem_shared>> -> memref<10240x32xbf16, #tpu.memory_space<vmem_shared>>
    tpu.wait_indirect_dma semaphore(%arg22 : memref<!tpu.dma_semaphore, #tpu.memory_space<semaphore_mem>>) src(%dma_wait3A_144 : memref<128x32xbf16, #tpu.memory_space<vmem>>) dst(%dma_wait3A_150 : memref<10240x32xbf16, #tpu.memory_space<vmem_shared>>)
    %dma_wait3A_151 = arith.constant 4 : i32
    %dma_wait3A_152 = arith.constant 0 : i32
    %dma_wait3A_153 = arith.constant 0 : i32
    %dma_wait3A_154 = arith.constant 0 : i32
    %dma_wait3A_155 = tpu.memref_slice %arg9[%dma_wait3A_151, %dma_wait3A_153, %dma_wait3A_154] : memref<8x128x32xbf16, #tpu.memory_space<vmem>> -> memref<1x128x32xbf16, #tpu.memory_space<vmem>>
    %dma_wait3A_156 = tpu.memref_squeeze %dma_wait3A_155 : memref<1x128x32xbf16, #tpu.memory_space<vmem>> -> memref<128x32xbf16, #tpu.memory_space<vmem>>
    %dma_wait3A_157 = arith.constant 0 : i32
    %dma_wait3A_158 = tpu.memref_slice %arg8[%dma_wait3A_152, %dma_wait3A_157] : memref<160x128xi32, #tpu.memory_space<vmem>> -> memref<1x128xi32, #tpu.memory_space<vmem>>
    %dma_wait3A_159 = tpu.memref_squeeze %dma_wait3A_158 : memref<1x128xi32, #tpu.memory_space<vmem>> -> memref<128xi32, #tpu.memory_space<vmem>>
    %dma_wait3A_160 = arith.constant 0 : i32
    %dma_wait3A_161 = arith.constant 0 : i32
    %dma_wait3A_162 = tpu.memref_slice %arg10[%dma_wait3A_160, %dma_wait3A_161] : memref<10240x32xbf16, #tpu.memory_space<vmem_shared>> -> memref<10240x32xbf16, #tpu.memory_space<vmem_shared>>
    tpu.wait_indirect_dma semaphore(%arg23 : memref<!tpu.dma_semaphore, #tpu.memory_space<semaphore_mem>>) src(%dma_wait3A_156 : memref<128x32xbf16, #tpu.memory_space<vmem>>) dst(%dma_wait3A_162 : memref<10240x32xbf16, #tpu.memory_space<vmem_shared>>)
    %dma_wait3A_163 = arith.constant 5 : i32
    %dma_wait3A_164 = arith.constant 0 : i32
    %dma_wait3A_165 = arith.constant 0 : i32
    %dma_wait3A_166 = arith.constant 0 : i32
    %dma_wait3A_167 = tpu.memref_slice %arg9[%dma_wait3A_163, %dma_wait3A_165, %dma_wait3A_166] : memref<8x128x32xbf16, #tpu.memory_space<vmem>> -> memref<1x128x32xbf16, #tpu.memory_space<vmem>>
    %dma_wait3A_168 = tpu.memref_squeeze %dma_wait3A_167 : memref<1x128x32xbf16, #tpu.memory_space<vmem>> -> memref<128x32xbf16, #tpu.memory_space<vmem>>
    %dma_wait3A_169 = arith.constant 0 : i32
    %dma_wait3A_170 = tpu.memref_slice %arg8[%dma_wait3A_164, %dma_wait3A_169] : memref<160x128xi32, #tpu.memory_space<vmem>> -> memref<1x128xi32, #tpu.memory_space<vmem>>
    %dma_wait3A_171 = tpu.memref_squeeze %dma_wait3A_170 : memref<1x128xi32, #tpu.memory_space<vmem>> -> memref<128xi32, #tpu.memory_space<vmem>>
    %dma_wait3A_172 = arith.constant 0 : i32
    %dma_wait3A_173 = arith.constant 0 : i32
    %dma_wait3A_174 = tpu.memref_slice %arg10[%dma_wait3A_172, %dma_wait3A_173] : memref<10240x32xbf16, #tpu.memory_space<vmem_shared>> -> memref<10240x32xbf16, #tpu.memory_space<vmem_shared>>
    tpu.wait_indirect_dma semaphore(%arg24 : memref<!tpu.dma_semaphore, #tpu.memory_space<semaphore_mem>>) src(%dma_wait3A_168 : memref<128x32xbf16, #tpu.memory_space<vmem>>) dst(%dma_wait3A_174 : memref<10240x32xbf16, #tpu.memory_space<vmem_shared>>)
    %dma_wait3A_175 = arith.constant 6 : i32
    %dma_wait3A_176 = arith.constant 0 : i32
    %dma_wait3A_177 = arith.constant 0 : i32
    %dma_wait3A_178 = arith.constant 0 : i32
    %dma_wait3A_179 = tpu.memref_slice %arg9[%dma_wait3A_175, %dma_wait3A_177, %dma_wait3A_178] : memref<8x128x32xbf16, #tpu.memory_space<vmem>> -> memref<1x128x32xbf16, #tpu.memory_space<vmem>>
    %dma_wait3A_180 = tpu.memref_squeeze %dma_wait3A_179 : memref<1x128x32xbf16, #tpu.memory_space<vmem>> -> memref<128x32xbf16, #tpu.memory_space<vmem>>
    %dma_wait3A_181 = arith.constant 0 : i32
    %dma_wait3A_182 = tpu.memref_slice %arg8[%dma_wait3A_176, %dma_wait3A_181] : memref<160x128xi32, #tpu.memory_space<vmem>> -> memref<1x128xi32, #tpu.memory_space<vmem>>
    %dma_wait3A_183 = tpu.memref_squeeze %dma_wait3A_182 : memref<1x128xi32, #tpu.memory_space<vmem>> -> memref<128xi32, #tpu.memory_space<vmem>>
    %dma_wait3A_184 = arith.constant 0 : i32
    %dma_wait3A_185 = arith.constant 0 : i32
    %dma_wait3A_186 = tpu.memref_slice %arg10[%dma_wait3A_184, %dma_wait3A_185] : memref<10240x32xbf16, #tpu.memory_space<vmem_shared>> -> memref<10240x32xbf16, #tpu.memory_space<vmem_shared>>
    tpu.wait_indirect_dma semaphore(%arg25 : memref<!tpu.dma_semaphore, #tpu.memory_space<semaphore_mem>>) src(%dma_wait3A_180 : memref<128x32xbf16, #tpu.memory_space<vmem>>) dst(%dma_wait3A_186 : memref<10240x32xbf16, #tpu.memory_space<vmem_shared>>)
    %dma_wait3A_187 = arith.constant 7 : i32
    %dma_wait3A_188 = arith.constant 0 : i32
    %dma_wait3A_189 = arith.constant 0 : i32
    %dma_wait3A_190 = arith.constant 0 : i32
    %dma_wait3A_191 = tpu.memref_slice %arg9[%dma_wait3A_187, %dma_wait3A_189, %dma_wait3A_190] : memref<8x128x32xbf16, #tpu.memory_space<vmem>> -> memref<1x128x32xbf16, #tpu.memory_space<vmem>>
    %dma_wait3A_192 = tpu.memref_squeeze %dma_wait3A_191 : memref<1x128x32xbf16, #tpu.memory_space<vmem>> -> memref<128x32xbf16, #tpu.memory_space<vmem>>
    %dma_wait3A_193 = arith.constant 0 : i32
    %dma_wait3A_194 = tpu.memref_slice %arg8[%dma_wait3A_188, %dma_wait3A_193] : memref<160x128xi32, #tpu.memory_space<vmem>> -> memref<1x128xi32, #tpu.memory_space<vmem>>
    %dma_wait3A_195 = tpu.memref_squeeze %dma_wait3A_194 : memref<1x128xi32, #tpu.memory_space<vmem>> -> memref<128xi32, #tpu.memory_space<vmem>>
    %dma_wait3A_196 = arith.constant 0 : i32
    %dma_wait3A_197 = arith.constant 0 : i32
    %dma_wait3A_198 = tpu.memref_slice %arg10[%dma_wait3A_196, %dma_wait3A_197] : memref<10240x32xbf16, #tpu.memory_space<vmem_shared>> -> memref<10240x32xbf16, #tpu.memory_space<vmem_shared>>
    tpu.wait_indirect_dma semaphore(%arg26 : memref<!tpu.dma_semaphore, #tpu.memory_space<semaphore_mem>>) src(%dma_wait3A_192 : memref<128x32xbf16, #tpu.memory_space<vmem>>) dst(%dma_wait3A_198 : memref<10240x32xbf16, #tpu.memory_space<vmem_shared>>)
    %barrier3A_199 = arith.constant 0 : index
    tpu.barrier barrier_id(%barrier3A_199)
    %mul3A_200 = arith.constant 640 : i32
    %mul3A_201 = arith.muli %arg1, %mul3A_200 : i32
    "tpu.region"() ({
      %run_scoped3A = tpu.sem_alloc : memref<!tpu.dma_semaphore, #tpu.memory_space<semaphore_mem>>
      %dma_start3A_202 = arith.constant 0 : i32
      %dma_start3A_203 = arith.constant 0 : i32
      %dma_start3A_204 = tpu.memref_slice %arg6[%arg0, %arg1, %dma_start3A_202, %dma_start3A_203] : memref<2x16x640x32xbf16, #tpu.memory_space<hbm>> -> memref<1x1x640x32xbf16, #tpu.memory_space<hbm>>
      %dma_start3A_205 = tpu.memref_squeeze %dma_start3A_204 : memref<1x1x640x32xbf16, #tpu.memory_space<hbm>> -> memref<640x32xbf16, #tpu.memory_space<hbm>>
      %dma_start3A_206 = arith.constant 0 : i32
      %dma_start3A_207 = tpu.memref_slice %arg10[%mul3A_201, %dma_start3A_206] : memref<10240x32xbf16, #tpu.memory_space<vmem_shared>> -> memref<640x32xbf16, #tpu.memory_space<vmem_shared>>
      tpu.enqueue_dma source(%dma_start3A_207 : memref<640x32xbf16, #tpu.memory_space<vmem_shared>>) target(%dma_start3A_205 : memref<640x32xbf16, #tpu.memory_space<hbm>>) target_semaphore(%run_scoped3A : memref<!tpu.dma_semaphore, #tpu.memory_space<semaphore_mem>>)
      %dma_wait3A_208 = arith.constant 0 : i32
      %dma_wait3A_209 = arith.constant 0 : i32
      %dma_wait3A_210 = tpu.memref_slice %arg6[%arg0, %arg1, %dma_wait3A_208, %dma_wait3A_209] : memref<2x16x640x32xbf16, #tpu.memory_space<hbm>> -> memref<1x1x640x32xbf16, #tpu.memory_space<hbm>>
      %dma_wait3A_211 = tpu.memref_squeeze %dma_wait3A_210 : memref<1x1x640x32xbf16, #tpu.memory_space<hbm>> -> memref<640x32xbf16, #tpu.memory_space<hbm>>
      %dma_wait3A_212 = arith.constant 0 : i32
      %dma_wait3A_213 = tpu.memref_slice %arg10[%mul3A_201, %dma_wait3A_212] : memref<10240x32xbf16, #tpu.memory_space<vmem_shared>> -> memref<640x32xbf16, #tpu.memory_space<vmem_shared>>
      tpu.wait_dma2 semaphore(%run_scoped3A : memref<!tpu.dma_semaphore, #tpu.memory_space<semaphore_mem>>) src(%dma_wait3A_213 : memref<640x32xbf16, #tpu.memory_space<vmem_shared>>) dst(%dma_wait3A_211 : memref<640x32xbf16, #tpu.memory_space<hbm>>)
      tpu.yield
    }) : () -> ()
    return
  }
}

#map = affine_map<(d0, d1) -> (0, 0)>
#map1 = affine_map<(d0, d1) -> (0, 0, 0)>
#map2 = affine_map<(d0, d1) -> (0, 0, 0, 0)>
module attributes {stable_mosaic.version = 14 : i64} {
  func.func @agg(%arg0: i32, %arg1: i32, %arg2: memref<20000x64xbf16, #tpu.memory_space<hbm>>, %arg3: memref<2x2560x128xi32, #tpu.memory_space<hbm>>, %arg4: memref<2560x128xi32, #tpu.memory_space<hbm>>, %arg5: memref<640x64xbf16, #tpu.memory_space<hbm>>, %arg6: memref<2x16x640x64xbf16, #tpu.memory_space<hbm>>, %arg7: memref<160x128xi32, #tpu.memory_space<vmem>>, %arg8: memref<160x128xi32, #tpu.memory_space<vmem>>, %arg9: memref<8x128x64xbf16, #tpu.memory_space<vmem>>, %arg10: memref<10240x64xbf16, #tpu.memory_space<vmem_shared>>, %arg11: memref<!tpu.dma_semaphore, #tpu.memory_space<semaphore_mem>>, %arg12: memref<!tpu.dma_semaphore, #tpu.memory_space<semaphore_mem>>, %arg13: memref<!tpu.dma_semaphore, #tpu.memory_space<semaphore_mem>>, %arg14: memref<!tpu.dma_semaphore, #tpu.memory_space<semaphore_mem>>, %arg15: memref<!tpu.dma_semaphore, #tpu.memory_space<semaphore_mem>>, %arg16: memref<!tpu.dma_semaphore, #tpu.memory_space<semaphore_mem>>, %arg17: memref<!tpu.dma_semaphore, #tpu.memory_space<semaphore_mem>>, %arg18: memref<!tpu.dma_semaphore, #tpu.memory_space<semaphore_mem>>, %arg19: memref<!tpu.dma_semaphore, #tpu.memory_space<semaphore_mem>>, %arg20: memref<!tpu.dma_semaphore, #tpu.memory_space<semaphore_mem>>, %arg21: memref<!tpu.dma_semaphore, #tpu.memory_space<semaphore_mem>>, %arg22: memref<!tpu.dma_semaphore, #tpu.memory_space<semaphore_mem>>, %arg23: memref<!tpu.dma_semaphore, #tpu.memory_space<semaphore_mem>>, %arg24: memref<!tpu.dma_semaphore, #tpu.memory_space<semaphore_mem>>, %arg25: memref<!tpu.dma_semaphore, #tpu.memory_space<semaphore_mem>>, %arg26: memref<!tpu.dma_semaphore, #tpu.memory_space<semaphore_mem>>) attributes {dimension_semantics = [#tpu.dimension_semantics<core_parallel>, #tpu.dimension_semantics<subcore_parallel>], iteration_bounds = array<i64: 2, 16>, scalar_prefetch = 0 : i64, scratch_operands = 20 : i64, tpu.core_type = #tpu.core_type<sc_vector_subcore>, window_params = [{transform_indices = #map}, {transform_indices = #map1}, {transform_indices = #map}, {transform_indices = #map}, {transform_indices = #map2}]} {
    %mul3A = arith.constant 640 : i32
    %mul3A_0 = arith.muli %arg1, %mul3A : i32
    "tpu.region"() ({
      %run_scoped3A = tpu.sem_alloc : memref<!tpu.dma_semaphore, #tpu.memory_space<semaphore_mem>>
      %dma_start3A_202 = arith.constant 0 : i32
      %dma_start3A_203 = tpu.memref_slice %arg10[%mul3A_0, %dma_start3A_202] : memref<10240x64xbf16, #tpu.memory_space<vmem_shared>> -> memref<640x64xbf16, #tpu.memory_space<vmem_shared>>
      tpu.enqueue_dma source(%arg5 : memref<640x64xbf16, #tpu.memory_space<hbm>>) target(%dma_start3A_203 : memref<640x64xbf16, #tpu.memory_space<vmem_shared>>) target_semaphore(%run_scoped3A : memref<!tpu.dma_semaphore, #tpu.memory_space<semaphore_mem>>)
      %dma_wait3A_204 = arith.constant 0 : i32
      %dma_wait3A_205 = tpu.memref_slice %arg10[%mul3A_0, %dma_wait3A_204] : memref<10240x64xbf16, #tpu.memory_space<vmem_shared>> -> memref<640x64xbf16, #tpu.memory_space<vmem_shared>>
      tpu.wait_dma2 semaphore(%run_scoped3A : memref<!tpu.dma_semaphore, #tpu.memory_space<semaphore_mem>>) src(%arg5 : memref<640x64xbf16, #tpu.memory_space<hbm>>) dst(%dma_wait3A_205 : memref<640x64xbf16, #tpu.memory_space<vmem_shared>>)
      tpu.yield
    }) : () -> ()
    %barrier3A = arith.constant 0 : index
    tpu.barrier barrier_id(%barrier3A)
    %mul3A_1 = arith.constant 160 : i32
    %mul3A_2 = arith.muli %arg1, %mul3A_1 : i32
    %add3A = arith.constant 0 : i32
    %add3A_3 = arith.addi %mul3A_2, %add3A : i32
    "tpu.region"() ({
      %run_scoped3A = tpu.sem_alloc : memref<!tpu.dma_semaphore, #tpu.memory_space<semaphore_mem>>
      %dma_start3A_202 = arith.constant 0 : i32
      %dma_start3A_203 = tpu.memref_slice %arg3[%arg0, %add3A_3, %dma_start3A_202] : memref<2x2560x128xi32, #tpu.memory_space<hbm>> -> memref<1x160x128xi32, #tpu.memory_space<hbm>>
      %dma_start3A_204 = tpu.memref_squeeze %dma_start3A_203 : memref<1x160x128xi32, #tpu.memory_space<hbm>> -> memref<160x128xi32, #tpu.memory_space<hbm>>
      %dma_start3A_205 = arith.constant 0 : i32
      %dma_start3A_206 = tpu.memref_slice %arg3[%arg0, %add3A_3, %dma_start3A_205] : memref<2x2560x128xi32, #tpu.memory_space<hbm>> -> memref<1x160x128xi32, #tpu.memory_space<hbm>>
      %dma_start3A_207 = tpu.memref_squeeze %dma_start3A_206 : memref<1x160x128xi32, #tpu.memory_space<hbm>> -> memref<160x128xi32, #tpu.memory_space<hbm>>
      tpu.enqueue_dma source(%dma_start3A_207 : memref<160x128xi32, #tpu.memory_space<hbm>>) target(%arg7 : memref<160x128xi32, #tpu.memory_space<vmem>>) target_semaphore(%run_scoped3A : memref<!tpu.dma_semaphore, #tpu.memory_space<semaphore_mem>>)
      %dma_wait3A_208 = arith.constant 0 : i32
      %dma_wait3A_209 = tpu.memref_slice %arg3[%arg0, %add3A_3, %dma_wait3A_208] : memref<2x2560x128xi32, #tpu.memory_space<hbm>> -> memref<1x160x128xi32, #tpu.memory_space<hbm>>
      %dma_wait3A_210 = tpu.memref_squeeze %dma_wait3A_209 : memref<1x160x128xi32, #tpu.memory_space<hbm>> -> memref<160x128xi32, #tpu.memory_space<hbm>>
      %dma_wait3A_211 = arith.constant 0 : i32
      %dma_wait3A_212 = tpu.memref_slice %arg3[%arg0, %add3A_3, %dma_wait3A_211] : memref<2x2560x128xi32, #tpu.memory_space<hbm>> -> memref<1x160x128xi32, #tpu.memory_space<hbm>>
      %dma_wait3A_213 = tpu.memref_squeeze %dma_wait3A_212 : memref<1x160x128xi32, #tpu.memory_space<hbm>> -> memref<160x128xi32, #tpu.memory_space<hbm>>
      tpu.wait_dma2 semaphore(%run_scoped3A : memref<!tpu.dma_semaphore, #tpu.memory_space<semaphore_mem>>) src(%dma_wait3A_213 : memref<160x128xi32, #tpu.memory_space<hbm>>) dst(%arg7 : memref<160x128xi32, #tpu.memory_space<vmem>>)
      tpu.yield
    }) : () -> ()
    "tpu.region"() ({
      %run_scoped3A = tpu.sem_alloc : memref<!tpu.dma_semaphore, #tpu.memory_space<semaphore_mem>>
      %dma_start3A_202 = arith.constant 0 : i32
      %dma_start3A_203 = tpu.memref_slice %arg4[%add3A_3, %dma_start3A_202] : memref<2560x128xi32, #tpu.memory_space<hbm>> -> memref<160x128xi32, #tpu.memory_space<hbm>>
      %dma_start3A_204 = arith.constant 0 : i32
      %dma_start3A_205 = tpu.memref_slice %arg4[%add3A_3, %dma_start3A_204] : memref<2560x128xi32, #tpu.memory_space<hbm>> -> memref<160x128xi32, #tpu.memory_space<hbm>>
      tpu.enqueue_dma source(%dma_start3A_205 : memref<160x128xi32, #tpu.memory_space<hbm>>) target(%arg8 : memref<160x128xi32, #tpu.memory_space<vmem>>) target_semaphore(%run_scoped3A : memref<!tpu.dma_semaphore, #tpu.memory_space<semaphore_mem>>)
      %dma_wait3A_206 = arith.constant 0 : i32
      %dma_wait3A_207 = tpu.memref_slice %arg4[%add3A_3, %dma_wait3A_206] : memref<2560x128xi32, #tpu.memory_space<hbm>> -> memref<160x128xi32, #tpu.memory_space<hbm>>
      %dma_wait3A_208 = arith.constant 0 : i32
      %dma_wait3A_209 = tpu.memref_slice %arg4[%add3A_3, %dma_wait3A_208] : memref<2560x128xi32, #tpu.memory_space<hbm>> -> memref<160x128xi32, #tpu.memory_space<hbm>>
      tpu.wait_dma2 semaphore(%run_scoped3A : memref<!tpu.dma_semaphore, #tpu.memory_space<semaphore_mem>>) src(%dma_wait3A_209 : memref<160x128xi32, #tpu.memory_space<hbm>>) dst(%arg8 : memref<160x128xi32, #tpu.memory_space<vmem>>)
      tpu.yield
    }) : () -> ()
    %dma_start3A = arith.constant 0 : i32
    %dma_start3A_4 = arith.constant 0 : i32
    %dma_start3A_5 = arith.constant 0 : i32
    %dma_start3A_6 = arith.constant 0 : i32
    %dma_start3A_7 = tpu.memref_slice %arg9[%dma_start3A_4, %dma_start3A_5, %dma_start3A_6] : memref<8x128x64xbf16, #tpu.memory_space<vmem>> -> memref<1x128x64xbf16, #tpu.memory_space<vmem>>
    %dma_start3A_8 = tpu.memref_squeeze %dma_start3A_7 : memref<1x128x64xbf16, #tpu.memory_space<vmem>> -> memref<128x64xbf16, #tpu.memory_space<vmem>>
    %dma_start3A_9 = arith.constant 0 : i32
    %dma_start3A_10 = tpu.memref_slice %arg7[%dma_start3A, %dma_start3A_9] : memref<160x128xi32, #tpu.memory_space<vmem>> -> memref<1x128xi32, #tpu.memory_space<vmem>>
    %dma_start3A_11 = tpu.memref_squeeze %dma_start3A_10 : memref<1x128xi32, #tpu.memory_space<vmem>> -> memref<128xi32, #tpu.memory_space<vmem>>
    %dma_start3A_12 = arith.constant 0 : i32
    %dma_start3A_13 = arith.constant 0 : i32
    %dma_start3A_14 = tpu.memref_slice %arg2[%dma_start3A_12, %dma_start3A_13] : memref<20000x64xbf16, #tpu.memory_space<hbm>> -> memref<20000x64xbf16, #tpu.memory_space<hbm>>
    tpu.enqueue_indirect_dma source(%dma_start3A_14 : memref<20000x64xbf16, #tpu.memory_space<hbm>>) target(%dma_start3A_8 : memref<128x64xbf16, #tpu.memory_space<vmem>>) offsets(%dma_start3A_11 : memref<128xi32, #tpu.memory_space<vmem>>) semaphore(%arg11 : memref<!tpu.dma_semaphore, #tpu.memory_space<semaphore_mem>>)
    %dma_start3A_15 = arith.constant 1 : i32
    %dma_start3A_16 = arith.constant 1 : i32
    %dma_start3A_17 = arith.constant 0 : i32
    %dma_start3A_18 = arith.constant 0 : i32
    %dma_start3A_19 = tpu.memref_slice %arg9[%dma_start3A_16, %dma_start3A_17, %dma_start3A_18] : memref<8x128x64xbf16, #tpu.memory_space<vmem>> -> memref<1x128x64xbf16, #tpu.memory_space<vmem>>
    %dma_start3A_20 = tpu.memref_squeeze %dma_start3A_19 : memref<1x128x64xbf16, #tpu.memory_space<vmem>> -> memref<128x64xbf16, #tpu.memory_space<vmem>>
    %dma_start3A_21 = arith.constant 0 : i32
    %dma_start3A_22 = tpu.memref_slice %arg7[%dma_start3A_15, %dma_start3A_21] : memref<160x128xi32, #tpu.memory_space<vmem>> -> memref<1x128xi32, #tpu.memory_space<vmem>>
    %dma_start3A_23 = tpu.memref_squeeze %dma_start3A_22 : memref<1x128xi32, #tpu.memory_space<vmem>> -> memref<128xi32, #tpu.memory_space<vmem>>
    %dma_start3A_24 = arith.constant 0 : i32
    %dma_start3A_25 = arith.constant 0 : i32
    %dma_start3A_26 = tpu.memref_slice %arg2[%dma_start3A_24, %dma_start3A_25] : memref<20000x64xbf16, #tpu.memory_space<hbm>> -> memref<20000x64xbf16, #tpu.memory_space<hbm>>
    tpu.enqueue_indirect_dma source(%dma_start3A_26 : memref<20000x64xbf16, #tpu.memory_space<hbm>>) target(%dma_start3A_20 : memref<128x64xbf16, #tpu.memory_space<vmem>>) offsets(%dma_start3A_23 : memref<128xi32, #tpu.memory_space<vmem>>) semaphore(%arg12 : memref<!tpu.dma_semaphore, #tpu.memory_space<semaphore_mem>>)
    %dma_start3A_27 = arith.constant 2 : i32
    %dma_start3A_28 = arith.constant 2 : i32
    %dma_start3A_29 = arith.constant 0 : i32
    %dma_start3A_30 = arith.constant 0 : i32
    %dma_start3A_31 = tpu.memref_slice %arg9[%dma_start3A_28, %dma_start3A_29, %dma_start3A_30] : memref<8x128x64xbf16, #tpu.memory_space<vmem>> -> memref<1x128x64xbf16, #tpu.memory_space<vmem>>
    %dma_start3A_32 = tpu.memref_squeeze %dma_start3A_31 : memref<1x128x64xbf16, #tpu.memory_space<vmem>> -> memref<128x64xbf16, #tpu.memory_space<vmem>>
    %dma_start3A_33 = arith.constant 0 : i32
    %dma_start3A_34 = tpu.memref_slice %arg7[%dma_start3A_27, %dma_start3A_33] : memref<160x128xi32, #tpu.memory_space<vmem>> -> memref<1x128xi32, #tpu.memory_space<vmem>>
    %dma_start3A_35 = tpu.memref_squeeze %dma_start3A_34 : memref<1x128xi32, #tpu.memory_space<vmem>> -> memref<128xi32, #tpu.memory_space<vmem>>
    %dma_start3A_36 = arith.constant 0 : i32
    %dma_start3A_37 = arith.constant 0 : i32
    %dma_start3A_38 = tpu.memref_slice %arg2[%dma_start3A_36, %dma_start3A_37] : memref<20000x64xbf16, #tpu.memory_space<hbm>> -> memref<20000x64xbf16, #tpu.memory_space<hbm>>
    tpu.enqueue_indirect_dma source(%dma_start3A_38 : memref<20000x64xbf16, #tpu.memory_space<hbm>>) target(%dma_start3A_32 : memref<128x64xbf16, #tpu.memory_space<vmem>>) offsets(%dma_start3A_35 : memref<128xi32, #tpu.memory_space<vmem>>) semaphore(%arg13 : memref<!tpu.dma_semaphore, #tpu.memory_space<semaphore_mem>>)
    %dma_start3A_39 = arith.constant 3 : i32
    %dma_start3A_40 = arith.constant 3 : i32
    %dma_start3A_41 = arith.constant 0 : i32
    %dma_start3A_42 = arith.constant 0 : i32
    %dma_start3A_43 = tpu.memref_slice %arg9[%dma_start3A_40, %dma_start3A_41, %dma_start3A_42] : memref<8x128x64xbf16, #tpu.memory_space<vmem>> -> memref<1x128x64xbf16, #tpu.memory_space<vmem>>
    %dma_start3A_44 = tpu.memref_squeeze %dma_start3A_43 : memref<1x128x64xbf16, #tpu.memory_space<vmem>> -> memref<128x64xbf16, #tpu.memory_space<vmem>>
    %dma_start3A_45 = arith.constant 0 : i32
    %dma_start3A_46 = tpu.memref_slice %arg7[%dma_start3A_39, %dma_start3A_45] : memref<160x128xi32, #tpu.memory_space<vmem>> -> memref<1x128xi32, #tpu.memory_space<vmem>>
    %dma_start3A_47 = tpu.memref_squeeze %dma_start3A_46 : memref<1x128xi32, #tpu.memory_space<vmem>> -> memref<128xi32, #tpu.memory_space<vmem>>
    %dma_start3A_48 = arith.constant 0 : i32
    %dma_start3A_49 = arith.constant 0 : i32
    %dma_start3A_50 = tpu.memref_slice %arg2[%dma_start3A_48, %dma_start3A_49] : memref<20000x64xbf16, #tpu.memory_space<hbm>> -> memref<20000x64xbf16, #tpu.memory_space<hbm>>
    tpu.enqueue_indirect_dma source(%dma_start3A_50 : memref<20000x64xbf16, #tpu.memory_space<hbm>>) target(%dma_start3A_44 : memref<128x64xbf16, #tpu.memory_space<vmem>>) offsets(%dma_start3A_47 : memref<128xi32, #tpu.memory_space<vmem>>) semaphore(%arg14 : memref<!tpu.dma_semaphore, #tpu.memory_space<semaphore_mem>>)
    %dma_start3A_51 = arith.constant 4 : i32
    %dma_start3A_52 = arith.constant 4 : i32
    %dma_start3A_53 = arith.constant 0 : i32
    %dma_start3A_54 = arith.constant 0 : i32
    %dma_start3A_55 = tpu.memref_slice %arg9[%dma_start3A_52, %dma_start3A_53, %dma_start3A_54] : memref<8x128x64xbf16, #tpu.memory_space<vmem>> -> memref<1x128x64xbf16, #tpu.memory_space<vmem>>
    %dma_start3A_56 = tpu.memref_squeeze %dma_start3A_55 : memref<1x128x64xbf16, #tpu.memory_space<vmem>> -> memref<128x64xbf16, #tpu.memory_space<vmem>>
    %dma_start3A_57 = arith.constant 0 : i32
    %dma_start3A_58 = tpu.memref_slice %arg7[%dma_start3A_51, %dma_start3A_57] : memref<160x128xi32, #tpu.memory_space<vmem>> -> memref<1x128xi32, #tpu.memory_space<vmem>>
    %dma_start3A_59 = tpu.memref_squeeze %dma_start3A_58 : memref<1x128xi32, #tpu.memory_space<vmem>> -> memref<128xi32, #tpu.memory_space<vmem>>
    %dma_start3A_60 = arith.constant 0 : i32
    %dma_start3A_61 = arith.constant 0 : i32
    %dma_start3A_62 = tpu.memref_slice %arg2[%dma_start3A_60, %dma_start3A_61] : memref<20000x64xbf16, #tpu.memory_space<hbm>> -> memref<20000x64xbf16, #tpu.memory_space<hbm>>
    tpu.enqueue_indirect_dma source(%dma_start3A_62 : memref<20000x64xbf16, #tpu.memory_space<hbm>>) target(%dma_start3A_56 : memref<128x64xbf16, #tpu.memory_space<vmem>>) offsets(%dma_start3A_59 : memref<128xi32, #tpu.memory_space<vmem>>) semaphore(%arg15 : memref<!tpu.dma_semaphore, #tpu.memory_space<semaphore_mem>>)
    %dma_start3A_63 = arith.constant 5 : i32
    %dma_start3A_64 = arith.constant 5 : i32
    %dma_start3A_65 = arith.constant 0 : i32
    %dma_start3A_66 = arith.constant 0 : i32
    %dma_start3A_67 = tpu.memref_slice %arg9[%dma_start3A_64, %dma_start3A_65, %dma_start3A_66] : memref<8x128x64xbf16, #tpu.memory_space<vmem>> -> memref<1x128x64xbf16, #tpu.memory_space<vmem>>
    %dma_start3A_68 = tpu.memref_squeeze %dma_start3A_67 : memref<1x128x64xbf16, #tpu.memory_space<vmem>> -> memref<128x64xbf16, #tpu.memory_space<vmem>>
    %dma_start3A_69 = arith.constant 0 : i32
    %dma_start3A_70 = tpu.memref_slice %arg7[%dma_start3A_63, %dma_start3A_69] : memref<160x128xi32, #tpu.memory_space<vmem>> -> memref<1x128xi32, #tpu.memory_space<vmem>>
    %dma_start3A_71 = tpu.memref_squeeze %dma_start3A_70 : memref<1x128xi32, #tpu.memory_space<vmem>> -> memref<128xi32, #tpu.memory_space<vmem>>
    %dma_start3A_72 = arith.constant 0 : i32
    %dma_start3A_73 = arith.constant 0 : i32
    %dma_start3A_74 = tpu.memref_slice %arg2[%dma_start3A_72, %dma_start3A_73] : memref<20000x64xbf16, #tpu.memory_space<hbm>> -> memref<20000x64xbf16, #tpu.memory_space<hbm>>
    tpu.enqueue_indirect_dma source(%dma_start3A_74 : memref<20000x64xbf16, #tpu.memory_space<hbm>>) target(%dma_start3A_68 : memref<128x64xbf16, #tpu.memory_space<vmem>>) offsets(%dma_start3A_71 : memref<128xi32, #tpu.memory_space<vmem>>) semaphore(%arg16 : memref<!tpu.dma_semaphore, #tpu.memory_space<semaphore_mem>>)
    %dma_start3A_75 = arith.constant 6 : i32
    %dma_start3A_76 = arith.constant 6 : i32
    %dma_start3A_77 = arith.constant 0 : i32
    %dma_start3A_78 = arith.constant 0 : i32
    %dma_start3A_79 = tpu.memref_slice %arg9[%dma_start3A_76, %dma_start3A_77, %dma_start3A_78] : memref<8x128x64xbf16, #tpu.memory_space<vmem>> -> memref<1x128x64xbf16, #tpu.memory_space<vmem>>
    %dma_start3A_80 = tpu.memref_squeeze %dma_start3A_79 : memref<1x128x64xbf16, #tpu.memory_space<vmem>> -> memref<128x64xbf16, #tpu.memory_space<vmem>>
    %dma_start3A_81 = arith.constant 0 : i32
    %dma_start3A_82 = tpu.memref_slice %arg7[%dma_start3A_75, %dma_start3A_81] : memref<160x128xi32, #tpu.memory_space<vmem>> -> memref<1x128xi32, #tpu.memory_space<vmem>>
    %dma_start3A_83 = tpu.memref_squeeze %dma_start3A_82 : memref<1x128xi32, #tpu.memory_space<vmem>> -> memref<128xi32, #tpu.memory_space<vmem>>
    %dma_start3A_84 = arith.constant 0 : i32
    %dma_start3A_85 = arith.constant 0 : i32
    %dma_start3A_86 = tpu.memref_slice %arg2[%dma_start3A_84, %dma_start3A_85] : memref<20000x64xbf16, #tpu.memory_space<hbm>> -> memref<20000x64xbf16, #tpu.memory_space<hbm>>
    tpu.enqueue_indirect_dma source(%dma_start3A_86 : memref<20000x64xbf16, #tpu.memory_space<hbm>>) target(%dma_start3A_80 : memref<128x64xbf16, #tpu.memory_space<vmem>>) offsets(%dma_start3A_83 : memref<128xi32, #tpu.memory_space<vmem>>) semaphore(%arg17 : memref<!tpu.dma_semaphore, #tpu.memory_space<semaphore_mem>>)
    %dma_start3A_87 = arith.constant 7 : i32
    %dma_start3A_88 = arith.constant 7 : i32
    %dma_start3A_89 = arith.constant 0 : i32
    %dma_start3A_90 = arith.constant 0 : i32
    %dma_start3A_91 = tpu.memref_slice %arg9[%dma_start3A_88, %dma_start3A_89, %dma_start3A_90] : memref<8x128x64xbf16, #tpu.memory_space<vmem>> -> memref<1x128x64xbf16, #tpu.memory_space<vmem>>
    %dma_start3A_92 = tpu.memref_squeeze %dma_start3A_91 : memref<1x128x64xbf16, #tpu.memory_space<vmem>> -> memref<128x64xbf16, #tpu.memory_space<vmem>>
    %dma_start3A_93 = arith.constant 0 : i32
    %dma_start3A_94 = tpu.memref_slice %arg7[%dma_start3A_87, %dma_start3A_93] : memref<160x128xi32, #tpu.memory_space<vmem>> -> memref<1x128xi32, #tpu.memory_space<vmem>>
    %dma_start3A_95 = tpu.memref_squeeze %dma_start3A_94 : memref<1x128xi32, #tpu.memory_space<vmem>> -> memref<128xi32, #tpu.memory_space<vmem>>
    %dma_start3A_96 = arith.constant 0 : i32
    %dma_start3A_97 = arith.constant 0 : i32
    %dma_start3A_98 = tpu.memref_slice %arg2[%dma_start3A_96, %dma_start3A_97] : memref<20000x64xbf16, #tpu.memory_space<hbm>> -> memref<20000x64xbf16, #tpu.memory_space<hbm>>
    tpu.enqueue_indirect_dma source(%dma_start3A_98 : memref<20000x64xbf16, #tpu.memory_space<hbm>>) target(%dma_start3A_92 : memref<128x64xbf16, #tpu.memory_space<vmem>>) offsets(%dma_start3A_95 : memref<128xi32, #tpu.memory_space<vmem>>) semaphore(%arg18 : memref<!tpu.dma_semaphore, #tpu.memory_space<semaphore_mem>>)
    %scan3A = arith.constant 0 : i32
    %scan3A_99 = arith.constant 0 : i32
    %scan3A_100 = arith.constant 20 : i32
    %scan3A_101 = arith.addi %scan3A_99, %scan3A_100 : i32
    %scan3A_102 = arith.constant 1 : i32
    scf.for %scan3A_202 = %scan3A_99 to %scan3A_101 step %scan3A_102  : i32 {
      %mul3A_203 = arith.constant 8 : i32
      %mul3A_204 = arith.muli %scan3A_202, %mul3A_203 : i32
      %add3A_205 = arith.constant 0 : i32
      %add3A_206 = arith.addi %mul3A_204, %add3A_205 : i32
      %dma_wait3A_207 = arith.constant 0 : i32
      %dma_wait3A_208 = arith.constant 0 : i32
      %dma_wait3A_209 = arith.constant 0 : i32
      %dma_wait3A_210 = tpu.memref_slice %arg9[%dma_wait3A_207, %dma_wait3A_208, %dma_wait3A_209] : memref<8x128x64xbf16, #tpu.memory_space<vmem>> -> memref<1x128x64xbf16, #tpu.memory_space<vmem>>
      %dma_wait3A_211 = tpu.memref_squeeze %dma_wait3A_210 : memref<1x128x64xbf16, #tpu.memory_space<vmem>> -> memref<128x64xbf16, #tpu.memory_space<vmem>>
      %dma_wait3A_212 = arith.constant 0 : i32
      %dma_wait3A_213 = tpu.memref_slice %arg7[%add3A_206, %dma_wait3A_212] : memref<160x128xi32, #tpu.memory_space<vmem>> -> memref<1x128xi32, #tpu.memory_space<vmem>>
      %dma_wait3A_214 = tpu.memref_squeeze %dma_wait3A_213 : memref<1x128xi32, #tpu.memory_space<vmem>> -> memref<128xi32, #tpu.memory_space<vmem>>
      %dma_wait3A_215 = arith.constant 0 : i32
      %dma_wait3A_216 = arith.constant 0 : i32
      %dma_wait3A_217 = tpu.memref_slice %arg2[%dma_wait3A_215, %dma_wait3A_216] : memref<20000x64xbf16, #tpu.memory_space<hbm>> -> memref<20000x64xbf16, #tpu.memory_space<hbm>>
      tpu.wait_indirect_dma semaphore(%arg11 : memref<!tpu.dma_semaphore, #tpu.memory_space<semaphore_mem>>) src(%dma_wait3A_217 : memref<20000x64xbf16, #tpu.memory_space<hbm>>) dst(%dma_wait3A_211 : memref<128x64xbf16, #tpu.memory_space<vmem>>)
      %dma_start3A_218 = arith.constant 0 : i32
      %dma_start3A_219 = arith.constant 0 : i32
      %dma_start3A_220 = arith.constant 0 : i32
      %dma_start3A_221 = tpu.memref_slice %arg9[%dma_start3A_218, %dma_start3A_219, %dma_start3A_220] : memref<8x128x64xbf16, #tpu.memory_space<vmem>> -> memref<1x128x64xbf16, #tpu.memory_space<vmem>>
      %dma_start3A_222 = tpu.memref_squeeze %dma_start3A_221 : memref<1x128x64xbf16, #tpu.memory_space<vmem>> -> memref<128x64xbf16, #tpu.memory_space<vmem>>
      %dma_start3A_223 = arith.constant 0 : i32
      %dma_start3A_224 = tpu.memref_slice %arg8[%add3A_206, %dma_start3A_223] : memref<160x128xi32, #tpu.memory_space<vmem>> -> memref<1x128xi32, #tpu.memory_space<vmem>>
      %dma_start3A_225 = tpu.memref_squeeze %dma_start3A_224 : memref<1x128xi32, #tpu.memory_space<vmem>> -> memref<128xi32, #tpu.memory_space<vmem>>
      %dma_start3A_226 = arith.constant 0 : i32
      %dma_start3A_227 = arith.constant 0 : i32
      %dma_start3A_228 = tpu.memref_slice %arg10[%dma_start3A_226, %dma_start3A_227] : memref<10240x64xbf16, #tpu.memory_space<vmem_shared>> -> memref<10240x64xbf16, #tpu.memory_space<vmem_shared>>
      tpu.enqueue_indirect_dma source(%dma_start3A_222 : memref<128x64xbf16, #tpu.memory_space<vmem>>) target(%dma_start3A_228 : memref<10240x64xbf16, #tpu.memory_space<vmem_shared>>) offsets(%dma_start3A_225 : memref<128xi32, #tpu.memory_space<vmem>>) semaphore(%arg19 : memref<!tpu.dma_semaphore, #tpu.memory_space<semaphore_mem>>) {add = true}
      %add3A_229 = arith.constant 8 : i32
      %add3A_230 = arith.addi %add3A_206, %add3A_229 : i32
      %lt3A = arith.constant 160 : i32
      %lt3A_231 = arith.cmpi slt, %add3A_230, %lt3A : i32
      %convert_element_type3A = arith.extui %lt3A_231 : i1 to i32
      %cond3A = arith.constant 0 : i32
      %cond3A_232 = arith.cmpi ne, %convert_element_type3A, %cond3A : i32
      scf.if %cond3A_232 {
        %dma_wait3A_464 = arith.constant 0 : i32
        %dma_wait3A_465 = arith.constant 0 : i32
        %dma_wait3A_466 = arith.constant 0 : i32
        %dma_wait3A_467 = tpu.memref_slice %arg9[%dma_wait3A_464, %dma_wait3A_465, %dma_wait3A_466] : memref<8x128x64xbf16, #tpu.memory_space<vmem>> -> memref<1x128x64xbf16, #tpu.memory_space<vmem>>
        %dma_wait3A_468 = tpu.memref_squeeze %dma_wait3A_467 : memref<1x128x64xbf16, #tpu.memory_space<vmem>> -> memref<128x64xbf16, #tpu.memory_space<vmem>>
        %dma_wait3A_469 = arith.constant 0 : i32
        %dma_wait3A_470 = tpu.memref_slice %arg8[%add3A_206, %dma_wait3A_469] : memref<160x128xi32, #tpu.memory_space<vmem>> -> memref<1x128xi32, #tpu.memory_space<vmem>>
        %dma_wait3A_471 = tpu.memref_squeeze %dma_wait3A_470 : memref<1x128xi32, #tpu.memory_space<vmem>> -> memref<128xi32, #tpu.memory_space<vmem>>
        %dma_wait3A_472 = arith.constant 0 : i32
        %dma_wait3A_473 = arith.constant 0 : i32
        %dma_wait3A_474 = tpu.memref_slice %arg10[%dma_wait3A_472, %dma_wait3A_473] : memref<10240x64xbf16, #tpu.memory_space<vmem_shared>> -> memref<10240x64xbf16, #tpu.memory_space<vmem_shared>>
        tpu.wait_indirect_dma semaphore(%arg19 : memref<!tpu.dma_semaphore, #tpu.memory_space<semaphore_mem>>) src(%dma_wait3A_468 : memref<128x64xbf16, #tpu.memory_space<vmem>>) dst(%dma_wait3A_474 : memref<10240x64xbf16, #tpu.memory_space<vmem_shared>>)
        %dma_start3A_475 = arith.constant 0 : i32
        %dma_start3A_476 = arith.constant 0 : i32
        %dma_start3A_477 = arith.constant 0 : i32
        %dma_start3A_478 = tpu.memref_slice %arg9[%dma_start3A_475, %dma_start3A_476, %dma_start3A_477] : memref<8x128x64xbf16, #tpu.memory_space<vmem>> -> memref<1x128x64xbf16, #tpu.memory_space<vmem>>
        %dma_start3A_479 = tpu.memref_squeeze %dma_start3A_478 : memref<1x128x64xbf16, #tpu.memory_space<vmem>> -> memref<128x64xbf16, #tpu.memory_space<vmem>>
        %dma_start3A_480 = arith.constant 0 : i32
        %dma_start3A_481 = tpu.memref_slice %arg7[%add3A_230, %dma_start3A_480] : memref<160x128xi32, #tpu.memory_space<vmem>> -> memref<1x128xi32, #tpu.memory_space<vmem>>
        %dma_start3A_482 = tpu.memref_squeeze %dma_start3A_481 : memref<1x128xi32, #tpu.memory_space<vmem>> -> memref<128xi32, #tpu.memory_space<vmem>>
        %dma_start3A_483 = arith.constant 0 : i32
        %dma_start3A_484 = arith.constant 0 : i32
        %dma_start3A_485 = tpu.memref_slice %arg2[%dma_start3A_483, %dma_start3A_484] : memref<20000x64xbf16, #tpu.memory_space<hbm>> -> memref<20000x64xbf16, #tpu.memory_space<hbm>>
        tpu.enqueue_indirect_dma source(%dma_start3A_485 : memref<20000x64xbf16, #tpu.memory_space<hbm>>) target(%dma_start3A_479 : memref<128x64xbf16, #tpu.memory_space<vmem>>) offsets(%dma_start3A_482 : memref<128xi32, #tpu.memory_space<vmem>>) semaphore(%arg11 : memref<!tpu.dma_semaphore, #tpu.memory_space<semaphore_mem>>)
      } else {
      }
      %mul3A_233 = arith.constant 8 : i32
      %mul3A_234 = arith.muli %scan3A_202, %mul3A_233 : i32
      %add3A_235 = arith.constant 1 : i32
      %add3A_236 = arith.addi %mul3A_234, %add3A_235 : i32
      %dma_wait3A_237 = arith.constant 1 : i32
      %dma_wait3A_238 = arith.constant 0 : i32
      %dma_wait3A_239 = arith.constant 0 : i32
      %dma_wait3A_240 = tpu.memref_slice %arg9[%dma_wait3A_237, %dma_wait3A_238, %dma_wait3A_239] : memref<8x128x64xbf16, #tpu.memory_space<vmem>> -> memref<1x128x64xbf16, #tpu.memory_space<vmem>>
      %dma_wait3A_241 = tpu.memref_squeeze %dma_wait3A_240 : memref<1x128x64xbf16, #tpu.memory_space<vmem>> -> memref<128x64xbf16, #tpu.memory_space<vmem>>
      %dma_wait3A_242 = arith.constant 0 : i32
      %dma_wait3A_243 = tpu.memref_slice %arg7[%add3A_236, %dma_wait3A_242] : memref<160x128xi32, #tpu.memory_space<vmem>> -> memref<1x128xi32, #tpu.memory_space<vmem>>
      %dma_wait3A_244 = tpu.memref_squeeze %dma_wait3A_243 : memref<1x128xi32, #tpu.memory_space<vmem>> -> memref<128xi32, #tpu.memory_space<vmem>>
      %dma_wait3A_245 = arith.constant 0 : i32
      %dma_wait3A_246 = arith.constant 0 : i32
      %dma_wait3A_247 = tpu.memref_slice %arg2[%dma_wait3A_245, %dma_wait3A_246] : memref<20000x64xbf16, #tpu.memory_space<hbm>> -> memref<20000x64xbf16, #tpu.memory_space<hbm>>
      tpu.wait_indirect_dma semaphore(%arg12 : memref<!tpu.dma_semaphore, #tpu.memory_space<semaphore_mem>>) src(%dma_wait3A_247 : memref<20000x64xbf16, #tpu.memory_space<hbm>>) dst(%dma_wait3A_241 : memref<128x64xbf16, #tpu.memory_space<vmem>>)
      %dma_start3A_248 = arith.constant 1 : i32
      %dma_start3A_249 = arith.constant 0 : i32
      %dma_start3A_250 = arith.constant 0 : i32
      %dma_start3A_251 = tpu.memref_slice %arg9[%dma_start3A_248, %dma_start3A_249, %dma_start3A_250] : memref<8x128x64xbf16, #tpu.memory_space<vmem>> -> memref<1x128x64xbf16, #tpu.memory_space<vmem>>
      %dma_start3A_252 = tpu.memref_squeeze %dma_start3A_251 : memref<1x128x64xbf16, #tpu.memory_space<vmem>> -> memref<128x64xbf16, #tpu.memory_space<vmem>>
      %dma_start3A_253 = arith.constant 0 : i32
      %dma_start3A_254 = tpu.memref_slice %arg8[%add3A_236, %dma_start3A_253] : memref<160x128xi32, #tpu.memory_space<vmem>> -> memref<1x128xi32, #tpu.memory_space<vmem>>
      %dma_start3A_255 = tpu.memref_squeeze %dma_start3A_254 : memref<1x128xi32, #tpu.memory_space<vmem>> -> memref<128xi32, #tpu.memory_space<vmem>>
      %dma_start3A_256 = arith.constant 0 : i32
      %dma_start3A_257 = arith.constant 0 : i32
      %dma_start3A_258 = tpu.memref_slice %arg10[%dma_start3A_256, %dma_start3A_257] : memref<10240x64xbf16, #tpu.memory_space<vmem_shared>> -> memref<10240x64xbf16, #tpu.memory_space<vmem_shared>>
      tpu.enqueue_indirect_dma source(%dma_start3A_252 : memref<128x64xbf16, #tpu.memory_space<vmem>>) target(%dma_start3A_258 : memref<10240x64xbf16, #tpu.memory_space<vmem_shared>>) offsets(%dma_start3A_255 : memref<128xi32, #tpu.memory_space<vmem>>) semaphore(%arg20 : memref<!tpu.dma_semaphore, #tpu.memory_space<semaphore_mem>>) {add = true}
      %add3A_259 = arith.constant 8 : i32
      %add3A_260 = arith.addi %add3A_236, %add3A_259 : i32
      %lt3A_261 = arith.constant 160 : i32
      %lt3A_262 = arith.cmpi slt, %add3A_260, %lt3A_261 : i32
      %convert_element_type3A_263 = arith.extui %lt3A_262 : i1 to i32
      %cond3A_264 = arith.constant 0 : i32
      %cond3A_265 = arith.cmpi ne, %convert_element_type3A_263, %cond3A_264 : i32
      scf.if %cond3A_265 {
        %dma_wait3A_464 = arith.constant 1 : i32
        %dma_wait3A_465 = arith.constant 0 : i32
        %dma_wait3A_466 = arith.constant 0 : i32
        %dma_wait3A_467 = tpu.memref_slice %arg9[%dma_wait3A_464, %dma_wait3A_465, %dma_wait3A_466] : memref<8x128x64xbf16, #tpu.memory_space<vmem>> -> memref<1x128x64xbf16, #tpu.memory_space<vmem>>
        %dma_wait3A_468 = tpu.memref_squeeze %dma_wait3A_467 : memref<1x128x64xbf16, #tpu.memory_space<vmem>> -> memref<128x64xbf16, #tpu.memory_space<vmem>>
        %dma_wait3A_469 = arith.constant 0 : i32
        %dma_wait3A_470 = tpu.memref_slice %arg8[%add3A_236, %dma_wait3A_469] : memref<160x128xi32, #tpu.memory_space<vmem>> -> memref<1x128xi32, #tpu.memory_space<vmem>>
        %dma_wait3A_471 = tpu.memref_squeeze %dma_wait3A_470 : memref<1x128xi32, #tpu.memory_space<vmem>> -> memref<128xi32, #tpu.memory_space<vmem>>
        %dma_wait3A_472 = arith.constant 0 : i32
        %dma_wait3A_473 = arith.constant 0 : i32
        %dma_wait3A_474 = tpu.memref_slice %arg10[%dma_wait3A_472, %dma_wait3A_473] : memref<10240x64xbf16, #tpu.memory_space<vmem_shared>> -> memref<10240x64xbf16, #tpu.memory_space<vmem_shared>>
        tpu.wait_indirect_dma semaphore(%arg20 : memref<!tpu.dma_semaphore, #tpu.memory_space<semaphore_mem>>) src(%dma_wait3A_468 : memref<128x64xbf16, #tpu.memory_space<vmem>>) dst(%dma_wait3A_474 : memref<10240x64xbf16, #tpu.memory_space<vmem_shared>>)
        %dma_start3A_475 = arith.constant 1 : i32
        %dma_start3A_476 = arith.constant 0 : i32
        %dma_start3A_477 = arith.constant 0 : i32
        %dma_start3A_478 = tpu.memref_slice %arg9[%dma_start3A_475, %dma_start3A_476, %dma_start3A_477] : memref<8x128x64xbf16, #tpu.memory_space<vmem>> -> memref<1x128x64xbf16, #tpu.memory_space<vmem>>
        %dma_start3A_479 = tpu.memref_squeeze %dma_start3A_478 : memref<1x128x64xbf16, #tpu.memory_space<vmem>> -> memref<128x64xbf16, #tpu.memory_space<vmem>>
        %dma_start3A_480 = arith.constant 0 : i32
        %dma_start3A_481 = tpu.memref_slice %arg7[%add3A_260, %dma_start3A_480] : memref<160x128xi32, #tpu.memory_space<vmem>> -> memref<1x128xi32, #tpu.memory_space<vmem>>
        %dma_start3A_482 = tpu.memref_squeeze %dma_start3A_481 : memref<1x128xi32, #tpu.memory_space<vmem>> -> memref<128xi32, #tpu.memory_space<vmem>>
        %dma_start3A_483 = arith.constant 0 : i32
        %dma_start3A_484 = arith.constant 0 : i32
        %dma_start3A_485 = tpu.memref_slice %arg2[%dma_start3A_483, %dma_start3A_484] : memref<20000x64xbf16, #tpu.memory_space<hbm>> -> memref<20000x64xbf16, #tpu.memory_space<hbm>>
        tpu.enqueue_indirect_dma source(%dma_start3A_485 : memref<20000x64xbf16, #tpu.memory_space<hbm>>) target(%dma_start3A_479 : memref<128x64xbf16, #tpu.memory_space<vmem>>) offsets(%dma_start3A_482 : memref<128xi32, #tpu.memory_space<vmem>>) semaphore(%arg12 : memref<!tpu.dma_semaphore, #tpu.memory_space<semaphore_mem>>)
      } else {
      }
      %mul3A_266 = arith.constant 8 : i32
      %mul3A_267 = arith.muli %scan3A_202, %mul3A_266 : i32
      %add3A_268 = arith.constant 2 : i32
      %add3A_269 = arith.addi %mul3A_267, %add3A_268 : i32
      %dma_wait3A_270 = arith.constant 2 : i32
      %dma_wait3A_271 = arith.constant 0 : i32
      %dma_wait3A_272 = arith.constant 0 : i32
      %dma_wait3A_273 = tpu.memref_slice %arg9[%dma_wait3A_270, %dma_wait3A_271, %dma_wait3A_272] : memref<8x128x64xbf16, #tpu.memory_space<vmem>> -> memref<1x128x64xbf16, #tpu.memory_space<vmem>>
      %dma_wait3A_274 = tpu.memref_squeeze %dma_wait3A_273 : memref<1x128x64xbf16, #tpu.memory_space<vmem>> -> memref<128x64xbf16, #tpu.memory_space<vmem>>
      %dma_wait3A_275 = arith.constant 0 : i32
      %dma_wait3A_276 = tpu.memref_slice %arg7[%add3A_269, %dma_wait3A_275] : memref<160x128xi32, #tpu.memory_space<vmem>> -> memref<1x128xi32, #tpu.memory_space<vmem>>
      %dma_wait3A_277 = tpu.memref_squeeze %dma_wait3A_276 : memref<1x128xi32, #tpu.memory_space<vmem>> -> memref<128xi32, #tpu.memory_space<vmem>>
      %dma_wait3A_278 = arith.constant 0 : i32
      %dma_wait3A_279 = arith.constant 0 : i32
      %dma_wait3A_280 = tpu.memref_slice %arg2[%dma_wait3A_278, %dma_wait3A_279] : memref<20000x64xbf16, #tpu.memory_space<hbm>> -> memref<20000x64xbf16, #tpu.memory_space<hbm>>
      tpu.wait_indirect_dma semaphore(%arg13 : memref<!tpu.dma_semaphore, #tpu.memory_space<semaphore_mem>>) src(%dma_wait3A_280 : memref<20000x64xbf16, #tpu.memory_space<hbm>>) dst(%dma_wait3A_274 : memref<128x64xbf16, #tpu.memory_space<vmem>>)
      %dma_start3A_281 = arith.constant 2 : i32
      %dma_start3A_282 = arith.constant 0 : i32
      %dma_start3A_283 = arith.constant 0 : i32
      %dma_start3A_284 = tpu.memref_slice %arg9[%dma_start3A_281, %dma_start3A_282, %dma_start3A_283] : memref<8x128x64xbf16, #tpu.memory_space<vmem>> -> memref<1x128x64xbf16, #tpu.memory_space<vmem>>
      %dma_start3A_285 = tpu.memref_squeeze %dma_start3A_284 : memref<1x128x64xbf16, #tpu.memory_space<vmem>> -> memref<128x64xbf16, #tpu.memory_space<vmem>>
      %dma_start3A_286 = arith.constant 0 : i32
      %dma_start3A_287 = tpu.memref_slice %arg8[%add3A_269, %dma_start3A_286] : memref<160x128xi32, #tpu.memory_space<vmem>> -> memref<1x128xi32, #tpu.memory_space<vmem>>
      %dma_start3A_288 = tpu.memref_squeeze %dma_start3A_287 : memref<1x128xi32, #tpu.memory_space<vmem>> -> memref<128xi32, #tpu.memory_space<vmem>>
      %dma_start3A_289 = arith.constant 0 : i32
      %dma_start3A_290 = arith.constant 0 : i32
      %dma_start3A_291 = tpu.memref_slice %arg10[%dma_start3A_289, %dma_start3A_290] : memref<10240x64xbf16, #tpu.memory_space<vmem_shared>> -> memref<10240x64xbf16, #tpu.memory_space<vmem_shared>>
      tpu.enqueue_indirect_dma source(%dma_start3A_285 : memref<128x64xbf16, #tpu.memory_space<vmem>>) target(%dma_start3A_291 : memref<10240x64xbf16, #tpu.memory_space<vmem_shared>>) offsets(%dma_start3A_288 : memref<128xi32, #tpu.memory_space<vmem>>) semaphore(%arg21 : memref<!tpu.dma_semaphore, #tpu.memory_space<semaphore_mem>>) {add = true}
      %add3A_292 = arith.constant 8 : i32
      %add3A_293 = arith.addi %add3A_269, %add3A_292 : i32
      %lt3A_294 = arith.constant 160 : i32
      %lt3A_295 = arith.cmpi slt, %add3A_293, %lt3A_294 : i32
      %convert_element_type3A_296 = arith.extui %lt3A_295 : i1 to i32
      %cond3A_297 = arith.constant 0 : i32
      %cond3A_298 = arith.cmpi ne, %convert_element_type3A_296, %cond3A_297 : i32
      scf.if %cond3A_298 {
        %dma_wait3A_464 = arith.constant 2 : i32
        %dma_wait3A_465 = arith.constant 0 : i32
        %dma_wait3A_466 = arith.constant 0 : i32
        %dma_wait3A_467 = tpu.memref_slice %arg9[%dma_wait3A_464, %dma_wait3A_465, %dma_wait3A_466] : memref<8x128x64xbf16, #tpu.memory_space<vmem>> -> memref<1x128x64xbf16, #tpu.memory_space<vmem>>
        %dma_wait3A_468 = tpu.memref_squeeze %dma_wait3A_467 : memref<1x128x64xbf16, #tpu.memory_space<vmem>> -> memref<128x64xbf16, #tpu.memory_space<vmem>>
        %dma_wait3A_469 = arith.constant 0 : i32
        %dma_wait3A_470 = tpu.memref_slice %arg8[%add3A_269, %dma_wait3A_469] : memref<160x128xi32, #tpu.memory_space<vmem>> -> memref<1x128xi32, #tpu.memory_space<vmem>>
        %dma_wait3A_471 = tpu.memref_squeeze %dma_wait3A_470 : memref<1x128xi32, #tpu.memory_space<vmem>> -> memref<128xi32, #tpu.memory_space<vmem>>
        %dma_wait3A_472 = arith.constant 0 : i32
        %dma_wait3A_473 = arith.constant 0 : i32
        %dma_wait3A_474 = tpu.memref_slice %arg10[%dma_wait3A_472, %dma_wait3A_473] : memref<10240x64xbf16, #tpu.memory_space<vmem_shared>> -> memref<10240x64xbf16, #tpu.memory_space<vmem_shared>>
        tpu.wait_indirect_dma semaphore(%arg21 : memref<!tpu.dma_semaphore, #tpu.memory_space<semaphore_mem>>) src(%dma_wait3A_468 : memref<128x64xbf16, #tpu.memory_space<vmem>>) dst(%dma_wait3A_474 : memref<10240x64xbf16, #tpu.memory_space<vmem_shared>>)
        %dma_start3A_475 = arith.constant 2 : i32
        %dma_start3A_476 = arith.constant 0 : i32
        %dma_start3A_477 = arith.constant 0 : i32
        %dma_start3A_478 = tpu.memref_slice %arg9[%dma_start3A_475, %dma_start3A_476, %dma_start3A_477] : memref<8x128x64xbf16, #tpu.memory_space<vmem>> -> memref<1x128x64xbf16, #tpu.memory_space<vmem>>
        %dma_start3A_479 = tpu.memref_squeeze %dma_start3A_478 : memref<1x128x64xbf16, #tpu.memory_space<vmem>> -> memref<128x64xbf16, #tpu.memory_space<vmem>>
        %dma_start3A_480 = arith.constant 0 : i32
        %dma_start3A_481 = tpu.memref_slice %arg7[%add3A_293, %dma_start3A_480] : memref<160x128xi32, #tpu.memory_space<vmem>> -> memref<1x128xi32, #tpu.memory_space<vmem>>
        %dma_start3A_482 = tpu.memref_squeeze %dma_start3A_481 : memref<1x128xi32, #tpu.memory_space<vmem>> -> memref<128xi32, #tpu.memory_space<vmem>>
        %dma_start3A_483 = arith.constant 0 : i32
        %dma_start3A_484 = arith.constant 0 : i32
        %dma_start3A_485 = tpu.memref_slice %arg2[%dma_start3A_483, %dma_start3A_484] : memref<20000x64xbf16, #tpu.memory_space<hbm>> -> memref<20000x64xbf16, #tpu.memory_space<hbm>>
        tpu.enqueue_indirect_dma source(%dma_start3A_485 : memref<20000x64xbf16, #tpu.memory_space<hbm>>) target(%dma_start3A_479 : memref<128x64xbf16, #tpu.memory_space<vmem>>) offsets(%dma_start3A_482 : memref<128xi32, #tpu.memory_space<vmem>>) semaphore(%arg13 : memref<!tpu.dma_semaphore, #tpu.memory_space<semaphore_mem>>)
      } else {
      }
      %mul3A_299 = arith.constant 8 : i32
      %mul3A_300 = arith.muli %scan3A_202, %mul3A_299 : i32
      %add3A_301 = arith.constant 3 : i32
      %add3A_302 = arith.addi %mul3A_300, %add3A_301 : i32
      %dma_wait3A_303 = arith.constant 3 : i32
      %dma_wait3A_304 = arith.constant 0 : i32
      %dma_wait3A_305 = arith.constant 0 : i32
      %dma_wait3A_306 = tpu.memref_slice %arg9[%dma_wait3A_303, %dma_wait3A_304, %dma_wait3A_305] : memref<8x128x64xbf16, #tpu.memory_space<vmem>> -> memref<1x128x64xbf16, #tpu.memory_space<vmem>>
      %dma_wait3A_307 = tpu.memref_squeeze %dma_wait3A_306 : memref<1x128x64xbf16, #tpu.memory_space<vmem>> -> memref<128x64xbf16, #tpu.memory_space<vmem>>
      %dma_wait3A_308 = arith.constant 0 : i32
      %dma_wait3A_309 = tpu.memref_slice %arg7[%add3A_302, %dma_wait3A_308] : memref<160x128xi32, #tpu.memory_space<vmem>> -> memref<1x128xi32, #tpu.memory_space<vmem>>
      %dma_wait3A_310 = tpu.memref_squeeze %dma_wait3A_309 : memref<1x128xi32, #tpu.memory_space<vmem>> -> memref<128xi32, #tpu.memory_space<vmem>>
      %dma_wait3A_311 = arith.constant 0 : i32
      %dma_wait3A_312 = arith.constant 0 : i32
      %dma_wait3A_313 = tpu.memref_slice %arg2[%dma_wait3A_311, %dma_wait3A_312] : memref<20000x64xbf16, #tpu.memory_space<hbm>> -> memref<20000x64xbf16, #tpu.memory_space<hbm>>
      tpu.wait_indirect_dma semaphore(%arg14 : memref<!tpu.dma_semaphore, #tpu.memory_space<semaphore_mem>>) src(%dma_wait3A_313 : memref<20000x64xbf16, #tpu.memory_space<hbm>>) dst(%dma_wait3A_307 : memref<128x64xbf16, #tpu.memory_space<vmem>>)
      %dma_start3A_314 = arith.constant 3 : i32
      %dma_start3A_315 = arith.constant 0 : i32
      %dma_start3A_316 = arith.constant 0 : i32
      %dma_start3A_317 = tpu.memref_slice %arg9[%dma_start3A_314, %dma_start3A_315, %dma_start3A_316] : memref<8x128x64xbf16, #tpu.memory_space<vmem>> -> memref<1x128x64xbf16, #tpu.memory_space<vmem>>
      %dma_start3A_318 = tpu.memref_squeeze %dma_start3A_317 : memref<1x128x64xbf16, #tpu.memory_space<vmem>> -> memref<128x64xbf16, #tpu.memory_space<vmem>>
      %dma_start3A_319 = arith.constant 0 : i32
      %dma_start3A_320 = tpu.memref_slice %arg8[%add3A_302, %dma_start3A_319] : memref<160x128xi32, #tpu.memory_space<vmem>> -> memref<1x128xi32, #tpu.memory_space<vmem>>
      %dma_start3A_321 = tpu.memref_squeeze %dma_start3A_320 : memref<1x128xi32, #tpu.memory_space<vmem>> -> memref<128xi32, #tpu.memory_space<vmem>>
      %dma_start3A_322 = arith.constant 0 : i32
      %dma_start3A_323 = arith.constant 0 : i32
      %dma_start3A_324 = tpu.memref_slice %arg10[%dma_start3A_322, %dma_start3A_323] : memref<10240x64xbf16, #tpu.memory_space<vmem_shared>> -> memref<10240x64xbf16, #tpu.memory_space<vmem_shared>>
      tpu.enqueue_indirect_dma source(%dma_start3A_318 : memref<128x64xbf16, #tpu.memory_space<vmem>>) target(%dma_start3A_324 : memref<10240x64xbf16, #tpu.memory_space<vmem_shared>>) offsets(%dma_start3A_321 : memref<128xi32, #tpu.memory_space<vmem>>) semaphore(%arg22 : memref<!tpu.dma_semaphore, #tpu.memory_space<semaphore_mem>>) {add = true}
      %add3A_325 = arith.constant 8 : i32
      %add3A_326 = arith.addi %add3A_302, %add3A_325 : i32
      %lt3A_327 = arith.constant 160 : i32
      %lt3A_328 = arith.cmpi slt, %add3A_326, %lt3A_327 : i32
      %convert_element_type3A_329 = arith.extui %lt3A_328 : i1 to i32
      %cond3A_330 = arith.constant 0 : i32
      %cond3A_331 = arith.cmpi ne, %convert_element_type3A_329, %cond3A_330 : i32
      scf.if %cond3A_331 {
        %dma_wait3A_464 = arith.constant 3 : i32
        %dma_wait3A_465 = arith.constant 0 : i32
        %dma_wait3A_466 = arith.constant 0 : i32
        %dma_wait3A_467 = tpu.memref_slice %arg9[%dma_wait3A_464, %dma_wait3A_465, %dma_wait3A_466] : memref<8x128x64xbf16, #tpu.memory_space<vmem>> -> memref<1x128x64xbf16, #tpu.memory_space<vmem>>
        %dma_wait3A_468 = tpu.memref_squeeze %dma_wait3A_467 : memref<1x128x64xbf16, #tpu.memory_space<vmem>> -> memref<128x64xbf16, #tpu.memory_space<vmem>>
        %dma_wait3A_469 = arith.constant 0 : i32
        %dma_wait3A_470 = tpu.memref_slice %arg8[%add3A_302, %dma_wait3A_469] : memref<160x128xi32, #tpu.memory_space<vmem>> -> memref<1x128xi32, #tpu.memory_space<vmem>>
        %dma_wait3A_471 = tpu.memref_squeeze %dma_wait3A_470 : memref<1x128xi32, #tpu.memory_space<vmem>> -> memref<128xi32, #tpu.memory_space<vmem>>
        %dma_wait3A_472 = arith.constant 0 : i32
        %dma_wait3A_473 = arith.constant 0 : i32
        %dma_wait3A_474 = tpu.memref_slice %arg10[%dma_wait3A_472, %dma_wait3A_473] : memref<10240x64xbf16, #tpu.memory_space<vmem_shared>> -> memref<10240x64xbf16, #tpu.memory_space<vmem_shared>>
        tpu.wait_indirect_dma semaphore(%arg22 : memref<!tpu.dma_semaphore, #tpu.memory_space<semaphore_mem>>) src(%dma_wait3A_468 : memref<128x64xbf16, #tpu.memory_space<vmem>>) dst(%dma_wait3A_474 : memref<10240x64xbf16, #tpu.memory_space<vmem_shared>>)
        %dma_start3A_475 = arith.constant 3 : i32
        %dma_start3A_476 = arith.constant 0 : i32
        %dma_start3A_477 = arith.constant 0 : i32
        %dma_start3A_478 = tpu.memref_slice %arg9[%dma_start3A_475, %dma_start3A_476, %dma_start3A_477] : memref<8x128x64xbf16, #tpu.memory_space<vmem>> -> memref<1x128x64xbf16, #tpu.memory_space<vmem>>
        %dma_start3A_479 = tpu.memref_squeeze %dma_start3A_478 : memref<1x128x64xbf16, #tpu.memory_space<vmem>> -> memref<128x64xbf16, #tpu.memory_space<vmem>>
        %dma_start3A_480 = arith.constant 0 : i32
        %dma_start3A_481 = tpu.memref_slice %arg7[%add3A_326, %dma_start3A_480] : memref<160x128xi32, #tpu.memory_space<vmem>> -> memref<1x128xi32, #tpu.memory_space<vmem>>
        %dma_start3A_482 = tpu.memref_squeeze %dma_start3A_481 : memref<1x128xi32, #tpu.memory_space<vmem>> -> memref<128xi32, #tpu.memory_space<vmem>>
        %dma_start3A_483 = arith.constant 0 : i32
        %dma_start3A_484 = arith.constant 0 : i32
        %dma_start3A_485 = tpu.memref_slice %arg2[%dma_start3A_483, %dma_start3A_484] : memref<20000x64xbf16, #tpu.memory_space<hbm>> -> memref<20000x64xbf16, #tpu.memory_space<hbm>>
        tpu.enqueue_indirect_dma source(%dma_start3A_485 : memref<20000x64xbf16, #tpu.memory_space<hbm>>) target(%dma_start3A_479 : memref<128x64xbf16, #tpu.memory_space<vmem>>) offsets(%dma_start3A_482 : memref<128xi32, #tpu.memory_space<vmem>>) semaphore(%arg14 : memref<!tpu.dma_semaphore, #tpu.memory_space<semaphore_mem>>)
      } else {
      }
      %mul3A_332 = arith.constant 8 : i32
      %mul3A_333 = arith.muli %scan3A_202, %mul3A_332 : i32
      %add3A_334 = arith.constant 4 : i32
      %add3A_335 = arith.addi %mul3A_333, %add3A_334 : i32
      %dma_wait3A_336 = arith.constant 4 : i32
      %dma_wait3A_337 = arith.constant 0 : i32
      %dma_wait3A_338 = arith.constant 0 : i32
      %dma_wait3A_339 = tpu.memref_slice %arg9[%dma_wait3A_336, %dma_wait3A_337, %dma_wait3A_338] : memref<8x128x64xbf16, #tpu.memory_space<vmem>> -> memref<1x128x64xbf16, #tpu.memory_space<vmem>>
      %dma_wait3A_340 = tpu.memref_squeeze %dma_wait3A_339 : memref<1x128x64xbf16, #tpu.memory_space<vmem>> -> memref<128x64xbf16, #tpu.memory_space<vmem>>
      %dma_wait3A_341 = arith.constant 0 : i32
      %dma_wait3A_342 = tpu.memref_slice %arg7[%add3A_335, %dma_wait3A_341] : memref<160x128xi32, #tpu.memory_space<vmem>> -> memref<1x128xi32, #tpu.memory_space<vmem>>
      %dma_wait3A_343 = tpu.memref_squeeze %dma_wait3A_342 : memref<1x128xi32, #tpu.memory_space<vmem>> -> memref<128xi32, #tpu.memory_space<vmem>>
      %dma_wait3A_344 = arith.constant 0 : i32
      %dma_wait3A_345 = arith.constant 0 : i32
      %dma_wait3A_346 = tpu.memref_slice %arg2[%dma_wait3A_344, %dma_wait3A_345] : memref<20000x64xbf16, #tpu.memory_space<hbm>> -> memref<20000x64xbf16, #tpu.memory_space<hbm>>
      tpu.wait_indirect_dma semaphore(%arg15 : memref<!tpu.dma_semaphore, #tpu.memory_space<semaphore_mem>>) src(%dma_wait3A_346 : memref<20000x64xbf16, #tpu.memory_space<hbm>>) dst(%dma_wait3A_340 : memref<128x64xbf16, #tpu.memory_space<vmem>>)
      %dma_start3A_347 = arith.constant 4 : i32
      %dma_start3A_348 = arith.constant 0 : i32
      %dma_start3A_349 = arith.constant 0 : i32
      %dma_start3A_350 = tpu.memref_slice %arg9[%dma_start3A_347, %dma_start3A_348, %dma_start3A_349] : memref<8x128x64xbf16, #tpu.memory_space<vmem>> -> memref<1x128x64xbf16, #tpu.memory_space<vmem>>
      %dma_start3A_351 = tpu.memref_squeeze %dma_start3A_350 : memref<1x128x64xbf16, #tpu.memory_space<vmem>> -> memref<128x64xbf16, #tpu.memory_space<vmem>>
      %dma_start3A_352 = arith.constant 0 : i32
      %dma_start3A_353 = tpu.memref_slice %arg8[%add3A_335, %dma_start3A_352] : memref<160x128xi32, #tpu.memory_space<vmem>> -> memref<1x128xi32, #tpu.memory_space<vmem>>
      %dma_start3A_354 = tpu.memref_squeeze %dma_start3A_353 : memref<1x128xi32, #tpu.memory_space<vmem>> -> memref<128xi32, #tpu.memory_space<vmem>>
      %dma_start3A_355 = arith.constant 0 : i32
      %dma_start3A_356 = arith.constant 0 : i32
      %dma_start3A_357 = tpu.memref_slice %arg10[%dma_start3A_355, %dma_start3A_356] : memref<10240x64xbf16, #tpu.memory_space<vmem_shared>> -> memref<10240x64xbf16, #tpu.memory_space<vmem_shared>>
      tpu.enqueue_indirect_dma source(%dma_start3A_351 : memref<128x64xbf16, #tpu.memory_space<vmem>>) target(%dma_start3A_357 : memref<10240x64xbf16, #tpu.memory_space<vmem_shared>>) offsets(%dma_start3A_354 : memref<128xi32, #tpu.memory_space<vmem>>) semaphore(%arg23 : memref<!tpu.dma_semaphore, #tpu.memory_space<semaphore_mem>>) {add = true}
      %add3A_358 = arith.constant 8 : i32
      %add3A_359 = arith.addi %add3A_335, %add3A_358 : i32
      %lt3A_360 = arith.constant 160 : i32
      %lt3A_361 = arith.cmpi slt, %add3A_359, %lt3A_360 : i32
      %convert_element_type3A_362 = arith.extui %lt3A_361 : i1 to i32
      %cond3A_363 = arith.constant 0 : i32
      %cond3A_364 = arith.cmpi ne, %convert_element_type3A_362, %cond3A_363 : i32
      scf.if %cond3A_364 {
        %dma_wait3A_464 = arith.constant 4 : i32
        %dma_wait3A_465 = arith.constant 0 : i32
        %dma_wait3A_466 = arith.constant 0 : i32
        %dma_wait3A_467 = tpu.memref_slice %arg9[%dma_wait3A_464, %dma_wait3A_465, %dma_wait3A_466] : memref<8x128x64xbf16, #tpu.memory_space<vmem>> -> memref<1x128x64xbf16, #tpu.memory_space<vmem>>
        %dma_wait3A_468 = tpu.memref_squeeze %dma_wait3A_467 : memref<1x128x64xbf16, #tpu.memory_space<vmem>> -> memref<128x64xbf16, #tpu.memory_space<vmem>>
        %dma_wait3A_469 = arith.constant 0 : i32
        %dma_wait3A_470 = tpu.memref_slice %arg8[%add3A_335, %dma_wait3A_469] : memref<160x128xi32, #tpu.memory_space<vmem>> -> memref<1x128xi32, #tpu.memory_space<vmem>>
        %dma_wait3A_471 = tpu.memref_squeeze %dma_wait3A_470 : memref<1x128xi32, #tpu.memory_space<vmem>> -> memref<128xi32, #tpu.memory_space<vmem>>
        %dma_wait3A_472 = arith.constant 0 : i32
        %dma_wait3A_473 = arith.constant 0 : i32
        %dma_wait3A_474 = tpu.memref_slice %arg10[%dma_wait3A_472, %dma_wait3A_473] : memref<10240x64xbf16, #tpu.memory_space<vmem_shared>> -> memref<10240x64xbf16, #tpu.memory_space<vmem_shared>>
        tpu.wait_indirect_dma semaphore(%arg23 : memref<!tpu.dma_semaphore, #tpu.memory_space<semaphore_mem>>) src(%dma_wait3A_468 : memref<128x64xbf16, #tpu.memory_space<vmem>>) dst(%dma_wait3A_474 : memref<10240x64xbf16, #tpu.memory_space<vmem_shared>>)
        %dma_start3A_475 = arith.constant 4 : i32
        %dma_start3A_476 = arith.constant 0 : i32
        %dma_start3A_477 = arith.constant 0 : i32
        %dma_start3A_478 = tpu.memref_slice %arg9[%dma_start3A_475, %dma_start3A_476, %dma_start3A_477] : memref<8x128x64xbf16, #tpu.memory_space<vmem>> -> memref<1x128x64xbf16, #tpu.memory_space<vmem>>
        %dma_start3A_479 = tpu.memref_squeeze %dma_start3A_478 : memref<1x128x64xbf16, #tpu.memory_space<vmem>> -> memref<128x64xbf16, #tpu.memory_space<vmem>>
        %dma_start3A_480 = arith.constant 0 : i32
        %dma_start3A_481 = tpu.memref_slice %arg7[%add3A_359, %dma_start3A_480] : memref<160x128xi32, #tpu.memory_space<vmem>> -> memref<1x128xi32, #tpu.memory_space<vmem>>
        %dma_start3A_482 = tpu.memref_squeeze %dma_start3A_481 : memref<1x128xi32, #tpu.memory_space<vmem>> -> memref<128xi32, #tpu.memory_space<vmem>>
        %dma_start3A_483 = arith.constant 0 : i32
        %dma_start3A_484 = arith.constant 0 : i32
        %dma_start3A_485 = tpu.memref_slice %arg2[%dma_start3A_483, %dma_start3A_484] : memref<20000x64xbf16, #tpu.memory_space<hbm>> -> memref<20000x64xbf16, #tpu.memory_space<hbm>>
        tpu.enqueue_indirect_dma source(%dma_start3A_485 : memref<20000x64xbf16, #tpu.memory_space<hbm>>) target(%dma_start3A_479 : memref<128x64xbf16, #tpu.memory_space<vmem>>) offsets(%dma_start3A_482 : memref<128xi32, #tpu.memory_space<vmem>>) semaphore(%arg15 : memref<!tpu.dma_semaphore, #tpu.memory_space<semaphore_mem>>)
      } else {
      }
      %mul3A_365 = arith.constant 8 : i32
      %mul3A_366 = arith.muli %scan3A_202, %mul3A_365 : i32
      %add3A_367 = arith.constant 5 : i32
      %add3A_368 = arith.addi %mul3A_366, %add3A_367 : i32
      %dma_wait3A_369 = arith.constant 5 : i32
      %dma_wait3A_370 = arith.constant 0 : i32
      %dma_wait3A_371 = arith.constant 0 : i32
      %dma_wait3A_372 = tpu.memref_slice %arg9[%dma_wait3A_369, %dma_wait3A_370, %dma_wait3A_371] : memref<8x128x64xbf16, #tpu.memory_space<vmem>> -> memref<1x128x64xbf16, #tpu.memory_space<vmem>>
      %dma_wait3A_373 = tpu.memref_squeeze %dma_wait3A_372 : memref<1x128x64xbf16, #tpu.memory_space<vmem>> -> memref<128x64xbf16, #tpu.memory_space<vmem>>
      %dma_wait3A_374 = arith.constant 0 : i32
      %dma_wait3A_375 = tpu.memref_slice %arg7[%add3A_368, %dma_wait3A_374] : memref<160x128xi32, #tpu.memory_space<vmem>> -> memref<1x128xi32, #tpu.memory_space<vmem>>
      %dma_wait3A_376 = tpu.memref_squeeze %dma_wait3A_375 : memref<1x128xi32, #tpu.memory_space<vmem>> -> memref<128xi32, #tpu.memory_space<vmem>>
      %dma_wait3A_377 = arith.constant 0 : i32
      %dma_wait3A_378 = arith.constant 0 : i32
      %dma_wait3A_379 = tpu.memref_slice %arg2[%dma_wait3A_377, %dma_wait3A_378] : memref<20000x64xbf16, #tpu.memory_space<hbm>> -> memref<20000x64xbf16, #tpu.memory_space<hbm>>
      tpu.wait_indirect_dma semaphore(%arg16 : memref<!tpu.dma_semaphore, #tpu.memory_space<semaphore_mem>>) src(%dma_wait3A_379 : memref<20000x64xbf16, #tpu.memory_space<hbm>>) dst(%dma_wait3A_373 : memref<128x64xbf16, #tpu.memory_space<vmem>>)
      %dma_start3A_380 = arith.constant 5 : i32
      %dma_start3A_381 = arith.constant 0 : i32
      %dma_start3A_382 = arith.constant 0 : i32
      %dma_start3A_383 = tpu.memref_slice %arg9[%dma_start3A_380, %dma_start3A_381, %dma_start3A_382] : memref<8x128x64xbf16, #tpu.memory_space<vmem>> -> memref<1x128x64xbf16, #tpu.memory_space<vmem>>
      %dma_start3A_384 = tpu.memref_squeeze %dma_start3A_383 : memref<1x128x64xbf16, #tpu.memory_space<vmem>> -> memref<128x64xbf16, #tpu.memory_space<vmem>>
      %dma_start3A_385 = arith.constant 0 : i32
      %dma_start3A_386 = tpu.memref_slice %arg8[%add3A_368, %dma_start3A_385] : memref<160x128xi32, #tpu.memory_space<vmem>> -> memref<1x128xi32, #tpu.memory_space<vmem>>
      %dma_start3A_387 = tpu.memref_squeeze %dma_start3A_386 : memref<1x128xi32, #tpu.memory_space<vmem>> -> memref<128xi32, #tpu.memory_space<vmem>>
      %dma_start3A_388 = arith.constant 0 : i32
      %dma_start3A_389 = arith.constant 0 : i32
      %dma_start3A_390 = tpu.memref_slice %arg10[%dma_start3A_388, %dma_start3A_389] : memref<10240x64xbf16, #tpu.memory_space<vmem_shared>> -> memref<10240x64xbf16, #tpu.memory_space<vmem_shared>>
      tpu.enqueue_indirect_dma source(%dma_start3A_384 : memref<128x64xbf16, #tpu.memory_space<vmem>>) target(%dma_start3A_390 : memref<10240x64xbf16, #tpu.memory_space<vmem_shared>>) offsets(%dma_start3A_387 : memref<128xi32, #tpu.memory_space<vmem>>) semaphore(%arg24 : memref<!tpu.dma_semaphore, #tpu.memory_space<semaphore_mem>>) {add = true}
      %add3A_391 = arith.constant 8 : i32
      %add3A_392 = arith.addi %add3A_368, %add3A_391 : i32
      %lt3A_393 = arith.constant 160 : i32
      %lt3A_394 = arith.cmpi slt, %add3A_392, %lt3A_393 : i32
      %convert_element_type3A_395 = arith.extui %lt3A_394 : i1 to i32
      %cond3A_396 = arith.constant 0 : i32
      %cond3A_397 = arith.cmpi ne, %convert_element_type3A_395, %cond3A_396 : i32
      scf.if %cond3A_397 {
        %dma_wait3A_464 = arith.constant 5 : i32
        %dma_wait3A_465 = arith.constant 0 : i32
        %dma_wait3A_466 = arith.constant 0 : i32
        %dma_wait3A_467 = tpu.memref_slice %arg9[%dma_wait3A_464, %dma_wait3A_465, %dma_wait3A_466] : memref<8x128x64xbf16, #tpu.memory_space<vmem>> -> memref<1x128x64xbf16, #tpu.memory_space<vmem>>
        %dma_wait3A_468 = tpu.memref_squeeze %dma_wait3A_467 : memref<1x128x64xbf16, #tpu.memory_space<vmem>> -> memref<128x64xbf16, #tpu.memory_space<vmem>>
        %dma_wait3A_469 = arith.constant 0 : i32
        %dma_wait3A_470 = tpu.memref_slice %arg8[%add3A_368, %dma_wait3A_469] : memref<160x128xi32, #tpu.memory_space<vmem>> -> memref<1x128xi32, #tpu.memory_space<vmem>>
        %dma_wait3A_471 = tpu.memref_squeeze %dma_wait3A_470 : memref<1x128xi32, #tpu.memory_space<vmem>> -> memref<128xi32, #tpu.memory_space<vmem>>
        %dma_wait3A_472 = arith.constant 0 : i32
        %dma_wait3A_473 = arith.constant 0 : i32
        %dma_wait3A_474 = tpu.memref_slice %arg10[%dma_wait3A_472, %dma_wait3A_473] : memref<10240x64xbf16, #tpu.memory_space<vmem_shared>> -> memref<10240x64xbf16, #tpu.memory_space<vmem_shared>>
        tpu.wait_indirect_dma semaphore(%arg24 : memref<!tpu.dma_semaphore, #tpu.memory_space<semaphore_mem>>) src(%dma_wait3A_468 : memref<128x64xbf16, #tpu.memory_space<vmem>>) dst(%dma_wait3A_474 : memref<10240x64xbf16, #tpu.memory_space<vmem_shared>>)
        %dma_start3A_475 = arith.constant 5 : i32
        %dma_start3A_476 = arith.constant 0 : i32
        %dma_start3A_477 = arith.constant 0 : i32
        %dma_start3A_478 = tpu.memref_slice %arg9[%dma_start3A_475, %dma_start3A_476, %dma_start3A_477] : memref<8x128x64xbf16, #tpu.memory_space<vmem>> -> memref<1x128x64xbf16, #tpu.memory_space<vmem>>
        %dma_start3A_479 = tpu.memref_squeeze %dma_start3A_478 : memref<1x128x64xbf16, #tpu.memory_space<vmem>> -> memref<128x64xbf16, #tpu.memory_space<vmem>>
        %dma_start3A_480 = arith.constant 0 : i32
        %dma_start3A_481 = tpu.memref_slice %arg7[%add3A_392, %dma_start3A_480] : memref<160x128xi32, #tpu.memory_space<vmem>> -> memref<1x128xi32, #tpu.memory_space<vmem>>
        %dma_start3A_482 = tpu.memref_squeeze %dma_start3A_481 : memref<1x128xi32, #tpu.memory_space<vmem>> -> memref<128xi32, #tpu.memory_space<vmem>>
        %dma_start3A_483 = arith.constant 0 : i32
        %dma_start3A_484 = arith.constant 0 : i32
        %dma_start3A_485 = tpu.memref_slice %arg2[%dma_start3A_483, %dma_start3A_484] : memref<20000x64xbf16, #tpu.memory_space<hbm>> -> memref<20000x64xbf16, #tpu.memory_space<hbm>>
        tpu.enqueue_indirect_dma source(%dma_start3A_485 : memref<20000x64xbf16, #tpu.memory_space<hbm>>) target(%dma_start3A_479 : memref<128x64xbf16, #tpu.memory_space<vmem>>) offsets(%dma_start3A_482 : memref<128xi32, #tpu.memory_space<vmem>>) semaphore(%arg16 : memref<!tpu.dma_semaphore, #tpu.memory_space<semaphore_mem>>)
      } else {
      }
      %mul3A_398 = arith.constant 8 : i32
      %mul3A_399 = arith.muli %scan3A_202, %mul3A_398 : i32
      %add3A_400 = arith.constant 6 : i32
      %add3A_401 = arith.addi %mul3A_399, %add3A_400 : i32
      %dma_wait3A_402 = arith.constant 6 : i32
      %dma_wait3A_403 = arith.constant 0 : i32
      %dma_wait3A_404 = arith.constant 0 : i32
      %dma_wait3A_405 = tpu.memref_slice %arg9[%dma_wait3A_402, %dma_wait3A_403, %dma_wait3A_404] : memref<8x128x64xbf16, #tpu.memory_space<vmem>> -> memref<1x128x64xbf16, #tpu.memory_space<vmem>>
      %dma_wait3A_406 = tpu.memref_squeeze %dma_wait3A_405 : memref<1x128x64xbf16, #tpu.memory_space<vmem>> -> memref<128x64xbf16, #tpu.memory_space<vmem>>
      %dma_wait3A_407 = arith.constant 0 : i32
      %dma_wait3A_408 = tpu.memref_slice %arg7[%add3A_401, %dma_wait3A_407] : memref<160x128xi32, #tpu.memory_space<vmem>> -> memref<1x128xi32, #tpu.memory_space<vmem>>
      %dma_wait3A_409 = tpu.memref_squeeze %dma_wait3A_408 : memref<1x128xi32, #tpu.memory_space<vmem>> -> memref<128xi32, #tpu.memory_space<vmem>>
      %dma_wait3A_410 = arith.constant 0 : i32
      %dma_wait3A_411 = arith.constant 0 : i32
      %dma_wait3A_412 = tpu.memref_slice %arg2[%dma_wait3A_410, %dma_wait3A_411] : memref<20000x64xbf16, #tpu.memory_space<hbm>> -> memref<20000x64xbf16, #tpu.memory_space<hbm>>
      tpu.wait_indirect_dma semaphore(%arg17 : memref<!tpu.dma_semaphore, #tpu.memory_space<semaphore_mem>>) src(%dma_wait3A_412 : memref<20000x64xbf16, #tpu.memory_space<hbm>>) dst(%dma_wait3A_406 : memref<128x64xbf16, #tpu.memory_space<vmem>>)
      %dma_start3A_413 = arith.constant 6 : i32
      %dma_start3A_414 = arith.constant 0 : i32
      %dma_start3A_415 = arith.constant 0 : i32
      %dma_start3A_416 = tpu.memref_slice %arg9[%dma_start3A_413, %dma_start3A_414, %dma_start3A_415] : memref<8x128x64xbf16, #tpu.memory_space<vmem>> -> memref<1x128x64xbf16, #tpu.memory_space<vmem>>
      %dma_start3A_417 = tpu.memref_squeeze %dma_start3A_416 : memref<1x128x64xbf16, #tpu.memory_space<vmem>> -> memref<128x64xbf16, #tpu.memory_space<vmem>>
      %dma_start3A_418 = arith.constant 0 : i32
      %dma_start3A_419 = tpu.memref_slice %arg8[%add3A_401, %dma_start3A_418] : memref<160x128xi32, #tpu.memory_space<vmem>> -> memref<1x128xi32, #tpu.memory_space<vmem>>
      %dma_start3A_420 = tpu.memref_squeeze %dma_start3A_419 : memref<1x128xi32, #tpu.memory_space<vmem>> -> memref<128xi32, #tpu.memory_space<vmem>>
      %dma_start3A_421 = arith.constant 0 : i32
      %dma_start3A_422 = arith.constant 0 : i32
      %dma_start3A_423 = tpu.memref_slice %arg10[%dma_start3A_421, %dma_start3A_422] : memref<10240x64xbf16, #tpu.memory_space<vmem_shared>> -> memref<10240x64xbf16, #tpu.memory_space<vmem_shared>>
      tpu.enqueue_indirect_dma source(%dma_start3A_417 : memref<128x64xbf16, #tpu.memory_space<vmem>>) target(%dma_start3A_423 : memref<10240x64xbf16, #tpu.memory_space<vmem_shared>>) offsets(%dma_start3A_420 : memref<128xi32, #tpu.memory_space<vmem>>) semaphore(%arg25 : memref<!tpu.dma_semaphore, #tpu.memory_space<semaphore_mem>>) {add = true}
      %add3A_424 = arith.constant 8 : i32
      %add3A_425 = arith.addi %add3A_401, %add3A_424 : i32
      %lt3A_426 = arith.constant 160 : i32
      %lt3A_427 = arith.cmpi slt, %add3A_425, %lt3A_426 : i32
      %convert_element_type3A_428 = arith.extui %lt3A_427 : i1 to i32
      %cond3A_429 = arith.constant 0 : i32
      %cond3A_430 = arith.cmpi ne, %convert_element_type3A_428, %cond3A_429 : i32
      scf.if %cond3A_430 {
        %dma_wait3A_464 = arith.constant 6 : i32
        %dma_wait3A_465 = arith.constant 0 : i32
        %dma_wait3A_466 = arith.constant 0 : i32
        %dma_wait3A_467 = tpu.memref_slice %arg9[%dma_wait3A_464, %dma_wait3A_465, %dma_wait3A_466] : memref<8x128x64xbf16, #tpu.memory_space<vmem>> -> memref<1x128x64xbf16, #tpu.memory_space<vmem>>
        %dma_wait3A_468 = tpu.memref_squeeze %dma_wait3A_467 : memref<1x128x64xbf16, #tpu.memory_space<vmem>> -> memref<128x64xbf16, #tpu.memory_space<vmem>>
        %dma_wait3A_469 = arith.constant 0 : i32
        %dma_wait3A_470 = tpu.memref_slice %arg8[%add3A_401, %dma_wait3A_469] : memref<160x128xi32, #tpu.memory_space<vmem>> -> memref<1x128xi32, #tpu.memory_space<vmem>>
        %dma_wait3A_471 = tpu.memref_squeeze %dma_wait3A_470 : memref<1x128xi32, #tpu.memory_space<vmem>> -> memref<128xi32, #tpu.memory_space<vmem>>
        %dma_wait3A_472 = arith.constant 0 : i32
        %dma_wait3A_473 = arith.constant 0 : i32
        %dma_wait3A_474 = tpu.memref_slice %arg10[%dma_wait3A_472, %dma_wait3A_473] : memref<10240x64xbf16, #tpu.memory_space<vmem_shared>> -> memref<10240x64xbf16, #tpu.memory_space<vmem_shared>>
        tpu.wait_indirect_dma semaphore(%arg25 : memref<!tpu.dma_semaphore, #tpu.memory_space<semaphore_mem>>) src(%dma_wait3A_468 : memref<128x64xbf16, #tpu.memory_space<vmem>>) dst(%dma_wait3A_474 : memref<10240x64xbf16, #tpu.memory_space<vmem_shared>>)
        %dma_start3A_475 = arith.constant 6 : i32
        %dma_start3A_476 = arith.constant 0 : i32
        %dma_start3A_477 = arith.constant 0 : i32
        %dma_start3A_478 = tpu.memref_slice %arg9[%dma_start3A_475, %dma_start3A_476, %dma_start3A_477] : memref<8x128x64xbf16, #tpu.memory_space<vmem>> -> memref<1x128x64xbf16, #tpu.memory_space<vmem>>
        %dma_start3A_479 = tpu.memref_squeeze %dma_start3A_478 : memref<1x128x64xbf16, #tpu.memory_space<vmem>> -> memref<128x64xbf16, #tpu.memory_space<vmem>>
        %dma_start3A_480 = arith.constant 0 : i32
        %dma_start3A_481 = tpu.memref_slice %arg7[%add3A_425, %dma_start3A_480] : memref<160x128xi32, #tpu.memory_space<vmem>> -> memref<1x128xi32, #tpu.memory_space<vmem>>
        %dma_start3A_482 = tpu.memref_squeeze %dma_start3A_481 : memref<1x128xi32, #tpu.memory_space<vmem>> -> memref<128xi32, #tpu.memory_space<vmem>>
        %dma_start3A_483 = arith.constant 0 : i32
        %dma_start3A_484 = arith.constant 0 : i32
        %dma_start3A_485 = tpu.memref_slice %arg2[%dma_start3A_483, %dma_start3A_484] : memref<20000x64xbf16, #tpu.memory_space<hbm>> -> memref<20000x64xbf16, #tpu.memory_space<hbm>>
        tpu.enqueue_indirect_dma source(%dma_start3A_485 : memref<20000x64xbf16, #tpu.memory_space<hbm>>) target(%dma_start3A_479 : memref<128x64xbf16, #tpu.memory_space<vmem>>) offsets(%dma_start3A_482 : memref<128xi32, #tpu.memory_space<vmem>>) semaphore(%arg17 : memref<!tpu.dma_semaphore, #tpu.memory_space<semaphore_mem>>)
      } else {
      }
      %mul3A_431 = arith.constant 8 : i32
      %mul3A_432 = arith.muli %scan3A_202, %mul3A_431 : i32
      %add3A_433 = arith.constant 7 : i32
      %add3A_434 = arith.addi %mul3A_432, %add3A_433 : i32
      %dma_wait3A_435 = arith.constant 7 : i32
      %dma_wait3A_436 = arith.constant 0 : i32
      %dma_wait3A_437 = arith.constant 0 : i32
      %dma_wait3A_438 = tpu.memref_slice %arg9[%dma_wait3A_435, %dma_wait3A_436, %dma_wait3A_437] : memref<8x128x64xbf16, #tpu.memory_space<vmem>> -> memref<1x128x64xbf16, #tpu.memory_space<vmem>>
      %dma_wait3A_439 = tpu.memref_squeeze %dma_wait3A_438 : memref<1x128x64xbf16, #tpu.memory_space<vmem>> -> memref<128x64xbf16, #tpu.memory_space<vmem>>
      %dma_wait3A_440 = arith.constant 0 : i32
      %dma_wait3A_441 = tpu.memref_slice %arg7[%add3A_434, %dma_wait3A_440] : memref<160x128xi32, #tpu.memory_space<vmem>> -> memref<1x128xi32, #tpu.memory_space<vmem>>
      %dma_wait3A_442 = tpu.memref_squeeze %dma_wait3A_441 : memref<1x128xi32, #tpu.memory_space<vmem>> -> memref<128xi32, #tpu.memory_space<vmem>>
      %dma_wait3A_443 = arith.constant 0 : i32
      %dma_wait3A_444 = arith.constant 0 : i32
      %dma_wait3A_445 = tpu.memref_slice %arg2[%dma_wait3A_443, %dma_wait3A_444] : memref<20000x64xbf16, #tpu.memory_space<hbm>> -> memref<20000x64xbf16, #tpu.memory_space<hbm>>
      tpu.wait_indirect_dma semaphore(%arg18 : memref<!tpu.dma_semaphore, #tpu.memory_space<semaphore_mem>>) src(%dma_wait3A_445 : memref<20000x64xbf16, #tpu.memory_space<hbm>>) dst(%dma_wait3A_439 : memref<128x64xbf16, #tpu.memory_space<vmem>>)
      %dma_start3A_446 = arith.constant 7 : i32
      %dma_start3A_447 = arith.constant 0 : i32
      %dma_start3A_448 = arith.constant 0 : i32
      %dma_start3A_449 = tpu.memref_slice %arg9[%dma_start3A_446, %dma_start3A_447, %dma_start3A_448] : memref<8x128x64xbf16, #tpu.memory_space<vmem>> -> memref<1x128x64xbf16, #tpu.memory_space<vmem>>
      %dma_start3A_450 = tpu.memref_squeeze %dma_start3A_449 : memref<1x128x64xbf16, #tpu.memory_space<vmem>> -> memref<128x64xbf16, #tpu.memory_space<vmem>>
      %dma_start3A_451 = arith.constant 0 : i32
      %dma_start3A_452 = tpu.memref_slice %arg8[%add3A_434, %dma_start3A_451] : memref<160x128xi32, #tpu.memory_space<vmem>> -> memref<1x128xi32, #tpu.memory_space<vmem>>
      %dma_start3A_453 = tpu.memref_squeeze %dma_start3A_452 : memref<1x128xi32, #tpu.memory_space<vmem>> -> memref<128xi32, #tpu.memory_space<vmem>>
      %dma_start3A_454 = arith.constant 0 : i32
      %dma_start3A_455 = arith.constant 0 : i32
      %dma_start3A_456 = tpu.memref_slice %arg10[%dma_start3A_454, %dma_start3A_455] : memref<10240x64xbf16, #tpu.memory_space<vmem_shared>> -> memref<10240x64xbf16, #tpu.memory_space<vmem_shared>>
      tpu.enqueue_indirect_dma source(%dma_start3A_450 : memref<128x64xbf16, #tpu.memory_space<vmem>>) target(%dma_start3A_456 : memref<10240x64xbf16, #tpu.memory_space<vmem_shared>>) offsets(%dma_start3A_453 : memref<128xi32, #tpu.memory_space<vmem>>) semaphore(%arg26 : memref<!tpu.dma_semaphore, #tpu.memory_space<semaphore_mem>>) {add = true}
      %add3A_457 = arith.constant 8 : i32
      %add3A_458 = arith.addi %add3A_434, %add3A_457 : i32
      %lt3A_459 = arith.constant 160 : i32
      %lt3A_460 = arith.cmpi slt, %add3A_458, %lt3A_459 : i32
      %convert_element_type3A_461 = arith.extui %lt3A_460 : i1 to i32
      %cond3A_462 = arith.constant 0 : i32
      %cond3A_463 = arith.cmpi ne, %convert_element_type3A_461, %cond3A_462 : i32
      scf.if %cond3A_463 {
        %dma_wait3A_464 = arith.constant 7 : i32
        %dma_wait3A_465 = arith.constant 0 : i32
        %dma_wait3A_466 = arith.constant 0 : i32
        %dma_wait3A_467 = tpu.memref_slice %arg9[%dma_wait3A_464, %dma_wait3A_465, %dma_wait3A_466] : memref<8x128x64xbf16, #tpu.memory_space<vmem>> -> memref<1x128x64xbf16, #tpu.memory_space<vmem>>
        %dma_wait3A_468 = tpu.memref_squeeze %dma_wait3A_467 : memref<1x128x64xbf16, #tpu.memory_space<vmem>> -> memref<128x64xbf16, #tpu.memory_space<vmem>>
        %dma_wait3A_469 = arith.constant 0 : i32
        %dma_wait3A_470 = tpu.memref_slice %arg8[%add3A_434, %dma_wait3A_469] : memref<160x128xi32, #tpu.memory_space<vmem>> -> memref<1x128xi32, #tpu.memory_space<vmem>>
        %dma_wait3A_471 = tpu.memref_squeeze %dma_wait3A_470 : memref<1x128xi32, #tpu.memory_space<vmem>> -> memref<128xi32, #tpu.memory_space<vmem>>
        %dma_wait3A_472 = arith.constant 0 : i32
        %dma_wait3A_473 = arith.constant 0 : i32
        %dma_wait3A_474 = tpu.memref_slice %arg10[%dma_wait3A_472, %dma_wait3A_473] : memref<10240x64xbf16, #tpu.memory_space<vmem_shared>> -> memref<10240x64xbf16, #tpu.memory_space<vmem_shared>>
        tpu.wait_indirect_dma semaphore(%arg26 : memref<!tpu.dma_semaphore, #tpu.memory_space<semaphore_mem>>) src(%dma_wait3A_468 : memref<128x64xbf16, #tpu.memory_space<vmem>>) dst(%dma_wait3A_474 : memref<10240x64xbf16, #tpu.memory_space<vmem_shared>>)
        %dma_start3A_475 = arith.constant 7 : i32
        %dma_start3A_476 = arith.constant 0 : i32
        %dma_start3A_477 = arith.constant 0 : i32
        %dma_start3A_478 = tpu.memref_slice %arg9[%dma_start3A_475, %dma_start3A_476, %dma_start3A_477] : memref<8x128x64xbf16, #tpu.memory_space<vmem>> -> memref<1x128x64xbf16, #tpu.memory_space<vmem>>
        %dma_start3A_479 = tpu.memref_squeeze %dma_start3A_478 : memref<1x128x64xbf16, #tpu.memory_space<vmem>> -> memref<128x64xbf16, #tpu.memory_space<vmem>>
        %dma_start3A_480 = arith.constant 0 : i32
        %dma_start3A_481 = tpu.memref_slice %arg7[%add3A_458, %dma_start3A_480] : memref<160x128xi32, #tpu.memory_space<vmem>> -> memref<1x128xi32, #tpu.memory_space<vmem>>
        %dma_start3A_482 = tpu.memref_squeeze %dma_start3A_481 : memref<1x128xi32, #tpu.memory_space<vmem>> -> memref<128xi32, #tpu.memory_space<vmem>>
        %dma_start3A_483 = arith.constant 0 : i32
        %dma_start3A_484 = arith.constant 0 : i32
        %dma_start3A_485 = tpu.memref_slice %arg2[%dma_start3A_483, %dma_start3A_484] : memref<20000x64xbf16, #tpu.memory_space<hbm>> -> memref<20000x64xbf16, #tpu.memory_space<hbm>>
        tpu.enqueue_indirect_dma source(%dma_start3A_485 : memref<20000x64xbf16, #tpu.memory_space<hbm>>) target(%dma_start3A_479 : memref<128x64xbf16, #tpu.memory_space<vmem>>) offsets(%dma_start3A_482 : memref<128xi32, #tpu.memory_space<vmem>>) semaphore(%arg18 : memref<!tpu.dma_semaphore, #tpu.memory_space<semaphore_mem>>)
      } else {
      }
    }
    %scan3A_103 = arith.constant 20 : i32
    %dma_wait3A = arith.constant 0 : i32
    %dma_wait3A_104 = arith.constant 0 : i32
    %dma_wait3A_105 = arith.constant 0 : i32
    %dma_wait3A_106 = arith.constant 0 : i32
    %dma_wait3A_107 = tpu.memref_slice %arg9[%dma_wait3A, %dma_wait3A_105, %dma_wait3A_106] : memref<8x128x64xbf16, #tpu.memory_space<vmem>> -> memref<1x128x64xbf16, #tpu.memory_space<vmem>>
    %dma_wait3A_108 = tpu.memref_squeeze %dma_wait3A_107 : memref<1x128x64xbf16, #tpu.memory_space<vmem>> -> memref<128x64xbf16, #tpu.memory_space<vmem>>
    %dma_wait3A_109 = arith.constant 0 : i32
    %dma_wait3A_110 = tpu.memref_slice %arg8[%dma_wait3A_104, %dma_wait3A_109] : memref<160x128xi32, #tpu.memory_space<vmem>> -> memref<1x128xi32, #tpu.memory_space<vmem>>
    %dma_wait3A_111 = tpu.memref_squeeze %dma_wait3A_110 : memref<1x128xi32, #tpu.memory_space<vmem>> -> memref<128xi32, #tpu.memory_space<vmem>>
    %dma_wait3A_112 = arith.constant 0 : i32
    %dma_wait3A_113 = arith.constant 0 : i32
    %dma_wait3A_114 = tpu.memref_slice %arg10[%dma_wait3A_112, %dma_wait3A_113] : memref<10240x64xbf16, #tpu.memory_space<vmem_shared>> -> memref<10240x64xbf16, #tpu.memory_space<vmem_shared>>
    tpu.wait_indirect_dma semaphore(%arg19 : memref<!tpu.dma_semaphore, #tpu.memory_space<semaphore_mem>>) src(%dma_wait3A_108 : memref<128x64xbf16, #tpu.memory_space<vmem>>) dst(%dma_wait3A_114 : memref<10240x64xbf16, #tpu.memory_space<vmem_shared>>)
    %dma_wait3A_115 = arith.constant 1 : i32
    %dma_wait3A_116 = arith.constant 0 : i32
    %dma_wait3A_117 = arith.constant 0 : i32
    %dma_wait3A_118 = arith.constant 0 : i32
    %dma_wait3A_119 = tpu.memref_slice %arg9[%dma_wait3A_115, %dma_wait3A_117, %dma_wait3A_118] : memref<8x128x64xbf16, #tpu.memory_space<vmem>> -> memref<1x128x64xbf16, #tpu.memory_space<vmem>>
    %dma_wait3A_120 = tpu.memref_squeeze %dma_wait3A_119 : memref<1x128x64xbf16, #tpu.memory_space<vmem>> -> memref<128x64xbf16, #tpu.memory_space<vmem>>
    %dma_wait3A_121 = arith.constant 0 : i32
    %dma_wait3A_122 = tpu.memref_slice %arg8[%dma_wait3A_116, %dma_wait3A_121] : memref<160x128xi32, #tpu.memory_space<vmem>> -> memref<1x128xi32, #tpu.memory_space<vmem>>
    %dma_wait3A_123 = tpu.memref_squeeze %dma_wait3A_122 : memref<1x128xi32, #tpu.memory_space<vmem>> -> memref<128xi32, #tpu.memory_space<vmem>>
    %dma_wait3A_124 = arith.constant 0 : i32
    %dma_wait3A_125 = arith.constant 0 : i32
    %dma_wait3A_126 = tpu.memref_slice %arg10[%dma_wait3A_124, %dma_wait3A_125] : memref<10240x64xbf16, #tpu.memory_space<vmem_shared>> -> memref<10240x64xbf16, #tpu.memory_space<vmem_shared>>
    tpu.wait_indirect_dma semaphore(%arg20 : memref<!tpu.dma_semaphore, #tpu.memory_space<semaphore_mem>>) src(%dma_wait3A_120 : memref<128x64xbf16, #tpu.memory_space<vmem>>) dst(%dma_wait3A_126 : memref<10240x64xbf16, #tpu.memory_space<vmem_shared>>)
    %dma_wait3A_127 = arith.constant 2 : i32
    %dma_wait3A_128 = arith.constant 0 : i32
    %dma_wait3A_129 = arith.constant 0 : i32
    %dma_wait3A_130 = arith.constant 0 : i32
    %dma_wait3A_131 = tpu.memref_slice %arg9[%dma_wait3A_127, %dma_wait3A_129, %dma_wait3A_130] : memref<8x128x64xbf16, #tpu.memory_space<vmem>> -> memref<1x128x64xbf16, #tpu.memory_space<vmem>>
    %dma_wait3A_132 = tpu.memref_squeeze %dma_wait3A_131 : memref<1x128x64xbf16, #tpu.memory_space<vmem>> -> memref<128x64xbf16, #tpu.memory_space<vmem>>
    %dma_wait3A_133 = arith.constant 0 : i32
    %dma_wait3A_134 = tpu.memref_slice %arg8[%dma_wait3A_128, %dma_wait3A_133] : memref<160x128xi32, #tpu.memory_space<vmem>> -> memref<1x128xi32, #tpu.memory_space<vmem>>
    %dma_wait3A_135 = tpu.memref_squeeze %dma_wait3A_134 : memref<1x128xi32, #tpu.memory_space<vmem>> -> memref<128xi32, #tpu.memory_space<vmem>>
    %dma_wait3A_136 = arith.constant 0 : i32
    %dma_wait3A_137 = arith.constant 0 : i32
    %dma_wait3A_138 = tpu.memref_slice %arg10[%dma_wait3A_136, %dma_wait3A_137] : memref<10240x64xbf16, #tpu.memory_space<vmem_shared>> -> memref<10240x64xbf16, #tpu.memory_space<vmem_shared>>
    tpu.wait_indirect_dma semaphore(%arg21 : memref<!tpu.dma_semaphore, #tpu.memory_space<semaphore_mem>>) src(%dma_wait3A_132 : memref<128x64xbf16, #tpu.memory_space<vmem>>) dst(%dma_wait3A_138 : memref<10240x64xbf16, #tpu.memory_space<vmem_shared>>)
    %dma_wait3A_139 = arith.constant 3 : i32
    %dma_wait3A_140 = arith.constant 0 : i32
    %dma_wait3A_141 = arith.constant 0 : i32
    %dma_wait3A_142 = arith.constant 0 : i32
    %dma_wait3A_143 = tpu.memref_slice %arg9[%dma_wait3A_139, %dma_wait3A_141, %dma_wait3A_142] : memref<8x128x64xbf16, #tpu.memory_space<vmem>> -> memref<1x128x64xbf16, #tpu.memory_space<vmem>>
    %dma_wait3A_144 = tpu.memref_squeeze %dma_wait3A_143 : memref<1x128x64xbf16, #tpu.memory_space<vmem>> -> memref<128x64xbf16, #tpu.memory_space<vmem>>
    %dma_wait3A_145 = arith.constant 0 : i32
    %dma_wait3A_146 = tpu.memref_slice %arg8[%dma_wait3A_140, %dma_wait3A_145] : memref<160x128xi32, #tpu.memory_space<vmem>> -> memref<1x128xi32, #tpu.memory_space<vmem>>
    %dma_wait3A_147 = tpu.memref_squeeze %dma_wait3A_146 : memref<1x128xi32, #tpu.memory_space<vmem>> -> memref<128xi32, #tpu.memory_space<vmem>>
    %dma_wait3A_148 = arith.constant 0 : i32
    %dma_wait3A_149 = arith.constant 0 : i32
    %dma_wait3A_150 = tpu.memref_slice %arg10[%dma_wait3A_148, %dma_wait3A_149] : memref<10240x64xbf16, #tpu.memory_space<vmem_shared>> -> memref<10240x64xbf16, #tpu.memory_space<vmem_shared>>
    tpu.wait_indirect_dma semaphore(%arg22 : memref<!tpu.dma_semaphore, #tpu.memory_space<semaphore_mem>>) src(%dma_wait3A_144 : memref<128x64xbf16, #tpu.memory_space<vmem>>) dst(%dma_wait3A_150 : memref<10240x64xbf16, #tpu.memory_space<vmem_shared>>)
    %dma_wait3A_151 = arith.constant 4 : i32
    %dma_wait3A_152 = arith.constant 0 : i32
    %dma_wait3A_153 = arith.constant 0 : i32
    %dma_wait3A_154 = arith.constant 0 : i32
    %dma_wait3A_155 = tpu.memref_slice %arg9[%dma_wait3A_151, %dma_wait3A_153, %dma_wait3A_154] : memref<8x128x64xbf16, #tpu.memory_space<vmem>> -> memref<1x128x64xbf16, #tpu.memory_space<vmem>>
    %dma_wait3A_156 = tpu.memref_squeeze %dma_wait3A_155 : memref<1x128x64xbf16, #tpu.memory_space<vmem>> -> memref<128x64xbf16, #tpu.memory_space<vmem>>
    %dma_wait3A_157 = arith.constant 0 : i32
    %dma_wait3A_158 = tpu.memref_slice %arg8[%dma_wait3A_152, %dma_wait3A_157] : memref<160x128xi32, #tpu.memory_space<vmem>> -> memref<1x128xi32, #tpu.memory_space<vmem>>
    %dma_wait3A_159 = tpu.memref_squeeze %dma_wait3A_158 : memref<1x128xi32, #tpu.memory_space<vmem>> -> memref<128xi32, #tpu.memory_space<vmem>>
    %dma_wait3A_160 = arith.constant 0 : i32
    %dma_wait3A_161 = arith.constant 0 : i32
    %dma_wait3A_162 = tpu.memref_slice %arg10[%dma_wait3A_160, %dma_wait3A_161] : memref<10240x64xbf16, #tpu.memory_space<vmem_shared>> -> memref<10240x64xbf16, #tpu.memory_space<vmem_shared>>
    tpu.wait_indirect_dma semaphore(%arg23 : memref<!tpu.dma_semaphore, #tpu.memory_space<semaphore_mem>>) src(%dma_wait3A_156 : memref<128x64xbf16, #tpu.memory_space<vmem>>) dst(%dma_wait3A_162 : memref<10240x64xbf16, #tpu.memory_space<vmem_shared>>)
    %dma_wait3A_163 = arith.constant 5 : i32
    %dma_wait3A_164 = arith.constant 0 : i32
    %dma_wait3A_165 = arith.constant 0 : i32
    %dma_wait3A_166 = arith.constant 0 : i32
    %dma_wait3A_167 = tpu.memref_slice %arg9[%dma_wait3A_163, %dma_wait3A_165, %dma_wait3A_166] : memref<8x128x64xbf16, #tpu.memory_space<vmem>> -> memref<1x128x64xbf16, #tpu.memory_space<vmem>>
    %dma_wait3A_168 = tpu.memref_squeeze %dma_wait3A_167 : memref<1x128x64xbf16, #tpu.memory_space<vmem>> -> memref<128x64xbf16, #tpu.memory_space<vmem>>
    %dma_wait3A_169 = arith.constant 0 : i32
    %dma_wait3A_170 = tpu.memref_slice %arg8[%dma_wait3A_164, %dma_wait3A_169] : memref<160x128xi32, #tpu.memory_space<vmem>> -> memref<1x128xi32, #tpu.memory_space<vmem>>
    %dma_wait3A_171 = tpu.memref_squeeze %dma_wait3A_170 : memref<1x128xi32, #tpu.memory_space<vmem>> -> memref<128xi32, #tpu.memory_space<vmem>>
    %dma_wait3A_172 = arith.constant 0 : i32
    %dma_wait3A_173 = arith.constant 0 : i32
    %dma_wait3A_174 = tpu.memref_slice %arg10[%dma_wait3A_172, %dma_wait3A_173] : memref<10240x64xbf16, #tpu.memory_space<vmem_shared>> -> memref<10240x64xbf16, #tpu.memory_space<vmem_shared>>
    tpu.wait_indirect_dma semaphore(%arg24 : memref<!tpu.dma_semaphore, #tpu.memory_space<semaphore_mem>>) src(%dma_wait3A_168 : memref<128x64xbf16, #tpu.memory_space<vmem>>) dst(%dma_wait3A_174 : memref<10240x64xbf16, #tpu.memory_space<vmem_shared>>)
    %dma_wait3A_175 = arith.constant 6 : i32
    %dma_wait3A_176 = arith.constant 0 : i32
    %dma_wait3A_177 = arith.constant 0 : i32
    %dma_wait3A_178 = arith.constant 0 : i32
    %dma_wait3A_179 = tpu.memref_slice %arg9[%dma_wait3A_175, %dma_wait3A_177, %dma_wait3A_178] : memref<8x128x64xbf16, #tpu.memory_space<vmem>> -> memref<1x128x64xbf16, #tpu.memory_space<vmem>>
    %dma_wait3A_180 = tpu.memref_squeeze %dma_wait3A_179 : memref<1x128x64xbf16, #tpu.memory_space<vmem>> -> memref<128x64xbf16, #tpu.memory_space<vmem>>
    %dma_wait3A_181 = arith.constant 0 : i32
    %dma_wait3A_182 = tpu.memref_slice %arg8[%dma_wait3A_176, %dma_wait3A_181] : memref<160x128xi32, #tpu.memory_space<vmem>> -> memref<1x128xi32, #tpu.memory_space<vmem>>
    %dma_wait3A_183 = tpu.memref_squeeze %dma_wait3A_182 : memref<1x128xi32, #tpu.memory_space<vmem>> -> memref<128xi32, #tpu.memory_space<vmem>>
    %dma_wait3A_184 = arith.constant 0 : i32
    %dma_wait3A_185 = arith.constant 0 : i32
    %dma_wait3A_186 = tpu.memref_slice %arg10[%dma_wait3A_184, %dma_wait3A_185] : memref<10240x64xbf16, #tpu.memory_space<vmem_shared>> -> memref<10240x64xbf16, #tpu.memory_space<vmem_shared>>
    tpu.wait_indirect_dma semaphore(%arg25 : memref<!tpu.dma_semaphore, #tpu.memory_space<semaphore_mem>>) src(%dma_wait3A_180 : memref<128x64xbf16, #tpu.memory_space<vmem>>) dst(%dma_wait3A_186 : memref<10240x64xbf16, #tpu.memory_space<vmem_shared>>)
    %dma_wait3A_187 = arith.constant 7 : i32
    %dma_wait3A_188 = arith.constant 0 : i32
    %dma_wait3A_189 = arith.constant 0 : i32
    %dma_wait3A_190 = arith.constant 0 : i32
    %dma_wait3A_191 = tpu.memref_slice %arg9[%dma_wait3A_187, %dma_wait3A_189, %dma_wait3A_190] : memref<8x128x64xbf16, #tpu.memory_space<vmem>> -> memref<1x128x64xbf16, #tpu.memory_space<vmem>>
    %dma_wait3A_192 = tpu.memref_squeeze %dma_wait3A_191 : memref<1x128x64xbf16, #tpu.memory_space<vmem>> -> memref<128x64xbf16, #tpu.memory_space<vmem>>
    %dma_wait3A_193 = arith.constant 0 : i32
    %dma_wait3A_194 = tpu.memref_slice %arg8[%dma_wait3A_188, %dma_wait3A_193] : memref<160x128xi32, #tpu.memory_space<vmem>> -> memref<1x128xi32, #tpu.memory_space<vmem>>
    %dma_wait3A_195 = tpu.memref_squeeze %dma_wait3A_194 : memref<1x128xi32, #tpu.memory_space<vmem>> -> memref<128xi32, #tpu.memory_space<vmem>>
    %dma_wait3A_196 = arith.constant 0 : i32
    %dma_wait3A_197 = arith.constant 0 : i32
    %dma_wait3A_198 = tpu.memref_slice %arg10[%dma_wait3A_196, %dma_wait3A_197] : memref<10240x64xbf16, #tpu.memory_space<vmem_shared>> -> memref<10240x64xbf16, #tpu.memory_space<vmem_shared>>
    tpu.wait_indirect_dma semaphore(%arg26 : memref<!tpu.dma_semaphore, #tpu.memory_space<semaphore_mem>>) src(%dma_wait3A_192 : memref<128x64xbf16, #tpu.memory_space<vmem>>) dst(%dma_wait3A_198 : memref<10240x64xbf16, #tpu.memory_space<vmem_shared>>)
    %barrier3A_199 = arith.constant 0 : index
    tpu.barrier barrier_id(%barrier3A_199)
    %mul3A_200 = arith.constant 640 : i32
    %mul3A_201 = arith.muli %arg1, %mul3A_200 : i32
    "tpu.region"() ({
      %run_scoped3A = tpu.sem_alloc : memref<!tpu.dma_semaphore, #tpu.memory_space<semaphore_mem>>
      %dma_start3A_202 = arith.constant 0 : i32
      %dma_start3A_203 = arith.constant 0 : i32
      %dma_start3A_204 = tpu.memref_slice %arg6[%arg0, %arg1, %dma_start3A_202, %dma_start3A_203] : memref<2x16x640x64xbf16, #tpu.memory_space<hbm>> -> memref<1x1x640x64xbf16, #tpu.memory_space<hbm>>
      %dma_start3A_205 = tpu.memref_squeeze %dma_start3A_204 : memref<1x1x640x64xbf16, #tpu.memory_space<hbm>> -> memref<640x64xbf16, #tpu.memory_space<hbm>>
      %dma_start3A_206 = arith.constant 0 : i32
      %dma_start3A_207 = tpu.memref_slice %arg10[%mul3A_201, %dma_start3A_206] : memref<10240x64xbf16, #tpu.memory_space<vmem_shared>> -> memref<640x64xbf16, #tpu.memory_space<vmem_shared>>
      tpu.enqueue_dma source(%dma_start3A_207 : memref<640x64xbf16, #tpu.memory_space<vmem_shared>>) target(%dma_start3A_205 : memref<640x64xbf16, #tpu.memory_space<hbm>>) target_semaphore(%run_scoped3A : memref<!tpu.dma_semaphore, #tpu.memory_space<semaphore_mem>>)
      %dma_wait3A_208 = arith.constant 0 : i32
      %dma_wait3A_209 = arith.constant 0 : i32
      %dma_wait3A_210 = tpu.memref_slice %arg6[%arg0, %arg1, %dma_wait3A_208, %dma_wait3A_209] : memref<2x16x640x64xbf16, #tpu.memory_space<hbm>> -> memref<1x1x640x64xbf16, #tpu.memory_space<hbm>>
      %dma_wait3A_211 = tpu.memref_squeeze %dma_wait3A_210 : memref<1x1x640x64xbf16, #tpu.memory_space<hbm>> -> memref<640x64xbf16, #tpu.memory_space<hbm>>
      %dma_wait3A_212 = arith.constant 0 : i32
      %dma_wait3A_213 = tpu.memref_slice %arg10[%mul3A_201, %dma_wait3A_212] : memref<10240x64xbf16, #tpu.memory_space<vmem_shared>> -> memref<640x64xbf16, #tpu.memory_space<vmem_shared>>
      tpu.wait_dma2 semaphore(%run_scoped3A : memref<!tpu.dma_semaphore, #tpu.memory_space<semaphore_mem>>) src(%dma_wait3A_213 : memref<640x64xbf16, #tpu.memory_space<vmem_shared>>) dst(%dma_wait3A_211 : memref<640x64xbf16, #tpu.memory_space<hbm>>)
      tpu.yield
    }) : () -> ()
    return
  }
}

module attributes {stable_mosaic.version = 14 : i64} {
  func.func @body(%arg0: i32, %arg1: memref<10000x128xf32, #tpu.memory_space<vmem>>, %arg2: memref<128x128xf32, #tpu.memory_space<vmem>>, %arg3: memref<1x128xf32, #tpu.memory_space<vmem>>, %arg4: memref<2x10000x64xbf16, #tpu.memory_space<vmem>>) attributes {dimension_semantics = [#tpu.dimension_semantics<arbitrary>], iteration_bounds = array<i64: 1>, scalar_prefetch = 0 : i64, scratch_operands = 0 : i64, tpu.core_type = #tpu.core_type<tc>, window_params = [{pipeline_mode = #tpu.pipeline_mode<synchronous>, transform_indices = @transform_0, window_bounds = array<i64: 10000, 128>}, {pipeline_mode = #tpu.pipeline_mode<synchronous>, transform_indices = @transform_1, window_bounds = array<i64: 128, 128>}, {pipeline_mode = #tpu.pipeline_mode<synchronous>, transform_indices = @transform_2, window_bounds = array<i64: 1, 128>}, {pipeline_mode = #tpu.pipeline_mode<synchronous>, transform_indices = @transform_3, window_bounds = array<i64: 2, 10000, 64>}]} {
    %get3A = arith.constant 0 : index
    %get3A_0 = arith.constant 0 : index
    %get3A_1 = vector.load %arg1[%get3A, %get3A_0] : memref<10000x128xf32, #tpu.memory_space<vmem>>, vector<10000x128xf32>
    %get3A_2 = arith.constant 0 : index
    %get3A_3 = arith.constant 0 : index
    %get3A_4 = vector.load %arg2[%get3A_2, %get3A_3] : memref<128x128xf32, #tpu.memory_space<vmem>>, vector<128x128xf32>
    %dot_general3A = arith.constant dense<0.000000e+00> : vector<10000x128xf32>
    %dot_general3A_5 = tpu.matmul %get3A_1, %get3A_4, %dot_general3A {dimension_numbers = #tpu.dot_dimension_numbers<[1], [0], [0], [1], [0, 0, 1, 1], [], []>, transpose_lhs_hint = false} : vector<10000x128xf32>, vector<128x128xf32>, vector<10000x128xf32> -> vector<10000x128xf32>
    %get3A_6 = arith.constant 0 : index
    %get3A_7 = arith.constant 0 : index
    %get3A_8 = vector.load %arg3[%get3A_6, %get3A_7] : memref<1x128xf32, #tpu.memory_space<vmem>>, vector<1x128xf32>
    %add3A = vector.broadcast %get3A_8 : vector<1x128xf32> to vector<10000x128xf32>
    %add3A_9 = arith.addf %dot_general3A_5, %add3A : vector<10000x128xf32>
    %convert_element_type3A = arith.truncf %add3A_9 : vector<10000x128xf32> to vector<10000x128xbf16>
    %slice3A = vector.extract_strided_slice %convert_element_type3A {offsets = [0, 0], sizes = [10000, 64], strides = [1, 1]} : vector<10000x128xbf16> to vector<10000x64xbf16>
    %swap3A = arith.constant 0 : index
    %swap3A_10 = arith.constant 0 : index
    %swap3A_11 = arith.constant 0 : index
    %swap3A_12 = vector.load %arg4[%swap3A, %swap3A_10, %swap3A_11] : memref<2x10000x64xbf16, #tpu.memory_space<vmem>>, vector<1x10000x64xbf16>
    %swap3A_13 = vector.shape_cast %swap3A_12 : vector<1x10000x64xbf16> to vector<10000x64xbf16>
    %swap3A_14 = vector.shape_cast %slice3A : vector<10000x64xbf16> to vector<1x10000x64xbf16>
    tpu.vector_store %arg4[%swap3A, %swap3A_10, %swap3A_11], %swap3A_14 {strides = array<i32>} : memref<2x10000x64xbf16, #tpu.memory_space<vmem>>, vector<1x10000x64xbf16>,
    %slice3A_15 = vector.extract_strided_slice %convert_element_type3A {offsets = [0, 64], sizes = [10000, 64], strides = [1, 1]} : vector<10000x128xbf16> to vector<10000x64xbf16>
    %swap3A_16 = arith.constant 1 : index
    %swap3A_17 = arith.constant 0 : index
    %swap3A_18 = arith.constant 0 : index
    %swap3A_19 = vector.load %arg4[%swap3A_16, %swap3A_17, %swap3A_18] : memref<2x10000x64xbf16, #tpu.memory_space<vmem>>, vector<1x10000x64xbf16>
    %swap3A_20 = vector.shape_cast %swap3A_19 : vector<1x10000x64xbf16> to vector<10000x64xbf16>
    %swap3A_21 = vector.shape_cast %slice3A_15 : vector<10000x64xbf16> to vector<1x10000x64xbf16>
    tpu.vector_store %arg4[%swap3A_16, %swap3A_17, %swap3A_18], %swap3A_21 {strides = array<i32>} : memref<2x10000x64xbf16, #tpu.memory_space<vmem>>, vector<1x10000x64xbf16>,
    return
  }
  func.func @transform_0(%arg0: i32) -> (i32, i32) {
    %c0_i32 = arith.constant 0 : i32
    %c0_i32_0 = arith.constant 0 : i32
    %c0_i32_1 = arith.constant 0 : i32
    return %c0_i32, %c0_i32_0 : i32, i32
  }
  func.func @transform_1(%arg0: i32) -> (i32, i32) {
    %c0_i32 = arith.constant 0 : i32
    %c0_i32_0 = arith.constant 0 : i32
    %c0_i32_1 = arith.constant 0 : i32
    return %c0_i32, %c0_i32_0 : i32, i32
  }
  func.func @transform_2(%arg0: i32) -> (i32, i32) {
    %c0_i32 = arith.constant 0 : i32
    %c0_i32_0 = arith.constant 0 : i32
    %c0_i32_1 = arith.constant 0 : i32
    return %c0_i32, %c0_i32_0 : i32, i32
  }
  func.func @transform_3(%arg0: i32) -> (i32, i32, i32) {
    %c0_i32 = arith.constant 0 : i32
    %c0_i32_0 = arith.constant 0 : i32
    %c0_i32_1 = arith.constant 0 : i32
    %c0_i32_2 = arith.constant 0 : i32
    return %c0_i32, %c0_i32_0, %c0_i32_1 : i32, i32, i32
  }
}

module attributes {stable_mosaic.version = 14 : i64} {
  func.func @body(%arg0: i32, %arg1: memref<2x10000x64xbf16, #tpu.memory_space<vmem>>, %arg2: memref<128x128xf32, #tpu.memory_space<vmem>>, %arg3: memref<1x128xf32, #tpu.memory_space<vmem>>, %arg4: memref<2x10000x64xbf16, #tpu.memory_space<vmem>>) attributes {dimension_semantics = [#tpu.dimension_semantics<arbitrary>], iteration_bounds = array<i64: 1>, scalar_prefetch = 0 : i64, scratch_operands = 0 : i64, tpu.core_type = #tpu.core_type<tc>, window_params = [{transform_indices = @transform_0, window_bounds = array<i64: 2, 10000, 64>}, {pipeline_mode = #tpu.pipeline_mode<synchronous>, transform_indices = @transform_1, window_bounds = array<i64: 128, 128>}, {pipeline_mode = #tpu.pipeline_mode<synchronous>, transform_indices = @transform_2, window_bounds = array<i64: 1, 128>}, {pipeline_mode = #tpu.pipeline_mode<synchronous>, transform_indices = @transform_3, window_bounds = array<i64: 2, 10000, 64>}]} {
    %get3A = arith.constant 0 : index
    %get3A_0 = arith.constant 0 : index
    %get3A_1 = arith.constant 0 : index
    %get3A_2 = vector.load %arg1[%get3A, %get3A_0, %get3A_1] : memref<2x10000x64xbf16, #tpu.memory_space<vmem>>, vector<1x10000x64xbf16>
    %get3A_3 = vector.shape_cast %get3A_2 : vector<1x10000x64xbf16> to vector<10000x64xbf16>
    %get3A_4 = arith.constant 0 : index
    %get3A_5 = arith.constant 0 : index
    %get3A_6 = vector.load %arg2[%get3A_4, %get3A_5] : memref<128x128xf32, #tpu.memory_space<vmem>>, vector<64x128xf32>
    %dot_general3A = arith.constant dense<0.000000e+00> : vector<10000x128xf32>
    %dot_general3A_7 = tpu.matmul %get3A_3, %get3A_6, %dot_general3A {dimension_numbers = #tpu.dot_dimension_numbers<[1], [0], [0], [1], [0, 0, 1, 1], [], []>, transpose_lhs_hint = false} : vector<10000x64xbf16>, vector<64x128xf32>, vector<10000x128xf32> -> vector<10000x128xf32>
    %get3A_8 = arith.constant 1 : index
    %get3A_9 = arith.constant 0 : index
    %get3A_10 = arith.constant 0 : index
    %get3A_11 = vector.load %arg1[%get3A_8, %get3A_9, %get3A_10] : memref<2x10000x64xbf16, #tpu.memory_space<vmem>>, vector<1x10000x64xbf16>
    %get3A_12 = vector.shape_cast %get3A_11 : vector<1x10000x64xbf16> to vector<10000x64xbf16>
    %get3A_13 = arith.constant 64 : index
    %get3A_14 = arith.constant 0 : index
    %get3A_15 = vector.load %arg2[%get3A_13, %get3A_14] : memref<128x128xf32, #tpu.memory_space<vmem>>, vector<64x128xf32>
    %dot_general3A_16 = arith.constant dense<0.000000e+00> : vector<10000x128xf32>
    %dot_general3A_17 = tpu.matmul %get3A_12, %get3A_15, %dot_general3A_16 {dimension_numbers = #tpu.dot_dimension_numbers<[1], [0], [0], [1], [0, 0, 1, 1], [], []>, transpose_lhs_hint = false} : vector<10000x64xbf16>, vector<64x128xf32>, vector<10000x128xf32> -> vector<10000x128xf32>
    %add3A = arith.addf %dot_general3A_7, %dot_general3A_17 : vector<10000x128xf32>
    %get3A_18 = arith.constant 0 : index
    %get3A_19 = arith.constant 0 : index
    %get3A_20 = vector.load %arg3[%get3A_18, %get3A_19] : memref<1x128xf32, #tpu.memory_space<vmem>>, vector<1x128xf32>
    %add3A_21 = vector.broadcast %get3A_20 : vector<1x128xf32> to vector<10000x128xf32>
    %add3A_22 = arith.addf %add3A, %add3A_21 : vector<10000x128xf32>
    %convert_element_type3A = arith.truncf %add3A_22 : vector<10000x128xf32> to vector<10000x128xbf16>
    %slice3A = vector.extract_strided_slice %convert_element_type3A {offsets = [0, 0], sizes = [10000, 64], strides = [1, 1]} : vector<10000x128xbf16> to vector<10000x64xbf16>
    %swap3A = arith.constant 0 : index
    %swap3A_23 = arith.constant 0 : index
    %swap3A_24 = arith.constant 0 : index
    %swap3A_25 = vector.load %arg4[%swap3A, %swap3A_23, %swap3A_24] : memref<2x10000x64xbf16, #tpu.memory_space<vmem>>, vector<1x10000x64xbf16>
    %swap3A_26 = vector.shape_cast %swap3A_25 : vector<1x10000x64xbf16> to vector<10000x64xbf16>
    %swap3A_27 = vector.shape_cast %slice3A : vector<10000x64xbf16> to vector<1x10000x64xbf16>
    tpu.vector_store %arg4[%swap3A, %swap3A_23, %swap3A_24], %swap3A_27 {strides = array<i32>} : memref<2x10000x64xbf16, #tpu.memory_space<vmem>>, vector<1x10000x64xbf16>,
    %slice3A_28 = vector.extract_strided_slice %convert_element_type3A {offsets = [0, 64], sizes = [10000, 64], strides = [1, 1]} : vector<10000x128xbf16> to vector<10000x64xbf16>
    %swap3A_29 = arith.constant 1 : index
    %swap3A_30 = arith.constant 0 : index
    %swap3A_31 = arith.constant 0 : index
    %swap3A_32 = vector.load %arg4[%swap3A_29, %swap3A_30, %swap3A_31] : memref<2x10000x64xbf16, #tpu.memory_space<vmem>>, vector<1x10000x64xbf16>
    %swap3A_33 = vector.shape_cast %swap3A_32 : vector<1x10000x64xbf16> to vector<10000x64xbf16>
    %swap3A_34 = vector.shape_cast %slice3A_28 : vector<10000x64xbf16> to vector<1x10000x64xbf16>
    tpu.vector_store %arg4[%swap3A_29, %swap3A_30, %swap3A_31], %swap3A_34 {strides = array<i32>} : memref<2x10000x64xbf16, #tpu.memory_space<vmem>>, vector<1x10000x64xbf16>,
    return
  }
  func.func @transform_0(%arg0: i32) -> (i32, i32, i32) {
    %c0_i32 = arith.constant 0 : i32
    %c0_i32_0 = arith.constant 0 : i32
    %c0_i32_1 = arith.constant 0 : i32
    %c0_i32_2 = arith.constant 0 : i32
    return %c0_i32, %c0_i32_0, %c0_i32_1 : i32, i32, i32
  }
  func.func @transform_1(%arg0: i32) -> (i32, i32) {
    %c0_i32 = arith.constant 0 : i32
    %c0_i32_0 = arith.constant 0 : i32
    %c0_i32_1 = arith.constant 0 : i32
    return %c0_i32, %c0_i32_0 : i32, i32
  }
  func.func @transform_2(%arg0: i32) -> (i32, i32) {
    %c0_i32 = arith.constant 0 : i32
    %c0_i32_0 = arith.constant 0 : i32
    %c0_i32_1 = arith.constant 0 : i32
    return %c0_i32, %c0_i32_0 : i32, i32
  }
  func.func @transform_3(%arg0: i32) -> (i32, i32, i32) {
    %c0_i32 = arith.constant 0 : i32
    %c0_i32_0 = arith.constant 0 : i32
    %c0_i32_1 = arith.constant 0 : i32
    %c0_i32_2 = arith.constant 0 : i32
    return %c0_i32, %c0_i32_0, %c0_i32_1 : i32, i32, i32
  }
}

module attributes {stable_mosaic.version = 14 : i64} {
  func.func @body(%arg0: i32, %arg1: memref<2x10000x64xbf16, #tpu.memory_space<vmem>>, %arg2: memref<128x64xf32, #tpu.memory_space<vmem>>, %arg3: memref<1x64xf32, #tpu.memory_space<vmem>>, %arg4: memref<2x10000x32xbf16, #tpu.memory_space<vmem>>) attributes {dimension_semantics = [#tpu.dimension_semantics<arbitrary>], iteration_bounds = array<i64: 1>, scalar_prefetch = 0 : i64, scratch_operands = 0 : i64, tpu.core_type = #tpu.core_type<tc>, window_params = [{transform_indices = @transform_0, window_bounds = array<i64: 2, 10000, 64>}, {pipeline_mode = #tpu.pipeline_mode<synchronous>, transform_indices = @transform_1, window_bounds = array<i64: 128, 64>}, {pipeline_mode = #tpu.pipeline_mode<synchronous>, transform_indices = @transform_2, window_bounds = array<i64: 1, 64>}, {pipeline_mode = #tpu.pipeline_mode<synchronous>, transform_indices = @transform_3, window_bounds = array<i64: 2, 10000, 32>}]} {
    %get3A = arith.constant 0 : index
    %get3A_0 = arith.constant 0 : index
    %get3A_1 = arith.constant 0 : index
    %get3A_2 = vector.load %arg1[%get3A, %get3A_0, %get3A_1] : memref<2x10000x64xbf16, #tpu.memory_space<vmem>>, vector<1x10000x64xbf16>
    %get3A_3 = vector.shape_cast %get3A_2 : vector<1x10000x64xbf16> to vector<10000x64xbf16>
    %get3A_4 = arith.constant 0 : index
    %get3A_5 = arith.constant 0 : index
    %get3A_6 = vector.load %arg2[%get3A_4, %get3A_5] : memref<128x64xf32, #tpu.memory_space<vmem>>, vector<64x64xf32>
    %dot_general3A = arith.constant dense<0.000000e+00> : vector<10000x64xf32>
    %dot_general3A_7 = tpu.matmul %get3A_3, %get3A_6, %dot_general3A {dimension_numbers = #tpu.dot_dimension_numbers<[1], [0], [0], [1], [0, 0, 1, 1], [], []>, transpose_lhs_hint = false} : vector<10000x64xbf16>, vector<64x64xf32>, vector<10000x64xf32> -> vector<10000x64xf32>
    %get3A_8 = arith.constant 1 : index
    %get3A_9 = arith.constant 0 : index
    %get3A_10 = arith.constant 0 : index
    %get3A_11 = vector.load %arg1[%get3A_8, %get3A_9, %get3A_10] : memref<2x10000x64xbf16, #tpu.memory_space<vmem>>, vector<1x10000x64xbf16>
    %get3A_12 = vector.shape_cast %get3A_11 : vector<1x10000x64xbf16> to vector<10000x64xbf16>
    %get3A_13 = arith.constant 64 : index
    %get3A_14 = arith.constant 0 : index
    %get3A_15 = vector.load %arg2[%get3A_13, %get3A_14] : memref<128x64xf32, #tpu.memory_space<vmem>>, vector<64x64xf32>
    %dot_general3A_16 = arith.constant dense<0.000000e+00> : vector<10000x64xf32>
    %dot_general3A_17 = tpu.matmul %get3A_12, %get3A_15, %dot_general3A_16 {dimension_numbers = #tpu.dot_dimension_numbers<[1], [0], [0], [1], [0, 0, 1, 1], [], []>, transpose_lhs_hint = false} : vector<10000x64xbf16>, vector<64x64xf32>, vector<10000x64xf32> -> vector<10000x64xf32>
    %add3A = arith.addf %dot_general3A_7, %dot_general3A_17 : vector<10000x64xf32>
    %get3A_18 = arith.constant 0 : index
    %get3A_19 = arith.constant 0 : index
    %get3A_20 = vector.load %arg3[%get3A_18, %get3A_19] : memref<1x64xf32, #tpu.memory_space<vmem>>, vector<1x64xf32>
    %add3A_21 = vector.broadcast %get3A_20 : vector<1x64xf32> to vector<10000x64xf32>
    %add3A_22 = arith.addf %add3A, %add3A_21 : vector<10000x64xf32>
    %convert_element_type3A = arith.truncf %add3A_22 : vector<10000x64xf32> to vector<10000x64xbf16>
    %slice3A = vector.extract_strided_slice %convert_element_type3A {offsets = [0, 0], sizes = [10000, 32], strides = [1, 1]} : vector<10000x64xbf16> to vector<10000x32xbf16>
    %swap3A = arith.constant 0 : index
    %swap3A_23 = arith.constant 0 : index
    %swap3A_24 = arith.constant 0 : index
    %swap3A_25 = vector.load %arg4[%swap3A, %swap3A_23, %swap3A_24] : memref<2x10000x32xbf16, #tpu.memory_space<vmem>>, vector<1x10000x32xbf16>
    %swap3A_26 = vector.shape_cast %swap3A_25 : vector<1x10000x32xbf16> to vector<10000x32xbf16>
    %swap3A_27 = vector.shape_cast %slice3A : vector<10000x32xbf16> to vector<1x10000x32xbf16>
    tpu.vector_store %arg4[%swap3A, %swap3A_23, %swap3A_24], %swap3A_27 {strides = array<i32>} : memref<2x10000x32xbf16, #tpu.memory_space<vmem>>, vector<1x10000x32xbf16>,
    %slice3A_28 = vector.extract_strided_slice %convert_element_type3A {offsets = [0, 32], sizes = [10000, 32], strides = [1, 1]} : vector<10000x64xbf16> to vector<10000x32xbf16>
    %swap3A_29 = arith.constant 1 : index
    %swap3A_30 = arith.constant 0 : index
    %swap3A_31 = arith.constant 0 : index
    %swap3A_32 = vector.load %arg4[%swap3A_29, %swap3A_30, %swap3A_31] : memref<2x10000x32xbf16, #tpu.memory_space<vmem>>, vector<1x10000x32xbf16>
    %swap3A_33 = vector.shape_cast %swap3A_32 : vector<1x10000x32xbf16> to vector<10000x32xbf16>
    %swap3A_34 = vector.shape_cast %slice3A_28 : vector<10000x32xbf16> to vector<1x10000x32xbf16>
    tpu.vector_store %arg4[%swap3A_29, %swap3A_30, %swap3A_31], %swap3A_34 {strides = array<i32>} : memref<2x10000x32xbf16, #tpu.memory_space<vmem>>, vector<1x10000x32xbf16>,
    return
  }
  func.func @transform_0(%arg0: i32) -> (i32, i32, i32) {
    %c0_i32 = arith.constant 0 : i32
    %c0_i32_0 = arith.constant 0 : i32
    %c0_i32_1 = arith.constant 0 : i32
    %c0_i32_2 = arith.constant 0 : i32
    return %c0_i32, %c0_i32_0, %c0_i32_1 : i32, i32, i32
  }
  func.func @transform_1(%arg0: i32) -> (i32, i32) {
    %c0_i32 = arith.constant 0 : i32
    %c0_i32_0 = arith.constant 0 : i32
    %c0_i32_1 = arith.constant 0 : i32
    return %c0_i32, %c0_i32_0 : i32, i32
  }
  func.func @transform_2(%arg0: i32) -> (i32, i32) {
    %c0_i32 = arith.constant 0 : i32
    %c0_i32_0 = arith.constant 0 : i32
    %c0_i32_1 = arith.constant 0 : i32
    return %c0_i32, %c0_i32_0 : i32, i32
  }
  func.func @transform_3(%arg0: i32) -> (i32, i32, i32) {
    %c0_i32 = arith.constant 0 : i32
    %c0_i32_0 = arith.constant 0 : i32
    %c0_i32_1 = arith.constant 0 : i32
    %c0_i32_2 = arith.constant 0 : i32
    return %c0_i32, %c0_i32_0, %c0_i32_1 : i32, i32, i32
  }
}

module attributes {stable_mosaic.version = 14 : i64} {
  func.func @body(%arg0: i32, %arg1: memref<2x10000x32xbf16, #tpu.memory_space<vmem>>, %arg2: memref<1x1x10000xi32, #tpu.memory_space<vmem>>, %arg3: memref<1x1xf32, #tpu.memory_space<vmem>>) attributes {dimension_semantics = [#tpu.dimension_semantics<arbitrary>], iteration_bounds = array<i64: 1>, scalar_prefetch = 0 : i64, scratch_operands = 0 : i64, tpu.core_type = #tpu.core_type<tc>, window_params = [{transform_indices = @transform_0, window_bounds = array<i64: 2, 10000, 32>}, {pipeline_mode = #tpu.pipeline_mode<synchronous>, transform_indices = @transform_1, window_bounds = array<i64: 1, 1, 10000>}, {pipeline_mode = #tpu.pipeline_mode<synchronous>, transform_indices = @transform_2, window_bounds = array<i64: 1, 1>}]} {
    %get3A = arith.constant 0 : index
    %get3A_0 = arith.constant 0 : index
    %get3A_1 = arith.constant 0 : index
    %get3A_2 = vector.load %arg1[%get3A, %get3A_0, %get3A_1] : memref<2x10000x32xbf16, #tpu.memory_space<vmem>>, vector<1x10000x32xbf16>
    %get3A_3 = vector.shape_cast %get3A_2 : vector<1x10000x32xbf16> to vector<10000x32xbf16>
    %get3A_4 = arith.constant 1 : index
    %get3A_5 = arith.constant 0 : index
    %get3A_6 = arith.constant 0 : index
    %get3A_7 = vector.load %arg1[%get3A_4, %get3A_5, %get3A_6] : memref<2x10000x32xbf16, #tpu.memory_space<vmem>>, vector<1x10000x32xbf16>
    %get3A_8 = vector.shape_cast %get3A_7 : vector<1x10000x32xbf16> to vector<10000x32xbf16>
    %concatenate3A = tpu.concatenate %get3A_3, %get3A_8 in 1 : vector<10000x32xbf16>, vector<10000x32xbf16> -> vector<10000x64xbf16>
    %convert_element_type3A = arith.extf %concatenate3A : vector<10000x64xbf16> to vector<10000x64xf32>
    %iota3A = tpu.iota {dimensions = array<i32: 1>} : vector<10000x64xi32>
    %lt3A = arith.constant 40 : i32
    %lt3A_9 = vector.broadcast %lt3A : i32 to vector<10000x64xi32>
    %lt3A_10 = arith.cmpi slt, %iota3A, %lt3A_9 : vector<10000x64xi32>
    %jit3A = arith.constant -1.000000e+30 : f32
    %broadcast_in_dim3A = vector.broadcast %jit3A : f32 to vector<10000x64xf32>
    %select_n3A = arith.select %lt3A_10, %convert_element_type3A, %broadcast_in_dim3A : vector<10000x64xi1>, vector<10000x64xf32>
    %reduce_max3A = arith.constant dense<0xFF800000> : vector<10000xf32>
    %reduce_max3A_11 = vector.multi_reduction <maximumf>, %select_n3A, %reduce_max3A [1] : vector<10000x64xf32> to vector<10000xf32>
    %broadcast_in_dim3A_12 = vector.shape_cast %reduce_max3A_11 : vector<10000xf32> to vector<10000x1xf32>
    %squeeze3A = vector.shape_cast %broadcast_in_dim3A_12 : vector<10000x1xf32> to vector<10000xf32>
    %sub3A = vector.broadcast %broadcast_in_dim3A_12 : vector<10000x1xf32> to vector<10000x64xf32>
    %sub3A_13 = arith.subf %select_n3A, %sub3A : vector<10000x64xf32>
    %exp3A = math.exp %sub3A_13 : vector<10000x64xf32>
    %reduce_sum3A = arith.constant dense<0.000000e+00> : vector<10000xf32>
    %reduce_sum3A_14 = vector.multi_reduction <add>, %exp3A, %reduce_sum3A [1] : vector<10000x64xf32> to vector<10000xf32>
    %log3A = math.log %reduce_sum3A_14 : vector<10000xf32>
    %add3A = arith.addf %squeeze3A, %log3A : vector<10000xf32>
    %get3A_15 = arith.constant 0 : index
    %get3A_16 = arith.constant 0 : index
    %get3A_17 = arith.constant 0 : index
    %get3A_18 = vector.load %arg2[%get3A_15, %get3A_16, %get3A_17] : memref<1x1x10000xi32, #tpu.memory_space<vmem>>, vector<1x1x10000xi32>
    %get3A_19 = vector.shape_cast %get3A_18 : vector<1x1x10000xi32> to vector<10000xi32>
    %broadcast_in_dim3A_20 = vector.shape_cast %get3A_19 : vector<10000xi32> to vector<10000x1xi32>
    %eq3A = vector.broadcast %broadcast_in_dim3A_20 : vector<10000x1xi32> to vector<10000x64xi32>
    %eq3A_21 = arith.cmpi eq, %iota3A, %eq3A : vector<10000x64xi32>
    %jit3A_22 = arith.constant 0.000000e+00 : f32
    %broadcast_in_dim3A_23 = vector.broadcast %jit3A_22 : f32 to vector<10000x64xf32>
    %select_n3A_24 = arith.select %eq3A_21, %convert_element_type3A, %broadcast_in_dim3A_23 : vector<10000x64xi1>, vector<10000x64xf32>
    %reduce_sum3A_25 = arith.constant dense<0.000000e+00> : vector<10000xf32>
    %reduce_sum3A_26 = vector.multi_reduction <add>, %select_n3A_24, %reduce_sum3A_25 [1] : vector<10000x64xf32> to vector<10000xf32>
    %sub3A_27 = arith.subf %add3A, %reduce_sum3A_26 : vector<10000xf32>
    %reduce_sum3A_28 = vector.shape_cast %sub3A_27 : vector<10000xf32> to vector<1x10000xf32>
    %reduce_sum3A_29 = arith.constant dense<0.000000e+00> : vector<1xf32>
    %reduce_sum3A_30 = vector.multi_reduction <add>, %reduce_sum3A_28, %reduce_sum3A_29 [1] : vector<1x10000xf32> to vector<1xf32>
    %reduce_sum3A_31 = vector.shape_cast %reduce_sum3A_30 : vector<1xf32> to vector<1x1xf32>
    %reduce_sum3A_32 = vector.extract %reduce_sum3A_31[0, 0] : f32 from vector<1x1xf32>
    %mul3A = arith.constant 9.99999974E-5 : f32
    %mul3A_33 = arith.mulf %reduce_sum3A_32, %mul3A : f32
    %eq3A_34 = arith.constant 0 : i32
    %eq3A_35 = arith.cmpi eq, %arg0, %eq3A_34 : i32
    %convert_element_type3A_36 = arith.extui %eq3A_35 : i1 to i32
    %cond3A = arith.constant 0 : i32
    %cond3A_37 = arith.cmpi ne, %convert_element_type3A_36, %cond3A : i32
    scf.if %cond3A_37 {
      %broadcast_in_dim3A_48 = arith.constant 0.000000e+00 : f32
      %broadcast_in_dim3A_49 = vector.broadcast %broadcast_in_dim3A_48 : f32 to vector<1x1xf32>
      %swap3A_50 = arith.constant 0 : index
      %swap3A_51 = arith.constant 0 : index
      %swap3A_52 = vector.load %arg3[%swap3A_50, %swap3A_51] : memref<1x1xf32, #tpu.memory_space<vmem>>, vector<1x1xf32>
      tpu.vector_store %arg3[%swap3A_50, %swap3A_51], %broadcast_in_dim3A_49 {strides = array<i32>} : memref<1x1xf32, #tpu.memory_space<vmem>>, vector<1x1xf32>,
    } else {
    }
    %get3A_38 = arith.constant 0 : index
    %get3A_39 = arith.constant 0 : index
    %get3A_40 = vector.load %arg3[%get3A_38, %get3A_39] : memref<1x1xf32, #tpu.memory_space<vmem>>, vector<1x1xf32>
    %broadcast_in_dim3A_41 = arith.constant 1.000000e+00 : f32
    %broadcast_in_dim3A_42 = vector.broadcast %broadcast_in_dim3A_41 : f32 to vector<1x1xf32>
    %mul3A_43 = vector.broadcast %mul3A_33 : f32 to vector<1x1xf32>
    %mul3A_44 = arith.mulf %broadcast_in_dim3A_42, %mul3A_43 : vector<1x1xf32>
    %add3A_45 = arith.addf %get3A_40, %mul3A_44 : vector<1x1xf32>
    %swap3A = arith.constant 0 : index
    %swap3A_46 = arith.constant 0 : index
    %swap3A_47 = vector.load %arg3[%swap3A, %swap3A_46] : memref<1x1xf32, #tpu.memory_space<vmem>>, vector<1x1xf32>
    tpu.vector_store %arg3[%swap3A, %swap3A_46], %add3A_45 {strides = array<i32>} : memref<1x1xf32, #tpu.memory_space<vmem>>, vector<1x1xf32>,
    return
  }
  func.func @transform_0(%arg0: i32) -> (i32, i32, i32) {
    %c0_i32 = arith.constant 0 : i32
    %c0_i32_0 = arith.constant 0 : i32
    %c0_i32_1 = arith.constant 0 : i32
    %c0_i32_2 = arith.constant 0 : i32
    return %c0_i32, %c0_i32_0, %c0_i32_1 : i32, i32, i32
  }
  func.func @transform_1(%arg0: i32) -> (i32, i32, i32) {
    %c0_i32 = arith.constant 0 : i32
    %c0_i32_0 = arith.constant 0 : i32
    %c0_i32_1 = arith.constant 0 : i32
    %c0_i32_2 = arith.constant 0 : i32
    return %c0_i32, %c0_i32_0, %c0_i32_1 : i32, i32, i32
  }
  func.func @transform_2(%arg0: i32) -> (i32, i32) {
    %c0_i32 = arith.constant 0 : i32
    %c0_i32_0 = arith.constant 0 : i32
    %c0_i32_1 = arith.constant 0 : i32
    return %c0_i32, %c0_i32_0 : i32, i32
  }
}

</mosaic_0001>

<sc_bundles>
// kernel: kernel.12.cloned.1.call-start
scs
__scs_entry_jumppad:
0x0: {  	(pc) =	sbr.rel $0x88, $3  }
0x1: {  	(tag) =	ssettag $0x0;
	lr =	simm.s32 $0x1  }
0x2: {  	[smem:$0x3F98] =	sst lr;
	_ =	strace $0xD0000000  }
0x3: {  	_ = 	snop  }
0x4: {  	_ = 	snop  }
0x5: {  	_ = 	snop  }
0x6: {  	_ = 	snop  }
0x7: {  	_ = 	snop  }
__scs_overlays_trampoline_lowered:
0x8: {  	[smem:$0x3FA7] =	sst s0  }
0x9: {  	[smem:$0x3FA8] =	sst s1  }
0xa: {  	[smem:$0x3FA9] =	sst s2  }
0xb: {  	[smem:$0x3FAA] =	sst s3  }
0xc: {  	[smem:$0x3FAB] =	sst s4  }
0xd: {  	[smem:$0x3FAC] =	sst s5  }
0xe: {  	[smem:$0x3FAD] =	sst s6  }
0xf: {  	[smem:$0x3FAE] =	sst s7  }
0x10: {  	[smem:$0x3FAF] =	sst s8  }
0x11: {  	[smem:$0x3FB0] =	sst s9;
	s0 =	simm.s32 @!p0 $0x0  }
0x12: {  	s1 =	sld [smem:$0x3F96];
	s0 =	simm.s32 @p0 $0x1  }
0x13: {  	[smem:$0x3FB1] =	sst s0;
	s0 =	simm.s32 @!p1 $0x0  }
0x14: {  	s2 =	sld [smem:$0x3F95];
	s0 =	simm.s32 @p1 $0x1  }
0x15: {  	[smem:$0x3FB2] =	sst s0;
	s0 =	simm.s32 @!p2 $0x0  }
0x16: {  	s3 =	sld [smem:$0x3FDB];
	s0 =	simm.s32 @p2 $0x1  }
0x17: {  	s4 =	simm.s32 $0x1BF5;
	[smem:$0x3FB4] =	sst s0  }
0x18: {  	s0 =	sld [smem:$0x3F97];
	_ =	swait.ge [sflag:s4], $0x0  }
0x19: {  	s7 =	sld [smem:$0x3F98]  }
0x1a: {  	s8 =	sadd.s32 $0xFFFFE003, lr  }
0x1b: {  	s9 =	sadd.s32 $0xFFFFFEF7, lr;
	s5 =	simm.s32 $0xFFFFFFFF;
	p2 =	slt.u32 s8, $0xFFFFF086  }
0x1c: {  	p1 =	slt.u32 s9, $0xF7A;
	s5 =	simm.s32 @!p2 $0x0  }
0x1d: {  	s5 =	simm.s32 @p1 $0x1;
	p0 =	seq.s32 s7, s2  }
0x1e: {  	s7 =	smul.u32 @!p0 $0xF7A, s2;
	p2 =	seq.s32 @!p0 s5, $0x0  }
0x1f: {  	s9 =	smul.u32 $0xF7A, s1;
	s8 =	simm.s32 @!p0 $0x1BF5;
	p2 =	por !p2, p0  }
0x20: {  	[sflag:s8] =	ssyncset.s32 @!p0 $0xFFFFF086;
	s6 =	sadd.s32 @!p0 s3, s7;
	s7 =	simm.s32 @!p0 $0x108  }
0x21: {  	s3 =	sadd.s32 s3, s9;
	s6 =	sadd.s32 @!p0 $0x88, s6;
	s7 =	simm.s32 @p2 $0x1082  }
0x22: {  	[simem:s7], [sflag:s8] =	dma.local @!p0 [hbm:s6], $0xF7A  }
0x23: {  	s9 =	sor.u32 $0xD0000000, s2;
	s6 =	simm.s32 $0x108;
	_ =	swait.ge @!p0 [sflag:s8], $0x0  }
0x24: {  	s3 =	sadd.s32 $0x88, s3;
	s6 =	simm.s32 @!p1 $0x1082;
	[sflag:s4] =	ssyncset.s32 $0xFFFFF086  }
0x25: {  	[simem:s6], [sflag:s4] =	dma.local [hbm:s3], $0xF7A  }
0x26: {  	[smem:$0x3F98] =	sst s1;
	(tag) =	ssettag s2;
	_ =	strace s9  }
0x27: {  	s1 =	sld [smem:$0x3FA8]  }
0x28: {  	s2 =	sld [smem:$0x3FA9]  }
0x29: {  	s4 =	sld [smem:$0x3FAB]  }
0x2a: {  	p0 =	seq.s32 s5, $0x0;
	s5 =	sld [smem:$0x3FAC]  }
0x2b: {  	s6 =	sld [smem:$0x3FAD]  }
0x2c: {  	s7 =	sld [smem:$0x3FAE]  }
0x2d: {  	s3 =	simm.s32 $0x108;
	s8 =	sld [smem:$0x3FAF]  }
0x2e: {  	s3 =	simm.s32 @!p0 $0x1082;
	s9 =	sld [smem:$0x3FB0]  }
0x2f: {  	lr =	sadd.s32 s0, s3;
	s0 =	sld [smem:$0x3FA7]  }
0x30: {  	s3 =	sld [smem:$0x3FAA]  }
0x31: {  	[smem:$0x3FB3] =	sst s10  }
0x32: {  	s10 =	sld [smem:$0x3FB1];
	_ =	sdelay $0x3  }
0x33: {  	p0 =	seq.s32 s10, $0x1;
	s10 =	sld [smem:$0x3FB3];
	_ =	sdelay $0x3  }
0x34: {  	[smem:$0x3FB3] =	sst s10  }
0x35: {  	s10 =	sld [smem:$0x3FB2];
	_ =	sdelay $0x3  }
0x36: {  	p1 =	seq.s32 s10, $0x1;
	s10 =	sld [smem:$0x3FB3];
	_ =	sdelay $0x3  }
0x37: {  	[smem:$0x3FB3] =	sst s10  }
0x38: {  	s10 =	sld [smem:$0x3FB4]  }
0x39: {  	_ = 	snop;
	(pc) =	sbr.ind lr, $3  }
0x3a: {  	_ = 	snop  }
0x3b: {  	_ = 	snop  }
0x3c: {  	p2 =	seq.s32 s10, $0x1;
	s10 =	sld [smem:$0x3FB3]  }
0x3d: {  	_ =	shalt  }
0x3e: {  	_ =	shalt  }
0x3f: {  	_ =	shalt  }
0x40: {  	_ =	shalt  }
0x41: {  	_ =	shalt  }
0x42: {  	_ =	shalt  }
0x43: {  	_ =	shalt  }
0x44: {  	_ =	shalt  }
0x45: {  	_ =	shalt  }
0x46: {  	_ =	shalt  }
0x47: {  	_ =	shalt  }
0x48: {  	_ =	shalt  }
0x49: {  	_ =	shalt  }
0x4a: {  	_ =	shalt  }
0x4b: {  	_ =	shalt  }
0x4c: {  	_ =	shalt  }
0x4d: {  	_ =	shalt  }
0x4e: {  	_ =	shalt  }
0x4f: {  	_ =	shalt  }
0x50: {  	_ =	shalt  }
0x51: {  	_ =	shalt  }
0x52: {  	_ =	shalt  }
0x53: {  	_ =	shalt  }
0x54: {  	_ =	shalt  }
0x55: {  	_ =	shalt  }
0x56: {  	_ =	shalt  }
0x57: {  	_ =	shalt  }
0x58: {  	_ =	shalt  }
0x59: {  	_ =	shalt  }
0x5a: {  	_ =	shalt  }
0x5b: {  	_ =	shalt  }
0x5c: {  	_ =	shalt  }
0x5d: {  	_ =	shalt  }
0x5e: {  	_ =	shalt  }
0x5f: {  	_ =	shalt  }
0x60: {  	_ =	shalt  }
0x61: {  	_ =	shalt  }
0x62: {  	_ =	shalt  }
0x63: {  	_ =	shalt  }
0x64: {  	_ =	shalt  }
0x65: {  	_ =	shalt  }
0x66: {  	_ =	shalt  }
0x67: {  	_ =	shalt  }
0x68: {  	_ =	shalt  }
0x69: {  	_ =	shalt  }
0x6a: {  	_ =	shalt  }
0x6b: {  	_ =	shalt  }
0x6c: {  	_ =	shalt  }
0x6d: {  	_ =	shalt  }
0x6e: {  	_ =	shalt  }
0x6f: {  	_ =	shalt  }
0x70: {  	_ =	shalt  }
0x71: {  	_ =	shalt  }
0x72: {  	_ =	shalt  }
0x73: {  	_ =	shalt  }
0x74: {  	_ =	shalt  }
0x75: {  	_ =	shalt  }
0x76: {  	_ =	shalt  }
0x77: {  	_ =	shalt  }
0x78: {  	_ =	shalt  }
0x79: {  	_ =	shalt  }
0x7a: {  	_ =	shalt  }
0x7b: {  	_ =	shalt  }
0x7c: {  	_ =	shalt  }
0x7d: {  	_ =	shalt  }
0x7e: {  	_ =	shalt  }
0x7f: {  	_ =	shalt  }
0x80: {  	_ =	shalt  }
0x81: {  	_ =	shalt  }
0x82: {  	_ =	shalt  }
0x83: {  	_ =	shalt  }
0x84: {  	_ =	shalt  }
0x85: {  	_ =	shalt  }
0x86: {  	_ =	shalt  }
0x87: {  	_ =	shalt  }
.Lfunc_end0:
.L_simem_size_0:
called_computation.1_lowered:
.L_overlay_start_0:
0x88: {  	s2 =	sld [smem:$0x3FD9]  }
0x89: {  	s3 =	sld [smem:$0x3FFE];
	_ =	sdelay $0x1  }
0x8a: {  	s1 =	srdreg.scid  }
0x8b: {  	s0 =	sand.u32 $0x1, s1  }
0x8c: {  	s16 =	sshll.u32 s0, $0xA;
	s2 =	sadd.s32 s3, s2  }
0x8d: {  	s2 =	sadd.s32 s2, s16  }
0x8e: {  	[smem:$0x3FBF] =	sst s2  }
0x8f: {  	_ = 	snop  }
0x90: {  	(tm) =	ssettm $0x1  }
0x91: {  	s17 =	sld [smem:$0x3FFB];
	_ =	sdelay $0x3  }
0x92: {  	_ =	strace s17  }
0x93: {  	s2 =	sld [smem:$0x3FFC];
	_ =	sdelay $0x3  }
0x94: {  	_ =	strace s2  }
0x95: {  	s2 =	sld [smem:$0x3FFD];
	_ =	sdelay $0x3  }
0x96: {  	_ =	strace s2  }
0x97: {  	_ =	strace $0x8FFFFFFF  }
0x98: {  	s18 =	sld [smem:$0x3FDB];
	_ =	sdelay $0x1  }
0x99: {  	s19 =	simm.s32 $_scs_section_size  }
0x9a: {  	s4 =	simm.s32 $_size__tile_overlayer_lowered;
	s5 =	simm.s32 $_tile_overlayer_lowered  }
0x9b: {  	s22 =	simm.s32 $0x1BFF;
	s21 =	sshll.u32 s5, $0x1;
	s2 =	sadd.s32 s19, s18  }
0x9c: {  	s6 =	simm.s32 $0x0;
	s20 =	sshll.u32 s4, $0x1;
	s4 =	sadd.s32 s21, s2  }
0x9d: {  	[timem:s6], [sflag:s22] =	dma.local [hbm:s4], s20  }
0x9e: {  	_ =	swait.ge [sflag:s22], s20  }
0x9f: {  	s3 =	ssub.s32 $0x0, s20;
	[sflag:s22] =	ssyncset.done $0x0  }
0xa0: {  	[sflag:s22] =	ssyncadd.s32 s3;
	_ =	sdelay $0x1  }
0xa1: {  	s23 =	simm.s32 $0x1B8B  }
0xa2: {  	_ =	swait.ge [sflag:s23], $0x1  }
0xa3: {  	[sflag:s23] =	ssyncset.done $0x0  }
0xa4: {  	s25 =	simm.s32 $0x1B8E;
	s24 =	sld [smem:$0x3FFE];
	[sflag:s23] =	ssyncadd.s32 $0xFFFFFFFF  }
0xa5: {  	s26 =	simm.s32 $execute0_lowered;
	[smem:$0x3FD2] =	sst s25  }
0xa6: {  	s4 =	sshll.u32 s26, $0x1;
	_ =	strace $0x80000049;
	[dreg:$0x1] =	wrdreg $0xFFFFFFFF  }
0xa7: {  	s28 =	simm.s32 $_size_execute0_lowered;
	s2 =	sadd.s32 s2, s4;
	[dreg:$0x0] =	wrdreg $0x0  }
0xa8: {  	s4 =	sshll.u32 s28, $0x1;
	[dreg:$0x2] =	wrdreg s2  }
0xa9: {  	[dreg:$0x3] =	wrdreg s4  }
0xaa: {  	[dreg:$0x4] =	wrdreg $0xC0  }
0xab: {  	_ =	task [dreg:s6], $0x5FFFF  }
0xac: {  	[dreg:$0x1] =	wrdreg $0xFFFFFFFF  }
0xad: {  	[dreg:$0x0] =	wrdreg $0x60  }
0xae: {  	[dreg:$0x2] =	wrdreg s24  }
0xaf: {  	[dreg:$0x3] =	wrdreg $0x120000  }
0xb0: {  	[dreg:$0x4] =	wrdreg $0x9  }
0xb1: {  	_ =	task.clear_ibuf [dreg:s6], $0x5FFFF;
	_ =	strace $0x90000049  }
0xb2: {  	s29 =	simm.s32 $0x9;
	_ =	strace $0x8000004B  }
0xb3: {  	_ =	swait.ge [sflag:s29], $0x1  }
0xb4: {  	[sflag:s29] =	ssyncadd.s32 $0xFFFFFFFF  }
0xb5: {  	_ =	strace $0x9000004B  }
0xb6: {  	_ =	sfence  }
0xb7: {  	s30 =	sld [smem:$0x0];
	_ =	sdelay $0x2  }
0xb8: {  	s31 =	sshll.u32 s1, $0xD;
	s1 =	sshrl.u32 s1, $0x2  }
0xb9: {  	s3 =	sand.u32 $0x4000, s31;
	s1 =	sadd.s32 s1, s30  }
0xba: {  	s0 =	sor.u32 s3, s0;
	s1 =	sshll.u32 s1, $0x11  }
0xbb: {  	s0 =	sor.u32 s1, s0  }
0xbc: {  	s0 =	sadd.s32 $0x8F2B, s0  }
0xbd: {  	[sflag:s0] =	ssyncadd.remote.s32 $0x1  }
0xbe: {  	_ =	sfence.sel $0xFFFF  }
0xbf: {  	[dreg:$0x0] =	wrdreg $0xFFFFFFFF;
	(pc) =	sbr.abs _section_cstart, $3  }
0xc0: {  	[dreg:$0x1] =	wrdreg $0xFFFFFFFF  }
0xc1: {  	_ =	task.clear_ibuf [dreg:s6], $0x2FFFF;
	_ =	strace $0x9FFFFFFF  }
0xc2: {  	(tm) =	ssettm $0x7FFFFFFF  }
0xc3: {  	_ =	shalt  }
tec
execute0_lowered:
.L_overlay_start_1:
0x0: {  	(tag) =	ssettag $0x1  }
0x1: {  	s0 =	srdreg.scid  }
0x2: {  	s9 =	stileid.u32;
	s1 =	rddreg [dreg:$0x0]  }
0x3: {  	s2 =	rddreg [dreg:$0x1];
	s6 =	simm.s32 $0x0;
	s12 =	simm.s32 $0x11  }
0x4: {  	s14 =	simm.s32 $0x80;
	s15 =	simm.s32 $0xA000;
	s18 =	simm.s32 $0xC000  }
0x5: {  	s29 =	simm.s32 $0x11000;
	s30 =	simm.s32 $0x1;
	s3 =	smul.u32 $0x5000, s9  }
0x6: {  	s31 =	simm.s32 $0x3;
	s13 =	simm.s32 $0x8;
	s7 =	smul.u32 $0xA000, s9  }
0x7: {  	s19 =	simm.s32 $0xB;
	s0 =	sand.u32 $0x1, s0;
	s21 =	smul.u32 $0x14000, s9  }
0x8: {  	s28 =	simm.s32 $0x0;
	[smem:$0x7FF] =	sst s6;
	s4 =	smul.u32 $0x50000, s0  }
0x9: {  	s22 =	sadd.s32 $0x1400, s1;
	s24 =	sshll.u32 s9, $0x6;
	s5 =	smul.u32 $0xA0000, s0  }
0xa: {  	_ =	strace $0x8000004A;
	[dreg:$0x3] =	wrdreg s22;
	s0 =	ssub.s32 $0x2, s0  }
0xb: {  	s22 =	simm.s32 $0xE000;
	s23 =	sshrl.u32 s0, $0x1;
	s20 =	sadd.s32 s3, s4  }
0xc: {  	s4 =	sadd.s32 $0x1E00, s1;
	s3 =	sshrl.u32 s3, $0x3;
	s5 =	sadd.s32 s7, s5  }
0xd: {  	s0 =	ssub.s32 s0, s23;
	s23 =	simm.s32 $0xE;
	s6 =	sshrl.u32 s20, $0x3  }
0xe: {  	s3 =	sadd.s32 s3, s1;
	s5 =	sshrl.u32 s5, $0x4;
	s0 =	smax.u32 s0, $0x1  }
0xf: {  	s20 =	simm.s32 $0xC;
	s8 =	sadd.s32 s6, s1;
	s1 =	sadd.s32 s5, s1  }
0x10: {  	s6 =	sshrl.u32 s21, $0x2;
	s3 =	sadd.s32 $0x29800, s3;
	[dreg:$0x7] =	wrdreg s0  }
.Ltmp0:
0x11: {  	s0 =	simm.s32 $0x7;
	s21 =	simm.s32 $0xD;
	(pc) =	sbr.rel .LBB2_1-.Ltmp0, $4  }
0x12: {  	s25 =	sadd.s32 s6, s2;
	s26 =	sadd.s32 $0x15800, s8;
	[dreg:$0x5] =	wrdreg s3  }
0x13: {  	s6 =	sor.u32 $0x1C11, s24;
	s1 =	sadd.s32 $0x33800, s1;
	[dreg:$0x4] =	wrdreg s26  }
0x14: {  	s24 =	simm.s32 $0xF;
	[dreg:$0x6] =	wrdreg s1;
	s11 =	sshrl.u32 s25, $0x3  }
0x15: {  	s26 =	simm.s32 $0x10000;
	s1 =	simm.s32 $0x5;
	s25 =	simm.s32 $0x10  }
.LBB2_4:
0x16: {  	_ =	swait.ge [sflag:s13], $0x1000  }
0x17: {  	[sflag:s13] =	ssyncset.done $0x0  }
0x18: {  	s9 =	simm.s32 $0x9;
	[sflag:s13] =	ssyncadd.s32 $0xFFFFF000  }
0x19: {  	[spmem:s2] =	stream.indirect.scatter.add.bf16 [tilespmem:s29], [sflag:$0x10], $0x20, s3, s14, $0xb8;
	[tilespmem:$0x17000] =	vst v63  }
0x1a: {  	_ =	swait.ge [sflag:s9], $0x1000  }
0x1b: {  	[sflag:s9] =	ssyncset.done $0x0  }
0x1c: {  	s10 =	simm.s32 $0xA;
	[sflag:s9] =	ssyncadd.s32 $0xFFFFF000  }
0x1d: {  	_ =	swait.ge [sflag:s10], $0x1000  }
0x1e: {  	[sflag:s10] =	ssyncset.done $0x0  }
0x1f: {  	[sflag:s10] =	ssyncadd.s32 $0xFFFFF000  }
0x20: {  	_ =	swait.ge [sflag:s19], $0x1000  }
0x21: {  	[sflag:s19] =	ssyncset.done $0x0  }
0x22: {  	[sflag:s19] =	ssyncadd.s32 $0xFFFFF000  }
0x23: {  	_ =	swait.ge [sflag:s20], $0x1000  }
0x24: {  	[sflag:s20] =	ssyncset.done $0x0  }
0x25: {  	[sflag:s20] =	ssyncadd.s32 $0xFFFFF000  }
0x26: {  	_ =	swait.ge [sflag:s21], $0x1000  }
0x27: {  	[sflag:s21] =	ssyncset.done $0x0  }
0x28: {  	[sflag:s21] =	ssyncadd.s32 $0xFFFFF000  }
0x29: {  	_ =	swait.ge [sflag:s23], $0x1000  }
0x2a: {  	[sflag:s23] =	ssyncset.done $0x0  }
0x2b: {  	[sflag:s23] =	ssyncadd.s32 $0xFFFFF000  }
0x2c: {  	_ =	swait.ge [sflag:s24], $0x1000  }
0x2d: {  	[sflag:s24] =	ssyncset.done $0x0  }
0x2e: {  	[sflag:s24] =	ssyncadd.s32 $0xFFFFF000  }
0x2f: {  	_ =	swait.ge [sflag:s25], $0x1000  }
0x30: {  	[sflag:s25] =	ssyncset.done $0x0  }
0x31: {  	[sflag:s25] =	ssyncadd.s32 $0xFFFFF000  }
0x32: {  	[bflag:$0x0] =	sbarrier.arrive $0xFFFF  }
0x33: {  	s16 =	rddreg [dreg:$0x6]  }
0x34: {  	[hbm:s16], [sflag:s6] =	dma.local [spmem:s11], $0xA00  }
0x35: {  	_ =	swait.ge [sflag:s12], $0xA00  }
0x36: {  	s28 =	sadd.s32 $0x1, s28;
	s17 =	rddreg [dreg:$0x7]  }
0x37: {  	p0 =	sne.s32 s28, s17  }
.Ltmp1:
0x38: {  	_ = 	snop;
	(pc) =	sbr.rel @!p0 .LBB2_5-.Ltmp1, $3  }
0x39: {  	_ =	sdelay $0x1  }
0x3a: {  	[sflag:s12] =	ssyncset.done $0x0  }
0x3b: {  	[sflag:s12] =	ssyncadd.s32 $0xFFFFF600  }
.LBB2_1:
0x3c: {  	s3 =	rddreg [dreg:$0x3]  }
0x3d: {  	[spmem:s11], [sflag:s6] =	dma.local [hbm:s3], $0xA00  }
0x3e: {  	_ =	swait.ge [sflag:s12], $0xA00  }
0x3f: {  	[sflag:s12] =	ssyncset.done $0x0  }
0x40: {  	[sflag:s12] =	ssyncadd.s32 $0xFFFFF600  }
0x41: {  	[bflag:$0x0] =	sbarrier.arrive $0xFFFF  }
0x42: {  	s9 =	simm.s32 $0x0;
	s5 =	rddreg [dreg:$0x4]  }
0x43: {  	[tilespmem:s9], [sflag:$0x11] =	stream.linear.gather [hbm4b:s5+s9], $0x5000, $0x38;
	[tilespmem:$0x17000] =	vst v63  }
0x44: {  	_ =	swait.ge [sflag:s12], $0x5000  }
0x45: {  	[sflag:s12] =	ssyncset.done $0x0  }
0x46: {  	s7 =	simm.s32 $0x5000;
	s10 =	rddreg [dreg:$0x5];
	[sflag:s12] =	ssyncadd.s32 $0xFFFFB000  }
0x47: {  	[tilespmem:s7], [sflag:$0x11] =	stream.linear.gather [hbm4b:s10+s9], $0x5000, $0x38;
	[tilespmem:$0x17000] =	vst v63  }
0x48: {  	_ =	swait.ge [sflag:s12], $0x5000  }
0x49: {  	[sflag:s12] =	ssyncset.done $0x0  }
0x4a: {  	[sflag:s12] =	ssyncadd.s32 $0xFFFFB000  }
0x4b: {  	[tilespmem:s15], [sflag:$0x1] =	stream.indirect.gather [hbm4b:s4+s14], $0x20, s9, s14, $0xb8;
	[tilespmem:$0x17000] =	vst v63  }
0x4c: {  	s16 =	simm.s32 $0xB000  }
0x4d: {  	[tilespmem:s16], [sflag:$0x2] =	stream.indirect.gather [hbm4b:s4+s14], $0x20, s14, s14, $0xb8;
	[tilespmem:$0x17000] =	vst v63  }
0x4e: {  	s17 =	simm.s32 $0x100  }
0x4f: {  	[tilespmem:s18], [sflag:$0x3] =	stream.indirect.gather [hbm4b:s4+s14], $0x20, s17, s14, $0xb8;
	[tilespmem:$0x17000] =	vst v63  }
0x50: {  	s5 =	simm.s32 $0x180;
	s7 =	simm.s32 $0xD000  }
0x51: {  	[tilespmem:s7], [sflag:$0x4] =	stream.indirect.gather [hbm4b:s4+s14], $0x20, s5, s14, $0xb8;
	[tilespmem:$0x17000] =	vst v63  }
0x52: {  	s8 =	simm.s32 $0x200  }
0x53: {  	[tilespmem:s22], [sflag:$0x5] =	stream.indirect.gather [hbm4b:s4+s14], $0x20, s8, s14, $0xb8;
	[tilespmem:$0x17000] =	vst v63  }
0x54: {  	s10 =	simm.s32 $0xF000;
	s9 =	simm.s32 $0x280  }
0x55: {  	[tilespmem:s10], [sflag:$0x6] =	stream.indirect.gather [hbm4b:s4+s14], $0x20, s9, s14, $0xb8;
	[tilespmem:$0x17000] =	vst v63  }
0x56: {  	s16 =	simm.s32 $0x300  }
0x57: {  	[tilespmem:s26], [sflag:$0x7] =	stream.indirect.gather [hbm4b:s4+s14], $0x20, s16, s14, $0xb8;
	[tilespmem:$0x17000] =	vst v63  }
0x58: {  	s17 =	simm.s32 $0x380;
	s5 =	simm.s32 $0x0  }
0x59: {  	[tilespmem:s29], [sflag:$0x8] =	stream.indirect.gather [hbm4b:s4+s14], $0x20, s17, s14, $0xb8;
	[tilespmem:$0x17000] =	vst v63  }
.LBB2_2:
0x5a: {  	_ =	swait.ge [sflag:s30], $0x1000  }
0x5b: {  	s7 =	sshra.s32 s5, $0x2;
	[sflag:s30] =	ssyncset.done $0x0  }
0x5c: {  	p0 =	seq.s32 s5, $0x13000;
	s3 =	sadd.s32 $0x5000, s7;
	[sflag:s30] =	ssyncadd.s32 $0xFFFFF000  }
0x5d: {  	[spmem:s2] =	stream.indirect.scatter.add.bf16 [tilespmem:s15], [sflag:$0x9], $0x20, s3, s14, $0xb8;
	[tilespmem:$0x17000] =	vst v63  }
0x5e: {  	s3 =	simm.s32 @p0 $0x2  }
0x5f: {  	_ =	swait.ge @p0 [sflag:s3], $0x1000  }
0x60: {  	s10 =	sshra.s32 @p0 s5, $0x2;
	s9 =	simm.s32 @p0 $0xB000;
	[sflag:s3] =	ssyncset.done @p0 $0x0  }
0x61: {  	s8 =	sadd.s32 @p0 $0x5080, s10;
	[sflag:s3] =	ssyncadd.s32 @p0 $0xFFFFF000;
	s3 =	simm.s32 @p0 $0x80  }
0x62: {  	[spmem:s2] =	stream.indirect.scatter.add.bf16 @p0 [tilespmem:s9], [sflag:$0xA], $0x20, s8, s3, $0xb8;
	[tilespmem:$0x17000] =	vst v63  }
0x63: {  	s8 =	simm.s32 @!p0 $0x9  }
0x64: {  	_ =	swait.ge @!p0 [sflag:s8], $0x1000  }
0x65: {  	[sflag:s8] =	ssyncset.done @!p0 $0x0  }
0x66: {  	[sflag:s8] =	ssyncadd.s32 @!p0 $0xFFFFF000;
	s8 =	sshra.s32 @!p0 s5, $0x2  }
0x67: {  	s17 =	simm.s32 @!p0 $0xA000;
	s9 =	simm.s32 @!p0 $0x80;
	s16 =	sadd.s32 @!p0 $0x400, s8  }
0x68: {  	[tilespmem:s17], [sflag:$0x1] =	stream.indirect.gather @!p0 [hbm4b:s4+s9], $0x20, s16, s9, $0xb8;
	[tilespmem:$0x17000] =	vst v63  }
0x69: {  	s16 =	simm.s32 @!p0 $0x2  }
0x6a: {  	_ =	swait.ge @!p0 [sflag:s16], $0x1000  }
0x6b: {  	[sflag:s16] =	ssyncset.done @!p0 $0x0  }
0x6c: {  	s17 =	simm.s32 @!p0 $0xB000;
	[sflag:s16] =	ssyncadd.s32 @!p0 $0xFFFFF000;
	s16 =	sadd.s32 @!p0 $0x5080, s8  }
0x6d: {  	[spmem:s2] =	stream.indirect.scatter.add.bf16 @!p0 [tilespmem:s17], [sflag:$0xA], $0x20, s16, s9, $0xb8;
	[tilespmem:$0x17000] =	vst v63  }
0x6e: {  	s16 =	simm.s32 @!p0 $0xA  }
0x6f: {  	_ =	swait.ge @!p0 [sflag:s16], $0x1000  }
0x70: {  	[sflag:s16] =	ssyncset.done @!p0 $0x0  }
0x71: {  	[sflag:s16] =	ssyncadd.s32 @!p0 $0xFFFFF000;
	s16 =	sadd.s32 @!p0 $0x480, s8  }
0x72: {  	[tilespmem:s17], [sflag:$0x2] =	stream.indirect.gather @!p0 [hbm4b:s4+s9], $0x20, s16, s9, $0xb8;
	[tilespmem:$0x17000] =	vst v63  }
0x73: {  	_ =	swait.ge [sflag:s31], $0x1000  }
0x74: {  	[sflag:s31] =	ssyncset.done $0x0  }
0x75: {  	s17 =	sadd.s32 $0x5100, s7;
	s16 =	simm.s32 @p0 $0x4;
	[sflag:s31] =	ssyncadd.s32 $0xFFFFF000  }
0x76: {  	[spmem:s2] =	stream.indirect.scatter.add.bf16 [tilespmem:s18], [sflag:$0xB], $0x20, s17, s14, $0xb8;
	[tilespmem:$0x17000] =	vst v63  }
0x77: {  	_ =	swait.ge @p0 [sflag:s16], $0x1000  }
0x78: {  	[sflag:s16] =	ssyncset.done @p0 $0x0  }
0x79: {  	s17 =	simm.s32 @p0 $0xD000;
	[sflag:s16] =	ssyncadd.s32 @p0 $0xFFFFF000;
	s16 =	sadd.s32 @p0 $0x5180, s10  }
0x7a: {  	[spmem:s2] =	stream.indirect.scatter.add.bf16 @p0 [tilespmem:s17], [sflag:$0xC], $0x20, s16, s3, $0xb8;
	[tilespmem:$0x17000] =	vst v63  }
0x7b: {  	s16 =	simm.s32 @!p0 $0xB  }
0x7c: {  	_ =	swait.ge @!p0 [sflag:s16], $0x1000  }
0x7d: {  	[sflag:s16] =	ssyncset.done @!p0 $0x0  }
0x7e: {  	s17 =	simm.s32 @!p0 $0xC000;
	[sflag:s16] =	ssyncadd.s32 @!p0 $0xFFFFF000;
	s16 =	sadd.s32 @!p0 $0x500, s8  }
0x7f: {  	[tilespmem:s17], [sflag:$0x3] =	stream.indirect.gather @!p0 [hbm4b:s4+s9], $0x20, s16, s9, $0xb8;
	[tilespmem:$0x17000] =	vst v63  }
0x80: {  	s16 =	simm.s32 @!p0 $0x4  }
0x81: {  	_ =	swait.ge @!p0 [sflag:s16], $0x1000  }
0x82: {  	[sflag:s16] =	ssyncset.done @!p0 $0x0  }
0x83: {  	s17 =	simm.s32 @!p0 $0xD000;
	[sflag:s16] =	ssyncadd.s32 @!p0 $0xFFFFF000;
	s16 =	sadd.s32 @!p0 $0x5180, s8  }
0x84: {  	[spmem:s2] =	stream.indirect.scatter.add.bf16 @!p0 [tilespmem:s17], [sflag:$0xC], $0x20, s16, s9, $0xb8;
	[tilespmem:$0x17000] =	vst v63  }
0x85: {  	s16 =	simm.s32 @!p0 $0xC  }
0x86: {  	_ =	swait.ge @!p0 [sflag:s16], $0x1000  }
0x87: {  	[sflag:s16] =	ssyncset.done @!p0 $0x0  }
0x88: {  	[sflag:s16] =	ssyncadd.s32 @!p0 $0xFFFFF000;
	s16 =	sadd.s32 @!p0 $0x580, s8  }
0x89: {  	[tilespmem:s17], [sflag:$0x4] =	stream.indirect.gather @!p0 [hbm4b:s4+s9], $0x20, s16, s9, $0xb8;
	[tilespmem:$0x17000] =	vst v63  }
0x8a: {  	_ =	swait.ge [sflag:s1], $0x1000  }
0x8b: {  	[sflag:s1] =	ssyncset.done $0x0  }
0x8c: {  	s17 =	sadd.s32 $0x5200, s7;
	s16 =	simm.s32 @p0 $0x6;
	[sflag:s1] =	ssyncadd.s32 $0xFFFFF000  }
0x8d: {  	[spmem:s2] =	stream.indirect.scatter.add.bf16 [tilespmem:s22], [sflag:$0xD], $0x20, s17, s14, $0xb8;
	[tilespmem:$0x17000] =	vst v63  }
0x8e: {  	_ =	swait.ge @p0 [sflag:s16], $0x1000  }
0x8f: {  	[sflag:s16] =	ssyncset.done @p0 $0x0  }
0x90: {  	s10 =	sadd.s32 @p0 $0x5280, s10;
	[sflag:s16] =	ssyncadd.s32 @p0 $0xFFFFF000;
	s16 =	simm.s32 @p0 $0xF000  }
0x91: {  	[spmem:s2] =	stream.indirect.scatter.add.bf16 @p0 [tilespmem:s16], [sflag:$0xE], $0x20, s10, s3, $0xb8;
	[tilespmem:$0x17000] =	vst v63  }
0x92: {  	s3 =	simm.s32 @!p0 $0xD  }
0x93: {  	_ =	swait.ge @!p0 [sflag:s3], $0x1000  }
0x94: {  	[sflag:s3] =	ssyncset.done @!p0 $0x0  }
0x95: {  	s10 =	simm.s32 @!p0 $0xE000;
	[sflag:s3] =	ssyncadd.s32 @!p0 $0xFFFFF000;
	s3 =	sadd.s32 @!p0 $0x600, s8  }
0x96: {  	[tilespmem:s10], [sflag:$0x5] =	stream.indirect.gather @!p0 [hbm4b:s4+s9], $0x20, s3, s9, $0xb8;
	[tilespmem:$0x17000] =	vst v63  }
0x97: {  	s3 =	simm.s32 @!p0 $0x6  }
0x98: {  	_ =	swait.ge @!p0 [sflag:s3], $0x1000  }
0x99: {  	[sflag:s3] =	ssyncset.done @!p0 $0x0  }
0x9a: {  	s10 =	simm.s32 @!p0 $0xF000;
	[sflag:s3] =	ssyncadd.s32 @!p0 $0xFFFFF000;
	s3 =	sadd.s32 @!p0 $0x5280, s8  }
0x9b: {  	[spmem:s2] =	stream.indirect.scatter.add.bf16 @!p0 [tilespmem:s10], [sflag:$0xE], $0x20, s3, s9, $0xb8;
	[tilespmem:$0x17000] =	vst v63  }
0x9c: {  	s3 =	simm.s32 @!p0 $0xE  }
0x9d: {  	_ =	swait.ge @!p0 [sflag:s3], $0x1000  }
0x9e: {  	[sflag:s3] =	ssyncset.done @!p0 $0x0  }
0x9f: {  	[sflag:s3] =	ssyncadd.s32 @!p0 $0xFFFFF000;
	s3 =	sadd.s32 @!p0 $0x680, s8  }
0xa0: {  	[tilespmem:s10], [sflag:$0x6] =	stream.indirect.gather @!p0 [hbm4b:s4+s9], $0x20, s3, s9, $0xb8;
	[tilespmem:$0x17000] =	vst v63  }
.Ltmp2:
0xa1: {  	_ = 	snop;
	(pc) =	sbr.rel @p0 .LBB2_4-.Ltmp2, $4  }
0xa2: {  	_ =	swait.ge [sflag:s0], $0x1000  }
0xa3: {  	[sflag:s0] =	ssyncset.done $0x0  }
0xa4: {  	s17 =	sadd.s32 $0x5300, s7;
	s3 =	sadd.s32 $0x5380, s7;
	[sflag:s0] =	ssyncadd.s32 $0xFFFFF000  }
0xa5: {  	[spmem:s2] =	stream.indirect.scatter.add.bf16 [tilespmem:s26], [sflag:$0xF], $0x20, s17, s14, $0xb8;
	[tilespmem:$0x17000] =	vst v63  }
0xa6: {  	_ =	swait.ge [sflag:s24], $0x1000  }
0xa7: {  	[sflag:s24] =	ssyncset.done $0x0  }
0xa8: {  	s8 =	sadd.s32 $0x700, s7;
	[sflag:s24] =	ssyncadd.s32 $0xFFFFF000  }
0xa9: {  	[tilespmem:s26], [sflag:$0x7] =	stream.indirect.gather [hbm4b:s4+s14], $0x20, s8, s14, $0xb8;
	[tilespmem:$0x17000] =	vst v63  }
0xaa: {  	_ =	swait.ge [sflag:s13], $0x1000  }
0xab: {  	[sflag:s13] =	ssyncset.done $0x0  }
0xac: {  	[sflag:s13] =	ssyncadd.s32 $0xFFFFF000  }
0xad: {  	[spmem:s2] =	stream.indirect.scatter.add.bf16 [tilespmem:s29], [sflag:$0x10], $0x20, s3, s14, $0xb8;
	[tilespmem:$0x17000] =	vst v63  }
.Ltmp3:
0xae: {  	_ = 	snop;
	(pc) =	sbr.rel .LBB2_2-.Ltmp3, $4  }
0xaf: {  	_ =	swait.ge [sflag:s25], $0x1000  }
0xb0: {  	[sflag:s25] =	ssyncset.done $0x0  }
0xb1: {  	s17 =	sadd.s32 $0x780, s7;
	s5 =	sadd.s32 $0x1000, s5;
	[sflag:s25] =	ssyncadd.s32 $0xFFFFF000  }
0xb2: {  	[tilespmem:s29], [sflag:$0x8] =	stream.indirect.gather [hbm4b:s4+s14], $0x20, s17, s14, $0xb8;
	[tilespmem:$0x17000] =	vst v63  }
.LBB2_5:
0xb3: {  	_ =	sfence.sel $0x180000  }
0xb4: {  	[bflag:$0x0] =	sbarrier.arrive $0xFFFF  }
0xb5: {  	_ =	strace $0x9000004A  }
0xb6: {  	s0 =	stileid.u32;
	[bflag:$0x2] =	sbarrier.arrive $0xFFFF  }
0xb7: {  	p0 =	sne.s32 s0, $0x0;
	s0 =	rddreg [dreg:$0x2]  }
0xb8: {  	s0 =	sadd.s32 @!p0 $0x100000, s0  }
0xb9: {  	[sflag:s0] =	ssyncadd.tile.s32 @!p0 $0x1;
	_ =	shalt  }
.Lfunc_end2:
_tile_overlayer_lowered:
.L_overlay_start_2:
0xba: {  	(tag) =	ssettag $0x2  }
0xbb: {  	s0 =	rddreg [dreg:$0x0];
	s2 =	stileid.u32  }
0xbc: {  	s1 =	rddreg [dreg:$0x1];
	p0 =	sne.s32 s2, $0x0  }
0xbd: {  	s3 =	rddreg [dreg:$0x2];
	[bflag:$0x3] =	sbarrier.arrive $0xFFFF;
	s2 =	simm.s32 @!p0 $0x1C11  }
0xbe: {  	[timem:s3], [sflag:s2] =	dma.local @!p0 [hbm:s0], s1  }
0xbf: {  	s0 =	simm.s32 @!p0 $0x11  }
0xc0: {  	_ =	swait.ge @!p0 [sflag:s0], s1  }
0xc1: {  	s1 =	ssub.s32 @!p0 $0x0, s1;
	[sflag:s0] =	ssyncset.done @!p0 $0x0  }
0xc2: {  	[sflag:s0] =	ssyncadd.s32 @!p0 s1  }
0xc3: {  	[bflag:$0x3] =	sbarrier.arrive $0xFFFF  }
0xc4: {  	_ =	shalt  }

// kernel: kernel.15.cloned.1.call-start
scs
__scs_entry_jumppad:
0x0: {  	(pc) =	sbr.rel $0x88, $3  }
0x1: {  	(tag) =	ssettag $0x0;
	lr =	simm.s32 $0x1  }
0x2: {  	[smem:$0x3F98] =	sst lr;
	_ =	strace $0xD0000000  }
0x3: {  	_ = 	snop  }
0x4: {  	_ = 	snop  }
0x5: {  	_ = 	snop  }
0x6: {  	_ = 	snop  }
0x7: {  	_ = 	snop  }
__scs_overlays_trampoline_lowered:
0x8: {  	[smem:$0x3FA7] =	sst s0  }
0x9: {  	[smem:$0x3FA8] =	sst s1  }
0xa: {  	[smem:$0x3FA9] =	sst s2  }
0xb: {  	[smem:$0x3FAA] =	sst s3  }
0xc: {  	[smem:$0x3FAB] =	sst s4  }
0xd: {  	[smem:$0x3FAC] =	sst s5  }
0xe: {  	[smem:$0x3FAD] =	sst s6  }
0xf: {  	[smem:$0x3FAE] =	sst s7  }
0x10: {  	[smem:$0x3FAF] =	sst s8  }
0x11: {  	[smem:$0x3FB0] =	sst s9;
	s0 =	simm.s32 @!p0 $0x0  }
0x12: {  	s1 =	sld [smem:$0x3F96];
	s0 =	simm.s32 @p0 $0x1  }
0x13: {  	[smem:$0x3FB1] =	sst s0;
	s0 =	simm.s32 @!p1 $0x0  }
0x14: {  	s2 =	sld [smem:$0x3F95];
	s0 =	simm.s32 @p1 $0x1  }
0x15: {  	[smem:$0x3FB2] =	sst s0;
	s0 =	simm.s32 @!p2 $0x0  }
0x16: {  	s3 =	sld [smem:$0x3FDB];
	s0 =	simm.s32 @p2 $0x1  }
0x17: {  	s4 =	simm.s32 $0x1BF5;
	[smem:$0x3FB4] =	sst s0  }
0x18: {  	s0 =	sld [smem:$0x3F97];
	_ =	swait.ge [sflag:s4], $0x0  }
0x19: {  	s7 =	sld [smem:$0x3F98]  }
0x1a: {  	s8 =	sadd.s32 $0xFFFFE003, lr  }
0x1b: {  	s9 =	sadd.s32 $0xFFFFFEF7, lr;
	s5 =	simm.s32 $0xFFFFFFFF;
	p2 =	slt.u32 s8, $0xFFFFF086  }
0x1c: {  	p1 =	slt.u32 s9, $0xF7A;
	s5 =	simm.s32 @!p2 $0x0  }
0x1d: {  	s5 =	simm.s32 @p1 $0x1;
	p0 =	seq.s32 s7, s2  }
0x1e: {  	s7 =	smul.u32 @!p0 $0xF7A, s2;
	p2 =	seq.s32 @!p0 s5, $0x0  }
0x1f: {  	s9 =	smul.u32 $0xF7A, s1;
	s8 =	simm.s32 @!p0 $0x1BF5;
	p2 =	por !p2, p0  }
0x20: {  	[sflag:s8] =	ssyncset.s32 @!p0 $0xFFFFF086;
	s6 =	sadd.s32 @!p0 s3, s7;
	s7 =	simm.s32 @!p0 $0x108  }
0x21: {  	s3 =	sadd.s32 s3, s9;
	s6 =	sadd.s32 @!p0 $0x88, s6;
	s7 =	simm.s32 @p2 $0x1082  }
0x22: {  	[simem:s7], [sflag:s8] =	dma.local @!p0 [hbm:s6], $0xF7A  }
0x23: {  	s9 =	sor.u32 $0xD0000000, s2;
	s6 =	simm.s32 $0x108;
	_ =	swait.ge @!p0 [sflag:s8], $0x0  }
0x24: {  	s3 =	sadd.s32 $0x88, s3;
	s6 =	simm.s32 @!p1 $0x1082;
	[sflag:s4] =	ssyncset.s32 $0xFFFFF086  }
0x25: {  	[simem:s6], [sflag:s4] =	dma.local [hbm:s3], $0xF7A  }
0x26: {  	[smem:$0x3F98] =	sst s1;
	(tag) =	ssettag s2;
	_ =	strace s9  }
0x27: {  	s1 =	sld [smem:$0x3FA8]  }
0x28: {  	s2 =	sld [smem:$0x3FA9]  }
0x29: {  	s4 =	sld [smem:$0x3FAB]  }
0x2a: {  	p0 =	seq.s32 s5, $0x0;
	s5 =	sld [smem:$0x3FAC]  }
0x2b: {  	s6 =	sld [smem:$0x3FAD]  }
0x2c: {  	s7 =	sld [smem:$0x3FAE]  }
0x2d: {  	s3 =	simm.s32 $0x108;
	s8 =	sld [smem:$0x3FAF]  }
0x2e: {  	s3 =	simm.s32 @!p0 $0x1082;
	s9 =	sld [smem:$0x3FB0]  }
0x2f: {  	lr =	sadd.s32 s0, s3;
	s0 =	sld [smem:$0x3FA7]  }
0x30: {  	s3 =	sld [smem:$0x3FAA]  }
0x31: {  	[smem:$0x3FB3] =	sst s10  }
0x32: {  	s10 =	sld [smem:$0x3FB1];
	_ =	sdelay $0x3  }
0x33: {  	p0 =	seq.s32 s10, $0x1;
	s10 =	sld [smem:$0x3FB3];
	_ =	sdelay $0x3  }
0x34: {  	[smem:$0x3FB3] =	sst s10  }
0x35: {  	s10 =	sld [smem:$0x3FB2];
	_ =	sdelay $0x3  }
0x36: {  	p1 =	seq.s32 s10, $0x1;
	s10 =	sld [smem:$0x3FB3];
	_ =	sdelay $0x3  }
0x37: {  	[smem:$0x3FB3] =	sst s10  }
0x38: {  	s10 =	sld [smem:$0x3FB4]  }
0x39: {  	_ = 	snop;
	(pc) =	sbr.ind lr, $3  }
0x3a: {  	_ = 	snop  }
0x3b: {  	_ = 	snop  }
0x3c: {  	p2 =	seq.s32 s10, $0x1;
	s10 =	sld [smem:$0x3FB3]  }
0x3d: {  	_ =	shalt  }
0x3e: {  	_ =	shalt  }
0x3f: {  	_ =	shalt  }
0x40: {  	_ =	shalt  }
0x41: {  	_ =	shalt  }
0x42: {  	_ =	shalt  }
0x43: {  	_ =	shalt  }
0x44: {  	_ =	shalt  }
0x45: {  	_ =	shalt  }
0x46: {  	_ =	shalt  }
0x47: {  	_ =	shalt  }
0x48: {  	_ =	shalt  }
0x49: {  	_ =	shalt  }
0x4a: {  	_ =	shalt  }
0x4b: {  	_ =	shalt  }
0x4c: {  	_ =	shalt  }
0x4d: {  	_ =	shalt  }
0x4e: {  	_ =	shalt  }
0x4f: {  	_ =	shalt  }
0x50: {  	_ =	shalt  }
0x51: {  	_ =	shalt  }
0x52: {  	_ =	shalt  }
0x53: {  	_ =	shalt  }
0x54: {  	_ =	shalt  }
0x55: {  	_ =	shalt  }
0x56: {  	_ =	shalt  }
0x57: {  	_ =	shalt  }
0x58: {  	_ =	shalt  }
0x59: {  	_ =	shalt  }
0x5a: {  	_ =	shalt  }
0x5b: {  	_ =	shalt  }
0x5c: {  	_ =	shalt  }
0x5d: {  	_ =	shalt  }
0x5e: {  	_ =	shalt  }
0x5f: {  	_ =	shalt  }
0x60: {  	_ =	shalt  }
0x61: {  	_ =	shalt  }
0x62: {  	_ =	shalt  }
0x63: {  	_ =	shalt  }
0x64: {  	_ =	shalt  }
0x65: {  	_ =	shalt  }
0x66: {  	_ =	shalt  }
0x67: {  	_ =	shalt  }
0x68: {  	_ =	shalt  }
0x69: {  	_ =	shalt  }
0x6a: {  	_ =	shalt  }
0x6b: {  	_ =	shalt  }
0x6c: {  	_ =	shalt  }
0x6d: {  	_ =	shalt  }
0x6e: {  	_ =	shalt  }
0x6f: {  	_ =	shalt  }
0x70: {  	_ =	shalt  }
0x71: {  	_ =	shalt  }
0x72: {  	_ =	shalt  }
0x73: {  	_ =	shalt  }
0x74: {  	_ =	shalt  }
0x75: {  	_ =	shalt  }
0x76: {  	_ =	shalt  }
0x77: {  	_ =	shalt  }
0x78: {  	_ =	shalt  }
0x79: {  	_ =	shalt  }
0x7a: {  	_ =	shalt  }
0x7b: {  	_ =	shalt  }
0x7c: {  	_ =	shalt  }
0x7d: {  	_ =	shalt  }
0x7e: {  	_ =	shalt  }
0x7f: {  	_ =	shalt  }
0x80: {  	_ =	shalt  }
0x81: {  	_ =	shalt  }
0x82: {  	_ =	shalt  }
0x83: {  	_ =	shalt  }
0x84: {  	_ =	shalt  }
0x85: {  	_ =	shalt  }
0x86: {  	_ =	shalt  }
0x87: {  	_ =	shalt  }
.Lfunc_end0:
.L_simem_size_0:
called_computation.2_lowered:
.L_overlay_start_0:
0x88: {  	s2 =	sld [smem:$0x3FD9]  }
0x89: {  	s3 =	sld [smem:$0x3FFE];
	_ =	sdelay $0x1  }
0x8a: {  	s1 =	srdreg.scid  }
0x8b: {  	s0 =	sand.u32 $0x1, s1  }
0x8c: {  	s16 =	sshll.u32 s0, $0xA;
	s2 =	sadd.s32 s3, s2  }
0x8d: {  	s2 =	sadd.s32 s2, s16  }
0x8e: {  	[smem:$0x3FBF] =	sst s2  }
0x8f: {  	_ = 	snop  }
0x90: {  	(tm) =	ssettm $0x1  }
0x91: {  	s17 =	sld [smem:$0x3FFB];
	_ =	sdelay $0x3  }
0x92: {  	_ =	strace s17  }
0x93: {  	s2 =	sld [smem:$0x3FFC];
	_ =	sdelay $0x3  }
0x94: {  	_ =	strace s2  }
0x95: {  	s2 =	sld [smem:$0x3FFD];
	_ =	sdelay $0x3  }
0x96: {  	_ =	strace s2  }
0x97: {  	_ =	strace $0x8FFFFFFF  }
0x98: {  	s18 =	sld [smem:$0x3FDB];
	_ =	sdelay $0x1  }
0x99: {  	s19 =	simm.s32 $_scs_section_size  }
0x9a: {  	s4 =	simm.s32 $_size__tile_overlayer_lowered;
	s5 =	simm.s32 $_tile_overlayer_lowered  }
0x9b: {  	s22 =	simm.s32 $0x1BFF;
	s21 =	sshll.u32 s5, $0x1;
	s2 =	sadd.s32 s19, s18  }
0x9c: {  	s6 =	simm.s32 $0x0;
	s20 =	sshll.u32 s4, $0x1;
	s4 =	sadd.s32 s21, s2  }
0x9d: {  	[timem:s6], [sflag:s22] =	dma.local [hbm:s4], s20  }
0x9e: {  	_ =	swait.ge [sflag:s22], s20  }
0x9f: {  	s3 =	ssub.s32 $0x0, s20;
	[sflag:s22] =	ssyncset.done $0x0  }
0xa0: {  	[sflag:s22] =	ssyncadd.s32 s3;
	_ =	sdelay $0x1  }
0xa1: {  	s23 =	simm.s32 $0x1B8B  }
0xa2: {  	_ =	swait.ge [sflag:s23], $0x1  }
0xa3: {  	[sflag:s23] =	ssyncset.done $0x0  }
0xa4: {  	s25 =	simm.s32 $0x1B8E;
	s24 =	sld [smem:$0x3FFE];
	[sflag:s23] =	ssyncadd.s32 $0xFFFFFFFF  }
0xa5: {  	s26 =	simm.s32 $execute0_lowered;
	[smem:$0x3FD2] =	sst s25  }
0xa6: {  	s4 =	sshll.u32 s26, $0x1;
	_ =	strace $0x8000004C;
	[dreg:$0x1] =	wrdreg $0xFFFFFFFF  }
0xa7: {  	s28 =	simm.s32 $_size_execute0_lowered;
	s2 =	sadd.s32 s2, s4;
	[dreg:$0x0] =	wrdreg $0x0  }
0xa8: {  	s4 =	sshll.u32 s28, $0x1;
	[dreg:$0x2] =	wrdreg s2  }
0xa9: {  	[dreg:$0x3] =	wrdreg s4  }
0xaa: {  	[dreg:$0x4] =	wrdreg $0xC0  }
0xab: {  	_ =	task [dreg:s6], $0x5FFFF  }
0xac: {  	[dreg:$0x1] =	wrdreg $0xFFFFFFFF  }
0xad: {  	[dreg:$0x0] =	wrdreg $0x60  }
0xae: {  	[dreg:$0x2] =	wrdreg s24  }
0xaf: {  	[dreg:$0x3] =	wrdreg $0xE0000  }
0xb0: {  	[dreg:$0x4] =	wrdreg $0x9  }
0xb1: {  	_ =	task.clear_ibuf [dreg:s6], $0x5FFFF;
	_ =	strace $0x9000004C  }
0xb2: {  	s29 =	simm.s32 $0x9;
	_ =	strace $0x8000004E  }
0xb3: {  	_ =	swait.ge [sflag:s29], $0x1  }
0xb4: {  	[sflag:s29] =	ssyncadd.s32 $0xFFFFFFFF  }
0xb5: {  	_ =	strace $0x9000004E  }
0xb6: {  	_ =	sfence  }
0xb7: {  	s30 =	sld [smem:$0x0];
	_ =	sdelay $0x2  }
0xb8: {  	s31 =	sshll.u32 s1, $0xD;
	s1 =	sshrl.u32 s1, $0x2  }
0xb9: {  	s3 =	sand.u32 $0x4000, s31;
	s1 =	sadd.s32 s1, s30  }
0xba: {  	s0 =	sor.u32 s3, s0;
	s1 =	sshll.u32 s1, $0x11  }
0xbb: {  	s0 =	sor.u32 s1, s0  }
0xbc: {  	s0 =	sadd.s32 $0x8F2B, s0  }
0xbd: {  	[sflag:s0] =	ssyncadd.remote.s32 $0x1  }
0xbe: {  	_ =	sfence.sel $0xFFFF  }
0xbf: {  	[dreg:$0x0] =	wrdreg $0xFFFFFFFF;
	(pc) =	sbr.abs _section_cstart, $3  }
0xc0: {  	[dreg:$0x1] =	wrdreg $0xFFFFFFFF  }
0xc1: {  	_ =	task.clear_ibuf [dreg:s6], $0x2FFFF;
	_ =	strace $0x9FFFFFFF  }
0xc2: {  	(tm) =	ssettm $0x7FFFFFFF  }
0xc3: {  	_ =	shalt  }
tec
execute0_lowered:
.L_overlay_start_1:
0x0: {  	(tag) =	ssettag $0x1  }
0x1: {  	s0 =	srdreg.scid  }
0x2: {  	s1 =	rddreg [dreg:$0x0];
	s8 =	stileid.u32  }
0x3: {  	s2 =	rddreg [dreg:$0x1];
	s4 =	simm.s32 $0x0;
	s12 =	simm.s32 $0x11  }
0x4: {  	s14 =	simm.s32 $0x80;
	s15 =	simm.s32 $0xA000;
	s18 =	simm.s32 $0xB000  }
0x5: {  	s22 =	simm.s32 $0xC000;
	s29 =	simm.s32 $0xD800;
	s30 =	simm.s32 $0x1  }
0x6: {  	s31 =	simm.s32 $0x3;
	s13 =	simm.s32 $0x8;
	s19 =	simm.s32 $0xB  }
0x7: {  	s20 =	simm.s32 $0xC;
	s21 =	simm.s32 $0xD;
	s23 =	simm.s32 $0xE  }
0x8: {  	s28 =	simm.s32 $0x0;
	s0 =	sand.u32 $0x1, s0;
	s5 =	smul.u32 $0x5000, s8  }
0x9: {  	[smem:$0x7FF] =	sst s4;
	s4 =	sadd.s32 $0x33800, s1;
	s24 =	smul.u32 $0xA000, s8  }
0xa: {  	s9 =	sadd.s32 $0x47800, s1;
	s8 =	sshll.u32 s8, $0x6;
	s3 =	smul.u32 $0x50000, s0  }
0xb: {  	_ =	strace $0x8000004D;
	[dreg:$0x3] =	wrdreg s9;
	s0 =	ssub.s32 $0x2, s0  }
0xc: {  	s25 =	sshrl.u32 s0, $0x1;
	s3 =	sadd.s32 s5, s3;
	s5 =	sshrl.u32 s5, $0x3  }
0xd: {  	s0 =	ssub.s32 s0, s25;
	s25 =	simm.s32 $0x10;
	s6 =	sshrl.u32 s3, $0x3  }
0xe: {  	s5 =	sadd.s32 s5, s1;
	s3 =	sshrl.u32 s3, $0x4;
	s0 =	smax.u32 s0, $0x1  }
0xf: {  	s7 =	sadd.s32 s6, s1;
	s1 =	sadd.s32 s3, s1;
	s6 =	sshrl.u32 s24, $0x2  }
.Ltmp0:
0x10: {  	s5 =	sadd.s32 $0x29800, s5;
	[dreg:$0x7] =	wrdreg s0;
	(pc) =	sbr.rel .LBB2_1-.Ltmp0, $4  }
0x11: {  	s0 =	simm.s32 $0x7;
	s7 =	sadd.s32 $0x15800, s7;
	[dreg:$0x5] =	wrdreg s5  }
0x12: {  	s24 =	simm.s32 $0xF;
	s1 =	sadd.s32 $0x3D600, s1;
	[dreg:$0x4] =	wrdreg s7  }
0x13: {  	s26 =	sadd.s32 s6, s2;
	s6 =	sor.u32 $0x1C11, s8;
	[dreg:$0x6] =	wrdreg s1  }
0x14: {  	s11 =	sshrl.u32 s26, $0x3;
	s26 =	simm.s32 $0xD000;
	s1 =	simm.s32 $0x5  }
.LBB2_4:
0x15: {  	_ =	swait.ge [sflag:s13], $0x800  }
0x16: {  	[sflag:s13] =	ssyncset.done $0x0  }
0x17: {  	s9 =	simm.s32 $0x9;
	[sflag:s13] =	ssyncadd.s32 $0xFFFFF800  }
0x18: {  	[spmem:s2] =	stream.indirect.scatter.add.bf16 [tilespmem:s29], [sflag:$0x10], $0x10, s3, s14, $0xb8;
	[tilespmem:$0x10800] =	vst v63  }
0x19: {  	_ =	swait.ge [sflag:s9], $0x800  }
0x1a: {  	[sflag:s9] =	ssyncset.done $0x0  }
0x1b: {  	s10 =	simm.s32 $0xA;
	[sflag:s9] =	ssyncadd.s32 $0xFFFFF800  }
0x1c: {  	_ =	swait.ge [sflag:s10], $0x800  }
0x1d: {  	[sflag:s10] =	ssyncset.done $0x0  }
0x1e: {  	[sflag:s10] =	ssyncadd.s32 $0xFFFFF800  }
0x1f: {  	_ =	swait.ge [sflag:s19], $0x800  }
0x20: {  	[sflag:s19] =	ssyncset.done $0x0  }
0x21: {  	[sflag:s19] =	ssyncadd.s32 $0xFFFFF800  }
0x22: {  	_ =	swait.ge [sflag:s20], $0x800  }
0x23: {  	[sflag:s20] =	ssyncset.done $0x0  }
0x24: {  	[sflag:s20] =	ssyncadd.s32 $0xFFFFF800  }
0x25: {  	_ =	swait.ge [sflag:s21], $0x800  }
0x26: {  	[sflag:s21] =	ssyncset.done $0x0  }
0x27: {  	[sflag:s21] =	ssyncadd.s32 $0xFFFFF800  }
0x28: {  	_ =	swait.ge [sflag:s23], $0x800  }
0x29: {  	[sflag:s23] =	ssyncset.done $0x0  }
0x2a: {  	[sflag:s23] =	ssyncadd.s32 $0xFFFFF800  }
0x2b: {  	_ =	swait.ge [sflag:s24], $0x800  }
0x2c: {  	[sflag:s24] =	ssyncset.done $0x0  }
0x2d: {  	[sflag:s24] =	ssyncadd.s32 $0xFFFFF800  }
0x2e: {  	_ =	swait.ge [sflag:s25], $0x800  }
0x2f: {  	[sflag:s25] =	ssyncset.done $0x0  }
0x30: {  	[sflag:s25] =	ssyncadd.s32 $0xFFFFF800  }
0x31: {  	[bflag:$0x0] =	sbarrier.arrive $0xFFFF  }
0x32: {  	s16 =	rddreg [dreg:$0x6]  }
0x33: {  	[hbm:s16], [sflag:s6] =	dma.local [spmem:s11], $0x500  }
0x34: {  	_ =	swait.ge [sflag:s12], $0x500  }
0x35: {  	s28 =	sadd.s32 $0x1, s28;
	s17 =	rddreg [dreg:$0x7]  }
0x36: {  	p0 =	sne.s32 s28, s17  }
.Ltmp1:
0x37: {  	_ = 	snop;
	(pc) =	sbr.rel @!p0 .LBB2_5-.Ltmp1, $3  }
0x38: {  	_ =	sdelay $0x1  }
0x39: {  	[sflag:s12] =	ssyncset.done $0x0  }
0x3a: {  	[sflag:s12] =	ssyncadd.s32 $0xFFFFFB00  }
.LBB2_1:
0x3b: {  	s3 =	rddreg [dreg:$0x3]  }
0x3c: {  	[spmem:s11], [sflag:s6] =	dma.local [hbm:s3], $0x500  }
0x3d: {  	_ =	swait.ge [sflag:s12], $0x500  }
0x3e: {  	[sflag:s12] =	ssyncset.done $0x0  }
0x3f: {  	[sflag:s12] =	ssyncadd.s32 $0xFFFFFB00  }
0x40: {  	[bflag:$0x0] =	sbarrier.arrive $0xFFFF  }
0x41: {  	s9 =	simm.s32 $0x0;
	s5 =	rddreg [dreg:$0x4]  }
0x42: {  	[tilespmem:s9], [sflag:$0x11] =	stream.linear.gather [hbm4b:s5+s9], $0x5000, $0x38;
	[tilespmem:$0x10800] =	vst v63  }
0x43: {  	_ =	swait.ge [sflag:s12], $0x5000  }
0x44: {  	[sflag:s12] =	ssyncset.done $0x0  }
0x45: {  	s7 =	simm.s32 $0x5000;
	s10 =	rddreg [dreg:$0x5];
	[sflag:s12] =	ssyncadd.s32 $0xFFFFB000  }
0x46: {  	[tilespmem:s7], [sflag:$0x11] =	stream.linear.gather [hbm4b:s10+s9], $0x5000, $0x38;
	[tilespmem:$0x10800] =	vst v63  }
0x47: {  	_ =	swait.ge [sflag:s12], $0x5000  }
0x48: {  	[sflag:s12] =	ssyncset.done $0x0  }
0x49: {  	[sflag:s12] =	ssyncadd.s32 $0xFFFFB000  }
0x4a: {  	[tilespmem:s15], [sflag:$0x1] =	stream.indirect.gather [hbm4b:s4+s14], $0x10, s9, s14, $0xb8;
	[tilespmem:$0x10800] =	vst v63  }
0x4b: {  	s16 =	simm.s32 $0xA800  }
0x4c: {  	[tilespmem:s16], [sflag:$0x2] =	stream.indirect.gather [hbm4b:s4+s14], $0x10, s14, s14, $0xb8;
	[tilespmem:$0x10800] =	vst v63  }
0x4d: {  	s17 =	simm.s32 $0x100  }
0x4e: {  	[tilespmem:s18], [sflag:$0x3] =	stream.indirect.gather [hbm4b:s4+s14], $0x10, s17, s14, $0xb8;
	[tilespmem:$0x10800] =	vst v63  }
0x4f: {  	s5 =	simm.s32 $0x180;
	s7 =	simm.s32 $0xB800  }
0x50: {  	[tilespmem:s7], [sflag:$0x4] =	stream.indirect.gather [hbm4b:s4+s14], $0x10, s5, s14, $0xb8;
	[tilespmem:$0x10800] =	vst v63  }
0x51: {  	s8 =	simm.s32 $0x200  }
0x52: {  	[tilespmem:s22], [sflag:$0x5] =	stream.indirect.gather [hbm4b:s4+s14], $0x10, s8, s14, $0xb8;
	[tilespmem:$0x10800] =	vst v63  }
0x53: {  	s10 =	simm.s32 $0xC800;
	s9 =	simm.s32 $0x280  }
0x54: {  	[tilespmem:s10], [sflag:$0x6] =	stream.indirect.gather [hbm4b:s4+s14], $0x10, s9, s14, $0xb8;
	[tilespmem:$0x10800] =	vst v63  }
0x55: {  	s16 =	simm.s32 $0x300  }
0x56: {  	[tilespmem:s26], [sflag:$0x7] =	stream.indirect.gather [hbm4b:s4+s14], $0x10, s16, s14, $0xb8;
	[tilespmem:$0x10800] =	vst v63  }
0x57: {  	s17 =	simm.s32 $0x380;
	s5 =	simm.s32 $0x0  }
0x58: {  	[tilespmem:s29], [sflag:$0x8] =	stream.indirect.gather [hbm4b:s4+s14], $0x10, s17, s14, $0xb8;
	[tilespmem:$0x10800] =	vst v63  }
.LBB2_2:
0x59: {  	_ =	swait.ge [sflag:s30], $0x800  }
0x5a: {  	s7 =	sshra.s32 s5, $0x2;
	[sflag:s30] =	ssyncset.done $0x0  }
0x5b: {  	p0 =	seq.s32 s5, $0x13000;
	s3 =	sadd.s32 $0x5000, s7;
	[sflag:s30] =	ssyncadd.s32 $0xFFFFF800  }
0x5c: {  	[spmem:s2] =	stream.indirect.scatter.add.bf16 [tilespmem:s15], [sflag:$0x9], $0x10, s3, s14, $0xb8;
	[tilespmem:$0x10800] =	vst v63  }
0x5d: {  	s3 =	simm.s32 @p0 $0x2  }
0x5e: {  	_ =	swait.ge @p0 [sflag:s3], $0x800  }
0x5f: {  	s10 =	sshra.s32 @p0 s5, $0x2;
	s9 =	simm.s32 @p0 $0xA800;
	[sflag:s3] =	ssyncset.done @p0 $0x0  }
0x60: {  	s8 =	sadd.s32 @p0 $0x5080, s10;
	[sflag:s3] =	ssyncadd.s32 @p0 $0xFFFFF800;
	s3 =	simm.s32 @p0 $0x80  }
0x61: {  	[spmem:s2] =	stream.indirect.scatter.add.bf16 @p0 [tilespmem:s9], [sflag:$0xA], $0x10, s8, s3, $0xb8;
	[tilespmem:$0x10800] =	vst v63  }
0x62: {  	s8 =	simm.s32 @!p0 $0x9  }
0x63: {  	_ =	swait.ge @!p0 [sflag:s8], $0x800  }
0x64: {  	[sflag:s8] =	ssyncset.done @!p0 $0x0  }
0x65: {  	[sflag:s8] =	ssyncadd.s32 @!p0 $0xFFFFF800;
	s8 =	sshra.s32 @!p0 s5, $0x2  }
0x66: {  	s17 =	simm.s32 @!p0 $0xA000;
	s9 =	simm.s32 @!p0 $0x80;
	s16 =	sadd.s32 @!p0 $0x400, s8  }
0x67: {  	[tilespmem:s17], [sflag:$0x1] =	stream.indirect.gather @!p0 [hbm4b:s4+s9], $0x10, s16, s9, $0xb8;
	[tilespmem:$0x10800] =	vst v63  }
0x68: {  	s16 =	simm.s32 @!p0 $0x2  }
0x69: {  	_ =	swait.ge @!p0 [sflag:s16], $0x800  }
0x6a: {  	[sflag:s16] =	ssyncset.done @!p0 $0x0  }
0x6b: {  	s17 =	simm.s32 @!p0 $0xA800;
	[sflag:s16] =	ssyncadd.s32 @!p0 $0xFFFFF800;
	s16 =	sadd.s32 @!p0 $0x5080, s8  }
0x6c: {  	[spmem:s2] =	stream.indirect.scatter.add.bf16 @!p0 [tilespmem:s17], [sflag:$0xA], $0x10, s16, s9, $0xb8;
	[tilespmem:$0x10800] =	vst v63  }
0x6d: {  	s16 =	simm.s32 @!p0 $0xA  }
0x6e: {  	_ =	swait.ge @!p0 [sflag:s16], $0x800  }
0x6f: {  	[sflag:s16] =	ssyncset.done @!p0 $0x0  }
0x70: {  	[sflag:s16] =	ssyncadd.s32 @!p0 $0xFFFFF800;
	s16 =	sadd.s32 @!p0 $0x480, s8  }
0x71: {  	[tilespmem:s17], [sflag:$0x2] =	stream.indirect.gather @!p0 [hbm4b:s4+s9], $0x10, s16, s9, $0xb8;
	[tilespmem:$0x10800] =	vst v63  }
0x72: {  	_ =	swait.ge [sflag:s31], $0x800  }
0x73: {  	[sflag:s31] =	ssyncset.done $0x0  }
0x74: {  	s17 =	sadd.s32 $0x5100, s7;
	s16 =	simm.s32 @p0 $0x4;
	[sflag:s31] =	ssyncadd.s32 $0xFFFFF800  }
0x75: {  	[spmem:s2] =	stream.indirect.scatter.add.bf16 [tilespmem:s18], [sflag:$0xB], $0x10, s17, s14, $0xb8;
	[tilespmem:$0x10800] =	vst v63  }
0x76: {  	_ =	swait.ge @p0 [sflag:s16], $0x800  }
0x77: {  	[sflag:s16] =	ssyncset.done @p0 $0x0  }
0x78: {  	s17 =	simm.s32 @p0 $0xB800;
	[sflag:s16] =	ssyncadd.s32 @p0 $0xFFFFF800;
	s16 =	sadd.s32 @p0 $0x5180, s10  }
0x79: {  	[spmem:s2] =	stream.indirect.scatter.add.bf16 @p0 [tilespmem:s17], [sflag:$0xC], $0x10, s16, s3, $0xb8;
	[tilespmem:$0x10800] =	vst v63  }
0x7a: {  	s16 =	simm.s32 @!p0 $0xB  }
0x7b: {  	_ =	swait.ge @!p0 [sflag:s16], $0x800  }
0x7c: {  	[sflag:s16] =	ssyncset.done @!p0 $0x0  }
0x7d: {  	s17 =	simm.s32 @!p0 $0xB000;
	[sflag:s16] =	ssyncadd.s32 @!p0 $0xFFFFF800;
	s16 =	sadd.s32 @!p0 $0x500, s8  }
0x7e: {  	[tilespmem:s17], [sflag:$0x3] =	stream.indirect.gather @!p0 [hbm4b:s4+s9], $0x10, s16, s9, $0xb8;
	[tilespmem:$0x10800] =	vst v63  }
0x7f: {  	s16 =	simm.s32 @!p0 $0x4  }
0x80: {  	_ =	swait.ge @!p0 [sflag:s16], $0x800  }
0x81: {  	[sflag:s16] =	ssyncset.done @!p0 $0x0  }
0x82: {  	s17 =	simm.s32 @!p0 $0xB800;
	[sflag:s16] =	ssyncadd.s32 @!p0 $0xFFFFF800;
	s16 =	sadd.s32 @!p0 $0x5180, s8  }
0x83: {  	[spmem:s2] =	stream.indirect.scatter.add.bf16 @!p0 [tilespmem:s17], [sflag:$0xC], $0x10, s16, s9, $0xb8;
	[tilespmem:$0x10800] =	vst v63  }
0x84: {  	s16 =	simm.s32 @!p0 $0xC  }
0x85: {  	_ =	swait.ge @!p0 [sflag:s16], $0x800  }
0x86: {  	[sflag:s16] =	ssyncset.done @!p0 $0x0  }
0x87: {  	[sflag:s16] =	ssyncadd.s32 @!p0 $0xFFFFF800;
	s16 =	sadd.s32 @!p0 $0x580, s8  }
0x88: {  	[tilespmem:s17], [sflag:$0x4] =	stream.indirect.gather @!p0 [hbm4b:s4+s9], $0x10, s16, s9, $0xb8;
	[tilespmem:$0x10800] =	vst v63  }
0x89: {  	_ =	swait.ge [sflag:s1], $0x800  }
0x8a: {  	[sflag:s1] =	ssyncset.done $0x0  }
0x8b: {  	s17 =	sadd.s32 $0x5200, s7;
	s16 =	simm.s32 @p0 $0x6;
	[sflag:s1] =	ssyncadd.s32 $0xFFFFF800  }
0x8c: {  	[spmem:s2] =	stream.indirect.scatter.add.bf16 [tilespmem:s22], [sflag:$0xD], $0x10, s17, s14, $0xb8;
	[tilespmem:$0x10800] =	vst v63  }
0x8d: {  	_ =	swait.ge @p0 [sflag:s16], $0x800  }
0x8e: {  	[sflag:s16] =	ssyncset.done @p0 $0x0  }
0x8f: {  	s10 =	sadd.s32 @p0 $0x5280, s10;
	[sflag:s16] =	ssyncadd.s32 @p0 $0xFFFFF800;
	s16 =	simm.s32 @p0 $0xC800  }
0x90: {  	[spmem:s2] =	stream.indirect.scatter.add.bf16 @p0 [tilespmem:s16], [sflag:$0xE], $0x10, s10, s3, $0xb8;
	[tilespmem:$0x10800] =	vst v63  }
0x91: {  	s3 =	simm.s32 @!p0 $0xD  }
0x92: {  	_ =	swait.ge @!p0 [sflag:s3], $0x800  }
0x93: {  	[sflag:s3] =	ssyncset.done @!p0 $0x0  }
0x94: {  	s10 =	simm.s32 @!p0 $0xC000;
	[sflag:s3] =	ssyncadd.s32 @!p0 $0xFFFFF800;
	s3 =	sadd.s32 @!p0 $0x600, s8  }
0x95: {  	[tilespmem:s10], [sflag:$0x5] =	stream.indirect.gather @!p0 [hbm4b:s4+s9], $0x10, s3, s9, $0xb8;
	[tilespmem:$0x10800] =	vst v63  }
0x96: {  	s3 =	simm.s32 @!p0 $0x6  }
0x97: {  	_ =	swait.ge @!p0 [sflag:s3], $0x800  }
0x98: {  	[sflag:s3] =	ssyncset.done @!p0 $0x0  }
0x99: {  	s10 =	simm.s32 @!p0 $0xC800;
	[sflag:s3] =	ssyncadd.s32 @!p0 $0xFFFFF800;
	s3 =	sadd.s32 @!p0 $0x5280, s8  }
0x9a: {  	[spmem:s2] =	stream.indirect.scatter.add.bf16 @!p0 [tilespmem:s10], [sflag:$0xE], $0x10, s3, s9, $0xb8;
	[tilespmem:$0x10800] =	vst v63  }
0x9b: {  	s3 =	simm.s32 @!p0 $0xE  }
0x9c: {  	_ =	swait.ge @!p0 [sflag:s3], $0x800  }
0x9d: {  	[sflag:s3] =	ssyncset.done @!p0 $0x0  }
0x9e: {  	[sflag:s3] =	ssyncadd.s32 @!p0 $0xFFFFF800;
	s3 =	sadd.s32 @!p0 $0x680, s8  }
0x9f: {  	[tilespmem:s10], [sflag:$0x6] =	stream.indirect.gather @!p0 [hbm4b:s4+s9], $0x10, s3, s9, $0xb8;
	[tilespmem:$0x10800] =	vst v63  }
.Ltmp2:
0xa0: {  	_ = 	snop;
	(pc) =	sbr.rel @p0 .LBB2_4-.Ltmp2, $4  }
0xa1: {  	_ =	swait.ge [sflag:s0], $0x800  }
0xa2: {  	[sflag:s0] =	ssyncset.done $0x0  }
0xa3: {  	s17 =	sadd.s32 $0x5300, s7;
	s3 =	sadd.s32 $0x5380, s7;
	[sflag:s0] =	ssyncadd.s32 $0xFFFFF800  }
0xa4: {  	[spmem:s2] =	stream.indirect.scatter.add.bf16 [tilespmem:s26], [sflag:$0xF], $0x10, s17, s14, $0xb8;
	[tilespmem:$0x10800] =	vst v63  }
0xa5: {  	_ =	swait.ge [sflag:s24], $0x800  }
0xa6: {  	[sflag:s24] =	ssyncset.done $0x0  }
0xa7: {  	s8 =	sadd.s32 $0x700, s7;
	[sflag:s24] =	ssyncadd.s32 $0xFFFFF800  }
0xa8: {  	[tilespmem:s26], [sflag:$0x7] =	stream.indirect.gather [hbm4b:s4+s14], $0x10, s8, s14, $0xb8;
	[tilespmem:$0x10800] =	vst v63  }
0xa9: {  	_ =	swait.ge [sflag:s13], $0x800  }
0xaa: {  	[sflag:s13] =	ssyncset.done $0x0  }
0xab: {  	[sflag:s13] =	ssyncadd.s32 $0xFFFFF800  }
0xac: {  	[spmem:s2] =	stream.indirect.scatter.add.bf16 [tilespmem:s29], [sflag:$0x10], $0x10, s3, s14, $0xb8;
	[tilespmem:$0x10800] =	vst v63  }
.Ltmp3:
0xad: {  	_ = 	snop;
	(pc) =	sbr.rel .LBB2_2-.Ltmp3, $4  }
0xae: {  	_ =	swait.ge [sflag:s25], $0x800  }
0xaf: {  	[sflag:s25] =	ssyncset.done $0x0  }
0xb0: {  	s17 =	sadd.s32 $0x780, s7;
	s5 =	sadd.s32 $0x1000, s5;
	[sflag:s25] =	ssyncadd.s32 $0xFFFFF800  }
0xb1: {  	[tilespmem:s29], [sflag:$0x8] =	stream.indirect.gather [hbm4b:s4+s14], $0x10, s17, s14, $0xb8;
	[tilespmem:$0x10800] =	vst v63  }
.LBB2_5:
0xb2: {  	_ =	sfence.sel $0x180000  }
0xb3: {  	[bflag:$0x0] =	sbarrier.arrive $0xFFFF  }
0xb4: {  	_ =	strace $0x9000004D  }
0xb5: {  	s0 =	stileid.u32;
	[bflag:$0x2] =	sbarrier.arrive $0xFFFF  }
0xb6: {  	p0 =	sne.s32 s0, $0x0;
	s0 =	rddreg [dreg:$0x2]  }
0xb7: {  	s0 =	sadd.s32 @!p0 $0x100000, s0  }
0xb8: {  	[sflag:s0] =	ssyncadd.tile.s32 @!p0 $0x1;
	_ =	shalt  }
.Lfunc_end2:
_tile_overlayer_lowered:
.L_overlay_start_2:
0xb9: {  	(tag) =	ssettag $0x2  }
0xba: {  	s0 =	rddreg [dreg:$0x0];
	s2 =	stileid.u32  }
0xbb: {  	s1 =	rddreg [dreg:$0x1];
	p0 =	sne.s32 s2, $0x0  }
0xbc: {  	s3 =	rddreg [dreg:$0x2];
	[bflag:$0x3] =	sbarrier.arrive $0xFFFF;
	s2 =	simm.s32 @!p0 $0x1C11  }
0xbd: {  	[timem:s3], [sflag:s2] =	dma.local @!p0 [hbm:s0], s1  }
0xbe: {  	s0 =	simm.s32 @!p0 $0x11  }
0xbf: {  	_ =	swait.ge @!p0 [sflag:s0], s1  }
0xc0: {  	s1 =	ssub.s32 @!p0 $0x0, s1;
	[sflag:s0] =	ssyncset.done @!p0 $0x0  }
0xc1: {  	[sflag:s0] =	ssyncadd.s32 @!p0 s1  }
0xc2: {  	[bflag:$0x3] =	sbarrier.arrive $0xFFFF  }
0xc3: {  	_ =	shalt  }

// kernel: kernel.9.cloned.1.call-start
scs
__scs_entry_jumppad:
0x0: {  	(pc) =	sbr.rel $0x88, $3  }
0x1: {  	(tag) =	ssettag $0x0;
	lr =	simm.s32 $0x1  }
0x2: {  	[smem:$0x3F98] =	sst lr;
	_ =	strace $0xD0000000  }
0x3: {  	_ = 	snop  }
0x4: {  	_ = 	snop  }
0x5: {  	_ = 	snop  }
0x6: {  	_ = 	snop  }
0x7: {  	_ = 	snop  }
__scs_overlays_trampoline_lowered:
0x8: {  	[smem:$0x3FA7] =	sst s0  }
0x9: {  	[smem:$0x3FA8] =	sst s1  }
0xa: {  	[smem:$0x3FA9] =	sst s2  }
0xb: {  	[smem:$0x3FAA] =	sst s3  }
0xc: {  	[smem:$0x3FAB] =	sst s4  }
0xd: {  	[smem:$0x3FAC] =	sst s5  }
0xe: {  	[smem:$0x3FAD] =	sst s6  }
0xf: {  	[smem:$0x3FAE] =	sst s7  }
0x10: {  	[smem:$0x3FAF] =	sst s8  }
0x11: {  	[smem:$0x3FB0] =	sst s9;
	s0 =	simm.s32 @!p0 $0x0  }
0x12: {  	s1 =	sld [smem:$0x3F96];
	s0 =	simm.s32 @p0 $0x1  }
0x13: {  	[smem:$0x3FB1] =	sst s0;
	s0 =	simm.s32 @!p1 $0x0  }
0x14: {  	s2 =	sld [smem:$0x3F95];
	s0 =	simm.s32 @p1 $0x1  }
0x15: {  	[smem:$0x3FB2] =	sst s0;
	s0 =	simm.s32 @!p2 $0x0  }
0x16: {  	s3 =	sld [smem:$0x3FDB];
	s0 =	simm.s32 @p2 $0x1  }
0x17: {  	s4 =	simm.s32 $0x1BF5;
	[smem:$0x3FB4] =	sst s0  }
0x18: {  	s0 =	sld [smem:$0x3F97];
	_ =	swait.ge [sflag:s4], $0x0  }
0x19: {  	s7 =	sld [smem:$0x3F98]  }
0x1a: {  	s8 =	sadd.s32 $0xFFFFE003, lr  }
0x1b: {  	s9 =	sadd.s32 $0xFFFFFEF7, lr;
	s5 =	simm.s32 $0xFFFFFFFF;
	p2 =	slt.u32 s8, $0xFFFFF086  }
0x1c: {  	p1 =	slt.u32 s9, $0xF7A;
	s5 =	simm.s32 @!p2 $0x0  }
0x1d: {  	s5 =	simm.s32 @p1 $0x1;
	p0 =	seq.s32 s7, s2  }
0x1e: {  	s7 =	smul.u32 @!p0 $0xF7A, s2;
	p2 =	seq.s32 @!p0 s5, $0x0  }
0x1f: {  	s9 =	smul.u32 $0xF7A, s1;
	s8 =	simm.s32 @!p0 $0x1BF5;
	p2 =	por !p2, p0  }
0x20: {  	[sflag:s8] =	ssyncset.s32 @!p0 $0xFFFFF086;
	s6 =	sadd.s32 @!p0 s3, s7;
	s7 =	simm.s32 @!p0 $0x108  }
0x21: {  	s3 =	sadd.s32 s3, s9;
	s6 =	sadd.s32 @!p0 $0x88, s6;
	s7 =	simm.s32 @p2 $0x1082  }
0x22: {  	[simem:s7], [sflag:s8] =	dma.local @!p0 [hbm:s6], $0xF7A  }
0x23: {  	s9 =	sor.u32 $0xD0000000, s2;
	s6 =	simm.s32 $0x108;
	_ =	swait.ge @!p0 [sflag:s8], $0x0  }
0x24: {  	s3 =	sadd.s32 $0x88, s3;
	s6 =	simm.s32 @!p1 $0x1082;
	[sflag:s4] =	ssyncset.s32 $0xFFFFF086  }
0x25: {  	[simem:s6], [sflag:s4] =	dma.local [hbm:s3], $0xF7A  }
0x26: {  	[smem:$0x3F98] =	sst s1;
	(tag) =	ssettag s2;
	_ =	strace s9  }
0x27: {  	s1 =	sld [smem:$0x3FA8]  }
0x28: {  	s2 =	sld [smem:$0x3FA9]  }
0x29: {  	s4 =	sld [smem:$0x3FAB]  }
0x2a: {  	p0 =	seq.s32 s5, $0x0;
	s5 =	sld [smem:$0x3FAC]  }
0x2b: {  	s6 =	sld [smem:$0x3FAD]  }
0x2c: {  	s7 =	sld [smem:$0x3FAE]  }
0x2d: {  	s3 =	simm.s32 $0x108;
	s8 =	sld [smem:$0x3FAF]  }
0x2e: {  	s3 =	simm.s32 @!p0 $0x1082;
	s9 =	sld [smem:$0x3FB0]  }
0x2f: {  	lr =	sadd.s32 s0, s3;
	s0 =	sld [smem:$0x3FA7]  }
0x30: {  	s3 =	sld [smem:$0x3FAA]  }
0x31: {  	[smem:$0x3FB3] =	sst s10  }
0x32: {  	s10 =	sld [smem:$0x3FB1];
	_ =	sdelay $0x3  }
0x33: {  	p0 =	seq.s32 s10, $0x1;
	s10 =	sld [smem:$0x3FB3];
	_ =	sdelay $0x3  }
0x34: {  	[smem:$0x3FB3] =	sst s10  }
0x35: {  	s10 =	sld [smem:$0x3FB2];
	_ =	sdelay $0x3  }
0x36: {  	p1 =	seq.s32 s10, $0x1;
	s10 =	sld [smem:$0x3FB3];
	_ =	sdelay $0x3  }
0x37: {  	[smem:$0x3FB3] =	sst s10  }
0x38: {  	s10 =	sld [smem:$0x3FB4]  }
0x39: {  	_ = 	snop;
	(pc) =	sbr.ind lr, $3  }
0x3a: {  	_ = 	snop  }
0x3b: {  	_ = 	snop  }
0x3c: {  	p2 =	seq.s32 s10, $0x1;
	s10 =	sld [smem:$0x3FB3]  }
0x3d: {  	_ =	shalt  }
0x3e: {  	_ =	shalt  }
0x3f: {  	_ =	shalt  }
0x40: {  	_ =	shalt  }
0x41: {  	_ =	shalt  }
0x42: {  	_ =	shalt  }
0x43: {  	_ =	shalt  }
0x44: {  	_ =	shalt  }
0x45: {  	_ =	shalt  }
0x46: {  	_ =	shalt  }
0x47: {  	_ =	shalt  }
0x48: {  	_ =	shalt  }
0x49: {  	_ =	shalt  }
0x4a: {  	_ =	shalt  }
0x4b: {  	_ =	shalt  }
0x4c: {  	_ =	shalt  }
0x4d: {  	_ =	shalt  }
0x4e: {  	_ =	shalt  }
0x4f: {  	_ =	shalt  }
0x50: {  	_ =	shalt  }
0x51: {  	_ =	shalt  }
0x52: {  	_ =	shalt  }
0x53: {  	_ =	shalt  }
0x54: {  	_ =	shalt  }
0x55: {  	_ =	shalt  }
0x56: {  	_ =	shalt  }
0x57: {  	_ =	shalt  }
0x58: {  	_ =	shalt  }
0x59: {  	_ =	shalt  }
0x5a: {  	_ =	shalt  }
0x5b: {  	_ =	shalt  }
0x5c: {  	_ =	shalt  }
0x5d: {  	_ =	shalt  }
0x5e: {  	_ =	shalt  }
0x5f: {  	_ =	shalt  }
0x60: {  	_ =	shalt  }
0x61: {  	_ =	shalt  }
0x62: {  	_ =	shalt  }
0x63: {  	_ =	shalt  }
0x64: {  	_ =	shalt  }
0x65: {  	_ =	shalt  }
0x66: {  	_ =	shalt  }
0x67: {  	_ =	shalt  }
0x68: {  	_ =	shalt  }
0x69: {  	_ =	shalt  }
0x6a: {  	_ =	shalt  }
0x6b: {  	_ =	shalt  }
0x6c: {  	_ =	shalt  }
0x6d: {  	_ =	shalt  }
0x6e: {  	_ =	shalt  }
0x6f: {  	_ =	shalt  }
0x70: {  	_ =	shalt  }
0x71: {  	_ =	shalt  }
0x72: {  	_ =	shalt  }
0x73: {  	_ =	shalt  }
0x74: {  	_ =	shalt  }
0x75: {  	_ =	shalt  }
0x76: {  	_ =	shalt  }
0x77: {  	_ =	shalt  }
0x78: {  	_ =	shalt  }
0x79: {  	_ =	shalt  }
0x7a: {  	_ =	shalt  }
0x7b: {  	_ =	shalt  }
0x7c: {  	_ =	shalt  }
0x7d: {  	_ =	shalt  }
0x7e: {  	_ =	shalt  }
0x7f: {  	_ =	shalt  }
0x80: {  	_ =	shalt  }
0x81: {  	_ =	shalt  }
0x82: {  	_ =	shalt  }
0x83: {  	_ =	shalt  }
0x84: {  	_ =	shalt  }
0x85: {  	_ =	shalt  }
0x86: {  	_ =	shalt  }
0x87: {  	_ =	shalt  }
.Lfunc_end0:
.L_simem_size_0:
called_computation_lowered:
.L_overlay_start_0:
0x88: {  	s2 =	sld [smem:$0x3FD9]  }
0x89: {  	s3 =	sld [smem:$0x3FFE];
	_ =	sdelay $0x1  }
0x8a: {  	s1 =	srdreg.scid  }
0x8b: {  	s0 =	sand.u32 $0x1, s1  }
0x8c: {  	s16 =	sshll.u32 s0, $0xA;
	s2 =	sadd.s32 s3, s2  }
0x8d: {  	s2 =	sadd.s32 s2, s16  }
0x8e: {  	[smem:$0x3FBF] =	sst s2  }
0x8f: {  	_ = 	snop  }
0x90: {  	(tm) =	ssettm $0x1  }
0x91: {  	s17 =	sld [smem:$0x3FFB];
	_ =	sdelay $0x3  }
0x92: {  	_ =	strace s17  }
0x93: {  	s2 =	sld [smem:$0x3FFC];
	_ =	sdelay $0x3  }
0x94: {  	_ =	strace s2  }
0x95: {  	s2 =	sld [smem:$0x3FFD];
	_ =	sdelay $0x3  }
0x96: {  	_ =	strace s2  }
0x97: {  	_ =	strace $0x8FFFFFFF  }
0x98: {  	s18 =	sld [smem:$0x3FDB];
	_ =	sdelay $0x1  }
0x99: {  	s19 =	simm.s32 $_scs_section_size  }
0x9a: {  	s4 =	simm.s32 $_size__tile_overlayer_lowered;
	s5 =	simm.s32 $_tile_overlayer_lowered  }
0x9b: {  	s22 =	simm.s32 $0x1BFF;
	s21 =	sshll.u32 s5, $0x1;
	s2 =	sadd.s32 s19, s18  }
0x9c: {  	s6 =	simm.s32 $0x0;
	s20 =	sshll.u32 s4, $0x1;
	s4 =	sadd.s32 s21, s2  }
0x9d: {  	[timem:s6], [sflag:s22] =	dma.local [hbm:s4], s20  }
0x9e: {  	_ =	swait.ge [sflag:s22], s20  }
0x9f: {  	s3 =	ssub.s32 $0x0, s20;
	[sflag:s22] =	ssyncset.done $0x0  }
0xa0: {  	[sflag:s22] =	ssyncadd.s32 s3;
	_ =	sdelay $0x1  }
0xa1: {  	s23 =	simm.s32 $0x1B8B  }
0xa2: {  	_ =	swait.ge [sflag:s23], $0x1  }
0xa3: {  	[sflag:s23] =	ssyncset.done $0x0  }
0xa4: {  	s25 =	simm.s32 $0x1B8E;
	s24 =	sld [smem:$0x3FFE];
	[sflag:s23] =	ssyncadd.s32 $0xFFFFFFFF  }
0xa5: {  	s26 =	simm.s32 $execute0_lowered;
	[smem:$0x3FD2] =	sst s25  }
0xa6: {  	s4 =	sshll.u32 s26, $0x1;
	_ =	strace $0x80000046;
	[dreg:$0x1] =	wrdreg $0xFFFFFFFF  }
0xa7: {  	s28 =	simm.s32 $_size_execute0_lowered;
	s2 =	sadd.s32 s2, s4;
	[dreg:$0x0] =	wrdreg $0x0  }
0xa8: {  	s4 =	sshll.u32 s28, $0x1;
	[dreg:$0x2] =	wrdreg s2  }
0xa9: {  	[dreg:$0x3] =	wrdreg s4  }
0xaa: {  	[dreg:$0x4] =	wrdreg $0xC0  }
0xab: {  	_ =	task [dreg:s6], $0x5FFFF  }
0xac: {  	[dreg:$0x1] =	wrdreg $0xFFFFFFFF  }
0xad: {  	[dreg:$0x0] =	wrdreg $0x60  }
0xae: {  	[dreg:$0x2] =	wrdreg s24  }
0xaf: {  	[dreg:$0x3] =	wrdreg $0x120000  }
0xb0: {  	[dreg:$0x4] =	wrdreg $0x9  }
0xb1: {  	_ =	task.clear_ibuf [dreg:s6], $0x5FFFF;
	_ =	strace $0x90000046  }
0xb2: {  	s29 =	simm.s32 $0x9;
	_ =	strace $0x80000048  }
0xb3: {  	_ =	swait.ge [sflag:s29], $0x1  }
0xb4: {  	[sflag:s29] =	ssyncadd.s32 $0xFFFFFFFF  }
0xb5: {  	_ =	strace $0x90000048  }
0xb6: {  	_ =	sfence  }
0xb7: {  	s30 =	sld [smem:$0x0];
	_ =	sdelay $0x2  }
0xb8: {  	s31 =	sshll.u32 s1, $0xD;
	s1 =	sshrl.u32 s1, $0x2  }
0xb9: {  	s3 =	sand.u32 $0x4000, s31;
	s1 =	sadd.s32 s1, s30  }
0xba: {  	s0 =	sor.u32 s3, s0;
	s1 =	sshll.u32 s1, $0x11  }
0xbb: {  	s0 =	sor.u32 s1, s0  }
0xbc: {  	s0 =	sadd.s32 $0x8F2B, s0  }
0xbd: {  	[sflag:s0] =	ssyncadd.remote.s32 $0x1  }
0xbe: {  	_ =	sfence.sel $0xFFFF  }
0xbf: {  	[dreg:$0x0] =	wrdreg $0xFFFFFFFF;
	(pc) =	sbr.abs _section_cstart, $3  }
0xc0: {  	[dreg:$0x1] =	wrdreg $0xFFFFFFFF  }
0xc1: {  	_ =	task.clear_ibuf [dreg:s6], $0x2FFFF;
	_ =	strace $0x9FFFFFFF  }
0xc2: {  	(tm) =	ssettm $0x7FFFFFFF  }
0xc3: {  	_ =	shalt  }
tec
execute0_lowered:
.L_overlay_start_1:
0x0: {  	(tag) =	ssettag $0x1  }
0x1: {  	s0 =	srdreg.scid  }
0x2: {  	s9 =	stileid.u32;
	s1 =	rddreg [dreg:$0x0]  }
0x3: {  	s2 =	rddreg [dreg:$0x1];
	s6 =	simm.s32 $0x0;
	s12 =	simm.s32 $0x11  }
0x4: {  	s14 =	simm.s32 $0x80;
	s15 =	simm.s32 $0xA000;
	s18 =	simm.s32 $0xC000  }
0x5: {  	s29 =	simm.s32 $0x11000;
	s30 =	simm.s32 $0x1;
	s3 =	smul.u32 $0x5000, s9  }
0x6: {  	s31 =	simm.s32 $0x3;
	s13 =	simm.s32 $0x8;
	s7 =	smul.u32 $0xA000, s9  }
0x7: {  	s19 =	simm.s32 $0xB;
	s0 =	sand.u32 $0x1, s0;
	s21 =	smul.u32 $0x14000, s9  }
0x8: {  	s28 =	simm.s32 $0x0;
	[smem:$0x7FF] =	sst s6;
	s4 =	smul.u32 $0x50000, s0  }
0x9: {  	s22 =	sadd.s32 $0x1400, s1;
	s24 =	sshll.u32 s9, $0x6;
	s5 =	smul.u32 $0xA0000, s0  }
0xa: {  	_ =	strace $0x80000047;
	[dreg:$0x3] =	wrdreg s22;
	s0 =	ssub.s32 $0x2, s0  }
0xb: {  	s22 =	simm.s32 $0xE000;
	s23 =	sshrl.u32 s0, $0x1;
	s20 =	sadd.s32 s3, s4  }
0xc: {  	s4 =	sadd.s32 $0x1E00, s1;
	s3 =	sshrl.u32 s3, $0x3;
	s5 =	sadd.s32 s7, s5  }
0xd: {  	s0 =	ssub.s32 s0, s23;
	s23 =	simm.s32 $0xE;
	s6 =	sshrl.u32 s20, $0x3  }
0xe: {  	s3 =	sadd.s32 s3, s1;
	s5 =	sshrl.u32 s5, $0x4;
	s0 =	smax.u32 s0, $0x1  }
0xf: {  	s20 =	simm.s32 $0xC;
	s8 =	sadd.s32 s6, s1;
	s1 =	sadd.s32 s5, s1  }
0x10: {  	s6 =	sshrl.u32 s21, $0x2;
	s3 =	sadd.s32 $0x29800, s3;
	[dreg:$0x7] =	wrdreg s0  }
.Ltmp0:
0x11: {  	s0 =	simm.s32 $0x7;
	s21 =	simm.s32 $0xD;
	(pc) =	sbr.rel .LBB2_1-.Ltmp0, $4  }
0x12: {  	s25 =	sadd.s32 s6, s2;
	s26 =	sadd.s32 $0x15800, s8;
	[dreg:$0x5] =	wrdreg s3  }
0x13: {  	s6 =	sor.u32 $0x1C11, s24;
	s1 =	sadd.s32 $0x33800, s1;
	[dreg:$0x4] =	wrdreg s26  }
0x14: {  	s24 =	simm.s32 $0xF;
	[dreg:$0x6] =	wrdreg s1;
	s11 =	sshrl.u32 s25, $0x3  }
0x15: {  	s26 =	simm.s32 $0x10000;
	s1 =	simm.s32 $0x5;
	s25 =	simm.s32 $0x10  }
.LBB2_4:
0x16: {  	_ =	swait.ge [sflag:s13], $0x1000  }
0x17: {  	[sflag:s13] =	ssyncset.done $0x0  }
0x18: {  	s9 =	simm.s32 $0x9;
	[sflag:s13] =	ssyncadd.s32 $0xFFFFF000  }
0x19: {  	[spmem:s2] =	stream.indirect.scatter.add.bf16 [tilespmem:s29], [sflag:$0x10], $0x20, s3, s14, $0xb8;
	[tilespmem:$0x17000] =	vst v63  }
0x1a: {  	_ =	swait.ge [sflag:s9], $0x1000  }
0x1b: {  	[sflag:s9] =	ssyncset.done $0x0  }
0x1c: {  	s10 =	simm.s32 $0xA;
	[sflag:s9] =	ssyncadd.s32 $0xFFFFF000  }
0x1d: {  	_ =	swait.ge [sflag:s10], $0x1000  }
0x1e: {  	[sflag:s10] =	ssyncset.done $0x0  }
0x1f: {  	[sflag:s10] =	ssyncadd.s32 $0xFFFFF000  }
0x20: {  	_ =	swait.ge [sflag:s19], $0x1000  }
0x21: {  	[sflag:s19] =	ssyncset.done $0x0  }
0x22: {  	[sflag:s19] =	ssyncadd.s32 $0xFFFFF000  }
0x23: {  	_ =	swait.ge [sflag:s20], $0x1000  }
0x24: {  	[sflag:s20] =	ssyncset.done $0x0  }
0x25: {  	[sflag:s20] =	ssyncadd.s32 $0xFFFFF000  }
0x26: {  	_ =	swait.ge [sflag:s21], $0x1000  }
0x27: {  	[sflag:s21] =	ssyncset.done $0x0  }
0x28: {  	[sflag:s21] =	ssyncadd.s32 $0xFFFFF000  }
0x29: {  	_ =	swait.ge [sflag:s23], $0x1000  }
0x2a: {  	[sflag:s23] =	ssyncset.done $0x0  }
0x2b: {  	[sflag:s23] =	ssyncadd.s32 $0xFFFFF000  }
0x2c: {  	_ =	swait.ge [sflag:s24], $0x1000  }
0x2d: {  	[sflag:s24] =	ssyncset.done $0x0  }
0x2e: {  	[sflag:s24] =	ssyncadd.s32 $0xFFFFF000  }
0x2f: {  	_ =	swait.ge [sflag:s25], $0x1000  }
0x30: {  	[sflag:s25] =	ssyncset.done $0x0  }
0x31: {  	[sflag:s25] =	ssyncadd.s32 $0xFFFFF000  }
0x32: {  	[bflag:$0x0] =	sbarrier.arrive $0xFFFF  }
0x33: {  	s16 =	rddreg [dreg:$0x6]  }
0x34: {  	[hbm:s16], [sflag:s6] =	dma.local [spmem:s11], $0xA00  }
0x35: {  	_ =	swait.ge [sflag:s12], $0xA00  }
0x36: {  	s28 =	sadd.s32 $0x1, s28;
	s17 =	rddreg [dreg:$0x7]  }
0x37: {  	p0 =	sne.s32 s28, s17  }
.Ltmp1:
0x38: {  	_ = 	snop;
	(pc) =	sbr.rel @!p0 .LBB2_5-.Ltmp1, $3  }
0x39: {  	_ =	sdelay $0x1  }
0x3a: {  	[sflag:s12] =	ssyncset.done $0x0  }
0x3b: {  	[sflag:s12] =	ssyncadd.s32 $0xFFFFF600  }
.LBB2_1:
0x3c: {  	s3 =	rddreg [dreg:$0x3]  }
0x3d: {  	[spmem:s11], [sflag:s6] =	dma.local [hbm:s3], $0xA00  }
0x3e: {  	_ =	swait.ge [sflag:s12], $0xA00  }
0x3f: {  	[sflag:s12] =	ssyncset.done $0x0  }
0x40: {  	[sflag:s12] =	ssyncadd.s32 $0xFFFFF600  }
0x41: {  	[bflag:$0x0] =	sbarrier.arrive $0xFFFF  }
0x42: {  	s9 =	simm.s32 $0x0;
	s5 =	rddreg [dreg:$0x4]  }
0x43: {  	[tilespmem:s9], [sflag:$0x11] =	stream.linear.gather [hbm4b:s5+s9], $0x5000, $0x38;
	[tilespmem:$0x17000] =	vst v63  }
0x44: {  	_ =	swait.ge [sflag:s12], $0x5000  }
0x45: {  	[sflag:s12] =	ssyncset.done $0x0  }
0x46: {  	s7 =	simm.s32 $0x5000;
	s10 =	rddreg [dreg:$0x5];
	[sflag:s12] =	ssyncadd.s32 $0xFFFFB000  }
0x47: {  	[tilespmem:s7], [sflag:$0x11] =	stream.linear.gather [hbm4b:s10+s9], $0x5000, $0x38;
	[tilespmem:$0x17000] =	vst v63  }
0x48: {  	_ =	swait.ge [sflag:s12], $0x5000  }
0x49: {  	[sflag:s12] =	ssyncset.done $0x0  }
0x4a: {  	[sflag:s12] =	ssyncadd.s32 $0xFFFFB000  }
0x4b: {  	[tilespmem:s15], [sflag:$0x1] =	stream.indirect.gather [hbm4b:s4+s14], $0x20, s9, s14, $0xb8;
	[tilespmem:$0x17000] =	vst v63  }
0x4c: {  	s16 =	simm.s32 $0xB000  }
0x4d: {  	[tilespmem:s16], [sflag:$0x2] =	stream.indirect.gather [hbm4b:s4+s14], $0x20, s14, s14, $0xb8;
	[tilespmem:$0x17000] =	vst v63  }
0x4e: {  	s17 =	simm.s32 $0x100  }
0x4f: {  	[tilespmem:s18], [sflag:$0x3] =	stream.indirect.gather [hbm4b:s4+s14], $0x20, s17, s14, $0xb8;
	[tilespmem:$0x17000] =	vst v63  }
0x50: {  	s5 =	simm.s32 $0x180;
	s7 =	simm.s32 $0xD000  }
0x51: {  	[tilespmem:s7], [sflag:$0x4] =	stream.indirect.gather [hbm4b:s4+s14], $0x20, s5, s14, $0xb8;
	[tilespmem:$0x17000] =	vst v63  }
0x52: {  	s8 =	simm.s32 $0x200  }
0x53: {  	[tilespmem:s22], [sflag:$0x5] =	stream.indirect.gather [hbm4b:s4+s14], $0x20, s8, s14, $0xb8;
	[tilespmem:$0x17000] =	vst v63  }
0x54: {  	s10 =	simm.s32 $0xF000;
	s9 =	simm.s32 $0x280  }
0x55: {  	[tilespmem:s10], [sflag:$0x6] =	stream.indirect.gather [hbm4b:s4+s14], $0x20, s9, s14, $0xb8;
	[tilespmem:$0x17000] =	vst v63  }
0x56: {  	s16 =	simm.s32 $0x300  }
0x57: {  	[tilespmem:s26], [sflag:$0x7] =	stream.indirect.gather [hbm4b:s4+s14], $0x20, s16, s14, $0xb8;
	[tilespmem:$0x17000] =	vst v63  }
0x58: {  	s17 =	simm.s32 $0x380;
	s5 =	simm.s32 $0x0  }
0x59: {  	[tilespmem:s29], [sflag:$0x8] =	stream.indirect.gather [hbm4b:s4+s14], $0x20, s17, s14, $0xb8;
	[tilespmem:$0x17000] =	vst v63  }
.LBB2_2:
0x5a: {  	_ =	swait.ge [sflag:s30], $0x1000  }
0x5b: {  	s7 =	sshra.s32 s5, $0x2;
	[sflag:s30] =	ssyncset.done $0x0  }
0x5c: {  	p0 =	seq.s32 s5, $0x13000;
	s3 =	sadd.s32 $0x5000, s7;
	[sflag:s30] =	ssyncadd.s32 $0xFFFFF000  }
0x5d: {  	[spmem:s2] =	stream.indirect.scatter.add.bf16 [tilespmem:s15], [sflag:$0x9], $0x20, s3, s14, $0xb8;
	[tilespmem:$0x17000] =	vst v63  }
0x5e: {  	s3 =	simm.s32 @p0 $0x2  }
0x5f: {  	_ =	swait.ge @p0 [sflag:s3], $0x1000  }
0x60: {  	s10 =	sshra.s32 @p0 s5, $0x2;
	s9 =	simm.s32 @p0 $0xB000;
	[sflag:s3] =	ssyncset.done @p0 $0x0  }
0x61: {  	s8 =	sadd.s32 @p0 $0x5080, s10;
	[sflag:s3] =	ssyncadd.s32 @p0 $0xFFFFF000;
	s3 =	simm.s32 @p0 $0x80  }
0x62: {  	[spmem:s2] =	stream.indirect.scatter.add.bf16 @p0 [tilespmem:s9], [sflag:$0xA], $0x20, s8, s3, $0xb8;
	[tilespmem:$0x17000] =	vst v63  }
0x63: {  	s8 =	simm.s32 @!p0 $0x9  }
0x64: {  	_ =	swait.ge @!p0 [sflag:s8], $0x1000  }
0x65: {  	[sflag:s8] =	ssyncset.done @!p0 $0x0  }
0x66: {  	[sflag:s8] =	ssyncadd.s32 @!p0 $0xFFFFF000;
	s8 =	sshra.s32 @!p0 s5, $0x2  }
0x67: {  	s17 =	simm.s32 @!p0 $0xA000;
	s9 =	simm.s32 @!p0 $0x80;
	s16 =	sadd.s32 @!p0 $0x400, s8  }
0x68: {  	[tilespmem:s17], [sflag:$0x1] =	stream.indirect.gather @!p0 [hbm4b:s4+s9], $0x20, s16, s9, $0xb8;
	[tilespmem:$0x17000] =	vst v63  }
0x69: {  	s16 =	simm.s32 @!p0 $0x2  }
0x6a: {  	_ =	swait.ge @!p0 [sflag:s16], $0x1000  }
0x6b: {  	[sflag:s16] =	ssyncset.done @!p0 $0x0  }
0x6c: {  	s17 =	simm.s32 @!p0 $0xB000;
	[sflag:s16] =	ssyncadd.s32 @!p0 $0xFFFFF000;
	s16 =	sadd.s32 @!p0 $0x5080, s8  }
0x6d: {  	[spmem:s2] =	stream.indirect.scatter.add.bf16 @!p0 [tilespmem:s17], [sflag:$0xA], $0x20, s16, s9, $0xb8;
	[tilespmem:$0x17000] =	vst v63  }
0x6e: {  	s16 =	simm.s32 @!p0 $0xA  }
0x6f: {  	_ =	swait.ge @!p0 [sflag:s16], $0x1000  }
0x70: {  	[sflag:s16] =	ssyncset.done @!p0 $0x0  }
0x71: {  	[sflag:s16] =	ssyncadd.s32 @!p0 $0xFFFFF000;
	s16 =	sadd.s32 @!p0 $0x480, s8  }
0x72: {  	[tilespmem:s17], [sflag:$0x2] =	stream.indirect.gather @!p0 [hbm4b:s4+s9], $0x20, s16, s9, $0xb8;
	[tilespmem:$0x17000] =	vst v63  }
0x73: {  	_ =	swait.ge [sflag:s31], $0x1000  }
0x74: {  	[sflag:s31] =	ssyncset.done $0x0  }
0x75: {  	s17 =	sadd.s32 $0x5100, s7;
	s16 =	simm.s32 @p0 $0x4;
	[sflag:s31] =	ssyncadd.s32 $0xFFFFF000  }
0x76: {  	[spmem:s2] =	stream.indirect.scatter.add.bf16 [tilespmem:s18], [sflag:$0xB], $0x20, s17, s14, $0xb8;
	[tilespmem:$0x17000] =	vst v63  }
0x77: {  	_ =	swait.ge @p0 [sflag:s16], $0x1000  }
0x78: {  	[sflag:s16] =	ssyncset.done @p0 $0x0  }
0x79: {  	s17 =	simm.s32 @p0 $0xD000;
	[sflag:s16] =	ssyncadd.s32 @p0 $0xFFFFF000;
	s16 =	sadd.s32 @p0 $0x5180, s10  }
0x7a: {  	[spmem:s2] =	stream.indirect.scatter.add.bf16 @p0 [tilespmem:s17], [sflag:$0xC], $0x20, s16, s3, $0xb8;
	[tilespmem:$0x17000] =	vst v63  }
0x7b: {  	s16 =	simm.s32 @!p0 $0xB  }
0x7c: {  	_ =	swait.ge @!p0 [sflag:s16], $0x1000  }
0x7d: {  	[sflag:s16] =	ssyncset.done @!p0 $0x0  }
0x7e: {  	s17 =	simm.s32 @!p0 $0xC000;
	[sflag:s16] =	ssyncadd.s32 @!p0 $0xFFFFF000;
	s16 =	sadd.s32 @!p0 $0x500, s8  }
0x7f: {  	[tilespmem:s17], [sflag:$0x3] =	stream.indirect.gather @!p0 [hbm4b:s4+s9], $0x20, s16, s9, $0xb8;
	[tilespmem:$0x17000] =	vst v63  }
0x80: {  	s16 =	simm.s32 @!p0 $0x4  }
0x81: {  	_ =	swait.ge @!p0 [sflag:s16], $0x1000  }
0x82: {  	[sflag:s16] =	ssyncset.done @!p0 $0x0  }
0x83: {  	s17 =	simm.s32 @!p0 $0xD000;
	[sflag:s16] =	ssyncadd.s32 @!p0 $0xFFFFF000;
	s16 =	sadd.s32 @!p0 $0x5180, s8  }
0x84: {  	[spmem:s2] =	stream.indirect.scatter.add.bf16 @!p0 [tilespmem:s17], [sflag:$0xC], $0x20, s16, s9, $0xb8;
	[tilespmem:$0x17000] =	vst v63  }
0x85: {  	s16 =	simm.s32 @!p0 $0xC  }
0x86: {  	_ =	swait.ge @!p0 [sflag:s16], $0x1000  }
0x87: {  	[sflag:s16] =	ssyncset.done @!p0 $0x0  }
0x88: {  	[sflag:s16] =	ssyncadd.s32 @!p0 $0xFFFFF000;
	s16 =	sadd.s32 @!p0 $0x580, s8  }
0x89: {  	[tilespmem:s17], [sflag:$0x4] =	stream.indirect.gather @!p0 [hbm4b:s4+s9], $0x20, s16, s9, $0xb8;
	[tilespmem:$0x17000] =	vst v63  }
0x8a: {  	_ =	swait.ge [sflag:s1], $0x1000  }
0x8b: {  	[sflag:s1] =	ssyncset.done $0x0  }
0x8c: {  	s17 =	sadd.s32 $0x5200, s7;
	s16 =	simm.s32 @p0 $0x6;
	[sflag:s1] =	ssyncadd.s32 $0xFFFFF000  }
0x8d: {  	[spmem:s2] =	stream.indirect.scatter.add.bf16 [tilespmem:s22], [sflag:$0xD], $0x20, s17, s14, $0xb8;
	[tilespmem:$0x17000] =	vst v63  }
0x8e: {  	_ =	swait.ge @p0 [sflag:s16], $0x1000  }
0x8f: {  	[sflag:s16] =	ssyncset.done @p0 $0x0  }
0x90: {  	s10 =	sadd.s32 @p0 $0x5280, s10;
	[sflag:s16] =	ssyncadd.s32 @p0 $0xFFFFF000;
	s16 =	simm.s32 @p0 $0xF000  }
0x91: {  	[spmem:s2] =	stream.indirect.scatter.add.bf16 @p0 [tilespmem:s16], [sflag:$0xE], $0x20, s10, s3, $0xb8;
	[tilespmem:$0x17000] =	vst v63  }
0x92: {  	s3 =	simm.s32 @!p0 $0xD  }
0x93: {  	_ =	swait.ge @!p0 [sflag:s3], $0x1000  }
0x94: {  	[sflag:s3] =	ssyncset.done @!p0 $0x0  }
0x95: {  	s10 =	simm.s32 @!p0 $0xE000;
	[sflag:s3] =	ssyncadd.s32 @!p0 $0xFFFFF000;
	s3 =	sadd.s32 @!p0 $0x600, s8  }
0x96: {  	[tilespmem:s10], [sflag:$0x5] =	stream.indirect.gather @!p0 [hbm4b:s4+s9], $0x20, s3, s9, $0xb8;
	[tilespmem:$0x17000] =	vst v63  }
0x97: {  	s3 =	simm.s32 @!p0 $0x6  }
0x98: {  	_ =	swait.ge @!p0 [sflag:s3], $0x1000  }
0x99: {  	[sflag:s3] =	ssyncset.done @!p0 $0x0  }
0x9a: {  	s10 =	simm.s32 @!p0 $0xF000;
	[sflag:s3] =	ssyncadd.s32 @!p0 $0xFFFFF000;
	s3 =	sadd.s32 @!p0 $0x5280, s8  }
0x9b: {  	[spmem:s2] =	stream.indirect.scatter.add.bf16 @!p0 [tilespmem:s10], [sflag:$0xE], $0x20, s3, s9, $0xb8;
	[tilespmem:$0x17000] =	vst v63  }
0x9c: {  	s3 =	simm.s32 @!p0 $0xE  }
0x9d: {  	_ =	swait.ge @!p0 [sflag:s3], $0x1000  }
0x9e: {  	[sflag:s3] =	ssyncset.done @!p0 $0x0  }
0x9f: {  	[sflag:s3] =	ssyncadd.s32 @!p0 $0xFFFFF000;
	s3 =	sadd.s32 @!p0 $0x680, s8  }
0xa0: {  	[tilespmem:s10], [sflag:$0x6] =	stream.indirect.gather @!p0 [hbm4b:s4+s9], $0x20, s3, s9, $0xb8;
	[tilespmem:$0x17000] =	vst v63  }
.Ltmp2:
0xa1: {  	_ = 	snop;
	(pc) =	sbr.rel @p0 .LBB2_4-.Ltmp2, $4  }
0xa2: {  	_ =	swait.ge [sflag:s0], $0x1000  }
0xa3: {  	[sflag:s0] =	ssyncset.done $0x0  }
0xa4: {  	s17 =	sadd.s32 $0x5300, s7;
	s3 =	sadd.s32 $0x5380, s7;
	[sflag:s0] =	ssyncadd.s32 $0xFFFFF000  }
0xa5: {  	[spmem:s2] =	stream.indirect.scatter.add.bf16 [tilespmem:s26], [sflag:$0xF], $0x20, s17, s14, $0xb8;
	[tilespmem:$0x17000] =	vst v63  }
0xa6: {  	_ =	swait.ge [sflag:s24], $0x1000  }
0xa7: {  	[sflag:s24] =	ssyncset.done $0x0  }
0xa8: {  	s8 =	sadd.s32 $0x700, s7;
	[sflag:s24] =	ssyncadd.s32 $0xFFFFF000  }
0xa9: {  	[tilespmem:s26], [sflag:$0x7] =	stream.indirect.gather [hbm4b:s4+s14], $0x20, s8, s14, $0xb8;
	[tilespmem:$0x17000] =	vst v63  }
0xaa: {  	_ =	swait.ge [sflag:s13], $0x1000  }
0xab: {  	[sflag:s13] =	ssyncset.done $0x0  }
0xac: {  	[sflag:s13] =	ssyncadd.s32 $0xFFFFF000  }
0xad: {  	[spmem:s2] =	stream.indirect.scatter.add.bf16 [tilespmem:s29], [sflag:$0x10], $0x20, s3, s14, $0xb8;
	[tilespmem:$0x17000] =	vst v63  }
.Ltmp3:
0xae: {  	_ = 	snop;
	(pc) =	sbr.rel .LBB2_2-.Ltmp3, $4  }
0xaf: {  	_ =	swait.ge [sflag:s25], $0x1000  }
0xb0: {  	[sflag:s25] =	ssyncset.done $0x0  }
0xb1: {  	s17 =	sadd.s32 $0x780, s7;
	s5 =	sadd.s32 $0x1000, s5;
	[sflag:s25] =	ssyncadd.s32 $0xFFFFF000  }
0xb2: {  	[tilespmem:s29], [sflag:$0x8] =	stream.indirect.gather [hbm4b:s4+s14], $0x20, s17, s14, $0xb8;
	[tilespmem:$0x17000] =	vst v63  }
.LBB2_5:
0xb3: {  	_ =	sfence.sel $0x180000  }
0xb4: {  	[bflag:$0x0] =	sbarrier.arrive $0xFFFF  }
0xb5: {  	_ =	strace $0x90000047  }
0xb6: {  	s0 =	stileid.u32;
	[bflag:$0x2] =	sbarrier.arrive $0xFFFF  }
0xb7: {  	p0 =	sne.s32 s0, $0x0;
	s0 =	rddreg [dreg:$0x2]  }
0xb8: {  	s0 =	sadd.s32 @!p0 $0x100000, s0  }
0xb9: {  	[sflag:s0] =	ssyncadd.tile.s32 @!p0 $0x1;
	_ =	shalt  }
.Lfunc_end2:
_tile_overlayer_lowered:
.L_overlay_start_2:
0xba: {  	(tag) =	ssettag $0x2  }
0xbb: {  	s0 =	rddreg [dreg:$0x0];
	s2 =	stileid.u32  }
0xbc: {  	s1 =	rddreg [dreg:$0x1];
	p0 =	sne.s32 s2, $0x0  }
0xbd: {  	s3 =	rddreg [dreg:$0x2];
	[bflag:$0x3] =	sbarrier.arrive $0xFFFF;
	s2 =	simm.s32 @!p0 $0x1C11  }
0xbe: {  	[timem:s3], [sflag:s2] =	dma.local @!p0 [hbm:s0], s1  }
0xbf: {  	s0 =	simm.s32 @!p0 $0x11  }
0xc0: {  	_ =	swait.ge @!p0 [sflag:s0], s1  }
0xc1: {  	s1 =	ssub.s32 @!p0 $0x0, s1;
	[sflag:s0] =	ssyncset.done @!p0 $0x0  }
0xc2: {  	[sflag:s0] =	ssyncadd.s32 @!p0 s1  }
0xc3: {  	[bflag:$0x3] =	sbarrier.arrive $0xFFFF  }
0xc4: {  	_ =	shalt  }

</sc_bundles>
